<compile_context>
chip_gen: v7x
topology: tpu7x:2x2x1
jax: 0.10.2.dev20260603
libtpu: 0.0.44.dev20260713+nightly
codegen_flags: <defaults>
</compile_context>

<pallas_src>
import jax
import jax.numpy as jnp
from jax import lax
from jax.experimental import pallas as pl
from jax.experimental.pallas import tpu as pltpu
from jax.experimental.pallas import tpu_sc as plsc

B = 16384
K = 20
HID = 64

NC = 2
NS = 16
NW = NC * NS
BPW = B // NW
CHUNK = 64
NCHUNK = BPW // CHUNK
CROWS = CHUNK * K
NSUB = CHUNK // 16


def _sc_dots_body(wemb_hbm, cemb_hbm, widx_hbm, cidx_hbm, out_hbm,
                  widx_v, cidx_v, wrows_v, crows_v, res_v, sem0, sem1, sem2):
    wid = lax.axis_index("s") * NC + lax.axis_index("c")
    lanes = lax.iota(jnp.int32, 16)

    def chunk_body(i, _):
        base = wid * BPW + i * CHUNK
        pltpu.sync_copy(widx_hbm.at[pl.ds(base, CHUNK)], widx_v)
        idx_cps = [
            pltpu.async_copy(cidx_hbm.at[k, pl.ds(base, CHUNK)],
                             cidx_v.at[pl.ds(k * CHUNK, CHUNK)], sem2)
            for k in range(K)]
        for cp in idx_cps:
            cp.wait()
        wcp = pltpu.async_copy(wemb_hbm.at[widx_v], wrows_v, sem0)
        ccps = [
            pltpu.async_copy(cemb_hbm.at[cidx_v.at[pl.ds(j * 128, 128)]],
                             crows_v.at[pl.ds(j * 128, 128)], sem1)
            for j in range(CROWS // 128)]
        wcp.wait()
        for cp in ccps:
            cp.wait()

        for sub in range(NSUB):
            brow = lanes + sub * 16
            ridx = [brow + (k * CHUNK + sub * 16) for k in range(K)]
            zeros = tuple(jnp.zeros((16,), jnp.float32) for _ in range(K))

            @plsc.parallel_loop(0, HID, 1, unroll=4, carry=zeros)
            def accs(h, accs_in):
                hcol = jnp.full((16,), h, jnp.int32)
                wv = plsc.load_gather(wrows_v, [brow, hcol])
                return tuple(
                    accs_in[k]
                    + wv * plsc.load_gather(crows_v, [ridx[k], hcol])
                    for k in range(K))

            for k in range(K):
                res_v[k, pl.ds(i * CHUNK + sub * 16, 16)] = accs[k]
        return _

    lax.fori_loop(0, NCHUNK, chunk_body, 0)
    for k in range(K):
        pltpu.sync_copy(res_v.at[k], out_hbm.at[pl.ds(k * B + wid * BPW, BPW)])


@jax.jit
def _sc_dots(wemb, cemb, widx, cidx):
    mesh = plsc.VectorSubcoreMesh(core_axis_name="c", subcore_axis_name="s",
                                  num_cores=NC, num_subcores=NS)
    return pl.kernel(
        _sc_dots_body,
        out_type=jax.ShapeDtypeStruct((K * B,), jnp.float32),
        mesh=mesh,
        compiler_params=pltpu.CompilerParams(needs_layout_passes=False,
                                             use_tc_tiling_on_sc=False),
        scratch_types=[
            pltpu.VMEM((CHUNK,), jnp.int32),
            pltpu.VMEM((CROWS,), jnp.int32),
            pltpu.VMEM((CHUNK, HID), jnp.float32),
            pltpu.VMEM((CROWS, HID), jnp.float32),
            pltpu.VMEM((K, BPW), jnp.float32),
            pltpu.SemaphoreType.DMA,
            pltpu.SemaphoreType.DMA,
            pltpu.SemaphoreType.DMA,
        ],
    )(wemb, cemb, widx, cidx)


def _loss_body(res_ref, lab_ref, out_ref):
    x = res_ref[...] * lab_ref[...]
    y = jax.nn.log_sigmoid(x)
    out_ref[0, 0] = -jnp.sum(y) / B


def _loss(res2d, lab2d):
    out = pl.pallas_call(
        _loss_body,
        out_shape=jax.ShapeDtypeStruct((1, 1), jnp.float32),
        in_specs=[pl.BlockSpec(memory_space=pltpu.VMEM),
                  pl.BlockSpec(memory_space=pltpu.VMEM)],
        out_specs=pl.BlockSpec(memory_space=pltpu.SMEM),
    )(res2d, lab2d)
    return out[0, 0]


def kernel(wrd, cntxt, labels, word_emb, context_emb):
    widx = wrd.reshape(B).astype(jnp.int32)
    cidx = cntxt.T.astype(jnp.int32)
    res = _sc_dots(word_emb, context_emb, widx, cidx)
    res2d = res.reshape(K * B // 128, 128)
    lab2d = labels.T.reshape(K * B // 128, 128)
    return _loss(res2d, lab2d)

# --- scband reference (transcript-rebuilt; emitter-appended) ---
"""Pipeline reference for scband-word2-vec-54829552500750 (READ-ONLY COPY).

The authoritative reference and input builder live on the scoring server;
editing this copy changes nothing except your own understanding.
"""

import jax, jax.numpy as jnp
import numpy as np

VOCAB = 1000000
HID = 64
B = 16384
K = 20

def setup_inputs(seed: int = 0) -> dict:
    key = jax.random.key(seed)
    k1, k2, k3, k4, k5 = jax.random.split(key, 5)
    wrd = jax.random.randint(k1, (B, 1), 0, VOCAB, dtype=jnp.int64)
    cntxt = jax.random.randint(k2, (B, K), 0, VOCAB, dtype=jnp.int64)
    labels = jax.random.normal(k3, (B, K), dtype=jnp.float32)
    word_emb = jax.random.normal(k4, (VOCAB, HID), dtype=jnp.float32) * 0.02
    context_emb = jax.random.normal(k5, (VOCAB, HID), dtype=jnp.float32) * 0.02
    return {"wrd": wrd, "cntxt": cntxt, "labels": labels,
            "word_emb": word_emb, "context_emb": context_emb}

def reference(wrd, cntxt, labels, word_emb, context_emb):
    # embedding lookups (gather)
    wrd_vec = jnp.take(word_emb, wrd, axis=0)        # [B, 1, H]
    cntxt_vec = jnp.take(context_emb, cntxt, axis=0)  # [B, K, H]
    # bmm(wrd_vec, cntxt_vec^T) -> [B, 1, K]
    res = jnp.einsum('bqh,bkh->bqk', wrd_vec, cntxt_vec)
    res = jnp.squeeze(res, axis=1)                    # [B, K]
    res = res * labels
    res = jax.nn.log_sigmoid(res)
    return jnp.sum(res) * -1.0 / res.shape[0]

if __name__ == "__main__":
    import jax
    _d = setup_inputs()
    print(jax.jit(kernel)(*tuple(_d.values())))

</pallas_src>

<mosaic_0001>
#map = affine_map<(d0, d1) -> (0, 0)>
#map1 = affine_map<(d0, d1) -> (0)>
module attributes {stable_mosaic.version = 14 : i64} {
  func.func @_sc_dots_body(%arg0: i32, %arg1: i32, %arg2: memref<1000000x64xf32, #tpu.memory_space<hbm>>, %arg3: memref<1000000x64xf32, #tpu.memory_space<hbm>>, %arg4: memref<16384xi32, #tpu.memory_space<hbm>>, %arg5: memref<20x16384xi32, #tpu.memory_space<hbm>>, %arg6: memref<327680xf32, #tpu.memory_space<hbm>>, %arg7: memref<64xi32, #tpu.memory_space<vmem>>, %arg8: memref<1280xi32, #tpu.memory_space<vmem>>, %arg9: memref<64x64xf32, #tpu.memory_space<vmem>>, %arg10: memref<1280x64xf32, #tpu.memory_space<vmem>>, %arg11: memref<20x512xf32, #tpu.memory_space<vmem>>, %arg12: memref<!tpu.dma_semaphore, #tpu.memory_space<semaphore_mem>>, %arg13: memref<!tpu.dma_semaphore, #tpu.memory_space<semaphore_mem>>, %arg14: memref<!tpu.dma_semaphore, #tpu.memory_space<semaphore_mem>>) attributes {dimension_semantics = [#tpu.dimension_semantics<core_parallel>, #tpu.dimension_semantics<subcore_parallel>], iteration_bounds = array<i64: 2, 16>, scalar_prefetch = 0 : i64, scratch_operands = 8 : i64, tpu.core_type = #tpu.core_type<sc_vector_subcore>, window_params = [{transform_indices = #map}, {transform_indices = #map}, {transform_indices = #map1}, {transform_indices = #map}, {transform_indices = #map1}]} {
    %mul3A = arith.constant 2 : i32
    %mul3A_0 = arith.muli %arg1, %mul3A : i32
    %add3A = arith.addi %mul3A_0, %arg0 : i32
    %iota3A = tpu.iota {dimensions = array<i32: 0>} : vector<16xi32>
    %scan3A = arith.constant 0 : i32
    %scan3A_1 = arith.constant 0 : i32
    %scan3A_2 = arith.constant 8 : i32
    %scan3A_3 = arith.addi %scan3A_1, %scan3A_2 : i32
    %scan3A_4 = arith.constant 1 : i32
    scf.for %scan3A_105 = %scan3A_1 to %scan3A_3 step %scan3A_4  : i32 {
      %mul3A_106 = arith.constant 512 : i32
      %mul3A_107 = arith.muli %add3A, %mul3A_106 : i32
      %mul3A_108 = arith.constant 64 : i32
      %mul3A_109 = arith.muli %scan3A_105, %mul3A_108 : i32
      %add3A_110 = arith.addi %mul3A_107, %mul3A_109 : i32
      "tpu.region"() ({
        %run_scoped3A_1700 = tpu.sem_alloc : memref<!tpu.dma_semaphore, #tpu.memory_space<semaphore_mem>>
        %dma_start3A_1701 = tpu.memref_slice %arg4[%add3A_110] : memref<16384xi32, #tpu.memory_space<hbm>> -> memref<64xi32, #tpu.memory_space<hbm>>
        %dma_start3A_1702 = tpu.memref_slice %arg4[%add3A_110] : memref<16384xi32, #tpu.memory_space<hbm>> -> memref<64xi32, #tpu.memory_space<hbm>>
        tpu.enqueue_dma source(%dma_start3A_1702 : memref<64xi32, #tpu.memory_space<hbm>>) target(%arg7 : memref<64xi32, #tpu.memory_space<vmem>>) target_semaphore(%run_scoped3A_1700 : memref<!tpu.dma_semaphore, #tpu.memory_space<semaphore_mem>>)
        %dma_wait3A_1703 = tpu.memref_slice %arg4[%add3A_110] : memref<16384xi32, #tpu.memory_space<hbm>> -> memref<64xi32, #tpu.memory_space<hbm>>
        %dma_wait3A_1704 = tpu.memref_slice %arg4[%add3A_110] : memref<16384xi32, #tpu.memory_space<hbm>> -> memref<64xi32, #tpu.memory_space<hbm>>
        tpu.wait_dma2 semaphore(%run_scoped3A_1700 : memref<!tpu.dma_semaphore, #tpu.memory_space<semaphore_mem>>) src(%dma_wait3A_1704 : memref<64xi32, #tpu.memory_space<hbm>>) dst(%arg7 : memref<64xi32, #tpu.memory_space<vmem>>)
        tpu.yield
      }) : () -> ()
      %dma_start3A = arith.constant 0 : i32
      %dma_start3A_111 = arith.constant 0 : i32
      %dma_start3A_112 = tpu.memref_slice %arg8[%dma_start3A_111] : memref<1280xi32, #tpu.memory_space<vmem>> -> memref<64xi32, #tpu.memory_space<vmem>>
      %dma_start3A_113 = tpu.memref_slice %arg5[%dma_start3A, %add3A_110] : memref<20x16384xi32, #tpu.memory_space<hbm>> -> memref<1x64xi32, #tpu.memory_space<hbm>>
      %dma_start3A_114 = tpu.memref_squeeze %dma_start3A_113 : memref<1x64xi32, #tpu.memory_space<hbm>> -> memref<64xi32, #tpu.memory_space<hbm>>
      %dma_start3A_115 = arith.constant 0 : i32
      %dma_start3A_116 = tpu.memref_slice %arg8[%dma_start3A_115] : memref<1280xi32, #tpu.memory_space<vmem>> -> memref<64xi32, #tpu.memory_space<vmem>>
      %dma_start3A_117 = tpu.memref_slice %arg5[%dma_start3A, %add3A_110] : memref<20x16384xi32, #tpu.memory_space<hbm>> -> memref<1x64xi32, #tpu.memory_space<hbm>>
      %dma_start3A_118 = tpu.memref_squeeze %dma_start3A_117 : memref<1x64xi32, #tpu.memory_space<hbm>> -> memref<64xi32, #tpu.memory_space<hbm>>
      tpu.enqueue_dma source(%dma_start3A_118 : memref<64xi32, #tpu.memory_space<hbm>>) target(%dma_start3A_116 : memref<64xi32, #tpu.memory_space<vmem>>) target_semaphore(%arg14 : memref<!tpu.dma_semaphore, #tpu.memory_space<semaphore_mem>>)
      %dma_start3A_119 = arith.constant 1 : i32
      %dma_start3A_120 = arith.constant 64 : i32
      %dma_start3A_121 = tpu.memref_slice %arg8[%dma_start3A_120] : memref<1280xi32, #tpu.memory_space<vmem>> -> memref<64xi32, #tpu.memory_space<vmem>>
      %dma_start3A_122 = tpu.memref_slice %arg5[%dma_start3A_119, %add3A_110] : memref<20x16384xi32, #tpu.memory_space<hbm>> -> memref<1x64xi32, #tpu.memory_space<hbm>>
      %dma_start3A_123 = tpu.memref_squeeze %dma_start3A_122 : memref<1x64xi32, #tpu.memory_space<hbm>> -> memref<64xi32, #tpu.memory_space<hbm>>
      %dma_start3A_124 = arith.constant 64 : i32
      %dma_start3A_125 = tpu.memref_slice %arg8[%dma_start3A_124] : memref<1280xi32, #tpu.memory_space<vmem>> -> memref<64xi32, #tpu.memory_space<vmem>>
      %dma_start3A_126 = tpu.memref_slice %arg5[%dma_start3A_119, %add3A_110] : memref<20x16384xi32, #tpu.memory_space<hbm>> -> memref<1x64xi32, #tpu.memory_space<hbm>>
      %dma_start3A_127 = tpu.memref_squeeze %dma_start3A_126 : memref<1x64xi32, #tpu.memory_space<hbm>> -> memref<64xi32, #tpu.memory_space<hbm>>
      tpu.enqueue_dma source(%dma_start3A_127 : memref<64xi32, #tpu.memory_space<hbm>>) target(%dma_start3A_125 : memref<64xi32, #tpu.memory_space<vmem>>) target_semaphore(%arg14 : memref<!tpu.dma_semaphore, #tpu.memory_space<semaphore_mem>>)
      %dma_start3A_128 = arith.constant 2 : i32
      %dma_start3A_129 = arith.constant 128 : i32
      %dma_start3A_130 = tpu.memref_slice %arg8[%dma_start3A_129] : memref<1280xi32, #tpu.memory_space<vmem>> -> memref<64xi32, #tpu.memory_space<vmem>>
      %dma_start3A_131 = tpu.memref_slice %arg5[%dma_start3A_128, %add3A_110] : memref<20x16384xi32, #tpu.memory_space<hbm>> -> memref<1x64xi32, #tpu.memory_space<hbm>>
      %dma_start3A_132 = tpu.memref_squeeze %dma_start3A_131 : memref<1x64xi32, #tpu.memory_space<hbm>> -> memref<64xi32, #tpu.memory_space<hbm>>
      %dma_start3A_133 = arith.constant 128 : i32
      %dma_start3A_134 = tpu.memref_slice %arg8[%dma_start3A_133] : memref<1280xi32, #tpu.memory_space<vmem>> -> memref<64xi32, #tpu.memory_space<vmem>>
      %dma_start3A_135 = tpu.memref_slice %arg5[%dma_start3A_128, %add3A_110] : memref<20x16384xi32, #tpu.memory_space<hbm>> -> memref<1x64xi32, #tpu.memory_space<hbm>>
      %dma_start3A_136 = tpu.memref_squeeze %dma_start3A_135 : memref<1x64xi32, #tpu.memory_space<hbm>> -> memref<64xi32, #tpu.memory_space<hbm>>
      tpu.enqueue_dma source(%dma_start3A_136 : memref<64xi32, #tpu.memory_space<hbm>>) target(%dma_start3A_134 : memref<64xi32, #tpu.memory_space<vmem>>) target_semaphore(%arg14 : memref<!tpu.dma_semaphore, #tpu.memory_space<semaphore_mem>>)
      %dma_start3A_137 = arith.constant 3 : i32
      %dma_start3A_138 = arith.constant 192 : i32
      %dma_start3A_139 = tpu.memref_slice %arg8[%dma_start3A_138] : memref<1280xi32, #tpu.memory_space<vmem>> -> memref<64xi32, #tpu.memory_space<vmem>>
      %dma_start3A_140 = tpu.memref_slice %arg5[%dma_start3A_137, %add3A_110] : memref<20x16384xi32, #tpu.memory_space<hbm>> -> memref<1x64xi32, #tpu.memory_space<hbm>>
      %dma_start3A_141 = tpu.memref_squeeze %dma_start3A_140 : memref<1x64xi32, #tpu.memory_space<hbm>> -> memref<64xi32, #tpu.memory_space<hbm>>
      %dma_start3A_142 = arith.constant 192 : i32
      %dma_start3A_143 = tpu.memref_slice %arg8[%dma_start3A_142] : memref<1280xi32, #tpu.memory_space<vmem>> -> memref<64xi32, #tpu.memory_space<vmem>>
      %dma_start3A_144 = tpu.memref_slice %arg5[%dma_start3A_137, %add3A_110] : memref<20x16384xi32, #tpu.memory_space<hbm>> -> memref<1x64xi32, #tpu.memory_space<hbm>>
      %dma_start3A_145 = tpu.memref_squeeze %dma_start3A_144 : memref<1x64xi32, #tpu.memory_space<hbm>> -> memref<64xi32, #tpu.memory_space<hbm>>
      tpu.enqueue_dma source(%dma_start3A_145 : memref<64xi32, #tpu.memory_space<hbm>>) target(%dma_start3A_143 : memref<64xi32, #tpu.memory_space<vmem>>) target_semaphore(%arg14 : memref<!tpu.dma_semaphore, #tpu.memory_space<semaphore_mem>>)
      %dma_start3A_146 = arith.constant 4 : i32
      %dma_start3A_147 = arith.constant 256 : i32
      %dma_start3A_148 = tpu.memref_slice %arg8[%dma_start3A_147] : memref<1280xi32, #tpu.memory_space<vmem>> -> memref<64xi32, #tpu.memory_space<vmem>>
      %dma_start3A_149 = tpu.memref_slice %arg5[%dma_start3A_146, %add3A_110] : memref<20x16384xi32, #tpu.memory_space<hbm>> -> memref<1x64xi32, #tpu.memory_space<hbm>>
      %dma_start3A_150 = tpu.memref_squeeze %dma_start3A_149 : memref<1x64xi32, #tpu.memory_space<hbm>> -> memref<64xi32, #tpu.memory_space<hbm>>
      %dma_start3A_151 = arith.constant 256 : i32
      %dma_start3A_152 = tpu.memref_slice %arg8[%dma_start3A_151] : memref<1280xi32, #tpu.memory_space<vmem>> -> memref<64xi32, #tpu.memory_space<vmem>>
      %dma_start3A_153 = tpu.memref_slice %arg5[%dma_start3A_146, %add3A_110] : memref<20x16384xi32, #tpu.memory_space<hbm>> -> memref<1x64xi32, #tpu.memory_space<hbm>>
      %dma_start3A_154 = tpu.memref_squeeze %dma_start3A_153 : memref<1x64xi32, #tpu.memory_space<hbm>> -> memref<64xi32, #tpu.memory_space<hbm>>
      tpu.enqueue_dma source(%dma_start3A_154 : memref<64xi32, #tpu.memory_space<hbm>>) target(%dma_start3A_152 : memref<64xi32, #tpu.memory_space<vmem>>) target_semaphore(%arg14 : memref<!tpu.dma_semaphore, #tpu.memory_space<semaphore_mem>>)
      %dma_start3A_155 = arith.constant 5 : i32
      %dma_start3A_156 = arith.constant 320 : i32
      %dma_start3A_157 = tpu.memref_slice %arg8[%dma_start3A_156] : memref<1280xi32, #tpu.memory_space<vmem>> -> memref<64xi32, #tpu.memory_space<vmem>>
      %dma_start3A_158 = tpu.memref_slice %arg5[%dma_start3A_155, %add3A_110] : memref<20x16384xi32, #tpu.memory_space<hbm>> -> memref<1x64xi32, #tpu.memory_space<hbm>>
      %dma_start3A_159 = tpu.memref_squeeze %dma_start3A_158 : memref<1x64xi32, #tpu.memory_space<hbm>> -> memref<64xi32, #tpu.memory_space<hbm>>
      %dma_start3A_160 = arith.constant 320 : i32
      %dma_start3A_161 = tpu.memref_slice %arg8[%dma_start3A_160] : memref<1280xi32, #tpu.memory_space<vmem>> -> memref<64xi32, #tpu.memory_space<vmem>>
      %dma_start3A_162 = tpu.memref_slice %arg5[%dma_start3A_155, %add3A_110] : memref<20x16384xi32, #tpu.memory_space<hbm>> -> memref<1x64xi32, #tpu.memory_space<hbm>>
      %dma_start3A_163 = tpu.memref_squeeze %dma_start3A_162 : memref<1x64xi32, #tpu.memory_space<hbm>> -> memref<64xi32, #tpu.memory_space<hbm>>
      tpu.enqueue_dma source(%dma_start3A_163 : memref<64xi32, #tpu.memory_space<hbm>>) target(%dma_start3A_161 : memref<64xi32, #tpu.memory_space<vmem>>) target_semaphore(%arg14 : memref<!tpu.dma_semaphore, #tpu.memory_space<semaphore_mem>>)
      %dma_start3A_164 = arith.constant 6 : i32
      %dma_start3A_165 = arith.constant 384 : i32
      %dma_start3A_166 = tpu.memref_slice %arg8[%dma_start3A_165] : memref<1280xi32, #tpu.memory_space<vmem>> -> memref<64xi32, #tpu.memory_space<vmem>>
      %dma_start3A_167 = tpu.memref_slice %arg5[%dma_start3A_164, %add3A_110] : memref<20x16384xi32, #tpu.memory_space<hbm>> -> memref<1x64xi32, #tpu.memory_space<hbm>>
      %dma_start3A_168 = tpu.memref_squeeze %dma_start3A_167 : memref<1x64xi32, #tpu.memory_space<hbm>> -> memref<64xi32, #tpu.memory_space<hbm>>
      %dma_start3A_169 = arith.constant 384 : i32
      %dma_start3A_170 = tpu.memref_slice %arg8[%dma_start3A_169] : memref<1280xi32, #tpu.memory_space<vmem>> -> memref<64xi32, #tpu.memory_space<vmem>>
      %dma_start3A_171 = tpu.memref_slice %arg5[%dma_start3A_164, %add3A_110] : memref<20x16384xi32, #tpu.memory_space<hbm>> -> memref<1x64xi32, #tpu.memory_space<hbm>>
      %dma_start3A_172 = tpu.memref_squeeze %dma_start3A_171 : memref<1x64xi32, #tpu.memory_space<hbm>> -> memref<64xi32, #tpu.memory_space<hbm>>
      tpu.enqueue_dma source(%dma_start3A_172 : memref<64xi32, #tpu.memory_space<hbm>>) target(%dma_start3A_170 : memref<64xi32, #tpu.memory_space<vmem>>) target_semaphore(%arg14 : memref<!tpu.dma_semaphore, #tpu.memory_space<semaphore_mem>>)
      %dma_start3A_173 = arith.constant 7 : i32
      %dma_start3A_174 = arith.constant 448 : i32
      %dma_start3A_175 = tpu.memref_slice %arg8[%dma_start3A_174] : memref<1280xi32, #tpu.memory_space<vmem>> -> memref<64xi32, #tpu.memory_space<vmem>>
      %dma_start3A_176 = tpu.memref_slice %arg5[%dma_start3A_173, %add3A_110] : memref<20x16384xi32, #tpu.memory_space<hbm>> -> memref<1x64xi32, #tpu.memory_space<hbm>>
      %dma_start3A_177 = tpu.memref_squeeze %dma_start3A_176 : memref<1x64xi32, #tpu.memory_space<hbm>> -> memref<64xi32, #tpu.memory_space<hbm>>
      %dma_start3A_178 = arith.constant 448 : i32
      %dma_start3A_179 = tpu.memref_slice %arg8[%dma_start3A_178] : memref<1280xi32, #tpu.memory_space<vmem>> -> memref<64xi32, #tpu.memory_space<vmem>>
      %dma_start3A_180 = tpu.memref_slice %arg5[%dma_start3A_173, %add3A_110] : memref<20x16384xi32, #tpu.memory_space<hbm>> -> memref<1x64xi32, #tpu.memory_space<hbm>>
      %dma_start3A_181 = tpu.memref_squeeze %dma_start3A_180 : memref<1x64xi32, #tpu.memory_space<hbm>> -> memref<64xi32, #tpu.memory_space<hbm>>
      tpu.enqueue_dma source(%dma_start3A_181 : memref<64xi32, #tpu.memory_space<hbm>>) target(%dma_start3A_179 : memref<64xi32, #tpu.memory_space<vmem>>) target_semaphore(%arg14 : memref<!tpu.dma_semaphore, #tpu.memory_space<semaphore_mem>>)
      %dma_start3A_182 = arith.constant 8 : i32
      %dma_start3A_183 = arith.constant 512 : i32
      %dma_start3A_184 = tpu.memref_slice %arg8[%dma_start3A_183] : memref<1280xi32, #tpu.memory_space<vmem>> -> memref<64xi32, #tpu.memory_space<vmem>>
      %dma_start3A_185 = tpu.memref_slice %arg5[%dma_start3A_182, %add3A_110] : memref<20x16384xi32, #tpu.memory_space<hbm>> -> memref<1x64xi32, #tpu.memory_space<hbm>>
      %dma_start3A_186 = tpu.memref_squeeze %dma_start3A_185 : memref<1x64xi32, #tpu.memory_space<hbm>> -> memref<64xi32, #tpu.memory_space<hbm>>
      %dma_start3A_187 = arith.constant 512 : i32
      %dma_start3A_188 = tpu.memref_slice %arg8[%dma_start3A_187] : memref<1280xi32, #tpu.memory_space<vmem>> -> memref<64xi32, #tpu.memory_space<vmem>>
      %dma_start3A_189 = tpu.memref_slice %arg5[%dma_start3A_182, %add3A_110] : memref<20x16384xi32, #tpu.memory_space<hbm>> -> memref<1x64xi32, #tpu.memory_space<hbm>>
      %dma_start3A_190 = tpu.memref_squeeze %dma_start3A_189 : memref<1x64xi32, #tpu.memory_space<hbm>> -> memref<64xi32, #tpu.memory_space<hbm>>
      tpu.enqueue_dma source(%dma_start3A_190 : memref<64xi32, #tpu.memory_space<hbm>>) target(%dma_start3A_188 : memref<64xi32, #tpu.memory_space<vmem>>) target_semaphore(%arg14 : memref<!tpu.dma_semaphore, #tpu.memory_space<semaphore_mem>>)
      %dma_start3A_191 = arith.constant 9 : i32
      %dma_start3A_192 = arith.constant 576 : i32
      %dma_start3A_193 = tpu.memref_slice %arg8[%dma_start3A_192] : memref<1280xi32, #tpu.memory_space<vmem>> -> memref<64xi32, #tpu.memory_space<vmem>>
      %dma_start3A_194 = tpu.memref_slice %arg5[%dma_start3A_191, %add3A_110] : memref<20x16384xi32, #tpu.memory_space<hbm>> -> memref<1x64xi32, #tpu.memory_space<hbm>>
      %dma_start3A_195 = tpu.memref_squeeze %dma_start3A_194 : memref<1x64xi32, #tpu.memory_space<hbm>> -> memref<64xi32, #tpu.memory_space<hbm>>
      %dma_start3A_196 = arith.constant 576 : i32
      %dma_start3A_197 = tpu.memref_slice %arg8[%dma_start3A_196] : memref<1280xi32, #tpu.memory_space<vmem>> -> memref<64xi32, #tpu.memory_space<vmem>>
      %dma_start3A_198 = tpu.memref_slice %arg5[%dma_start3A_191, %add3A_110] : memref<20x16384xi32, #tpu.memory_space<hbm>> -> memref<1x64xi32, #tpu.memory_space<hbm>>
      %dma_start3A_199 = tpu.memref_squeeze %dma_start3A_198 : memref<1x64xi32, #tpu.memory_space<hbm>> -> memref<64xi32, #tpu.memory_space<hbm>>
      tpu.enqueue_dma source(%dma_start3A_199 : memref<64xi32, #tpu.memory_space<hbm>>) target(%dma_start3A_197 : memref<64xi32, #tpu.memory_space<vmem>>) target_semaphore(%arg14 : memref<!tpu.dma_semaphore, #tpu.memory_space<semaphore_mem>>)
      %dma_start3A_200 = arith.constant 10 : i32
      %dma_start3A_201 = arith.constant 640 : i32
      %dma_start3A_202 = tpu.memref_slice %arg8[%dma_start3A_201] : memref<1280xi32, #tpu.memory_space<vmem>> -> memref<64xi32, #tpu.memory_space<vmem>>
      %dma_start3A_203 = tpu.memref_slice %arg5[%dma_start3A_200, %add3A_110] : memref<20x16384xi32, #tpu.memory_space<hbm>> -> memref<1x64xi32, #tpu.memory_space<hbm>>
      %dma_start3A_204 = tpu.memref_squeeze %dma_start3A_203 : memref<1x64xi32, #tpu.memory_space<hbm>> -> memref<64xi32, #tpu.memory_space<hbm>>
      %dma_start3A_205 = arith.constant 640 : i32
      %dma_start3A_206 = tpu.memref_slice %arg8[%dma_start3A_205] : memref<1280xi32, #tpu.memory_space<vmem>> -> memref<64xi32, #tpu.memory_space<vmem>>
      %dma_start3A_207 = tpu.memref_slice %arg5[%dma_start3A_200, %add3A_110] : memref<20x16384xi32, #tpu.memory_space<hbm>> -> memref<1x64xi32, #tpu.memory_space<hbm>>
      %dma_start3A_208 = tpu.memref_squeeze %dma_start3A_207 : memref<1x64xi32, #tpu.memory_space<hbm>> -> memref<64xi32, #tpu.memory_space<hbm>>
      tpu.enqueue_dma source(%dma_start3A_208 : memref<64xi32, #tpu.memory_space<hbm>>) target(%dma_start3A_206 : memref<64xi32, #tpu.memory_space<vmem>>) target_semaphore(%arg14 : memref<!tpu.dma_semaphore, #tpu.memory_space<semaphore_mem>>)
      %dma_start3A_209 = arith.constant 11 : i32
      %dma_start3A_210 = arith.constant 704 : i32
      %dma_start3A_211 = tpu.memref_slice %arg8[%dma_start3A_210] : memref<1280xi32, #tpu.memory_space<vmem>> -> memref<64xi32, #tpu.memory_space<vmem>>
      %dma_start3A_212 = tpu.memref_slice %arg5[%dma_start3A_209, %add3A_110] : memref<20x16384xi32, #tpu.memory_space<hbm>> -> memref<1x64xi32, #tpu.memory_space<hbm>>
      %dma_start3A_213 = tpu.memref_squeeze %dma_start3A_212 : memref<1x64xi32, #tpu.memory_space<hbm>> -> memref<64xi32, #tpu.memory_space<hbm>>
      %dma_start3A_214 = arith.constant 704 : i32
      %dma_start3A_215 = tpu.memref_slice %arg8[%dma_start3A_214] : memref<1280xi32, #tpu.memory_space<vmem>> -> memref<64xi32, #tpu.memory_space<vmem>>
      %dma_start3A_216 = tpu.memref_slice %arg5[%dma_start3A_209, %add3A_110] : memref<20x16384xi32, #tpu.memory_space<hbm>> -> memref<1x64xi32, #tpu.memory_space<hbm>>
      %dma_start3A_217 = tpu.memref_squeeze %dma_start3A_216 : memref<1x64xi32, #tpu.memory_space<hbm>> -> memref<64xi32, #tpu.memory_space<hbm>>
      tpu.enqueue_dma source(%dma_start3A_217 : memref<64xi32, #tpu.memory_space<hbm>>) target(%dma_start3A_215 : memref<64xi32, #tpu.memory_space<vmem>>) target_semaphore(%arg14 : memref<!tpu.dma_semaphore, #tpu.memory_space<semaphore_mem>>)
      %dma_start3A_218 = arith.constant 12 : i32
      %dma_start3A_219 = arith.constant 768 : i32
      %dma_start3A_220 = tpu.memref_slice %arg8[%dma_start3A_219] : memref<1280xi32, #tpu.memory_space<vmem>> -> memref<64xi32, #tpu.memory_space<vmem>>
      %dma_start3A_221 = tpu.memref_slice %arg5[%dma_start3A_218, %add3A_110] : memref<20x16384xi32, #tpu.memory_space<hbm>> -> memref<1x64xi32, #tpu.memory_space<hbm>>
      %dma_start3A_222 = tpu.memref_squeeze %dma_start3A_221 : memref<1x64xi32, #tpu.memory_space<hbm>> -> memref<64xi32, #tpu.memory_space<hbm>>
      %dma_start3A_223 = arith.constant 768 : i32
      %dma_start3A_224 = tpu.memref_slice %arg8[%dma_start3A_223] : memref<1280xi32, #tpu.memory_space<vmem>> -> memref<64xi32, #tpu.memory_space<vmem>>
      %dma_start3A_225 = tpu.memref_slice %arg5[%dma_start3A_218, %add3A_110] : memref<20x16384xi32, #tpu.memory_space<hbm>> -> memref<1x64xi32, #tpu.memory_space<hbm>>
      %dma_start3A_226 = tpu.memref_squeeze %dma_start3A_225 : memref<1x64xi32, #tpu.memory_space<hbm>> -> memref<64xi32, #tpu.memory_space<hbm>>
      tpu.enqueue_dma source(%dma_start3A_226 : memref<64xi32, #tpu.memory_space<hbm>>) target(%dma_start3A_224 : memref<64xi32, #tpu.memory_space<vmem>>) target_semaphore(%arg14 : memref<!tpu.dma_semaphore, #tpu.memory_space<semaphore_mem>>)
      %dma_start3A_227 = arith.constant 13 : i32
      %dma_start3A_228 = arith.constant 832 : i32
      %dma_start3A_229 = tpu.memref_slice %arg8[%dma_start3A_228] : memref<1280xi32, #tpu.memory_space<vmem>> -> memref<64xi32, #tpu.memory_space<vmem>>
      %dma_start3A_230 = tpu.memref_slice %arg5[%dma_start3A_227, %add3A_110] : memref<20x16384xi32, #tpu.memory_space<hbm>> -> memref<1x64xi32, #tpu.memory_space<hbm>>
      %dma_start3A_231 = tpu.memref_squeeze %dma_start3A_230 : memref<1x64xi32, #tpu.memory_space<hbm>> -> memref<64xi32, #tpu.memory_space<hbm>>
      %dma_start3A_232 = arith.constant 832 : i32
      %dma_start3A_233 = tpu.memref_slice %arg8[%dma_start3A_232] : memref<1280xi32, #tpu.memory_space<vmem>> -> memref<64xi32, #tpu.memory_space<vmem>>
      %dma_start3A_234 = tpu.memref_slice %arg5[%dma_start3A_227, %add3A_110] : memref<20x16384xi32, #tpu.memory_space<hbm>> -> memref<1x64xi32, #tpu.memory_space<hbm>>
      %dma_start3A_235 = tpu.memref_squeeze %dma_start3A_234 : memref<1x64xi32, #tpu.memory_space<hbm>> -> memref<64xi32, #tpu.memory_space<hbm>>
      tpu.enqueue_dma source(%dma_start3A_235 : memref<64xi32, #tpu.memory_space<hbm>>) target(%dma_start3A_233 : memref<64xi32, #tpu.memory_space<vmem>>) target_semaphore(%arg14 : memref<!tpu.dma_semaphore, #tpu.memory_space<semaphore_mem>>)
      %dma_start3A_236 = arith.constant 14 : i32
      %dma_start3A_237 = arith.constant 896 : i32
      %dma_start3A_238 = tpu.memref_slice %arg8[%dma_start3A_237] : memref<1280xi32, #tpu.memory_space<vmem>> -> memref<64xi32, #tpu.memory_space<vmem>>
      %dma_start3A_239 = tpu.memref_slice %arg5[%dma_start3A_236, %add3A_110] : memref<20x16384xi32, #tpu.memory_space<hbm>> -> memref<1x64xi32, #tpu.memory_space<hbm>>
      %dma_start3A_240 = tpu.memref_squeeze %dma_start3A_239 : memref<1x64xi32, #tpu.memory_space<hbm>> -> memref<64xi32, #tpu.memory_space<hbm>>
      %dma_start3A_241 = arith.constant 896 : i32
      %dma_start3A_242 = tpu.memref_slice %arg8[%dma_start3A_241] : memref<1280xi32, #tpu.memory_space<vmem>> -> memref<64xi32, #tpu.memory_space<vmem>>
      %dma_start3A_243 = tpu.memref_slice %arg5[%dma_start3A_236, %add3A_110] : memref<20x16384xi32, #tpu.memory_space<hbm>> -> memref<1x64xi32, #tpu.memory_space<hbm>>
      %dma_start3A_244 = tpu.memref_squeeze %dma_start3A_243 : memref<1x64xi32, #tpu.memory_space<hbm>> -> memref<64xi32, #tpu.memory_space<hbm>>
      tpu.enqueue_dma source(%dma_start3A_244 : memref<64xi32, #tpu.memory_space<hbm>>) target(%dma_start3A_242 : memref<64xi32, #tpu.memory_space<vmem>>) target_semaphore(%arg14 : memref<!tpu.dma_semaphore, #tpu.memory_space<semaphore_mem>>)
      %dma_start3A_245 = arith.constant 15 : i32
      %dma_start3A_246 = arith.constant 960 : i32
      %dma_start3A_247 = tpu.memref_slice %arg8[%dma_start3A_246] : memref<1280xi32, #tpu.memory_space<vmem>> -> memref<64xi32, #tpu.memory_space<vmem>>
      %dma_start3A_248 = tpu.memref_slice %arg5[%dma_start3A_245, %add3A_110] : memref<20x16384xi32, #tpu.memory_space<hbm>> -> memref<1x64xi32, #tpu.memory_space<hbm>>
      %dma_start3A_249 = tpu.memref_squeeze %dma_start3A_248 : memref<1x64xi32, #tpu.memory_space<hbm>> -> memref<64xi32, #tpu.memory_space<hbm>>
      %dma_start3A_250 = arith.constant 960 : i32
      %dma_start3A_251 = tpu.memref_slice %arg8[%dma_start3A_250] : memref<1280xi32, #tpu.memory_space<vmem>> -> memref<64xi32, #tpu.memory_space<vmem>>
      %dma_start3A_252 = tpu.memref_slice %arg5[%dma_start3A_245, %add3A_110] : memref<20x16384xi32, #tpu.memory_space<hbm>> -> memref<1x64xi32, #tpu.memory_space<hbm>>
      %dma_start3A_253 = tpu.memref_squeeze %dma_start3A_252 : memref<1x64xi32, #tpu.memory_space<hbm>> -> memref<64xi32, #tpu.memory_space<hbm>>
      tpu.enqueue_dma source(%dma_start3A_253 : memref<64xi32, #tpu.memory_space<hbm>>) target(%dma_start3A_251 : memref<64xi32, #tpu.memory_space<vmem>>) target_semaphore(%arg14 : memref<!tpu.dma_semaphore, #tpu.memory_space<semaphore_mem>>)
      %dma_start3A_254 = arith.constant 16 : i32
      %dma_start3A_255 = arith.constant 1024 : i32
      %dma_start3A_256 = tpu.memref_slice %arg8[%dma_start3A_255] : memref<1280xi32, #tpu.memory_space<vmem>> -> memref<64xi32, #tpu.memory_space<vmem>>
      %dma_start3A_257 = tpu.memref_slice %arg5[%dma_start3A_254, %add3A_110] : memref<20x16384xi32, #tpu.memory_space<hbm>> -> memref<1x64xi32, #tpu.memory_space<hbm>>
      %dma_start3A_258 = tpu.memref_squeeze %dma_start3A_257 : memref<1x64xi32, #tpu.memory_space<hbm>> -> memref<64xi32, #tpu.memory_space<hbm>>
      %dma_start3A_259 = arith.constant 1024 : i32
      %dma_start3A_260 = tpu.memref_slice %arg8[%dma_start3A_259] : memref<1280xi32, #tpu.memory_space<vmem>> -> memref<64xi32, #tpu.memory_space<vmem>>
      %dma_start3A_261 = tpu.memref_slice %arg5[%dma_start3A_254, %add3A_110] : memref<20x16384xi32, #tpu.memory_space<hbm>> -> memref<1x64xi32, #tpu.memory_space<hbm>>
      %dma_start3A_262 = tpu.memref_squeeze %dma_start3A_261 : memref<1x64xi32, #tpu.memory_space<hbm>> -> memref<64xi32, #tpu.memory_space<hbm>>
      tpu.enqueue_dma source(%dma_start3A_262 : memref<64xi32, #tpu.memory_space<hbm>>) target(%dma_start3A_260 : memref<64xi32, #tpu.memory_space<vmem>>) target_semaphore(%arg14 : memref<!tpu.dma_semaphore, #tpu.memory_space<semaphore_mem>>)
      %dma_start3A_263 = arith.constant 17 : i32
      %dma_start3A_264 = arith.constant 1088 : i32
      %dma_start3A_265 = tpu.memref_slice %arg8[%dma_start3A_264] : memref<1280xi32, #tpu.memory_space<vmem>> -> memref<64xi32, #tpu.memory_space<vmem>>
      %dma_start3A_266 = tpu.memref_slice %arg5[%dma_start3A_263, %add3A_110] : memref<20x16384xi32, #tpu.memory_space<hbm>> -> memref<1x64xi32, #tpu.memory_space<hbm>>
      %dma_start3A_267 = tpu.memref_squeeze %dma_start3A_266 : memref<1x64xi32, #tpu.memory_space<hbm>> -> memref<64xi32, #tpu.memory_space<hbm>>
      %dma_start3A_268 = arith.constant 1088 : i32
      %dma_start3A_269 = tpu.memref_slice %arg8[%dma_start3A_268] : memref<1280xi32, #tpu.memory_space<vmem>> -> memref<64xi32, #tpu.memory_space<vmem>>
      %dma_start3A_270 = tpu.memref_slice %arg5[%dma_start3A_263, %add3A_110] : memref<20x16384xi32, #tpu.memory_space<hbm>> -> memref<1x64xi32, #tpu.memory_space<hbm>>
      %dma_start3A_271 = tpu.memref_squeeze %dma_start3A_270 : memref<1x64xi32, #tpu.memory_space<hbm>> -> memref<64xi32, #tpu.memory_space<hbm>>
      tpu.enqueue_dma source(%dma_start3A_271 : memref<64xi32, #tpu.memory_space<hbm>>) target(%dma_start3A_269 : memref<64xi32, #tpu.memory_space<vmem>>) target_semaphore(%arg14 : memref<!tpu.dma_semaphore, #tpu.memory_space<semaphore_mem>>)
      %dma_start3A_272 = arith.constant 18 : i32
      %dma_start3A_273 = arith.constant 1152 : i32
      %dma_start3A_274 = tpu.memref_slice %arg8[%dma_start3A_273] : memref<1280xi32, #tpu.memory_space<vmem>> -> memref<64xi32, #tpu.memory_space<vmem>>
      %dma_start3A_275 = tpu.memref_slice %arg5[%dma_start3A_272, %add3A_110] : memref<20x16384xi32, #tpu.memory_space<hbm>> -> memref<1x64xi32, #tpu.memory_space<hbm>>
      %dma_start3A_276 = tpu.memref_squeeze %dma_start3A_275 : memref<1x64xi32, #tpu.memory_space<hbm>> -> memref<64xi32, #tpu.memory_space<hbm>>
      %dma_start3A_277 = arith.constant 1152 : i32
      %dma_start3A_278 = tpu.memref_slice %arg8[%dma_start3A_277] : memref<1280xi32, #tpu.memory_space<vmem>> -> memref<64xi32, #tpu.memory_space<vmem>>
      %dma_start3A_279 = tpu.memref_slice %arg5[%dma_start3A_272, %add3A_110] : memref<20x16384xi32, #tpu.memory_space<hbm>> -> memref<1x64xi32, #tpu.memory_space<hbm>>
      %dma_start3A_280 = tpu.memref_squeeze %dma_start3A_279 : memref<1x64xi32, #tpu.memory_space<hbm>> -> memref<64xi32, #tpu.memory_space<hbm>>
      tpu.enqueue_dma source(%dma_start3A_280 : memref<64xi32, #tpu.memory_space<hbm>>) target(%dma_start3A_278 : memref<64xi32, #tpu.memory_space<vmem>>) target_semaphore(%arg14 : memref<!tpu.dma_semaphore, #tpu.memory_space<semaphore_mem>>)
      %dma_start3A_281 = arith.constant 19 : i32
      %dma_start3A_282 = arith.constant 1216 : i32
      %dma_start3A_283 = tpu.memref_slice %arg8[%dma_start3A_282] : memref<1280xi32, #tpu.memory_space<vmem>> -> memref<64xi32, #tpu.memory_space<vmem>>
      %dma_start3A_284 = tpu.memref_slice %arg5[%dma_start3A_281, %add3A_110] : memref<20x16384xi32, #tpu.memory_space<hbm>> -> memref<1x64xi32, #tpu.memory_space<hbm>>
      %dma_start3A_285 = tpu.memref_squeeze %dma_start3A_284 : memref<1x64xi32, #tpu.memory_space<hbm>> -> memref<64xi32, #tpu.memory_space<hbm>>
      %dma_start3A_286 = arith.constant 1216 : i32
      %dma_start3A_287 = tpu.memref_slice %arg8[%dma_start3A_286] : memref<1280xi32, #tpu.memory_space<vmem>> -> memref<64xi32, #tpu.memory_space<vmem>>
      %dma_start3A_288 = tpu.memref_slice %arg5[%dma_start3A_281, %add3A_110] : memref<20x16384xi32, #tpu.memory_space<hbm>> -> memref<1x64xi32, #tpu.memory_space<hbm>>
      %dma_start3A_289 = tpu.memref_squeeze %dma_start3A_288 : memref<1x64xi32, #tpu.memory_space<hbm>> -> memref<64xi32, #tpu.memory_space<hbm>>
      tpu.enqueue_dma source(%dma_start3A_289 : memref<64xi32, #tpu.memory_space<hbm>>) target(%dma_start3A_287 : memref<64xi32, #tpu.memory_space<vmem>>) target_semaphore(%arg14 : memref<!tpu.dma_semaphore, #tpu.memory_space<semaphore_mem>>)
      %dma_wait3A = arith.constant 0 : i32
      %dma_wait3A_290 = arith.constant 0 : i32
      %dma_wait3A_291 = tpu.memref_slice %arg8[%dma_wait3A_290] : memref<1280xi32, #tpu.memory_space<vmem>> -> memref<64xi32, #tpu.memory_space<vmem>>
      %dma_wait3A_292 = tpu.memref_slice %arg5[%dma_wait3A, %add3A_110] : memref<20x16384xi32, #tpu.memory_space<hbm>> -> memref<1x64xi32, #tpu.memory_space<hbm>>
      %dma_wait3A_293 = tpu.memref_squeeze %dma_wait3A_292 : memref<1x64xi32, #tpu.memory_space<hbm>> -> memref<64xi32, #tpu.memory_space<hbm>>
      %dma_wait3A_294 = arith.constant 0 : i32
      %dma_wait3A_295 = tpu.memref_slice %arg8[%dma_wait3A_294] : memref<1280xi32, #tpu.memory_space<vmem>> -> memref<64xi32, #tpu.memory_space<vmem>>
      %dma_wait3A_296 = tpu.memref_slice %arg5[%dma_wait3A, %add3A_110] : memref<20x16384xi32, #tpu.memory_space<hbm>> -> memref<1x64xi32, #tpu.memory_space<hbm>>
      %dma_wait3A_297 = tpu.memref_squeeze %dma_wait3A_296 : memref<1x64xi32, #tpu.memory_space<hbm>> -> memref<64xi32, #tpu.memory_space<hbm>>
      tpu.wait_dma2 semaphore(%arg14 : memref<!tpu.dma_semaphore, #tpu.memory_space<semaphore_mem>>) src(%dma_wait3A_297 : memref<64xi32, #tpu.memory_space<hbm>>) dst(%dma_wait3A_295 : memref<64xi32, #tpu.memory_space<vmem>>)
      %dma_wait3A_298 = arith.constant 1 : i32
      %dma_wait3A_299 = arith.constant 64 : i32
      %dma_wait3A_300 = tpu.memref_slice %arg8[%dma_wait3A_299] : memref<1280xi32, #tpu.memory_space<vmem>> -> memref<64xi32, #tpu.memory_space<vmem>>
      %dma_wait3A_301 = tpu.memref_slice %arg5[%dma_wait3A_298, %add3A_110] : memref<20x16384xi32, #tpu.memory_space<hbm>> -> memref<1x64xi32, #tpu.memory_space<hbm>>
      %dma_wait3A_302 = tpu.memref_squeeze %dma_wait3A_301 : memref<1x64xi32, #tpu.memory_space<hbm>> -> memref<64xi32, #tpu.memory_space<hbm>>
      %dma_wait3A_303 = arith.constant 64 : i32
      %dma_wait3A_304 = tpu.memref_slice %arg8[%dma_wait3A_303] : memref<1280xi32, #tpu.memory_space<vmem>> -> memref<64xi32, #tpu.memory_space<vmem>>
      %dma_wait3A_305 = tpu.memref_slice %arg5[%dma_wait3A_298, %add3A_110] : memref<20x16384xi32, #tpu.memory_space<hbm>> -> memref<1x64xi32, #tpu.memory_space<hbm>>
      %dma_wait3A_306 = tpu.memref_squeeze %dma_wait3A_305 : memref<1x64xi32, #tpu.memory_space<hbm>> -> memref<64xi32, #tpu.memory_space<hbm>>
      tpu.wait_dma2 semaphore(%arg14 : memref<!tpu.dma_semaphore, #tpu.memory_space<semaphore_mem>>) src(%dma_wait3A_306 : memref<64xi32, #tpu.memory_space<hbm>>) dst(%dma_wait3A_304 : memref<64xi32, #tpu.memory_space<vmem>>)
      %dma_wait3A_307 = arith.constant 2 : i32
      %dma_wait3A_308 = arith.constant 128 : i32
      %dma_wait3A_309 = tpu.memref_slice %arg8[%dma_wait3A_308] : memref<1280xi32, #tpu.memory_space<vmem>> -> memref<64xi32, #tpu.memory_space<vmem>>
      %dma_wait3A_310 = tpu.memref_slice %arg5[%dma_wait3A_307, %add3A_110] : memref<20x16384xi32, #tpu.memory_space<hbm>> -> memref<1x64xi32, #tpu.memory_space<hbm>>
      %dma_wait3A_311 = tpu.memref_squeeze %dma_wait3A_310 : memref<1x64xi32, #tpu.memory_space<hbm>> -> memref<64xi32, #tpu.memory_space<hbm>>
      %dma_wait3A_312 = arith.constant 128 : i32
      %dma_wait3A_313 = tpu.memref_slice %arg8[%dma_wait3A_312] : memref<1280xi32, #tpu.memory_space<vmem>> -> memref<64xi32, #tpu.memory_space<vmem>>
      %dma_wait3A_314 = tpu.memref_slice %arg5[%dma_wait3A_307, %add3A_110] : memref<20x16384xi32, #tpu.memory_space<hbm>> -> memref<1x64xi32, #tpu.memory_space<hbm>>
      %dma_wait3A_315 = tpu.memref_squeeze %dma_wait3A_314 : memref<1x64xi32, #tpu.memory_space<hbm>> -> memref<64xi32, #tpu.memory_space<hbm>>
      tpu.wait_dma2 semaphore(%arg14 : memref<!tpu.dma_semaphore, #tpu.memory_space<semaphore_mem>>) src(%dma_wait3A_315 : memref<64xi32, #tpu.memory_space<hbm>>) dst(%dma_wait3A_313 : memref<64xi32, #tpu.memory_space<vmem>>)
      %dma_wait3A_316 = arith.constant 3 : i32
      %dma_wait3A_317 = arith.constant 192 : i32
      %dma_wait3A_318 = tpu.memref_slice %arg8[%dma_wait3A_317] : memref<1280xi32, #tpu.memory_space<vmem>> -> memref<64xi32, #tpu.memory_space<vmem>>
      %dma_wait3A_319 = tpu.memref_slice %arg5[%dma_wait3A_316, %add3A_110] : memref<20x16384xi32, #tpu.memory_space<hbm>> -> memref<1x64xi32, #tpu.memory_space<hbm>>
      %dma_wait3A_320 = tpu.memref_squeeze %dma_wait3A_319 : memref<1x64xi32, #tpu.memory_space<hbm>> -> memref<64xi32, #tpu.memory_space<hbm>>
      %dma_wait3A_321 = arith.constant 192 : i32
      %dma_wait3A_322 = tpu.memref_slice %arg8[%dma_wait3A_321] : memref<1280xi32, #tpu.memory_space<vmem>> -> memref<64xi32, #tpu.memory_space<vmem>>
      %dma_wait3A_323 = tpu.memref_slice %arg5[%dma_wait3A_316, %add3A_110] : memref<20x16384xi32, #tpu.memory_space<hbm>> -> memref<1x64xi32, #tpu.memory_space<hbm>>
      %dma_wait3A_324 = tpu.memref_squeeze %dma_wait3A_323 : memref<1x64xi32, #tpu.memory_space<hbm>> -> memref<64xi32, #tpu.memory_space<hbm>>
      tpu.wait_dma2 semaphore(%arg14 : memref<!tpu.dma_semaphore, #tpu.memory_space<semaphore_mem>>) src(%dma_wait3A_324 : memref<64xi32, #tpu.memory_space<hbm>>) dst(%dma_wait3A_322 : memref<64xi32, #tpu.memory_space<vmem>>)
      %dma_wait3A_325 = arith.constant 4 : i32
      %dma_wait3A_326 = arith.constant 256 : i32
      %dma_wait3A_327 = tpu.memref_slice %arg8[%dma_wait3A_326] : memref<1280xi32, #tpu.memory_space<vmem>> -> memref<64xi32, #tpu.memory_space<vmem>>
      %dma_wait3A_328 = tpu.memref_slice %arg5[%dma_wait3A_325, %add3A_110] : memref<20x16384xi32, #tpu.memory_space<hbm>> -> memref<1x64xi32, #tpu.memory_space<hbm>>
      %dma_wait3A_329 = tpu.memref_squeeze %dma_wait3A_328 : memref<1x64xi32, #tpu.memory_space<hbm>> -> memref<64xi32, #tpu.memory_space<hbm>>
      %dma_wait3A_330 = arith.constant 256 : i32
      %dma_wait3A_331 = tpu.memref_slice %arg8[%dma_wait3A_330] : memref<1280xi32, #tpu.memory_space<vmem>> -> memref<64xi32, #tpu.memory_space<vmem>>
      %dma_wait3A_332 = tpu.memref_slice %arg5[%dma_wait3A_325, %add3A_110] : memref<20x16384xi32, #tpu.memory_space<hbm>> -> memref<1x64xi32, #tpu.memory_space<hbm>>
      %dma_wait3A_333 = tpu.memref_squeeze %dma_wait3A_332 : memref<1x64xi32, #tpu.memory_space<hbm>> -> memref<64xi32, #tpu.memory_space<hbm>>
      tpu.wait_dma2 semaphore(%arg14 : memref<!tpu.dma_semaphore, #tpu.memory_space<semaphore_mem>>) src(%dma_wait3A_333 : memref<64xi32, #tpu.memory_space<hbm>>) dst(%dma_wait3A_331 : memref<64xi32, #tpu.memory_space<vmem>>)
      %dma_wait3A_334 = arith.constant 5 : i32
      %dma_wait3A_335 = arith.constant 320 : i32
      %dma_wait3A_336 = tpu.memref_slice %arg8[%dma_wait3A_335] : memref<1280xi32, #tpu.memory_space<vmem>> -> memref<64xi32, #tpu.memory_space<vmem>>
      %dma_wait3A_337 = tpu.memref_slice %arg5[%dma_wait3A_334, %add3A_110] : memref<20x16384xi32, #tpu.memory_space<hbm>> -> memref<1x64xi32, #tpu.memory_space<hbm>>
      %dma_wait3A_338 = tpu.memref_squeeze %dma_wait3A_337 : memref<1x64xi32, #tpu.memory_space<hbm>> -> memref<64xi32, #tpu.memory_space<hbm>>
      %dma_wait3A_339 = arith.constant 320 : i32
      %dma_wait3A_340 = tpu.memref_slice %arg8[%dma_wait3A_339] : memref<1280xi32, #tpu.memory_space<vmem>> -> memref<64xi32, #tpu.memory_space<vmem>>
      %dma_wait3A_341 = tpu.memref_slice %arg5[%dma_wait3A_334, %add3A_110] : memref<20x16384xi32, #tpu.memory_space<hbm>> -> memref<1x64xi32, #tpu.memory_space<hbm>>
      %dma_wait3A_342 = tpu.memref_squeeze %dma_wait3A_341 : memref<1x64xi32, #tpu.memory_space<hbm>> -> memref<64xi32, #tpu.memory_space<hbm>>
      tpu.wait_dma2 semaphore(%arg14 : memref<!tpu.dma_semaphore, #tpu.memory_space<semaphore_mem>>) src(%dma_wait3A_342 : memref<64xi32, #tpu.memory_space<hbm>>) dst(%dma_wait3A_340 : memref<64xi32, #tpu.memory_space<vmem>>)
      %dma_wait3A_343 = arith.constant 6 : i32
      %dma_wait3A_344 = arith.constant 384 : i32
      %dma_wait3A_345 = tpu.memref_slice %arg8[%dma_wait3A_344] : memref<1280xi32, #tpu.memory_space<vmem>> -> memref<64xi32, #tpu.memory_space<vmem>>
      %dma_wait3A_346 = tpu.memref_slice %arg5[%dma_wait3A_343, %add3A_110] : memref<20x16384xi32, #tpu.memory_space<hbm>> -> memref<1x64xi32, #tpu.memory_space<hbm>>
      %dma_wait3A_347 = tpu.memref_squeeze %dma_wait3A_346 : memref<1x64xi32, #tpu.memory_space<hbm>> -> memref<64xi32, #tpu.memory_space<hbm>>
      %dma_wait3A_348 = arith.constant 384 : i32
      %dma_wait3A_349 = tpu.memref_slice %arg8[%dma_wait3A_348] : memref<1280xi32, #tpu.memory_space<vmem>> -> memref<64xi32, #tpu.memory_space<vmem>>
      %dma_wait3A_350 = tpu.memref_slice %arg5[%dma_wait3A_343, %add3A_110] : memref<20x16384xi32, #tpu.memory_space<hbm>> -> memref<1x64xi32, #tpu.memory_space<hbm>>
      %dma_wait3A_351 = tpu.memref_squeeze %dma_wait3A_350 : memref<1x64xi32, #tpu.memory_space<hbm>> -> memref<64xi32, #tpu.memory_space<hbm>>
      tpu.wait_dma2 semaphore(%arg14 : memref<!tpu.dma_semaphore, #tpu.memory_space<semaphore_mem>>) src(%dma_wait3A_351 : memref<64xi32, #tpu.memory_space<hbm>>) dst(%dma_wait3A_349 : memref<64xi32, #tpu.memory_space<vmem>>)
      %dma_wait3A_352 = arith.constant 7 : i32
      %dma_wait3A_353 = arith.constant 448 : i32
      %dma_wait3A_354 = tpu.memref_slice %arg8[%dma_wait3A_353] : memref<1280xi32, #tpu.memory_space<vmem>> -> memref<64xi32, #tpu.memory_space<vmem>>
      %dma_wait3A_355 = tpu.memref_slice %arg5[%dma_wait3A_352, %add3A_110] : memref<20x16384xi32, #tpu.memory_space<hbm>> -> memref<1x64xi32, #tpu.memory_space<hbm>>
      %dma_wait3A_356 = tpu.memref_squeeze %dma_wait3A_355 : memref<1x64xi32, #tpu.memory_space<hbm>> -> memref<64xi32, #tpu.memory_space<hbm>>
      %dma_wait3A_357 = arith.constant 448 : i32
      %dma_wait3A_358 = tpu.memref_slice %arg8[%dma_wait3A_357] : memref<1280xi32, #tpu.memory_space<vmem>> -> memref<64xi32, #tpu.memory_space<vmem>>
      %dma_wait3A_359 = tpu.memref_slice %arg5[%dma_wait3A_352, %add3A_110] : memref<20x16384xi32, #tpu.memory_space<hbm>> -> memref<1x64xi32, #tpu.memory_space<hbm>>
      %dma_wait3A_360 = tpu.memref_squeeze %dma_wait3A_359 : memref<1x64xi32, #tpu.memory_space<hbm>> -> memref<64xi32, #tpu.memory_space<hbm>>
      tpu.wait_dma2 semaphore(%arg14 : memref<!tpu.dma_semaphore, #tpu.memory_space<semaphore_mem>>) src(%dma_wait3A_360 : memref<64xi32, #tpu.memory_space<hbm>>) dst(%dma_wait3A_358 : memref<64xi32, #tpu.memory_space<vmem>>)
      %dma_wait3A_361 = arith.constant 8 : i32
      %dma_wait3A_362 = arith.constant 512 : i32
      %dma_wait3A_363 = tpu.memref_slice %arg8[%dma_wait3A_362] : memref<1280xi32, #tpu.memory_space<vmem>> -> memref<64xi32, #tpu.memory_space<vmem>>
      %dma_wait3A_364 = tpu.memref_slice %arg5[%dma_wait3A_361, %add3A_110] : memref<20x16384xi32, #tpu.memory_space<hbm>> -> memref<1x64xi32, #tpu.memory_space<hbm>>
      %dma_wait3A_365 = tpu.memref_squeeze %dma_wait3A_364 : memref<1x64xi32, #tpu.memory_space<hbm>> -> memref<64xi32, #tpu.memory_space<hbm>>
      %dma_wait3A_366 = arith.constant 512 : i32
      %dma_wait3A_367 = tpu.memref_slice %arg8[%dma_wait3A_366] : memref<1280xi32, #tpu.memory_space<vmem>> -> memref<64xi32, #tpu.memory_space<vmem>>
      %dma_wait3A_368 = tpu.memref_slice %arg5[%dma_wait3A_361, %add3A_110] : memref<20x16384xi32, #tpu.memory_space<hbm>> -> memref<1x64xi32, #tpu.memory_space<hbm>>
      %dma_wait3A_369 = tpu.memref_squeeze %dma_wait3A_368 : memref<1x64xi32, #tpu.memory_space<hbm>> -> memref<64xi32, #tpu.memory_space<hbm>>
      tpu.wait_dma2 semaphore(%arg14 : memref<!tpu.dma_semaphore, #tpu.memory_space<semaphore_mem>>) src(%dma_wait3A_369 : memref<64xi32, #tpu.memory_space<hbm>>) dst(%dma_wait3A_367 : memref<64xi32, #tpu.memory_space<vmem>>)
      %dma_wait3A_370 = arith.constant 9 : i32
      %dma_wait3A_371 = arith.constant 576 : i32
      %dma_wait3A_372 = tpu.memref_slice %arg8[%dma_wait3A_371] : memref<1280xi32, #tpu.memory_space<vmem>> -> memref<64xi32, #tpu.memory_space<vmem>>
      %dma_wait3A_373 = tpu.memref_slice %arg5[%dma_wait3A_370, %add3A_110] : memref<20x16384xi32, #tpu.memory_space<hbm>> -> memref<1x64xi32, #tpu.memory_space<hbm>>
      %dma_wait3A_374 = tpu.memref_squeeze %dma_wait3A_373 : memref<1x64xi32, #tpu.memory_space<hbm>> -> memref<64xi32, #tpu.memory_space<hbm>>
      %dma_wait3A_375 = arith.constant 576 : i32
      %dma_wait3A_376 = tpu.memref_slice %arg8[%dma_wait3A_375] : memref<1280xi32, #tpu.memory_space<vmem>> -> memref<64xi32, #tpu.memory_space<vmem>>
      %dma_wait3A_377 = tpu.memref_slice %arg5[%dma_wait3A_370, %add3A_110] : memref<20x16384xi32, #tpu.memory_space<hbm>> -> memref<1x64xi32, #tpu.memory_space<hbm>>
      %dma_wait3A_378 = tpu.memref_squeeze %dma_wait3A_377 : memref<1x64xi32, #tpu.memory_space<hbm>> -> memref<64xi32, #tpu.memory_space<hbm>>
      tpu.wait_dma2 semaphore(%arg14 : memref<!tpu.dma_semaphore, #tpu.memory_space<semaphore_mem>>) src(%dma_wait3A_378 : memref<64xi32, #tpu.memory_space<hbm>>) dst(%dma_wait3A_376 : memref<64xi32, #tpu.memory_space<vmem>>)
      %dma_wait3A_379 = arith.constant 10 : i32
      %dma_wait3A_380 = arith.constant 640 : i32
      %dma_wait3A_381 = tpu.memref_slice %arg8[%dma_wait3A_380] : memref<1280xi32, #tpu.memory_space<vmem>> -> memref<64xi32, #tpu.memory_space<vmem>>
      %dma_wait3A_382 = tpu.memref_slice %arg5[%dma_wait3A_379, %add3A_110] : memref<20x16384xi32, #tpu.memory_space<hbm>> -> memref<1x64xi32, #tpu.memory_space<hbm>>
      %dma_wait3A_383 = tpu.memref_squeeze %dma_wait3A_382 : memref<1x64xi32, #tpu.memory_space<hbm>> -> memref<64xi32, #tpu.memory_space<hbm>>
      %dma_wait3A_384 = arith.constant 640 : i32
      %dma_wait3A_385 = tpu.memref_slice %arg8[%dma_wait3A_384] : memref<1280xi32, #tpu.memory_space<vmem>> -> memref<64xi32, #tpu.memory_space<vmem>>
      %dma_wait3A_386 = tpu.memref_slice %arg5[%dma_wait3A_379, %add3A_110] : memref<20x16384xi32, #tpu.memory_space<hbm>> -> memref<1x64xi32, #tpu.memory_space<hbm>>
      %dma_wait3A_387 = tpu.memref_squeeze %dma_wait3A_386 : memref<1x64xi32, #tpu.memory_space<hbm>> -> memref<64xi32, #tpu.memory_space<hbm>>
      tpu.wait_dma2 semaphore(%arg14 : memref<!tpu.dma_semaphore, #tpu.memory_space<semaphore_mem>>) src(%dma_wait3A_387 : memref<64xi32, #tpu.memory_space<hbm>>) dst(%dma_wait3A_385 : memref<64xi32, #tpu.memory_space<vmem>>)
      %dma_wait3A_388 = arith.constant 11 : i32
      %dma_wait3A_389 = arith.constant 704 : i32
      %dma_wait3A_390 = tpu.memref_slice %arg8[%dma_wait3A_389] : memref<1280xi32, #tpu.memory_space<vmem>> -> memref<64xi32, #tpu.memory_space<vmem>>
      %dma_wait3A_391 = tpu.memref_slice %arg5[%dma_wait3A_388, %add3A_110] : memref<20x16384xi32, #tpu.memory_space<hbm>> -> memref<1x64xi32, #tpu.memory_space<hbm>>
      %dma_wait3A_392 = tpu.memref_squeeze %dma_wait3A_391 : memref<1x64xi32, #tpu.memory_space<hbm>> -> memref<64xi32, #tpu.memory_space<hbm>>
      %dma_wait3A_393 = arith.constant 704 : i32
      %dma_wait3A_394 = tpu.memref_slice %arg8[%dma_wait3A_393] : memref<1280xi32, #tpu.memory_space<vmem>> -> memref<64xi32, #tpu.memory_space<vmem>>
      %dma_wait3A_395 = tpu.memref_slice %arg5[%dma_wait3A_388, %add3A_110] : memref<20x16384xi32, #tpu.memory_space<hbm>> -> memref<1x64xi32, #tpu.memory_space<hbm>>
      %dma_wait3A_396 = tpu.memref_squeeze %dma_wait3A_395 : memref<1x64xi32, #tpu.memory_space<hbm>> -> memref<64xi32, #tpu.memory_space<hbm>>
      tpu.wait_dma2 semaphore(%arg14 : memref<!tpu.dma_semaphore, #tpu.memory_space<semaphore_mem>>) src(%dma_wait3A_396 : memref<64xi32, #tpu.memory_space<hbm>>) dst(%dma_wait3A_394 : memref<64xi32, #tpu.memory_space<vmem>>)
      %dma_wait3A_397 = arith.constant 12 : i32
      %dma_wait3A_398 = arith.constant 768 : i32
      %dma_wait3A_399 = tpu.memref_slice %arg8[%dma_wait3A_398] : memref<1280xi32, #tpu.memory_space<vmem>> -> memref<64xi32, #tpu.memory_space<vmem>>
      %dma_wait3A_400 = tpu.memref_slice %arg5[%dma_wait3A_397, %add3A_110] : memref<20x16384xi32, #tpu.memory_space<hbm>> -> memref<1x64xi32, #tpu.memory_space<hbm>>
      %dma_wait3A_401 = tpu.memref_squeeze %dma_wait3A_400 : memref<1x64xi32, #tpu.memory_space<hbm>> -> memref<64xi32, #tpu.memory_space<hbm>>
      %dma_wait3A_402 = arith.constant 768 : i32
      %dma_wait3A_403 = tpu.memref_slice %arg8[%dma_wait3A_402] : memref<1280xi32, #tpu.memory_space<vmem>> -> memref<64xi32, #tpu.memory_space<vmem>>
      %dma_wait3A_404 = tpu.memref_slice %arg5[%dma_wait3A_397, %add3A_110] : memref<20x16384xi32, #tpu.memory_space<hbm>> -> memref<1x64xi32, #tpu.memory_space<hbm>>
      %dma_wait3A_405 = tpu.memref_squeeze %dma_wait3A_404 : memref<1x64xi32, #tpu.memory_space<hbm>> -> memref<64xi32, #tpu.memory_space<hbm>>
      tpu.wait_dma2 semaphore(%arg14 : memref<!tpu.dma_semaphore, #tpu.memory_space<semaphore_mem>>) src(%dma_wait3A_405 : memref<64xi32, #tpu.memory_space<hbm>>) dst(%dma_wait3A_403 : memref<64xi32, #tpu.memory_space<vmem>>)
      %dma_wait3A_406 = arith.constant 13 : i32
      %dma_wait3A_407 = arith.constant 832 : i32
      %dma_wait3A_408 = tpu.memref_slice %arg8[%dma_wait3A_407] : memref<1280xi32, #tpu.memory_space<vmem>> -> memref<64xi32, #tpu.memory_space<vmem>>
      %dma_wait3A_409 = tpu.memref_slice %arg5[%dma_wait3A_406, %add3A_110] : memref<20x16384xi32, #tpu.memory_space<hbm>> -> memref<1x64xi32, #tpu.memory_space<hbm>>
      %dma_wait3A_410 = tpu.memref_squeeze %dma_wait3A_409 : memref<1x64xi32, #tpu.memory_space<hbm>> -> memref<64xi32, #tpu.memory_space<hbm>>
      %dma_wait3A_411 = arith.constant 832 : i32
      %dma_wait3A_412 = tpu.memref_slice %arg8[%dma_wait3A_411] : memref<1280xi32, #tpu.memory_space<vmem>> -> memref<64xi32, #tpu.memory_space<vmem>>
      %dma_wait3A_413 = tpu.memref_slice %arg5[%dma_wait3A_406, %add3A_110] : memref<20x16384xi32, #tpu.memory_space<hbm>> -> memref<1x64xi32, #tpu.memory_space<hbm>>
      %dma_wait3A_414 = tpu.memref_squeeze %dma_wait3A_413 : memref<1x64xi32, #tpu.memory_space<hbm>> -> memref<64xi32, #tpu.memory_space<hbm>>
      tpu.wait_dma2 semaphore(%arg14 : memref<!tpu.dma_semaphore, #tpu.memory_space<semaphore_mem>>) src(%dma_wait3A_414 : memref<64xi32, #tpu.memory_space<hbm>>) dst(%dma_wait3A_412 : memref<64xi32, #tpu.memory_space<vmem>>)
      %dma_wait3A_415 = arith.constant 14 : i32
      %dma_wait3A_416 = arith.constant 896 : i32
      %dma_wait3A_417 = tpu.memref_slice %arg8[%dma_wait3A_416] : memref<1280xi32, #tpu.memory_space<vmem>> -> memref<64xi32, #tpu.memory_space<vmem>>
      %dma_wait3A_418 = tpu.memref_slice %arg5[%dma_wait3A_415, %add3A_110] : memref<20x16384xi32, #tpu.memory_space<hbm>> -> memref<1x64xi32, #tpu.memory_space<hbm>>
      %dma_wait3A_419 = tpu.memref_squeeze %dma_wait3A_418 : memref<1x64xi32, #tpu.memory_space<hbm>> -> memref<64xi32, #tpu.memory_space<hbm>>
      %dma_wait3A_420 = arith.constant 896 : i32
      %dma_wait3A_421 = tpu.memref_slice %arg8[%dma_wait3A_420] : memref<1280xi32, #tpu.memory_space<vmem>> -> memref<64xi32, #tpu.memory_space<vmem>>
      %dma_wait3A_422 = tpu.memref_slice %arg5[%dma_wait3A_415, %add3A_110] : memref<20x16384xi32, #tpu.memory_space<hbm>> -> memref<1x64xi32, #tpu.memory_space<hbm>>
      %dma_wait3A_423 = tpu.memref_squeeze %dma_wait3A_422 : memref<1x64xi32, #tpu.memory_space<hbm>> -> memref<64xi32, #tpu.memory_space<hbm>>
      tpu.wait_dma2 semaphore(%arg14 : memref<!tpu.dma_semaphore, #tpu.memory_space<semaphore_mem>>) src(%dma_wait3A_423 : memref<64xi32, #tpu.memory_space<hbm>>) dst(%dma_wait3A_421 : memref<64xi32, #tpu.memory_space<vmem>>)
      %dma_wait3A_424 = arith.constant 15 : i32
      %dma_wait3A_425 = arith.constant 960 : i32
      %dma_wait3A_426 = tpu.memref_slice %arg8[%dma_wait3A_425] : memref<1280xi32, #tpu.memory_space<vmem>> -> memref<64xi32, #tpu.memory_space<vmem>>
      %dma_wait3A_427 = tpu.memref_slice %arg5[%dma_wait3A_424, %add3A_110] : memref<20x16384xi32, #tpu.memory_space<hbm>> -> memref<1x64xi32, #tpu.memory_space<hbm>>
      %dma_wait3A_428 = tpu.memref_squeeze %dma_wait3A_427 : memref<1x64xi32, #tpu.memory_space<hbm>> -> memref<64xi32, #tpu.memory_space<hbm>>
      %dma_wait3A_429 = arith.constant 960 : i32
      %dma_wait3A_430 = tpu.memref_slice %arg8[%dma_wait3A_429] : memref<1280xi32, #tpu.memory_space<vmem>> -> memref<64xi32, #tpu.memory_space<vmem>>
      %dma_wait3A_431 = tpu.memref_slice %arg5[%dma_wait3A_424, %add3A_110] : memref<20x16384xi32, #tpu.memory_space<hbm>> -> memref<1x64xi32, #tpu.memory_space<hbm>>
      %dma_wait3A_432 = tpu.memref_squeeze %dma_wait3A_431 : memref<1x64xi32, #tpu.memory_space<hbm>> -> memref<64xi32, #tpu.memory_space<hbm>>
      tpu.wait_dma2 semaphore(%arg14 : memref<!tpu.dma_semaphore, #tpu.memory_space<semaphore_mem>>) src(%dma_wait3A_432 : memref<64xi32, #tpu.memory_space<hbm>>) dst(%dma_wait3A_430 : memref<64xi32, #tpu.memory_space<vmem>>)
      %dma_wait3A_433 = arith.constant 16 : i32
      %dma_wait3A_434 = arith.constant 1024 : i32
      %dma_wait3A_435 = tpu.memref_slice %arg8[%dma_wait3A_434] : memref<1280xi32, #tpu.memory_space<vmem>> -> memref<64xi32, #tpu.memory_space<vmem>>
      %dma_wait3A_436 = tpu.memref_slice %arg5[%dma_wait3A_433, %add3A_110] : memref<20x16384xi32, #tpu.memory_space<hbm>> -> memref<1x64xi32, #tpu.memory_space<hbm>>
      %dma_wait3A_437 = tpu.memref_squeeze %dma_wait3A_436 : memref<1x64xi32, #tpu.memory_space<hbm>> -> memref<64xi32, #tpu.memory_space<hbm>>
      %dma_wait3A_438 = arith.constant 1024 : i32
      %dma_wait3A_439 = tpu.memref_slice %arg8[%dma_wait3A_438] : memref<1280xi32, #tpu.memory_space<vmem>> -> memref<64xi32, #tpu.memory_space<vmem>>
      %dma_wait3A_440 = tpu.memref_slice %arg5[%dma_wait3A_433, %add3A_110] : memref<20x16384xi32, #tpu.memory_space<hbm>> -> memref<1x64xi32, #tpu.memory_space<hbm>>
      %dma_wait3A_441 = tpu.memref_squeeze %dma_wait3A_440 : memref<1x64xi32, #tpu.memory_space<hbm>> -> memref<64xi32, #tpu.memory_space<hbm>>
      tpu.wait_dma2 semaphore(%arg14 : memref<!tpu.dma_semaphore, #tpu.memory_space<semaphore_mem>>) src(%dma_wait3A_441 : memref<64xi32, #tpu.memory_space<hbm>>) dst(%dma_wait3A_439 : memref<64xi32, #tpu.memory_space<vmem>>)
      %dma_wait3A_442 = arith.constant 17 : i32
      %dma_wait3A_443 = arith.constant 1088 : i32
      %dma_wait3A_444 = tpu.memref_slice %arg8[%dma_wait3A_443] : memref<1280xi32, #tpu.memory_space<vmem>> -> memref<64xi32, #tpu.memory_space<vmem>>
      %dma_wait3A_445 = tpu.memref_slice %arg5[%dma_wait3A_442, %add3A_110] : memref<20x16384xi32, #tpu.memory_space<hbm>> -> memref<1x64xi32, #tpu.memory_space<hbm>>
      %dma_wait3A_446 = tpu.memref_squeeze %dma_wait3A_445 : memref<1x64xi32, #tpu.memory_space<hbm>> -> memref<64xi32, #tpu.memory_space<hbm>>
      %dma_wait3A_447 = arith.constant 1088 : i32
      %dma_wait3A_448 = tpu.memref_slice %arg8[%dma_wait3A_447] : memref<1280xi32, #tpu.memory_space<vmem>> -> memref<64xi32, #tpu.memory_space<vmem>>
      %dma_wait3A_449 = tpu.memref_slice %arg5[%dma_wait3A_442, %add3A_110] : memref<20x16384xi32, #tpu.memory_space<hbm>> -> memref<1x64xi32, #tpu.memory_space<hbm>>
      %dma_wait3A_450 = tpu.memref_squeeze %dma_wait3A_449 : memref<1x64xi32, #tpu.memory_space<hbm>> -> memref<64xi32, #tpu.memory_space<hbm>>
      tpu.wait_dma2 semaphore(%arg14 : memref<!tpu.dma_semaphore, #tpu.memory_space<semaphore_mem>>) src(%dma_wait3A_450 : memref<64xi32, #tpu.memory_space<hbm>>) dst(%dma_wait3A_448 : memref<64xi32, #tpu.memory_space<vmem>>)
      %dma_wait3A_451 = arith.constant 18 : i32
      %dma_wait3A_452 = arith.constant 1152 : i32
      %dma_wait3A_453 = tpu.memref_slice %arg8[%dma_wait3A_452] : memref<1280xi32, #tpu.memory_space<vmem>> -> memref<64xi32, #tpu.memory_space<vmem>>
      %dma_wait3A_454 = tpu.memref_slice %arg5[%dma_wait3A_451, %add3A_110] : memref<20x16384xi32, #tpu.memory_space<hbm>> -> memref<1x64xi32, #tpu.memory_space<hbm>>
      %dma_wait3A_455 = tpu.memref_squeeze %dma_wait3A_454 : memref<1x64xi32, #tpu.memory_space<hbm>> -> memref<64xi32, #tpu.memory_space<hbm>>
      %dma_wait3A_456 = arith.constant 1152 : i32
      %dma_wait3A_457 = tpu.memref_slice %arg8[%dma_wait3A_456] : memref<1280xi32, #tpu.memory_space<vmem>> -> memref<64xi32, #tpu.memory_space<vmem>>
      %dma_wait3A_458 = tpu.memref_slice %arg5[%dma_wait3A_451, %add3A_110] : memref<20x16384xi32, #tpu.memory_space<hbm>> -> memref<1x64xi32, #tpu.memory_space<hbm>>
      %dma_wait3A_459 = tpu.memref_squeeze %dma_wait3A_458 : memref<1x64xi32, #tpu.memory_space<hbm>> -> memref<64xi32, #tpu.memory_space<hbm>>
      tpu.wait_dma2 semaphore(%arg14 : memref<!tpu.dma_semaphore, #tpu.memory_space<semaphore_mem>>) src(%dma_wait3A_459 : memref<64xi32, #tpu.memory_space<hbm>>) dst(%dma_wait3A_457 : memref<64xi32, #tpu.memory_space<vmem>>)
      %dma_wait3A_460 = arith.constant 19 : i32
      %dma_wait3A_461 = arith.constant 1216 : i32
      %dma_wait3A_462 = tpu.memref_slice %arg8[%dma_wait3A_461] : memref<1280xi32, #tpu.memory_space<vmem>> -> memref<64xi32, #tpu.memory_space<vmem>>
      %dma_wait3A_463 = tpu.memref_slice %arg5[%dma_wait3A_460, %add3A_110] : memref<20x16384xi32, #tpu.memory_space<hbm>> -> memref<1x64xi32, #tpu.memory_space<hbm>>
      %dma_wait3A_464 = tpu.memref_squeeze %dma_wait3A_463 : memref<1x64xi32, #tpu.memory_space<hbm>> -> memref<64xi32, #tpu.memory_space<hbm>>
      %dma_wait3A_465 = arith.constant 1216 : i32
      %dma_wait3A_466 = tpu.memref_slice %arg8[%dma_wait3A_465] : memref<1280xi32, #tpu.memory_space<vmem>> -> memref<64xi32, #tpu.memory_space<vmem>>
      %dma_wait3A_467 = tpu.memref_slice %arg5[%dma_wait3A_460, %add3A_110] : memref<20x16384xi32, #tpu.memory_space<hbm>> -> memref<1x64xi32, #tpu.memory_space<hbm>>
      %dma_wait3A_468 = tpu.memref_squeeze %dma_wait3A_467 : memref<1x64xi32, #tpu.memory_space<hbm>> -> memref<64xi32, #tpu.memory_space<hbm>>
      tpu.wait_dma2 semaphore(%arg14 : memref<!tpu.dma_semaphore, #tpu.memory_space<semaphore_mem>>) src(%dma_wait3A_468 : memref<64xi32, #tpu.memory_space<hbm>>) dst(%dma_wait3A_466 : memref<64xi32, #tpu.memory_space<vmem>>)
      %dma_start3A_469 = arith.constant 0 : i32
      %dma_start3A_470 = arith.constant 0 : i32
      %dma_start3A_471 = tpu.memref_slice %arg2[%dma_start3A_469, %dma_start3A_470] : memref<1000000x64xf32, #tpu.memory_space<hbm>> -> memref<1000000x64xf32, #tpu.memory_space<hbm>>
      tpu.enqueue_indirect_dma source(%dma_start3A_471 : memref<1000000x64xf32, #tpu.memory_space<hbm>>) target(%arg9 : memref<64x64xf32, #tpu.memory_space<vmem>>) offsets(%arg7 : memref<64xi32, #tpu.memory_space<vmem>>) semaphore(%arg12 : memref<!tpu.dma_semaphore, #tpu.memory_space<semaphore_mem>>)
      %dma_start3A_472 = arith.constant 0 : i32
      %dma_start3A_473 = arith.constant 0 : i32
      %dma_start3A_474 = tpu.memref_slice %arg10[%dma_start3A_472, %dma_start3A_473] : memref<1280x64xf32, #tpu.memory_space<vmem>> -> memref<128x64xf32, #tpu.memory_space<vmem>>
      %dma_start3A_475 = arith.constant 0 : i32
      %dma_start3A_476 = tpu.memref_slice %arg8[%dma_start3A_475] : memref<1280xi32, #tpu.memory_space<vmem>> -> memref<128xi32, #tpu.memory_space<vmem>>
      %dma_start3A_477 = arith.constant 0 : i32
      %dma_start3A_478 = arith.constant 0 : i32
      %dma_start3A_479 = tpu.memref_slice %arg3[%dma_start3A_477, %dma_start3A_478] : memref<1000000x64xf32, #tpu.memory_space<hbm>> -> memref<1000000x64xf32, #tpu.memory_space<hbm>>
      tpu.enqueue_indirect_dma source(%dma_start3A_479 : memref<1000000x64xf32, #tpu.memory_space<hbm>>) target(%dma_start3A_474 : memref<128x64xf32, #tpu.memory_space<vmem>>) offsets(%dma_start3A_476 : memref<128xi32, #tpu.memory_space<vmem>>) semaphore(%arg13 : memref<!tpu.dma_semaphore, #tpu.memory_space<semaphore_mem>>)
      %dma_start3A_480 = arith.constant 128 : i32
      %dma_start3A_481 = arith.constant 0 : i32
      %dma_start3A_482 = tpu.memref_slice %arg10[%dma_start3A_480, %dma_start3A_481] : memref<1280x64xf32, #tpu.memory_space<vmem>> -> memref<128x64xf32, #tpu.memory_space<vmem>>
      %dma_start3A_483 = arith.constant 128 : i32
      %dma_start3A_484 = tpu.memref_slice %arg8[%dma_start3A_483] : memref<1280xi32, #tpu.memory_space<vmem>> -> memref<128xi32, #tpu.memory_space<vmem>>
      %dma_start3A_485 = arith.constant 0 : i32
      %dma_start3A_486 = arith.constant 0 : i32
      %dma_start3A_487 = tpu.memref_slice %arg3[%dma_start3A_485, %dma_start3A_486] : memref<1000000x64xf32, #tpu.memory_space<hbm>> -> memref<1000000x64xf32, #tpu.memory_space<hbm>>
      tpu.enqueue_indirect_dma source(%dma_start3A_487 : memref<1000000x64xf32, #tpu.memory_space<hbm>>) target(%dma_start3A_482 : memref<128x64xf32, #tpu.memory_space<vmem>>) offsets(%dma_start3A_484 : memref<128xi32, #tpu.memory_space<vmem>>) semaphore(%arg13 : memref<!tpu.dma_semaphore, #tpu.memory_space<semaphore_mem>>)
      %dma_start3A_488 = arith.constant 256 : i32
      %dma_start3A_489 = arith.constant 0 : i32
      %dma_start3A_490 = tpu.memref_slice %arg10[%dma_start3A_488, %dma_start3A_489] : memref<1280x64xf32, #tpu.memory_space<vmem>> -> memref<128x64xf32, #tpu.memory_space<vmem>>
      %dma_start3A_491 = arith.constant 256 : i32
      %dma_start3A_492 = tpu.memref_slice %arg8[%dma_start3A_491] : memref<1280xi32, #tpu.memory_space<vmem>> -> memref<128xi32, #tpu.memory_space<vmem>>
      %dma_start3A_493 = arith.constant 0 : i32
      %dma_start3A_494 = arith.constant 0 : i32
      %dma_start3A_495 = tpu.memref_slice %arg3[%dma_start3A_493, %dma_start3A_494] : memref<1000000x64xf32, #tpu.memory_space<hbm>> -> memref<1000000x64xf32, #tpu.memory_space<hbm>>
      tpu.enqueue_indirect_dma source(%dma_start3A_495 : memref<1000000x64xf32, #tpu.memory_space<hbm>>) target(%dma_start3A_490 : memref<128x64xf32, #tpu.memory_space<vmem>>) offsets(%dma_start3A_492 : memref<128xi32, #tpu.memory_space<vmem>>) semaphore(%arg13 : memref<!tpu.dma_semaphore, #tpu.memory_space<semaphore_mem>>)
      %dma_start3A_496 = arith.constant 384 : i32
      %dma_start3A_497 = arith.constant 0 : i32
      %dma_start3A_498 = tpu.memref_slice %arg10[%dma_start3A_496, %dma_start3A_497] : memref<1280x64xf32, #tpu.memory_space<vmem>> -> memref<128x64xf32, #tpu.memory_space<vmem>>
      %dma_start3A_499 = arith.constant 384 : i32
      %dma_start3A_500 = tpu.memref_slice %arg8[%dma_start3A_499] : memref<1280xi32, #tpu.memory_space<vmem>> -> memref<128xi32, #tpu.memory_space<vmem>>
      %dma_start3A_501 = arith.constant 0 : i32
      %dma_start3A_502 = arith.constant 0 : i32
      %dma_start3A_503 = tpu.memref_slice %arg3[%dma_start3A_501, %dma_start3A_502] : memref<1000000x64xf32, #tpu.memory_space<hbm>> -> memref<1000000x64xf32, #tpu.memory_space<hbm>>
      tpu.enqueue_indirect_dma source(%dma_start3A_503 : memref<1000000x64xf32, #tpu.memory_space<hbm>>) target(%dma_start3A_498 : memref<128x64xf32, #tpu.memory_space<vmem>>) offsets(%dma_start3A_500 : memref<128xi32, #tpu.memory_space<vmem>>) semaphore(%arg13 : memref<!tpu.dma_semaphore, #tpu.memory_space<semaphore_mem>>)
      %dma_start3A_504 = arith.constant 512 : i32
      %dma_start3A_505 = arith.constant 0 : i32
      %dma_start3A_506 = tpu.memref_slice %arg10[%dma_start3A_504, %dma_start3A_505] : memref<1280x64xf32, #tpu.memory_space<vmem>> -> memref<128x64xf32, #tpu.memory_space<vmem>>
      %dma_start3A_507 = arith.constant 512 : i32
      %dma_start3A_508 = tpu.memref_slice %arg8[%dma_start3A_507] : memref<1280xi32, #tpu.memory_space<vmem>> -> memref<128xi32, #tpu.memory_space<vmem>>
      %dma_start3A_509 = arith.constant 0 : i32
      %dma_start3A_510 = arith.constant 0 : i32
      %dma_start3A_511 = tpu.memref_slice %arg3[%dma_start3A_509, %dma_start3A_510] : memref<1000000x64xf32, #tpu.memory_space<hbm>> -> memref<1000000x64xf32, #tpu.memory_space<hbm>>
      tpu.enqueue_indirect_dma source(%dma_start3A_511 : memref<1000000x64xf32, #tpu.memory_space<hbm>>) target(%dma_start3A_506 : memref<128x64xf32, #tpu.memory_space<vmem>>) offsets(%dma_start3A_508 : memref<128xi32, #tpu.memory_space<vmem>>) semaphore(%arg13 : memref<!tpu.dma_semaphore, #tpu.memory_space<semaphore_mem>>)
      %dma_start3A_512 = arith.constant 640 : i32
      %dma_start3A_513 = arith.constant 0 : i32
      %dma_start3A_514 = tpu.memref_slice %arg10[%dma_start3A_512, %dma_start3A_513] : memref<1280x64xf32, #tpu.memory_space<vmem>> -> memref<128x64xf32, #tpu.memory_space<vmem>>
      %dma_start3A_515 = arith.constant 640 : i32
      %dma_start3A_516 = tpu.memref_slice %arg8[%dma_start3A_515] : memref<1280xi32, #tpu.memory_space<vmem>> -> memref<128xi32, #tpu.memory_space<vmem>>
      %dma_start3A_517 = arith.constant 0 : i32
      %dma_start3A_518 = arith.constant 0 : i32
      %dma_start3A_519 = tpu.memref_slice %arg3[%dma_start3A_517, %dma_start3A_518] : memref<1000000x64xf32, #tpu.memory_space<hbm>> -> memref<1000000x64xf32, #tpu.memory_space<hbm>>
      tpu.enqueue_indirect_dma source(%dma_start3A_519 : memref<1000000x64xf32, #tpu.memory_space<hbm>>) target(%dma_start3A_514 : memref<128x64xf32, #tpu.memory_space<vmem>>) offsets(%dma_start3A_516 : memref<128xi32, #tpu.memory_space<vmem>>) semaphore(%arg13 : memref<!tpu.dma_semaphore, #tpu.memory_space<semaphore_mem>>)
      %dma_start3A_520 = arith.constant 768 : i32
      %dma_start3A_521 = arith.constant 0 : i32
      %dma_start3A_522 = tpu.memref_slice %arg10[%dma_start3A_520, %dma_start3A_521] : memref<1280x64xf32, #tpu.memory_space<vmem>> -> memref<128x64xf32, #tpu.memory_space<vmem>>
      %dma_start3A_523 = arith.constant 768 : i32
      %dma_start3A_524 = tpu.memref_slice %arg8[%dma_start3A_523] : memref<1280xi32, #tpu.memory_space<vmem>> -> memref<128xi32, #tpu.memory_space<vmem>>
      %dma_start3A_525 = arith.constant 0 : i32
      %dma_start3A_526 = arith.constant 0 : i32
      %dma_start3A_527 = tpu.memref_slice %arg3[%dma_start3A_525, %dma_start3A_526] : memref<1000000x64xf32, #tpu.memory_space<hbm>> -> memref<1000000x64xf32, #tpu.memory_space<hbm>>
      tpu.enqueue_indirect_dma source(%dma_start3A_527 : memref<1000000x64xf32, #tpu.memory_space<hbm>>) target(%dma_start3A_522 : memref<128x64xf32, #tpu.memory_space<vmem>>) offsets(%dma_start3A_524 : memref<128xi32, #tpu.memory_space<vmem>>) semaphore(%arg13 : memref<!tpu.dma_semaphore, #tpu.memory_space<semaphore_mem>>)
      %dma_start3A_528 = arith.constant 896 : i32
      %dma_start3A_529 = arith.constant 0 : i32
      %dma_start3A_530 = tpu.memref_slice %arg10[%dma_start3A_528, %dma_start3A_529] : memref<1280x64xf32, #tpu.memory_space<vmem>> -> memref<128x64xf32, #tpu.memory_space<vmem>>
      %dma_start3A_531 = arith.constant 896 : i32
      %dma_start3A_532 = tpu.memref_slice %arg8[%dma_start3A_531] : memref<1280xi32, #tpu.memory_space<vmem>> -> memref<128xi32, #tpu.memory_space<vmem>>
      %dma_start3A_533 = arith.constant 0 : i32
      %dma_start3A_534 = arith.constant 0 : i32
      %dma_start3A_535 = tpu.memref_slice %arg3[%dma_start3A_533, %dma_start3A_534] : memref<1000000x64xf32, #tpu.memory_space<hbm>> -> memref<1000000x64xf32, #tpu.memory_space<hbm>>
      tpu.enqueue_indirect_dma source(%dma_start3A_535 : memref<1000000x64xf32, #tpu.memory_space<hbm>>) target(%dma_start3A_530 : memref<128x64xf32, #tpu.memory_space<vmem>>) offsets(%dma_start3A_532 : memref<128xi32, #tpu.memory_space<vmem>>) semaphore(%arg13 : memref<!tpu.dma_semaphore, #tpu.memory_space<semaphore_mem>>)
      %dma_start3A_536 = arith.constant 1024 : i32
      %dma_start3A_537 = arith.constant 0 : i32
      %dma_start3A_538 = tpu.memref_slice %arg10[%dma_start3A_536, %dma_start3A_537] : memref<1280x64xf32, #tpu.memory_space<vmem>> -> memref<128x64xf32, #tpu.memory_space<vmem>>
      %dma_start3A_539 = arith.constant 1024 : i32
      %dma_start3A_540 = tpu.memref_slice %arg8[%dma_start3A_539] : memref<1280xi32, #tpu.memory_space<vmem>> -> memref<128xi32, #tpu.memory_space<vmem>>
      %dma_start3A_541 = arith.constant 0 : i32
      %dma_start3A_542 = arith.constant 0 : i32
      %dma_start3A_543 = tpu.memref_slice %arg3[%dma_start3A_541, %dma_start3A_542] : memref<1000000x64xf32, #tpu.memory_space<hbm>> -> memref<1000000x64xf32, #tpu.memory_space<hbm>>
      tpu.enqueue_indirect_dma source(%dma_start3A_543 : memref<1000000x64xf32, #tpu.memory_space<hbm>>) target(%dma_start3A_538 : memref<128x64xf32, #tpu.memory_space<vmem>>) offsets(%dma_start3A_540 : memref<128xi32, #tpu.memory_space<vmem>>) semaphore(%arg13 : memref<!tpu.dma_semaphore, #tpu.memory_space<semaphore_mem>>)
      %dma_start3A_544 = arith.constant 1152 : i32
      %dma_start3A_545 = arith.constant 0 : i32
      %dma_start3A_546 = tpu.memref_slice %arg10[%dma_start3A_544, %dma_start3A_545] : memref<1280x64xf32, #tpu.memory_space<vmem>> -> memref<128x64xf32, #tpu.memory_space<vmem>>
      %dma_start3A_547 = arith.constant 1152 : i32
      %dma_start3A_548 = tpu.memref_slice %arg8[%dma_start3A_547] : memref<1280xi32, #tpu.memory_space<vmem>> -> memref<128xi32, #tpu.memory_space<vmem>>
      %dma_start3A_549 = arith.constant 0 : i32
      %dma_start3A_550 = arith.constant 0 : i32
      %dma_start3A_551 = tpu.memref_slice %arg3[%dma_start3A_549, %dma_start3A_550] : memref<1000000x64xf32, #tpu.memory_space<hbm>> -> memref<1000000x64xf32, #tpu.memory_space<hbm>>
      tpu.enqueue_indirect_dma source(%dma_start3A_551 : memref<1000000x64xf32, #tpu.memory_space<hbm>>) target(%dma_start3A_546 : memref<128x64xf32, #tpu.memory_space<vmem>>) offsets(%dma_start3A_548 : memref<128xi32, #tpu.memory_space<vmem>>) semaphore(%arg13 : memref<!tpu.dma_semaphore, #tpu.memory_space<semaphore_mem>>)
      %dma_wait3A_552 = arith.constant 0 : i32
      %dma_wait3A_553 = arith.constant 0 : i32
      %dma_wait3A_554 = tpu.memref_slice %arg2[%dma_wait3A_552, %dma_wait3A_553] : memref<1000000x64xf32, #tpu.memory_space<hbm>> -> memref<1000000x64xf32, #tpu.memory_space<hbm>>
      tpu.wait_indirect_dma semaphore(%arg12 : memref<!tpu.dma_semaphore, #tpu.memory_space<semaphore_mem>>) src(%dma_wait3A_554 : memref<1000000x64xf32, #tpu.memory_space<hbm>>) dst(%arg9 : memref<64x64xf32, #tpu.memory_space<vmem>>)
      %dma_wait3A_555 = arith.constant 0 : i32
      %dma_wait3A_556 = arith.constant 0 : i32
      %dma_wait3A_557 = tpu.memref_slice %arg10[%dma_wait3A_555, %dma_wait3A_556] : memref<1280x64xf32, #tpu.memory_space<vmem>> -> memref<128x64xf32, #tpu.memory_space<vmem>>
      %dma_wait3A_558 = arith.constant 0 : i32
      %dma_wait3A_559 = tpu.memref_slice %arg8[%dma_wait3A_558] : memref<1280xi32, #tpu.memory_space<vmem>> -> memref<128xi32, #tpu.memory_space<vmem>>
      %dma_wait3A_560 = arith.constant 0 : i32
      %dma_wait3A_561 = arith.constant 0 : i32
      %dma_wait3A_562 = tpu.memref_slice %arg3[%dma_wait3A_560, %dma_wait3A_561] : memref<1000000x64xf32, #tpu.memory_space<hbm>> -> memref<1000000x64xf32, #tpu.memory_space<hbm>>
      tpu.wait_indirect_dma semaphore(%arg13 : memref<!tpu.dma_semaphore, #tpu.memory_space<semaphore_mem>>) src(%dma_wait3A_562 : memref<1000000x64xf32, #tpu.memory_space<hbm>>) dst(%dma_wait3A_557 : memref<128x64xf32, #tpu.memory_space<vmem>>)
      %dma_wait3A_563 = arith.constant 128 : i32
      %dma_wait3A_564 = arith.constant 0 : i32
      %dma_wait3A_565 = tpu.memref_slice %arg10[%dma_wait3A_563, %dma_wait3A_564] : memref<1280x64xf32, #tpu.memory_space<vmem>> -> memref<128x64xf32, #tpu.memory_space<vmem>>
      %dma_wait3A_566 = arith.constant 128 : i32
      %dma_wait3A_567 = tpu.memref_slice %arg8[%dma_wait3A_566] : memref<1280xi32, #tpu.memory_space<vmem>> -> memref<128xi32, #tpu.memory_space<vmem>>
      %dma_wait3A_568 = arith.constant 0 : i32
      %dma_wait3A_569 = arith.constant 0 : i32
      %dma_wait3A_570 = tpu.memref_slice %arg3[%dma_wait3A_568, %dma_wait3A_569] : memref<1000000x64xf32, #tpu.memory_space<hbm>> -> memref<1000000x64xf32, #tpu.memory_space<hbm>>
      tpu.wait_indirect_dma semaphore(%arg13 : memref<!tpu.dma_semaphore, #tpu.memory_space<semaphore_mem>>) src(%dma_wait3A_570 : memref<1000000x64xf32, #tpu.memory_space<hbm>>) dst(%dma_wait3A_565 : memref<128x64xf32, #tpu.memory_space<vmem>>)
      %dma_wait3A_571 = arith.constant 256 : i32
      %dma_wait3A_572 = arith.constant 0 : i32
      %dma_wait3A_573 = tpu.memref_slice %arg10[%dma_wait3A_571, %dma_wait3A_572] : memref<1280x64xf32, #tpu.memory_space<vmem>> -> memref<128x64xf32, #tpu.memory_space<vmem>>
      %dma_wait3A_574 = arith.constant 256 : i32
      %dma_wait3A_575 = tpu.memref_slice %arg8[%dma_wait3A_574] : memref<1280xi32, #tpu.memory_space<vmem>> -> memref<128xi32, #tpu.memory_space<vmem>>
      %dma_wait3A_576 = arith.constant 0 : i32
      %dma_wait3A_577 = arith.constant 0 : i32
      %dma_wait3A_578 = tpu.memref_slice %arg3[%dma_wait3A_576, %dma_wait3A_577] : memref<1000000x64xf32, #tpu.memory_space<hbm>> -> memref<1000000x64xf32, #tpu.memory_space<hbm>>
      tpu.wait_indirect_dma semaphore(%arg13 : memref<!tpu.dma_semaphore, #tpu.memory_space<semaphore_mem>>) src(%dma_wait3A_578 : memref<1000000x64xf32, #tpu.memory_space<hbm>>) dst(%dma_wait3A_573 : memref<128x64xf32, #tpu.memory_space<vmem>>)
      %dma_wait3A_579 = arith.constant 384 : i32
      %dma_wait3A_580 = arith.constant 0 : i32
      %dma_wait3A_581 = tpu.memref_slice %arg10[%dma_wait3A_579, %dma_wait3A_580] : memref<1280x64xf32, #tpu.memory_space<vmem>> -> memref<128x64xf32, #tpu.memory_space<vmem>>
      %dma_wait3A_582 = arith.constant 384 : i32
      %dma_wait3A_583 = tpu.memref_slice %arg8[%dma_wait3A_582] : memref<1280xi32, #tpu.memory_space<vmem>> -> memref<128xi32, #tpu.memory_space<vmem>>
      %dma_wait3A_584 = arith.constant 0 : i32
      %dma_wait3A_585 = arith.constant 0 : i32
      %dma_wait3A_586 = tpu.memref_slice %arg3[%dma_wait3A_584, %dma_wait3A_585] : memref<1000000x64xf32, #tpu.memory_space<hbm>> -> memref<1000000x64xf32, #tpu.memory_space<hbm>>
      tpu.wait_indirect_dma semaphore(%arg13 : memref<!tpu.dma_semaphore, #tpu.memory_space<semaphore_mem>>) src(%dma_wait3A_586 : memref<1000000x64xf32, #tpu.memory_space<hbm>>) dst(%dma_wait3A_581 : memref<128x64xf32, #tpu.memory_space<vmem>>)
      %dma_wait3A_587 = arith.constant 512 : i32
      %dma_wait3A_588 = arith.constant 0 : i32
      %dma_wait3A_589 = tpu.memref_slice %arg10[%dma_wait3A_587, %dma_wait3A_588] : memref<1280x64xf32, #tpu.memory_space<vmem>> -> memref<128x64xf32, #tpu.memory_space<vmem>>
      %dma_wait3A_590 = arith.constant 512 : i32
      %dma_wait3A_591 = tpu.memref_slice %arg8[%dma_wait3A_590] : memref<1280xi32, #tpu.memory_space<vmem>> -> memref<128xi32, #tpu.memory_space<vmem>>
      %dma_wait3A_592 = arith.constant 0 : i32
      %dma_wait3A_593 = arith.constant 0 : i32
      %dma_wait3A_594 = tpu.memref_slice %arg3[%dma_wait3A_592, %dma_wait3A_593] : memref<1000000x64xf32, #tpu.memory_space<hbm>> -> memref<1000000x64xf32, #tpu.memory_space<hbm>>
      tpu.wait_indirect_dma semaphore(%arg13 : memref<!tpu.dma_semaphore, #tpu.memory_space<semaphore_mem>>) src(%dma_wait3A_594 : memref<1000000x64xf32, #tpu.memory_space<hbm>>) dst(%dma_wait3A_589 : memref<128x64xf32, #tpu.memory_space<vmem>>)
      %dma_wait3A_595 = arith.constant 640 : i32
      %dma_wait3A_596 = arith.constant 0 : i32
      %dma_wait3A_597 = tpu.memref_slice %arg10[%dma_wait3A_595, %dma_wait3A_596] : memref<1280x64xf32, #tpu.memory_space<vmem>> -> memref<128x64xf32, #tpu.memory_space<vmem>>
      %dma_wait3A_598 = arith.constant 640 : i32
      %dma_wait3A_599 = tpu.memref_slice %arg8[%dma_wait3A_598] : memref<1280xi32, #tpu.memory_space<vmem>> -> memref<128xi32, #tpu.memory_space<vmem>>
      %dma_wait3A_600 = arith.constant 0 : i32
      %dma_wait3A_601 = arith.constant 0 : i32
      %dma_wait3A_602 = tpu.memref_slice %arg3[%dma_wait3A_600, %dma_wait3A_601] : memref<1000000x64xf32, #tpu.memory_space<hbm>> -> memref<1000000x64xf32, #tpu.memory_space<hbm>>
      tpu.wait_indirect_dma semaphore(%arg13 : memref<!tpu.dma_semaphore, #tpu.memory_space<semaphore_mem>>) src(%dma_wait3A_602 : memref<1000000x64xf32, #tpu.memory_space<hbm>>) dst(%dma_wait3A_597 : memref<128x64xf32, #tpu.memory_space<vmem>>)
      %dma_wait3A_603 = arith.constant 768 : i32
      %dma_wait3A_604 = arith.constant 0 : i32
      %dma_wait3A_605 = tpu.memref_slice %arg10[%dma_wait3A_603, %dma_wait3A_604] : memref<1280x64xf32, #tpu.memory_space<vmem>> -> memref<128x64xf32, #tpu.memory_space<vmem>>
      %dma_wait3A_606 = arith.constant 768 : i32
      %dma_wait3A_607 = tpu.memref_slice %arg8[%dma_wait3A_606] : memref<1280xi32, #tpu.memory_space<vmem>> -> memref<128xi32, #tpu.memory_space<vmem>>
      %dma_wait3A_608 = arith.constant 0 : i32
      %dma_wait3A_609 = arith.constant 0 : i32
      %dma_wait3A_610 = tpu.memref_slice %arg3[%dma_wait3A_608, %dma_wait3A_609] : memref<1000000x64xf32, #tpu.memory_space<hbm>> -> memref<1000000x64xf32, #tpu.memory_space<hbm>>
      tpu.wait_indirect_dma semaphore(%arg13 : memref<!tpu.dma_semaphore, #tpu.memory_space<semaphore_mem>>) src(%dma_wait3A_610 : memref<1000000x64xf32, #tpu.memory_space<hbm>>) dst(%dma_wait3A_605 : memref<128x64xf32, #tpu.memory_space<vmem>>)
      %dma_wait3A_611 = arith.constant 896 : i32
      %dma_wait3A_612 = arith.constant 0 : i32
      %dma_wait3A_613 = tpu.memref_slice %arg10[%dma_wait3A_611, %dma_wait3A_612] : memref<1280x64xf32, #tpu.memory_space<vmem>> -> memref<128x64xf32, #tpu.memory_space<vmem>>
      %dma_wait3A_614 = arith.constant 896 : i32
      %dma_wait3A_615 = tpu.memref_slice %arg8[%dma_wait3A_614] : memref<1280xi32, #tpu.memory_space<vmem>> -> memref<128xi32, #tpu.memory_space<vmem>>
      %dma_wait3A_616 = arith.constant 0 : i32
      %dma_wait3A_617 = arith.constant 0 : i32
      %dma_wait3A_618 = tpu.memref_slice %arg3[%dma_wait3A_616, %dma_wait3A_617] : memref<1000000x64xf32, #tpu.memory_space<hbm>> -> memref<1000000x64xf32, #tpu.memory_space<hbm>>
      tpu.wait_indirect_dma semaphore(%arg13 : memref<!tpu.dma_semaphore, #tpu.memory_space<semaphore_mem>>) src(%dma_wait3A_618 : memref<1000000x64xf32, #tpu.memory_space<hbm>>) dst(%dma_wait3A_613 : memref<128x64xf32, #tpu.memory_space<vmem>>)
      %dma_wait3A_619 = arith.constant 1024 : i32
      %dma_wait3A_620 = arith.constant 0 : i32
      %dma_wait3A_621 = tpu.memref_slice %arg10[%dma_wait3A_619, %dma_wait3A_620] : memref<1280x64xf32, #tpu.memory_space<vmem>> -> memref<128x64xf32, #tpu.memory_space<vmem>>
      %dma_wait3A_622 = arith.constant 1024 : i32
      %dma_wait3A_623 = tpu.memref_slice %arg8[%dma_wait3A_622] : memref<1280xi32, #tpu.memory_space<vmem>> -> memref<128xi32, #tpu.memory_space<vmem>>
      %dma_wait3A_624 = arith.constant 0 : i32
      %dma_wait3A_625 = arith.constant 0 : i32
      %dma_wait3A_626 = tpu.memref_slice %arg3[%dma_wait3A_624, %dma_wait3A_625] : memref<1000000x64xf32, #tpu.memory_space<hbm>> -> memref<1000000x64xf32, #tpu.memory_space<hbm>>
      tpu.wait_indirect_dma semaphore(%arg13 : memref<!tpu.dma_semaphore, #tpu.memory_space<semaphore_mem>>) src(%dma_wait3A_626 : memref<1000000x64xf32, #tpu.memory_space<hbm>>) dst(%dma_wait3A_621 : memref<128x64xf32, #tpu.memory_space<vmem>>)
      %dma_wait3A_627 = arith.constant 1152 : i32
      %dma_wait3A_628 = arith.constant 0 : i32
      %dma_wait3A_629 = tpu.memref_slice %arg10[%dma_wait3A_627, %dma_wait3A_628] : memref<1280x64xf32, #tpu.memory_space<vmem>> -> memref<128x64xf32, #tpu.memory_space<vmem>>
      %dma_wait3A_630 = arith.constant 1152 : i32
      %dma_wait3A_631 = tpu.memref_slice %arg8[%dma_wait3A_630] : memref<1280xi32, #tpu.memory_space<vmem>> -> memref<128xi32, #tpu.memory_space<vmem>>
      %dma_wait3A_632 = arith.constant 0 : i32
      %dma_wait3A_633 = arith.constant 0 : i32
      %dma_wait3A_634 = tpu.memref_slice %arg3[%dma_wait3A_632, %dma_wait3A_633] : memref<1000000x64xf32, #tpu.memory_space<hbm>> -> memref<1000000x64xf32, #tpu.memory_space<hbm>>
      tpu.wait_indirect_dma semaphore(%arg13 : memref<!tpu.dma_semaphore, #tpu.memory_space<semaphore_mem>>) src(%dma_wait3A_634 : memref<1000000x64xf32, #tpu.memory_space<hbm>>) dst(%dma_wait3A_629 : memref<128x64xf32, #tpu.memory_space<vmem>>)
      %add3A_635 = arith.constant 0 : i32
      %add3A_636 = vector.broadcast %add3A_635 : i32 to vector<16xi32>
      %add3A_637 = arith.addi %iota3A, %add3A_636 : vector<16xi32>
      %add3A_638 = arith.constant 0 : i32
      %add3A_639 = vector.broadcast %add3A_638 : i32 to vector<16xi32>
      %add3A_640 = arith.addi %add3A_637, %add3A_639 : vector<16xi32>
      %add3A_641 = arith.constant 64 : i32
      %add3A_642 = vector.broadcast %add3A_641 : i32 to vector<16xi32>
      %add3A_643 = arith.addi %add3A_637, %add3A_642 : vector<16xi32>
      %add3A_644 = arith.constant 128 : i32
      %add3A_645 = vector.broadcast %add3A_644 : i32 to vector<16xi32>
      %add3A_646 = arith.addi %add3A_637, %add3A_645 : vector<16xi32>
      %add3A_647 = arith.constant 192 : i32
      %add3A_648 = vector.broadcast %add3A_647 : i32 to vector<16xi32>
      %add3A_649 = arith.addi %add3A_637, %add3A_648 : vector<16xi32>
      %add3A_650 = arith.constant 256 : i32
      %add3A_651 = vector.broadcast %add3A_650 : i32 to vector<16xi32>
      %add3A_652 = arith.addi %add3A_637, %add3A_651 : vector<16xi32>
      %add3A_653 = arith.constant 320 : i32
      %add3A_654 = vector.broadcast %add3A_653 : i32 to vector<16xi32>
      %add3A_655 = arith.addi %add3A_637, %add3A_654 : vector<16xi32>
      %add3A_656 = arith.constant 384 : i32
      %add3A_657 = vector.broadcast %add3A_656 : i32 to vector<16xi32>
      %add3A_658 = arith.addi %add3A_637, %add3A_657 : vector<16xi32>
      %add3A_659 = arith.constant 448 : i32
      %add3A_660 = vector.broadcast %add3A_659 : i32 to vector<16xi32>
      %add3A_661 = arith.addi %add3A_637, %add3A_660 : vector<16xi32>
      %add3A_662 = arith.constant 512 : i32
      %add3A_663 = vector.broadcast %add3A_662 : i32 to vector<16xi32>
      %add3A_664 = arith.addi %add3A_637, %add3A_663 : vector<16xi32>
      %add3A_665 = arith.constant 576 : i32
      %add3A_666 = vector.broadcast %add3A_665 : i32 to vector<16xi32>
      %add3A_667 = arith.addi %add3A_637, %add3A_666 : vector<16xi32>
      %add3A_668 = arith.constant 640 : i32
      %add3A_669 = vector.broadcast %add3A_668 : i32 to vector<16xi32>
      %add3A_670 = arith.addi %add3A_637, %add3A_669 : vector<16xi32>
      %add3A_671 = arith.constant 704 : i32
      %add3A_672 = vector.broadcast %add3A_671 : i32 to vector<16xi32>
      %add3A_673 = arith.addi %add3A_637, %add3A_672 : vector<16xi32>
      %add3A_674 = arith.constant 768 : i32
      %add3A_675 = vector.broadcast %add3A_674 : i32 to vector<16xi32>
      %add3A_676 = arith.addi %add3A_637, %add3A_675 : vector<16xi32>
      %add3A_677 = arith.constant 832 : i32
      %add3A_678 = vector.broadcast %add3A_677 : i32 to vector<16xi32>
      %add3A_679 = arith.addi %add3A_637, %add3A_678 : vector<16xi32>
      %add3A_680 = arith.constant 896 : i32
      %add3A_681 = vector.broadcast %add3A_680 : i32 to vector<16xi32>
      %add3A_682 = arith.addi %add3A_637, %add3A_681 : vector<16xi32>
      %add3A_683 = arith.constant 960 : i32
      %add3A_684 = vector.broadcast %add3A_683 : i32 to vector<16xi32>
      %add3A_685 = arith.addi %add3A_637, %add3A_684 : vector<16xi32>
      %add3A_686 = arith.constant 1024 : i32
      %add3A_687 = vector.broadcast %add3A_686 : i32 to vector<16xi32>
      %add3A_688 = arith.addi %add3A_637, %add3A_687 : vector<16xi32>
      %add3A_689 = arith.constant 1088 : i32
      %add3A_690 = vector.broadcast %add3A_689 : i32 to vector<16xi32>
      %add3A_691 = arith.addi %add3A_637, %add3A_690 : vector<16xi32>
      %add3A_692 = arith.constant 1152 : i32
      %add3A_693 = vector.broadcast %add3A_692 : i32 to vector<16xi32>
      %add3A_694 = arith.addi %add3A_637, %add3A_693 : vector<16xi32>
      %add3A_695 = arith.constant 1216 : i32
      %add3A_696 = vector.broadcast %add3A_695 : i32 to vector<16xi32>
      %add3A_697 = arith.addi %add3A_637, %add3A_696 : vector<16xi32>
      %broadcast_in_dim3A = arith.constant 0.000000e+00 : f32
      %broadcast_in_dim3A_698 = vector.broadcast %broadcast_in_dim3A : f32 to vector<16xf32>
      %broadcast_in_dim3A_699 = arith.constant 0.000000e+00 : f32
      %broadcast_in_dim3A_700 = vector.broadcast %broadcast_in_dim3A_699 : f32 to vector<16xf32>
      %broadcast_in_dim3A_701 = arith.constant 0.000000e+00 : f32
      %broadcast_in_dim3A_702 = vector.broadcast %broadcast_in_dim3A_701 : f32 to vector<16xf32>
      %broadcast_in_dim3A_703 = arith.constant 0.000000e+00 : f32
      %broadcast_in_dim3A_704 = vector.broadcast %broadcast_in_dim3A_703 : f32 to vector<16xf32>
      %broadcast_in_dim3A_705 = arith.constant 0.000000e+00 : f32
      %broadcast_in_dim3A_706 = vector.broadcast %broadcast_in_dim3A_705 : f32 to vector<16xf32>
      %broadcast_in_dim3A_707 = arith.constant 0.000000e+00 : f32
      %broadcast_in_dim3A_708 = vector.broadcast %broadcast_in_dim3A_707 : f32 to vector<16xf32>
      %broadcast_in_dim3A_709 = arith.constant 0.000000e+00 : f32
      %broadcast_in_dim3A_710 = vector.broadcast %broadcast_in_dim3A_709 : f32 to vector<16xf32>
      %broadcast_in_dim3A_711 = arith.constant 0.000000e+00 : f32
      %broadcast_in_dim3A_712 = vector.broadcast %broadcast_in_dim3A_711 : f32 to vector<16xf32>
      %broadcast_in_dim3A_713 = arith.constant 0.000000e+00 : f32
      %broadcast_in_dim3A_714 = vector.broadcast %broadcast_in_dim3A_713 : f32 to vector<16xf32>
      %broadcast_in_dim3A_715 = arith.constant 0.000000e+00 : f32
      %broadcast_in_dim3A_716 = vector.broadcast %broadcast_in_dim3A_715 : f32 to vector<16xf32>
      %broadcast_in_dim3A_717 = arith.constant 0.000000e+00 : f32
      %broadcast_in_dim3A_718 = vector.broadcast %broadcast_in_dim3A_717 : f32 to vector<16xf32>
      %broadcast_in_dim3A_719 = arith.constant 0.000000e+00 : f32
      %broadcast_in_dim3A_720 = vector.broadcast %broadcast_in_dim3A_719 : f32 to vector<16xf32>
      %broadcast_in_dim3A_721 = arith.constant 0.000000e+00 : f32
      %broadcast_in_dim3A_722 = vector.broadcast %broadcast_in_dim3A_721 : f32 to vector<16xf32>
      %broadcast_in_dim3A_723 = arith.constant 0.000000e+00 : f32
      %broadcast_in_dim3A_724 = vector.broadcast %broadcast_in_dim3A_723 : f32 to vector<16xf32>
      %broadcast_in_dim3A_725 = arith.constant 0.000000e+00 : f32
      %broadcast_in_dim3A_726 = vector.broadcast %broadcast_in_dim3A_725 : f32 to vector<16xf32>
      %broadcast_in_dim3A_727 = arith.constant 0.000000e+00 : f32
      %broadcast_in_dim3A_728 = vector.broadcast %broadcast_in_dim3A_727 : f32 to vector<16xf32>
      %broadcast_in_dim3A_729 = arith.constant 0.000000e+00 : f32
      %broadcast_in_dim3A_730 = vector.broadcast %broadcast_in_dim3A_729 : f32 to vector<16xf32>
      %broadcast_in_dim3A_731 = arith.constant 0.000000e+00 : f32
      %broadcast_in_dim3A_732 = vector.broadcast %broadcast_in_dim3A_731 : f32 to vector<16xf32>
      %broadcast_in_dim3A_733 = arith.constant 0.000000e+00 : f32
      %broadcast_in_dim3A_734 = vector.broadcast %broadcast_in_dim3A_733 : f32 to vector<16xf32>
      %broadcast_in_dim3A_735 = arith.constant 0.000000e+00 : f32
      %broadcast_in_dim3A_736 = vector.broadcast %broadcast_in_dim3A_735 : f32 to vector<16xf32>
      %parallel_loop3A = arith.constant 0 : i32
      %parallel_loop3A_737 = arith.constant 64 : i32
      %parallel_loop3A_738 = arith.constant 1 : i32
      %parallel_loop3A_739:20 = scf.for %parallel_loop3A_1700 = %parallel_loop3A to %parallel_loop3A_737 step %parallel_loop3A_738 iter_args(%parallel_loop3A_1701 = %broadcast_in_dim3A_698, %parallel_loop3A_1702 = %broadcast_in_dim3A_700, %parallel_loop3A_1703 = %broadcast_in_dim3A_702, %parallel_loop3A_1704 = %broadcast_in_dim3A_704, %parallel_loop3A_1705 = %broadcast_in_dim3A_706, %parallel_loop3A_1706 = %broadcast_in_dim3A_708, %parallel_loop3A_1707 = %broadcast_in_dim3A_710, %parallel_loop3A_1708 = %broadcast_in_dim3A_712, %parallel_loop3A_1709 = %broadcast_in_dim3A_714, %parallel_loop3A_1710 = %broadcast_in_dim3A_716, %parallel_loop3A_1711 = %broadcast_in_dim3A_718, %parallel_loop3A_1712 = %broadcast_in_dim3A_720, %parallel_loop3A_1713 = %broadcast_in_dim3A_722, %parallel_loop3A_1714 = %broadcast_in_dim3A_724, %parallel_loop3A_1715 = %broadcast_in_dim3A_726, %parallel_loop3A_1716 = %broadcast_in_dim3A_728, %parallel_loop3A_1717 = %broadcast_in_dim3A_730, %parallel_loop3A_1718 = %broadcast_in_dim3A_732, %parallel_loop3A_1719 = %broadcast_in_dim3A_734, %parallel_loop3A_1720 = %broadcast_in_dim3A_736) -> (vector<16xf32>, vector<16xf32>, vector<16xf32>, vector<16xf32>, vector<16xf32>, vector<16xf32>, vector<16xf32>, vector<16xf32>, vector<16xf32>, vector<16xf32>, vector<16xf32>, vector<16xf32>, vector<16xf32>, vector<16xf32>, vector<16xf32>, vector<16xf32>, vector<16xf32>, vector<16xf32>, vector<16xf32>, vector<16xf32>)  : i32 {
        %parallel_loop3A_1721 = vector.broadcast %parallel_loop3A_1700 : i32 to vector<16xi32>
        %parallel_loop3A_1722 = tpu.vector_load_idx %arg9[%add3A_637, %parallel_loop3A_1721] : memref<64x64xf32, #tpu.memory_space<vmem>>[vector<16xi32>, vector<16xi32>], vector<16xf32>,
        %parallel_loop3A_1723 = tpu.vector_load_idx %arg10[%add3A_640, %parallel_loop3A_1721] : memref<1280x64xf32, #tpu.memory_space<vmem>>[vector<16xi32>, vector<16xi32>], vector<16xf32>,
        %parallel_loop3A_1724 = arith.mulf %parallel_loop3A_1722, %parallel_loop3A_1723 : vector<16xf32>
        %parallel_loop3A_1725 = arith.addf %parallel_loop3A_1701, %parallel_loop3A_1724 : vector<16xf32>
        %parallel_loop3A_1726 = tpu.vector_load_idx %arg10[%add3A_643, %parallel_loop3A_1721] : memref<1280x64xf32, #tpu.memory_space<vmem>>[vector<16xi32>, vector<16xi32>], vector<16xf32>,
        %parallel_loop3A_1727 = arith.mulf %parallel_loop3A_1722, %parallel_loop3A_1726 : vector<16xf32>
        %parallel_loop3A_1728 = arith.addf %parallel_loop3A_1702, %parallel_loop3A_1727 : vector<16xf32>
        %parallel_loop3A_1729 = tpu.vector_load_idx %arg10[%add3A_646, %parallel_loop3A_1721] : memref<1280x64xf32, #tpu.memory_space<vmem>>[vector<16xi32>, vector<16xi32>], vector<16xf32>,
        %parallel_loop3A_1730 = arith.mulf %parallel_loop3A_1722, %parallel_loop3A_1729 : vector<16xf32>
        %parallel_loop3A_1731 = arith.addf %parallel_loop3A_1703, %parallel_loop3A_1730 : vector<16xf32>
        %parallel_loop3A_1732 = tpu.vector_load_idx %arg10[%add3A_649, %parallel_loop3A_1721] : memref<1280x64xf32, #tpu.memory_space<vmem>>[vector<16xi32>, vector<16xi32>], vector<16xf32>,
        %parallel_loop3A_1733 = arith.mulf %parallel_loop3A_1722, %parallel_loop3A_1732 : vector<16xf32>
        %parallel_loop3A_1734 = arith.addf %parallel_loop3A_1704, %parallel_loop3A_1733 : vector<16xf32>
        %parallel_loop3A_1735 = tpu.vector_load_idx %arg10[%add3A_652, %parallel_loop3A_1721] : memref<1280x64xf32, #tpu.memory_space<vmem>>[vector<16xi32>, vector<16xi32>], vector<16xf32>,
        %parallel_loop3A_1736 = arith.mulf %parallel_loop3A_1722, %parallel_loop3A_1735 : vector<16xf32>
        %parallel_loop3A_1737 = arith.addf %parallel_loop3A_1705, %parallel_loop3A_1736 : vector<16xf32>
        %parallel_loop3A_1738 = tpu.vector_load_idx %arg10[%add3A_655, %parallel_loop3A_1721] : memref<1280x64xf32, #tpu.memory_space<vmem>>[vector<16xi32>, vector<16xi32>], vector<16xf32>,
        %parallel_loop3A_1739 = arith.mulf %parallel_loop3A_1722, %parallel_loop3A_1738 : vector<16xf32>
        %parallel_loop3A_1740 = arith.addf %parallel_loop3A_1706, %parallel_loop3A_1739 : vector<16xf32>
        %parallel_loop3A_1741 = tpu.vector_load_idx %arg10[%add3A_658, %parallel_loop3A_1721] : memref<1280x64xf32, #tpu.memory_space<vmem>>[vector<16xi32>, vector<16xi32>], vector<16xf32>,
        %parallel_loop3A_1742 = arith.mulf %parallel_loop3A_1722, %parallel_loop3A_1741 : vector<16xf32>
        %parallel_loop3A_1743 = arith.addf %parallel_loop3A_1707, %parallel_loop3A_1742 : vector<16xf32>
        %parallel_loop3A_1744 = tpu.vector_load_idx %arg10[%add3A_661, %parallel_loop3A_1721] : memref<1280x64xf32, #tpu.memory_space<vmem>>[vector<16xi32>, vector<16xi32>], vector<16xf32>,
        %parallel_loop3A_1745 = arith.mulf %parallel_loop3A_1722, %parallel_loop3A_1744 : vector<16xf32>
        %parallel_loop3A_1746 = arith.addf %parallel_loop3A_1708, %parallel_loop3A_1745 : vector<16xf32>
        %parallel_loop3A_1747 = tpu.vector_load_idx %arg10[%add3A_664, %parallel_loop3A_1721] : memref<1280x64xf32, #tpu.memory_space<vmem>>[vector<16xi32>, vector<16xi32>], vector<16xf32>,
        %parallel_loop3A_1748 = arith.mulf %parallel_loop3A_1722, %parallel_loop3A_1747 : vector<16xf32>
        %parallel_loop3A_1749 = arith.addf %parallel_loop3A_1709, %parallel_loop3A_1748 : vector<16xf32>
        %parallel_loop3A_1750 = tpu.vector_load_idx %arg10[%add3A_667, %parallel_loop3A_1721] : memref<1280x64xf32, #tpu.memory_space<vmem>>[vector<16xi32>, vector<16xi32>], vector<16xf32>,
        %parallel_loop3A_1751 = arith.mulf %parallel_loop3A_1722, %parallel_loop3A_1750 : vector<16xf32>
        %parallel_loop3A_1752 = arith.addf %parallel_loop3A_1710, %parallel_loop3A_1751 : vector<16xf32>
        %parallel_loop3A_1753 = tpu.vector_load_idx %arg10[%add3A_670, %parallel_loop3A_1721] : memref<1280x64xf32, #tpu.memory_space<vmem>>[vector<16xi32>, vector<16xi32>], vector<16xf32>,
        %parallel_loop3A_1754 = arith.mulf %parallel_loop3A_1722, %parallel_loop3A_1753 : vector<16xf32>
        %parallel_loop3A_1755 = arith.addf %parallel_loop3A_1711, %parallel_loop3A_1754 : vector<16xf32>
        %parallel_loop3A_1756 = tpu.vector_load_idx %arg10[%add3A_673, %parallel_loop3A_1721] : memref<1280x64xf32, #tpu.memory_space<vmem>>[vector<16xi32>, vector<16xi32>], vector<16xf32>,
        %parallel_loop3A_1757 = arith.mulf %parallel_loop3A_1722, %parallel_loop3A_1756 : vector<16xf32>
        %parallel_loop3A_1758 = arith.addf %parallel_loop3A_1712, %parallel_loop3A_1757 : vector<16xf32>
        %parallel_loop3A_1759 = tpu.vector_load_idx %arg10[%add3A_676, %parallel_loop3A_1721] : memref<1280x64xf32, #tpu.memory_space<vmem>>[vector<16xi32>, vector<16xi32>], vector<16xf32>,
        %parallel_loop3A_1760 = arith.mulf %parallel_loop3A_1722, %parallel_loop3A_1759 : vector<16xf32>
        %parallel_loop3A_1761 = arith.addf %parallel_loop3A_1713, %parallel_loop3A_1760 : vector<16xf32>
        %parallel_loop3A_1762 = tpu.vector_load_idx %arg10[%add3A_679, %parallel_loop3A_1721] : memref<1280x64xf32, #tpu.memory_space<vmem>>[vector<16xi32>, vector<16xi32>], vector<16xf32>,
        %parallel_loop3A_1763 = arith.mulf %parallel_loop3A_1722, %parallel_loop3A_1762 : vector<16xf32>
        %parallel_loop3A_1764 = arith.addf %parallel_loop3A_1714, %parallel_loop3A_1763 : vector<16xf32>
        %parallel_loop3A_1765 = tpu.vector_load_idx %arg10[%add3A_682, %parallel_loop3A_1721] : memref<1280x64xf32, #tpu.memory_space<vmem>>[vector<16xi32>, vector<16xi32>], vector<16xf32>,
        %parallel_loop3A_1766 = arith.mulf %parallel_loop3A_1722, %parallel_loop3A_1765 : vector<16xf32>
        %parallel_loop3A_1767 = arith.addf %parallel_loop3A_1715, %parallel_loop3A_1766 : vector<16xf32>
        %parallel_loop3A_1768 = tpu.vector_load_idx %arg10[%add3A_685, %parallel_loop3A_1721] : memref<1280x64xf32, #tpu.memory_space<vmem>>[vector<16xi32>, vector<16xi32>], vector<16xf32>,
        %parallel_loop3A_1769 = arith.mulf %parallel_loop3A_1722, %parallel_loop3A_1768 : vector<16xf32>
        %parallel_loop3A_1770 = arith.addf %parallel_loop3A_1716, %parallel_loop3A_1769 : vector<16xf32>
        %parallel_loop3A_1771 = tpu.vector_load_idx %arg10[%add3A_688, %parallel_loop3A_1721] : memref<1280x64xf32, #tpu.memory_space<vmem>>[vector<16xi32>, vector<16xi32>], vector<16xf32>,
        %parallel_loop3A_1772 = arith.mulf %parallel_loop3A_1722, %parallel_loop3A_1771 : vector<16xf32>
        %parallel_loop3A_1773 = arith.addf %parallel_loop3A_1717, %parallel_loop3A_1772 : vector<16xf32>
        %parallel_loop3A_1774 = tpu.vector_load_idx %arg10[%add3A_691, %parallel_loop3A_1721] : memref<1280x64xf32, #tpu.memory_space<vmem>>[vector<16xi32>, vector<16xi32>], vector<16xf32>,
        %parallel_loop3A_1775 = arith.mulf %parallel_loop3A_1722, %parallel_loop3A_1774 : vector<16xf32>
        %parallel_loop3A_1776 = arith.addf %parallel_loop3A_1718, %parallel_loop3A_1775 : vector<16xf32>
        %parallel_loop3A_1777 = tpu.vector_load_idx %arg10[%add3A_694, %parallel_loop3A_1721] : memref<1280x64xf32, #tpu.memory_space<vmem>>[vector<16xi32>, vector<16xi32>], vector<16xf32>,
        %parallel_loop3A_1778 = arith.mulf %parallel_loop3A_1722, %parallel_loop3A_1777 : vector<16xf32>
        %parallel_loop3A_1779 = arith.addf %parallel_loop3A_1719, %parallel_loop3A_1778 : vector<16xf32>
        %parallel_loop3A_1780 = tpu.vector_load_idx %arg10[%add3A_697, %parallel_loop3A_1721] : memref<1280x64xf32, #tpu.memory_space<vmem>>[vector<16xi32>, vector<16xi32>], vector<16xf32>,
        %parallel_loop3A_1781 = arith.mulf %parallel_loop3A_1722, %parallel_loop3A_1780 : vector<16xf32>
        %parallel_loop3A_1782 = arith.addf %parallel_loop3A_1720, %parallel_loop3A_1781 : vector<16xf32>
        scf.yield %parallel_loop3A_1725, %parallel_loop3A_1728, %parallel_loop3A_1731, %parallel_loop3A_1734, %parallel_loop3A_1737, %parallel_loop3A_1740, %parallel_loop3A_1743, %parallel_loop3A_1746, %parallel_loop3A_1749, %parallel_loop3A_1752, %parallel_loop3A_1755, %parallel_loop3A_1758, %parallel_loop3A_1761, %parallel_loop3A_1764, %parallel_loop3A_1767, %parallel_loop3A_1770, %parallel_loop3A_1773, %parallel_loop3A_1776, %parallel_loop3A_1779, %parallel_loop3A_1782 : vector<16xf32>, vector<16xf32>, vector<16xf32>, vector<16xf32>, vector<16xf32>, vector<16xf32>, vector<16xf32>, vector<16xf32>, vector<16xf32>, vector<16xf32>, vector<16xf32>, vector<16xf32>, vector<16xf32>, vector<16xf32>, vector<16xf32>, vector<16xf32>, vector<16xf32>, vector<16xf32>, vector<16xf32>, vector<16xf32>
      } {sc.loop_unroll_factor = 4 : i64, sc.parallel_access}
      %mul3A_740 = arith.constant 64 : i32
      %mul3A_741 = arith.muli %scan3A_105, %mul3A_740 : i32
      %add3A_742 = arith.constant 0 : i32
      %add3A_743 = arith.addi %mul3A_741, %add3A_742 : i32
      %swap3A = arith.constant 0 : i32
      %swap3A_744 = arith.index_cast %swap3A : i32 to index
      %swap3A_745 = arith.index_cast %add3A_743 : i32 to index
      %swap3A_746 = tpu.vector_load %arg11[%swap3A_744, %swap3A_745] {strides = array<i32>} : memref<20x512xf32, #tpu.memory_space<vmem>>, vector<16xf32>,
      tpu.vector_store %arg11[%swap3A_744, %swap3A_745], %parallel_loop3A_739#0 {strides = array<i32>} : memref<20x512xf32, #tpu.memory_space<vmem>>, vector<16xf32>,
      %mul3A_747 = arith.constant 64 : i32
      %mul3A_748 = arith.muli %scan3A_105, %mul3A_747 : i32
      %add3A_749 = arith.constant 0 : i32
      %add3A_750 = arith.addi %mul3A_748, %add3A_749 : i32
      %swap3A_751 = arith.constant 1 : i32
      %swap3A_752 = arith.index_cast %swap3A_751 : i32 to index
      %swap3A_753 = arith.index_cast %add3A_750 : i32 to index
      %swap3A_754 = tpu.vector_load %arg11[%swap3A_752, %swap3A_753] {strides = array<i32>} : memref<20x512xf32, #tpu.memory_space<vmem>>, vector<16xf32>,
      tpu.vector_store %arg11[%swap3A_752, %swap3A_753], %parallel_loop3A_739#1 {strides = array<i32>} : memref<20x512xf32, #tpu.memory_space<vmem>>, vector<16xf32>,
      %mul3A_755 = arith.constant 64 : i32
      %mul3A_756 = arith.muli %scan3A_105, %mul3A_755 : i32
      %add3A_757 = arith.constant 0 : i32
      %add3A_758 = arith.addi %mul3A_756, %add3A_757 : i32
      %swap3A_759 = arith.constant 2 : i32
      %swap3A_760 = arith.index_cast %swap3A_759 : i32 to index
      %swap3A_761 = arith.index_cast %add3A_758 : i32 to index
      %swap3A_762 = tpu.vector_load %arg11[%swap3A_760, %swap3A_761] {strides = array<i32>} : memref<20x512xf32, #tpu.memory_space<vmem>>, vector<16xf32>,
      tpu.vector_store %arg11[%swap3A_760, %swap3A_761], %parallel_loop3A_739#2 {strides = array<i32>} : memref<20x512xf32, #tpu.memory_space<vmem>>, vector<16xf32>,
      %mul3A_763 = arith.constant 64 : i32
      %mul3A_764 = arith.muli %scan3A_105, %mul3A_763 : i32
      %add3A_765 = arith.constant 0 : i32
      %add3A_766 = arith.addi %mul3A_764, %add3A_765 : i32
      %swap3A_767 = arith.constant 3 : i32
      %swap3A_768 = arith.index_cast %swap3A_767 : i32 to index
      %swap3A_769 = arith.index_cast %add3A_766 : i32 to index
      %swap3A_770 = tpu.vector_load %arg11[%swap3A_768, %swap3A_769] {strides = array<i32>} : memref<20x512xf32, #tpu.memory_space<vmem>>, vector<16xf32>,
      tpu.vector_store %arg11[%swap3A_768, %swap3A_769], %parallel_loop3A_739#3 {strides = array<i32>} : memref<20x512xf32, #tpu.memory_space<vmem>>, vector<16xf32>,
      %mul3A_771 = arith.constant 64 : i32
      %mul3A_772 = arith.muli %scan3A_105, %mul3A_771 : i32
      %add3A_773 = arith.constant 0 : i32
      %add3A_774 = arith.addi %mul3A_772, %add3A_773 : i32
      %swap3A_775 = arith.constant 4 : i32
      %swap3A_776 = arith.index_cast %swap3A_775 : i32 to index
      %swap3A_777 = arith.index_cast %add3A_774 : i32 to index
      %swap3A_778 = tpu.vector_load %arg11[%swap3A_776, %swap3A_777] {strides = array<i32>} : memref<20x512xf32, #tpu.memory_space<vmem>>, vector<16xf32>,
      tpu.vector_store %arg11[%swap3A_776, %swap3A_777], %parallel_loop3A_739#4 {strides = array<i32>} : memref<20x512xf32, #tpu.memory_space<vmem>>, vector<16xf32>,
      %mul3A_779 = arith.constant 64 : i32
      %mul3A_780 = arith.muli %scan3A_105, %mul3A_779 : i32
      %add3A_781 = arith.constant 0 : i32
      %add3A_782 = arith.addi %mul3A_780, %add3A_781 : i32
      %swap3A_783 = arith.constant 5 : i32
      %swap3A_784 = arith.index_cast %swap3A_783 : i32 to index
      %swap3A_785 = arith.index_cast %add3A_782 : i32 to index
      %swap3A_786 = tpu.vector_load %arg11[%swap3A_784, %swap3A_785] {strides = array<i32>} : memref<20x512xf32, #tpu.memory_space<vmem>>, vector<16xf32>,
      tpu.vector_store %arg11[%swap3A_784, %swap3A_785], %parallel_loop3A_739#5 {strides = array<i32>} : memref<20x512xf32, #tpu.memory_space<vmem>>, vector<16xf32>,
      %mul3A_787 = arith.constant 64 : i32
      %mul3A_788 = arith.muli %scan3A_105, %mul3A_787 : i32
      %add3A_789 = arith.constant 0 : i32
      %add3A_790 = arith.addi %mul3A_788, %add3A_789 : i32
      %swap3A_791 = arith.constant 6 : i32
      %swap3A_792 = arith.index_cast %swap3A_791 : i32 to index
      %swap3A_793 = arith.index_cast %add3A_790 : i32 to index
      %swap3A_794 = tpu.vector_load %arg11[%swap3A_792, %swap3A_793] {strides = array<i32>} : memref<20x512xf32, #tpu.memory_space<vmem>>, vector<16xf32>,
      tpu.vector_store %arg11[%swap3A_792, %swap3A_793], %parallel_loop3A_739#6 {strides = array<i32>} : memref<20x512xf32, #tpu.memory_space<vmem>>, vector<16xf32>,
      %mul3A_795 = arith.constant 64 : i32
      %mul3A_796 = arith.muli %scan3A_105, %mul3A_795 : i32
      %add3A_797 = arith.constant 0 : i32
      %add3A_798 = arith.addi %mul3A_796, %add3A_797 : i32
      %swap3A_799 = arith.constant 7 : i32
      %swap3A_800 = arith.index_cast %swap3A_799 : i32 to index
      %swap3A_801 = arith.index_cast %add3A_798 : i32 to index
      %swap3A_802 = tpu.vector_load %arg11[%swap3A_800, %swap3A_801] {strides = array<i32>} : memref<20x512xf32, #tpu.memory_space<vmem>>, vector<16xf32>,
      tpu.vector_store %arg11[%swap3A_800, %swap3A_801], %parallel_loop3A_739#7 {strides = array<i32>} : memref<20x512xf32, #tpu.memory_space<vmem>>, vector<16xf32>,
      %mul3A_803 = arith.constant 64 : i32
      %mul3A_804 = arith.muli %scan3A_105, %mul3A_803 : i32
      %add3A_805 = arith.constant 0 : i32
      %add3A_806 = arith.addi %mul3A_804, %add3A_805 : i32
      %swap3A_807 = arith.constant 8 : i32
      %swap3A_808 = arith.index_cast %swap3A_807 : i32 to index
      %swap3A_809 = arith.index_cast %add3A_806 : i32 to index
      %swap3A_810 = tpu.vector_load %arg11[%swap3A_808, %swap3A_809] {strides = array<i32>} : memref<20x512xf32, #tpu.memory_space<vmem>>, vector<16xf32>,
      tpu.vector_store %arg11[%swap3A_808, %swap3A_809], %parallel_loop3A_739#8 {strides = array<i32>} : memref<20x512xf32, #tpu.memory_space<vmem>>, vector<16xf32>,
      %mul3A_811 = arith.constant 64 : i32
      %mul3A_812 = arith.muli %scan3A_105, %mul3A_811 : i32
      %add3A_813 = arith.constant 0 : i32
      %add3A_814 = arith.addi %mul3A_812, %add3A_813 : i32
      %swap3A_815 = arith.constant 9 : i32
      %swap3A_816 = arith.index_cast %swap3A_815 : i32 to index
      %swap3A_817 = arith.index_cast %add3A_814 : i32 to index
      %swap3A_818 = tpu.vector_load %arg11[%swap3A_816, %swap3A_817] {strides = array<i32>} : memref<20x512xf32, #tpu.memory_space<vmem>>, vector<16xf32>,
      tpu.vector_store %arg11[%swap3A_816, %swap3A_817], %parallel_loop3A_739#9 {strides = array<i32>} : memref<20x512xf32, #tpu.memory_space<vmem>>, vector<16xf32>,
      %mul3A_819 = arith.constant 64 : i32
      %mul3A_820 = arith.muli %scan3A_105, %mul3A_819 : i32
      %add3A_821 = arith.constant 0 : i32
      %add3A_822 = arith.addi %mul3A_820, %add3A_821 : i32
      %swap3A_823 = arith.constant 10 : i32
      %swap3A_824 = arith.index_cast %swap3A_823 : i32 to index
      %swap3A_825 = arith.index_cast %add3A_822 : i32 to index
      %swap3A_826 = tpu.vector_load %arg11[%swap3A_824, %swap3A_825] {strides = array<i32>} : memref<20x512xf32, #tpu.memory_space<vmem>>, vector<16xf32>,
      tpu.vector_store %arg11[%swap3A_824, %swap3A_825], %parallel_loop3A_739#10 {strides = array<i32>} : memref<20x512xf32, #tpu.memory_space<vmem>>, vector<16xf32>,
      %mul3A_827 = arith.constant 64 : i32
      %mul3A_828 = arith.muli %scan3A_105, %mul3A_827 : i32
      %add3A_829 = arith.constant 0 : i32
      %add3A_830 = arith.addi %mul3A_828, %add3A_829 : i32
      %swap3A_831 = arith.constant 11 : i32
      %swap3A_832 = arith.index_cast %swap3A_831 : i32 to index
      %swap3A_833 = arith.index_cast %add3A_830 : i32 to index
      %swap3A_834 = tpu.vector_load %arg11[%swap3A_832, %swap3A_833] {strides = array<i32>} : memref<20x512xf32, #tpu.memory_space<vmem>>, vector<16xf32>,
      tpu.vector_store %arg11[%swap3A_832, %swap3A_833], %parallel_loop3A_739#11 {strides = array<i32>} : memref<20x512xf32, #tpu.memory_space<vmem>>, vector<16xf32>,
      %mul3A_835 = arith.constant 64 : i32
      %mul3A_836 = arith.muli %scan3A_105, %mul3A_835 : i32
      %add3A_837 = arith.constant 0 : i32
      %add3A_838 = arith.addi %mul3A_836, %add3A_837 : i32
      %swap3A_839 = arith.constant 12 : i32
      %swap3A_840 = arith.index_cast %swap3A_839 : i32 to index
      %swap3A_841 = arith.index_cast %add3A_838 : i32 to index
      %swap3A_842 = tpu.vector_load %arg11[%swap3A_840, %swap3A_841] {strides = array<i32>} : memref<20x512xf32, #tpu.memory_space<vmem>>, vector<16xf32>,
      tpu.vector_store %arg11[%swap3A_840, %swap3A_841], %parallel_loop3A_739#12 {strides = array<i32>} : memref<20x512xf32, #tpu.memory_space<vmem>>, vector<16xf32>,
      %mul3A_843 = arith.constant 64 : i32
      %mul3A_844 = arith.muli %scan3A_105, %mul3A_843 : i32
      %add3A_845 = arith.constant 0 : i32
      %add3A_846 = arith.addi %mul3A_844, %add3A_845 : i32
      %swap3A_847 = arith.constant 13 : i32
      %swap3A_848 = arith.index_cast %swap3A_847 : i32 to index
      %swap3A_849 = arith.index_cast %add3A_846 : i32 to index
      %swap3A_850 = tpu.vector_load %arg11[%swap3A_848, %swap3A_849] {strides = array<i32>} : memref<20x512xf32, #tpu.memory_space<vmem>>, vector<16xf32>,
      tpu.vector_store %arg11[%swap3A_848, %swap3A_849], %parallel_loop3A_739#13 {strides = array<i32>} : memref<20x512xf32, #tpu.memory_space<vmem>>, vector<16xf32>,
      %mul3A_851 = arith.constant 64 : i32
      %mul3A_852 = arith.muli %scan3A_105, %mul3A_851 : i32
      %add3A_853 = arith.constant 0 : i32
      %add3A_854 = arith.addi %mul3A_852, %add3A_853 : i32
      %swap3A_855 = arith.constant 14 : i32
      %swap3A_856 = arith.index_cast %swap3A_855 : i32 to index
      %swap3A_857 = arith.index_cast %add3A_854 : i32 to index
      %swap3A_858 = tpu.vector_load %arg11[%swap3A_856, %swap3A_857] {strides = array<i32>} : memref<20x512xf32, #tpu.memory_space<vmem>>, vector<16xf32>,
      tpu.vector_store %arg11[%swap3A_856, %swap3A_857], %parallel_loop3A_739#14 {strides = array<i32>} : memref<20x512xf32, #tpu.memory_space<vmem>>, vector<16xf32>,
      %mul3A_859 = arith.constant 64 : i32
      %mul3A_860 = arith.muli %scan3A_105, %mul3A_859 : i32
      %add3A_861 = arith.constant 0 : i32
      %add3A_862 = arith.addi %mul3A_860, %add3A_861 : i32
      %swap3A_863 = arith.constant 15 : i32
      %swap3A_864 = arith.index_cast %swap3A_863 : i32 to index
      %swap3A_865 = arith.index_cast %add3A_862 : i32 to index
      %swap3A_866 = tpu.vector_load %arg11[%swap3A_864, %swap3A_865] {strides = array<i32>} : memref<20x512xf32, #tpu.memory_space<vmem>>, vector<16xf32>,
      tpu.vector_store %arg11[%swap3A_864, %swap3A_865], %parallel_loop3A_739#15 {strides = array<i32>} : memref<20x512xf32, #tpu.memory_space<vmem>>, vector<16xf32>,
      %mul3A_867 = arith.constant 64 : i32
      %mul3A_868 = arith.muli %scan3A_105, %mul3A_867 : i32
      %add3A_869 = arith.constant 0 : i32
      %add3A_870 = arith.addi %mul3A_868, %add3A_869 : i32
      %swap3A_871 = arith.constant 16 : i32
      %swap3A_872 = arith.index_cast %swap3A_871 : i32 to index
      %swap3A_873 = arith.index_cast %add3A_870 : i32 to index
      %swap3A_874 = tpu.vector_load %arg11[%swap3A_872, %swap3A_873] {strides = array<i32>} : memref<20x512xf32, #tpu.memory_space<vmem>>, vector<16xf32>,
      tpu.vector_store %arg11[%swap3A_872, %swap3A_873], %parallel_loop3A_739#16 {strides = array<i32>} : memref<20x512xf32, #tpu.memory_space<vmem>>, vector<16xf32>,
      %mul3A_875 = arith.constant 64 : i32
      %mul3A_876 = arith.muli %scan3A_105, %mul3A_875 : i32
      %add3A_877 = arith.constant 0 : i32
      %add3A_878 = arith.addi %mul3A_876, %add3A_877 : i32
      %swap3A_879 = arith.constant 17 : i32
      %swap3A_880 = arith.index_cast %swap3A_879 : i32 to index
      %swap3A_881 = arith.index_cast %add3A_878 : i32 to index
      %swap3A_882 = tpu.vector_load %arg11[%swap3A_880, %swap3A_881] {strides = array<i32>} : memref<20x512xf32, #tpu.memory_space<vmem>>, vector<16xf32>,
      tpu.vector_store %arg11[%swap3A_880, %swap3A_881], %parallel_loop3A_739#17 {strides = array<i32>} : memref<20x512xf32, #tpu.memory_space<vmem>>, vector<16xf32>,
      %mul3A_883 = arith.constant 64 : i32
      %mul3A_884 = arith.muli %scan3A_105, %mul3A_883 : i32
      %add3A_885 = arith.constant 0 : i32
      %add3A_886 = arith.addi %mul3A_884, %add3A_885 : i32
      %swap3A_887 = arith.constant 18 : i32
      %swap3A_888 = arith.index_cast %swap3A_887 : i32 to index
      %swap3A_889 = arith.index_cast %add3A_886 : i32 to index
      %swap3A_890 = tpu.vector_load %arg11[%swap3A_888, %swap3A_889] {strides = array<i32>} : memref<20x512xf32, #tpu.memory_space<vmem>>, vector<16xf32>,
      tpu.vector_store %arg11[%swap3A_888, %swap3A_889], %parallel_loop3A_739#18 {strides = array<i32>} : memref<20x512xf32, #tpu.memory_space<vmem>>, vector<16xf32>,
      %mul3A_891 = arith.constant 64 : i32
      %mul3A_892 = arith.muli %scan3A_105, %mul3A_891 : i32
      %add3A_893 = arith.constant 0 : i32
      %add3A_894 = arith.addi %mul3A_892, %add3A_893 : i32
      %swap3A_895 = arith.constant 19 : i32
      %swap3A_896 = arith.index_cast %swap3A_895 : i32 to index
      %swap3A_897 = arith.index_cast %add3A_894 : i32 to index
      %swap3A_898 = tpu.vector_load %arg11[%swap3A_896, %swap3A_897] {strides = array<i32>} : memref<20x512xf32, #tpu.memory_space<vmem>>, vector<16xf32>,
      tpu.vector_store %arg11[%swap3A_896, %swap3A_897], %parallel_loop3A_739#19 {strides = array<i32>} : memref<20x512xf32, #tpu.memory_space<vmem>>, vector<16xf32>,
      %add3A_899 = arith.constant 16 : i32
      %add3A_900 = vector.broadcast %add3A_899 : i32 to vector<16xi32>
      %add3A_901 = arith.addi %iota3A, %add3A_900 : vector<16xi32>
      %add3A_902 = arith.constant 16 : i32
      %add3A_903 = vector.broadcast %add3A_902 : i32 to vector<16xi32>
      %add3A_904 = arith.addi %add3A_901, %add3A_903 : vector<16xi32>
      %add3A_905 = arith.constant 80 : i32
      %add3A_906 = vector.broadcast %add3A_905 : i32 to vector<16xi32>
      %add3A_907 = arith.addi %add3A_901, %add3A_906 : vector<16xi32>
      %add3A_908 = arith.constant 144 : i32
      %add3A_909 = vector.broadcast %add3A_908 : i32 to vector<16xi32>
      %add3A_910 = arith.addi %add3A_901, %add3A_909 : vector<16xi32>
      %add3A_911 = arith.constant 208 : i32
      %add3A_912 = vector.broadcast %add3A_911 : i32 to vector<16xi32>
      %add3A_913 = arith.addi %add3A_901, %add3A_912 : vector<16xi32>
      %add3A_914 = arith.constant 272 : i32
      %add3A_915 = vector.broadcast %add3A_914 : i32 to vector<16xi32>
      %add3A_916 = arith.addi %add3A_901, %add3A_915 : vector<16xi32>
      %add3A_917 = arith.constant 336 : i32
      %add3A_918 = vector.broadcast %add3A_917 : i32 to vector<16xi32>
      %add3A_919 = arith.addi %add3A_901, %add3A_918 : vector<16xi32>
      %add3A_920 = arith.constant 400 : i32
      %add3A_921 = vector.broadcast %add3A_920 : i32 to vector<16xi32>
      %add3A_922 = arith.addi %add3A_901, %add3A_921 : vector<16xi32>
      %add3A_923 = arith.constant 464 : i32
      %add3A_924 = vector.broadcast %add3A_923 : i32 to vector<16xi32>
      %add3A_925 = arith.addi %add3A_901, %add3A_924 : vector<16xi32>
      %add3A_926 = arith.constant 528 : i32
      %add3A_927 = vector.broadcast %add3A_926 : i32 to vector<16xi32>
      %add3A_928 = arith.addi %add3A_901, %add3A_927 : vector<16xi32>
      %add3A_929 = arith.constant 592 : i32
      %add3A_930 = vector.broadcast %add3A_929 : i32 to vector<16xi32>
      %add3A_931 = arith.addi %add3A_901, %add3A_930 : vector<16xi32>
      %add3A_932 = arith.constant 656 : i32
      %add3A_933 = vector.broadcast %add3A_932 : i32 to vector<16xi32>
      %add3A_934 = arith.addi %add3A_901, %add3A_933 : vector<16xi32>
      %add3A_935 = arith.constant 720 : i32
      %add3A_936 = vector.broadcast %add3A_935 : i32 to vector<16xi32>
      %add3A_937 = arith.addi %add3A_901, %add3A_936 : vector<16xi32>
      %add3A_938 = arith.constant 784 : i32
      %add3A_939 = vector.broadcast %add3A_938 : i32 to vector<16xi32>
      %add3A_940 = arith.addi %add3A_901, %add3A_939 : vector<16xi32>
      %add3A_941 = arith.constant 848 : i32
      %add3A_942 = vector.broadcast %add3A_941 : i32 to vector<16xi32>
      %add3A_943 = arith.addi %add3A_901, %add3A_942 : vector<16xi32>
      %add3A_944 = arith.constant 912 : i32
      %add3A_945 = vector.broadcast %add3A_944 : i32 to vector<16xi32>
      %add3A_946 = arith.addi %add3A_901, %add3A_945 : vector<16xi32>
      %add3A_947 = arith.constant 976 : i32
      %add3A_948 = vector.broadcast %add3A_947 : i32 to vector<16xi32>
      %add3A_949 = arith.addi %add3A_901, %add3A_948 : vector<16xi32>
      %add3A_950 = arith.constant 1040 : i32
      %add3A_951 = vector.broadcast %add3A_950 : i32 to vector<16xi32>
      %add3A_952 = arith.addi %add3A_901, %add3A_951 : vector<16xi32>
      %add3A_953 = arith.constant 1104 : i32
      %add3A_954 = vector.broadcast %add3A_953 : i32 to vector<16xi32>
      %add3A_955 = arith.addi %add3A_901, %add3A_954 : vector<16xi32>
      %add3A_956 = arith.constant 1168 : i32
      %add3A_957 = vector.broadcast %add3A_956 : i32 to vector<16xi32>
      %add3A_958 = arith.addi %add3A_901, %add3A_957 : vector<16xi32>
      %add3A_959 = arith.constant 1232 : i32
      %add3A_960 = vector.broadcast %add3A_959 : i32 to vector<16xi32>
      %add3A_961 = arith.addi %add3A_901, %add3A_960 : vector<16xi32>
      %broadcast_in_dim3A_962 = arith.constant 0.000000e+00 : f32
      %broadcast_in_dim3A_963 = vector.broadcast %broadcast_in_dim3A_962 : f32 to vector<16xf32>
      %broadcast_in_dim3A_964 = arith.constant 0.000000e+00 : f32
      %broadcast_in_dim3A_965 = vector.broadcast %broadcast_in_dim3A_964 : f32 to vector<16xf32>
      %broadcast_in_dim3A_966 = arith.constant 0.000000e+00 : f32
      %broadcast_in_dim3A_967 = vector.broadcast %broadcast_in_dim3A_966 : f32 to vector<16xf32>
      %broadcast_in_dim3A_968 = arith.constant 0.000000e+00 : f32
      %broadcast_in_dim3A_969 = vector.broadcast %broadcast_in_dim3A_968 : f32 to vector<16xf32>
      %broadcast_in_dim3A_970 = arith.constant 0.000000e+00 : f32
      %broadcast_in_dim3A_971 = vector.broadcast %broadcast_in_dim3A_970 : f32 to vector<16xf32>
      %broadcast_in_dim3A_972 = arith.constant 0.000000e+00 : f32
      %broadcast_in_dim3A_973 = vector.broadcast %broadcast_in_dim3A_972 : f32 to vector<16xf32>
      %broadcast_in_dim3A_974 = arith.constant 0.000000e+00 : f32
      %broadcast_in_dim3A_975 = vector.broadcast %broadcast_in_dim3A_974 : f32 to vector<16xf32>
      %broadcast_in_dim3A_976 = arith.constant 0.000000e+00 : f32
      %broadcast_in_dim3A_977 = vector.broadcast %broadcast_in_dim3A_976 : f32 to vector<16xf32>
      %broadcast_in_dim3A_978 = arith.constant 0.000000e+00 : f32
      %broadcast_in_dim3A_979 = vector.broadcast %broadcast_in_dim3A_978 : f32 to vector<16xf32>
      %broadcast_in_dim3A_980 = arith.constant 0.000000e+00 : f32
      %broadcast_in_dim3A_981 = vector.broadcast %broadcast_in_dim3A_980 : f32 to vector<16xf32>
      %broadcast_in_dim3A_982 = arith.constant 0.000000e+00 : f32
      %broadcast_in_dim3A_983 = vector.broadcast %broadcast_in_dim3A_982 : f32 to vector<16xf32>
      %broadcast_in_dim3A_984 = arith.constant 0.000000e+00 : f32
      %broadcast_in_dim3A_985 = vector.broadcast %broadcast_in_dim3A_984 : f32 to vector<16xf32>
      %broadcast_in_dim3A_986 = arith.constant 0.000000e+00 : f32
      %broadcast_in_dim3A_987 = vector.broadcast %broadcast_in_dim3A_986 : f32 to vector<16xf32>
      %broadcast_in_dim3A_988 = arith.constant 0.000000e+00 : f32
      %broadcast_in_dim3A_989 = vector.broadcast %broadcast_in_dim3A_988 : f32 to vector<16xf32>
      %broadcast_in_dim3A_990 = arith.constant 0.000000e+00 : f32
      %broadcast_in_dim3A_991 = vector.broadcast %broadcast_in_dim3A_990 : f32 to vector<16xf32>
      %broadcast_in_dim3A_992 = arith.constant 0.000000e+00 : f32
      %broadcast_in_dim3A_993 = vector.broadcast %broadcast_in_dim3A_992 : f32 to vector<16xf32>
      %broadcast_in_dim3A_994 = arith.constant 0.000000e+00 : f32
      %broadcast_in_dim3A_995 = vector.broadcast %broadcast_in_dim3A_994 : f32 to vector<16xf32>
      %broadcast_in_dim3A_996 = arith.constant 0.000000e+00 : f32
      %broadcast_in_dim3A_997 = vector.broadcast %broadcast_in_dim3A_996 : f32 to vector<16xf32>
      %broadcast_in_dim3A_998 = arith.constant 0.000000e+00 : f32
      %broadcast_in_dim3A_999 = vector.broadcast %broadcast_in_dim3A_998 : f32 to vector<16xf32>
      %broadcast_in_dim3A_1000 = arith.constant 0.000000e+00 : f32
      %broadcast_in_dim3A_1001 = vector.broadcast %broadcast_in_dim3A_1000 : f32 to vector<16xf32>
      %parallel_loop3A_1002 = arith.constant 0 : i32
      %parallel_loop3A_1003 = arith.constant 64 : i32
      %parallel_loop3A_1004 = arith.constant 1 : i32
      %parallel_loop3A_1005:20 = scf.for %parallel_loop3A_1700 = %parallel_loop3A_1002 to %parallel_loop3A_1003 step %parallel_loop3A_1004 iter_args(%parallel_loop3A_1701 = %broadcast_in_dim3A_963, %parallel_loop3A_1702 = %broadcast_in_dim3A_965, %parallel_loop3A_1703 = %broadcast_in_dim3A_967, %parallel_loop3A_1704 = %broadcast_in_dim3A_969, %parallel_loop3A_1705 = %broadcast_in_dim3A_971, %parallel_loop3A_1706 = %broadcast_in_dim3A_973, %parallel_loop3A_1707 = %broadcast_in_dim3A_975, %parallel_loop3A_1708 = %broadcast_in_dim3A_977, %parallel_loop3A_1709 = %broadcast_in_dim3A_979, %parallel_loop3A_1710 = %broadcast_in_dim3A_981, %parallel_loop3A_1711 = %broadcast_in_dim3A_983, %parallel_loop3A_1712 = %broadcast_in_dim3A_985, %parallel_loop3A_1713 = %broadcast_in_dim3A_987, %parallel_loop3A_1714 = %broadcast_in_dim3A_989, %parallel_loop3A_1715 = %broadcast_in_dim3A_991, %parallel_loop3A_1716 = %broadcast_in_dim3A_993, %parallel_loop3A_1717 = %broadcast_in_dim3A_995, %parallel_loop3A_1718 = %broadcast_in_dim3A_997, %parallel_loop3A_1719 = %broadcast_in_dim3A_999, %parallel_loop3A_1720 = %broadcast_in_dim3A_1001) -> (vector<16xf32>, vector<16xf32>, vector<16xf32>, vector<16xf32>, vector<16xf32>, vector<16xf32>, vector<16xf32>, vector<16xf32>, vector<16xf32>, vector<16xf32>, vector<16xf32>, vector<16xf32>, vector<16xf32>, vector<16xf32>, vector<16xf32>, vector<16xf32>, vector<16xf32>, vector<16xf32>, vector<16xf32>, vector<16xf32>)  : i32 {
        %parallel_loop3A_1721 = vector.broadcast %parallel_loop3A_1700 : i32 to vector<16xi32>
        %parallel_loop3A_1722 = tpu.vector_load_idx %arg9[%add3A_901, %parallel_loop3A_1721] : memref<64x64xf32, #tpu.memory_space<vmem>>[vector<16xi32>, vector<16xi32>], vector<16xf32>,
        %parallel_loop3A_1723 = tpu.vector_load_idx %arg10[%add3A_904, %parallel_loop3A_1721] : memref<1280x64xf32, #tpu.memory_space<vmem>>[vector<16xi32>, vector<16xi32>], vector<16xf32>,
        %parallel_loop3A_1724 = arith.mulf %parallel_loop3A_1722, %parallel_loop3A_1723 : vector<16xf32>
        %parallel_loop3A_1725 = arith.addf %parallel_loop3A_1701, %parallel_loop3A_1724 : vector<16xf32>
        %parallel_loop3A_1726 = tpu.vector_load_idx %arg10[%add3A_907, %parallel_loop3A_1721] : memref<1280x64xf32, #tpu.memory_space<vmem>>[vector<16xi32>, vector<16xi32>], vector<16xf32>,
        %parallel_loop3A_1727 = arith.mulf %parallel_loop3A_1722, %parallel_loop3A_1726 : vector<16xf32>
        %parallel_loop3A_1728 = arith.addf %parallel_loop3A_1702, %parallel_loop3A_1727 : vector<16xf32>
        %parallel_loop3A_1729 = tpu.vector_load_idx %arg10[%add3A_910, %parallel_loop3A_1721] : memref<1280x64xf32, #tpu.memory_space<vmem>>[vector<16xi32>, vector<16xi32>], vector<16xf32>,
        %parallel_loop3A_1730 = arith.mulf %parallel_loop3A_1722, %parallel_loop3A_1729 : vector<16xf32>
        %parallel_loop3A_1731 = arith.addf %parallel_loop3A_1703, %parallel_loop3A_1730 : vector<16xf32>
        %parallel_loop3A_1732 = tpu.vector_load_idx %arg10[%add3A_913, %parallel_loop3A_1721] : memref<1280x64xf32, #tpu.memory_space<vmem>>[vector<16xi32>, vector<16xi32>], vector<16xf32>,
        %parallel_loop3A_1733 = arith.mulf %parallel_loop3A_1722, %parallel_loop3A_1732 : vector<16xf32>
        %parallel_loop3A_1734 = arith.addf %parallel_loop3A_1704, %parallel_loop3A_1733 : vector<16xf32>
        %parallel_loop3A_1735 = tpu.vector_load_idx %arg10[%add3A_916, %parallel_loop3A_1721] : memref<1280x64xf32, #tpu.memory_space<vmem>>[vector<16xi32>, vector<16xi32>], vector<16xf32>,
        %parallel_loop3A_1736 = arith.mulf %parallel_loop3A_1722, %parallel_loop3A_1735 : vector<16xf32>
        %parallel_loop3A_1737 = arith.addf %parallel_loop3A_1705, %parallel_loop3A_1736 : vector<16xf32>
        %parallel_loop3A_1738 = tpu.vector_load_idx %arg10[%add3A_919, %parallel_loop3A_1721] : memref<1280x64xf32, #tpu.memory_space<vmem>>[vector<16xi32>, vector<16xi32>], vector<16xf32>,
        %parallel_loop3A_1739 = arith.mulf %parallel_loop3A_1722, %parallel_loop3A_1738 : vector<16xf32>
        %parallel_loop3A_1740 = arith.addf %parallel_loop3A_1706, %parallel_loop3A_1739 : vector<16xf32>
        %parallel_loop3A_1741 = tpu.vector_load_idx %arg10[%add3A_922, %parallel_loop3A_1721] : memref<1280x64xf32, #tpu.memory_space<vmem>>[vector<16xi32>, vector<16xi32>], vector<16xf32>,
        %parallel_loop3A_1742 = arith.mulf %parallel_loop3A_1722, %parallel_loop3A_1741 : vector<16xf32>
        %parallel_loop3A_1743 = arith.addf %parallel_loop3A_1707, %parallel_loop3A_1742 : vector<16xf32>
        %parallel_loop3A_1744 = tpu.vector_load_idx %arg10[%add3A_925, %parallel_loop3A_1721] : memref<1280x64xf32, #tpu.memory_space<vmem>>[vector<16xi32>, vector<16xi32>], vector<16xf32>,
        %parallel_loop3A_1745 = arith.mulf %parallel_loop3A_1722, %parallel_loop3A_1744 : vector<16xf32>
        %parallel_loop3A_1746 = arith.addf %parallel_loop3A_1708, %parallel_loop3A_1745 : vector<16xf32>
        %parallel_loop3A_1747 = tpu.vector_load_idx %arg10[%add3A_928, %parallel_loop3A_1721] : memref<1280x64xf32, #tpu.memory_space<vmem>>[vector<16xi32>, vector<16xi32>], vector<16xf32>,
        %parallel_loop3A_1748 = arith.mulf %parallel_loop3A_1722, %parallel_loop3A_1747 : vector<16xf32>
        %parallel_loop3A_1749 = arith.addf %parallel_loop3A_1709, %parallel_loop3A_1748 : vector<16xf32>
        %parallel_loop3A_1750 = tpu.vector_load_idx %arg10[%add3A_931, %parallel_loop3A_1721] : memref<1280x64xf32, #tpu.memory_space<vmem>>[vector<16xi32>, vector<16xi32>], vector<16xf32>,
        %parallel_loop3A_1751 = arith.mulf %parallel_loop3A_1722, %parallel_loop3A_1750 : vector<16xf32>
        %parallel_loop3A_1752 = arith.addf %parallel_loop3A_1710, %parallel_loop3A_1751 : vector<16xf32>
        %parallel_loop3A_1753 = tpu.vector_load_idx %arg10[%add3A_934, %parallel_loop3A_1721] : memref<1280x64xf32, #tpu.memory_space<vmem>>[vector<16xi32>, vector<16xi32>], vector<16xf32>,
        %parallel_loop3A_1754 = arith.mulf %parallel_loop3A_1722, %parallel_loop3A_1753 : vector<16xf32>
        %parallel_loop3A_1755 = arith.addf %parallel_loop3A_1711, %parallel_loop3A_1754 : vector<16xf32>
        %parallel_loop3A_1756 = tpu.vector_load_idx %arg10[%add3A_937, %parallel_loop3A_1721] : memref<1280x64xf32, #tpu.memory_space<vmem>>[vector<16xi32>, vector<16xi32>], vector<16xf32>,
        %parallel_loop3A_1757 = arith.mulf %parallel_loop3A_1722, %parallel_loop3A_1756 : vector<16xf32>
        %parallel_loop3A_1758 = arith.addf %parallel_loop3A_1712, %parallel_loop3A_1757 : vector<16xf32>
        %parallel_loop3A_1759 = tpu.vector_load_idx %arg10[%add3A_940, %parallel_loop3A_1721] : memref<1280x64xf32, #tpu.memory_space<vmem>>[vector<16xi32>, vector<16xi32>], vector<16xf32>,
        %parallel_loop3A_1760 = arith.mulf %parallel_loop3A_1722, %parallel_loop3A_1759 : vector<16xf32>
        %parallel_loop3A_1761 = arith.addf %parallel_loop3A_1713, %parallel_loop3A_1760 : vector<16xf32>
        %parallel_loop3A_1762 = tpu.vector_load_idx %arg10[%add3A_943, %parallel_loop3A_1721] : memref<1280x64xf32, #tpu.memory_space<vmem>>[vector<16xi32>, vector<16xi32>], vector<16xf32>,
        %parallel_loop3A_1763 = arith.mulf %parallel_loop3A_1722, %parallel_loop3A_1762 : vector<16xf32>
        %parallel_loop3A_1764 = arith.addf %parallel_loop3A_1714, %parallel_loop3A_1763 : vector<16xf32>
        %parallel_loop3A_1765 = tpu.vector_load_idx %arg10[%add3A_946, %parallel_loop3A_1721] : memref<1280x64xf32, #tpu.memory_space<vmem>>[vector<16xi32>, vector<16xi32>], vector<16xf32>,
        %parallel_loop3A_1766 = arith.mulf %parallel_loop3A_1722, %parallel_loop3A_1765 : vector<16xf32>
        %parallel_loop3A_1767 = arith.addf %parallel_loop3A_1715, %parallel_loop3A_1766 : vector<16xf32>
        %parallel_loop3A_1768 = tpu.vector_load_idx %arg10[%add3A_949, %parallel_loop3A_1721] : memref<1280x64xf32, #tpu.memory_space<vmem>>[vector<16xi32>, vector<16xi32>], vector<16xf32>,
        %parallel_loop3A_1769 = arith.mulf %parallel_loop3A_1722, %parallel_loop3A_1768 : vector<16xf32>
        %parallel_loop3A_1770 = arith.addf %parallel_loop3A_1716, %parallel_loop3A_1769 : vector<16xf32>
        %parallel_loop3A_1771 = tpu.vector_load_idx %arg10[%add3A_952, %parallel_loop3A_1721] : memref<1280x64xf32, #tpu.memory_space<vmem>>[vector<16xi32>, vector<16xi32>], vector<16xf32>,
        %parallel_loop3A_1772 = arith.mulf %parallel_loop3A_1722, %parallel_loop3A_1771 : vector<16xf32>
        %parallel_loop3A_1773 = arith.addf %parallel_loop3A_1717, %parallel_loop3A_1772 : vector<16xf32>
        %parallel_loop3A_1774 = tpu.vector_load_idx %arg10[%add3A_955, %parallel_loop3A_1721] : memref<1280x64xf32, #tpu.memory_space<vmem>>[vector<16xi32>, vector<16xi32>], vector<16xf32>,
        %parallel_loop3A_1775 = arith.mulf %parallel_loop3A_1722, %parallel_loop3A_1774 : vector<16xf32>
        %parallel_loop3A_1776 = arith.addf %parallel_loop3A_1718, %parallel_loop3A_1775 : vector<16xf32>
        %parallel_loop3A_1777 = tpu.vector_load_idx %arg10[%add3A_958, %parallel_loop3A_1721] : memref<1280x64xf32, #tpu.memory_space<vmem>>[vector<16xi32>, vector<16xi32>], vector<16xf32>,
        %parallel_loop3A_1778 = arith.mulf %parallel_loop3A_1722, %parallel_loop3A_1777 : vector<16xf32>
        %parallel_loop3A_1779 = arith.addf %parallel_loop3A_1719, %parallel_loop3A_1778 : vector<16xf32>
        %parallel_loop3A_1780 = tpu.vector_load_idx %arg10[%add3A_961, %parallel_loop3A_1721] : memref<1280x64xf32, #tpu.memory_space<vmem>>[vector<16xi32>, vector<16xi32>], vector<16xf32>,
        %parallel_loop3A_1781 = arith.mulf %parallel_loop3A_1722, %parallel_loop3A_1780 : vector<16xf32>
        %parallel_loop3A_1782 = arith.addf %parallel_loop3A_1720, %parallel_loop3A_1781 : vector<16xf32>
        scf.yield %parallel_loop3A_1725, %parallel_loop3A_1728, %parallel_loop3A_1731, %parallel_loop3A_1734, %parallel_loop3A_1737, %parallel_loop3A_1740, %parallel_loop3A_1743, %parallel_loop3A_1746, %parallel_loop3A_1749, %parallel_loop3A_1752, %parallel_loop3A_1755, %parallel_loop3A_1758, %parallel_loop3A_1761, %parallel_loop3A_1764, %parallel_loop3A_1767, %parallel_loop3A_1770, %parallel_loop3A_1773, %parallel_loop3A_1776, %parallel_loop3A_1779, %parallel_loop3A_1782 : vector<16xf32>, vector<16xf32>, vector<16xf32>, vector<16xf32>, vector<16xf32>, vector<16xf32>, vector<16xf32>, vector<16xf32>, vector<16xf32>, vector<16xf32>, vector<16xf32>, vector<16xf32>, vector<16xf32>, vector<16xf32>, vector<16xf32>, vector<16xf32>, vector<16xf32>, vector<16xf32>, vector<16xf32>, vector<16xf32>
      } {sc.loop_unroll_factor = 4 : i64, sc.parallel_access}
      %mul3A_1006 = arith.constant 64 : i32
      %mul3A_1007 = arith.muli %scan3A_105, %mul3A_1006 : i32
      %add3A_1008 = arith.constant 16 : i32
      %add3A_1009 = arith.addi %mul3A_1007, %add3A_1008 : i32
      %swap3A_1010 = arith.constant 0 : i32
      %swap3A_1011 = arith.index_cast %swap3A_1010 : i32 to index
      %swap3A_1012 = arith.index_cast %add3A_1009 : i32 to index
      %swap3A_1013 = tpu.vector_load %arg11[%swap3A_1011, %swap3A_1012] {strides = array<i32>} : memref<20x512xf32, #tpu.memory_space<vmem>>, vector<16xf32>,
      tpu.vector_store %arg11[%swap3A_1011, %swap3A_1012], %parallel_loop3A_1005#0 {strides = array<i32>} : memref<20x512xf32, #tpu.memory_space<vmem>>, vector<16xf32>,
      %mul3A_1014 = arith.constant 64 : i32
      %mul3A_1015 = arith.muli %scan3A_105, %mul3A_1014 : i32
      %add3A_1016 = arith.constant 16 : i32
      %add3A_1017 = arith.addi %mul3A_1015, %add3A_1016 : i32
      %swap3A_1018 = arith.constant 1 : i32
      %swap3A_1019 = arith.index_cast %swap3A_1018 : i32 to index
      %swap3A_1020 = arith.index_cast %add3A_1017 : i32 to index
      %swap3A_1021 = tpu.vector_load %arg11[%swap3A_1019, %swap3A_1020] {strides = array<i32>} : memref<20x512xf32, #tpu.memory_space<vmem>>, vector<16xf32>,
      tpu.vector_store %arg11[%swap3A_1019, %swap3A_1020], %parallel_loop3A_1005#1 {strides = array<i32>} : memref<20x512xf32, #tpu.memory_space<vmem>>, vector<16xf32>,
      %mul3A_1022 = arith.constant 64 : i32
      %mul3A_1023 = arith.muli %scan3A_105, %mul3A_1022 : i32
      %add3A_1024 = arith.constant 16 : i32
      %add3A_1025 = arith.addi %mul3A_1023, %add3A_1024 : i32
      %swap3A_1026 = arith.constant 2 : i32
      %swap3A_1027 = arith.index_cast %swap3A_1026 : i32 to index
      %swap3A_1028 = arith.index_cast %add3A_1025 : i32 to index
      %swap3A_1029 = tpu.vector_load %arg11[%swap3A_1027, %swap3A_1028] {strides = array<i32>} : memref<20x512xf32, #tpu.memory_space<vmem>>, vector<16xf32>,
      tpu.vector_store %arg11[%swap3A_1027, %swap3A_1028], %parallel_loop3A_1005#2 {strides = array<i32>} : memref<20x512xf32, #tpu.memory_space<vmem>>, vector<16xf32>,
      %mul3A_1030 = arith.constant 64 : i32
      %mul3A_1031 = arith.muli %scan3A_105, %mul3A_1030 : i32
      %add3A_1032 = arith.constant 16 : i32
      %add3A_1033 = arith.addi %mul3A_1031, %add3A_1032 : i32
      %swap3A_1034 = arith.constant 3 : i32
      %swap3A_1035 = arith.index_cast %swap3A_1034 : i32 to index
      %swap3A_1036 = arith.index_cast %add3A_1033 : i32 to index
      %swap3A_1037 = tpu.vector_load %arg11[%swap3A_1035, %swap3A_1036] {strides = array<i32>} : memref<20x512xf32, #tpu.memory_space<vmem>>, vector<16xf32>,
      tpu.vector_store %arg11[%swap3A_1035, %swap3A_1036], %parallel_loop3A_1005#3 {strides = array<i32>} : memref<20x512xf32, #tpu.memory_space<vmem>>, vector<16xf32>,
      %mul3A_1038 = arith.constant 64 : i32
      %mul3A_1039 = arith.muli %scan3A_105, %mul3A_1038 : i32
      %add3A_1040 = arith.constant 16 : i32
      %add3A_1041 = arith.addi %mul3A_1039, %add3A_1040 : i32
      %swap3A_1042 = arith.constant 4 : i32
      %swap3A_1043 = arith.index_cast %swap3A_1042 : i32 to index
      %swap3A_1044 = arith.index_cast %add3A_1041 : i32 to index
      %swap3A_1045 = tpu.vector_load %arg11[%swap3A_1043, %swap3A_1044] {strides = array<i32>} : memref<20x512xf32, #tpu.memory_space<vmem>>, vector<16xf32>,
      tpu.vector_store %arg11[%swap3A_1043, %swap3A_1044], %parallel_loop3A_1005#4 {strides = array<i32>} : memref<20x512xf32, #tpu.memory_space<vmem>>, vector<16xf32>,
      %mul3A_1046 = arith.constant 64 : i32
      %mul3A_1047 = arith.muli %scan3A_105, %mul3A_1046 : i32
      %add3A_1048 = arith.constant 16 : i32
      %add3A_1049 = arith.addi %mul3A_1047, %add3A_1048 : i32
      %swap3A_1050 = arith.constant 5 : i32
      %swap3A_1051 = arith.index_cast %swap3A_1050 : i32 to index
      %swap3A_1052 = arith.index_cast %add3A_1049 : i32 to index
      %swap3A_1053 = tpu.vector_load %arg11[%swap3A_1051, %swap3A_1052] {strides = array<i32>} : memref<20x512xf32, #tpu.memory_space<vmem>>, vector<16xf32>,
      tpu.vector_store %arg11[%swap3A_1051, %swap3A_1052], %parallel_loop3A_1005#5 {strides = array<i32>} : memref<20x512xf32, #tpu.memory_space<vmem>>, vector<16xf32>,
      %mul3A_1054 = arith.constant 64 : i32
      %mul3A_1055 = arith.muli %scan3A_105, %mul3A_1054 : i32
      %add3A_1056 = arith.constant 16 : i32
      %add3A_1057 = arith.addi %mul3A_1055, %add3A_1056 : i32
      %swap3A_1058 = arith.constant 6 : i32
      %swap3A_1059 = arith.index_cast %swap3A_1058 : i32 to index
      %swap3A_1060 = arith.index_cast %add3A_1057 : i32 to index
      %swap3A_1061 = tpu.vector_load %arg11[%swap3A_1059, %swap3A_1060] {strides = array<i32>} : memref<20x512xf32, #tpu.memory_space<vmem>>, vector<16xf32>,
      tpu.vector_store %arg11[%swap3A_1059, %swap3A_1060], %parallel_loop3A_1005#6 {strides = array<i32>} : memref<20x512xf32, #tpu.memory_space<vmem>>, vector<16xf32>,
      %mul3A_1062 = arith.constant 64 : i32
      %mul3A_1063 = arith.muli %scan3A_105, %mul3A_1062 : i32
      %add3A_1064 = arith.constant 16 : i32
      %add3A_1065 = arith.addi %mul3A_1063, %add3A_1064 : i32
      %swap3A_1066 = arith.constant 7 : i32
      %swap3A_1067 = arith.index_cast %swap3A_1066 : i32 to index
      %swap3A_1068 = arith.index_cast %add3A_1065 : i32 to index
      %swap3A_1069 = tpu.vector_load %arg11[%swap3A_1067, %swap3A_1068] {strides = array<i32>} : memref<20x512xf32, #tpu.memory_space<vmem>>, vector<16xf32>,
      tpu.vector_store %arg11[%swap3A_1067, %swap3A_1068], %parallel_loop3A_1005#7 {strides = array<i32>} : memref<20x512xf32, #tpu.memory_space<vmem>>, vector<16xf32>,
      %mul3A_1070 = arith.constant 64 : i32
      %mul3A_1071 = arith.muli %scan3A_105, %mul3A_1070 : i32
      %add3A_1072 = arith.constant 16 : i32
      %add3A_1073 = arith.addi %mul3A_1071, %add3A_1072 : i32
      %swap3A_1074 = arith.constant 8 : i32
      %swap3A_1075 = arith.index_cast %swap3A_1074 : i32 to index
      %swap3A_1076 = arith.index_cast %add3A_1073 : i32 to index
      %swap3A_1077 = tpu.vector_load %arg11[%swap3A_1075, %swap3A_1076] {strides = array<i32>} : memref<20x512xf32, #tpu.memory_space<vmem>>, vector<16xf32>,
      tpu.vector_store %arg11[%swap3A_1075, %swap3A_1076], %parallel_loop3A_1005#8 {strides = array<i32>} : memref<20x512xf32, #tpu.memory_space<vmem>>, vector<16xf32>,
      %mul3A_1078 = arith.constant 64 : i32
      %mul3A_1079 = arith.muli %scan3A_105, %mul3A_1078 : i32
      %add3A_1080 = arith.constant 16 : i32
      %add3A_1081 = arith.addi %mul3A_1079, %add3A_1080 : i32
      %swap3A_1082 = arith.constant 9 : i32
      %swap3A_1083 = arith.index_cast %swap3A_1082 : i32 to index
      %swap3A_1084 = arith.index_cast %add3A_1081 : i32 to index
      %swap3A_1085 = tpu.vector_load %arg11[%swap3A_1083, %swap3A_1084] {strides = array<i32>} : memref<20x512xf32, #tpu.memory_space<vmem>>, vector<16xf32>,
      tpu.vector_store %arg11[%swap3A_1083, %swap3A_1084], %parallel_loop3A_1005#9 {strides = array<i32>} : memref<20x512xf32, #tpu.memory_space<vmem>>, vector<16xf32>,
      %mul3A_1086 = arith.constant 64 : i32
      %mul3A_1087 = arith.muli %scan3A_105, %mul3A_1086 : i32
      %add3A_1088 = arith.constant 16 : i32
      %add3A_1089 = arith.addi %mul3A_1087, %add3A_1088 : i32
      %swap3A_1090 = arith.constant 10 : i32
      %swap3A_1091 = arith.index_cast %swap3A_1090 : i32 to index
      %swap3A_1092 = arith.index_cast %add3A_1089 : i32 to index
      %swap3A_1093 = tpu.vector_load %arg11[%swap3A_1091, %swap3A_1092] {strides = array<i32>} : memref<20x512xf32, #tpu.memory_space<vmem>>, vector<16xf32>,
      tpu.vector_store %arg11[%swap3A_1091, %swap3A_1092], %parallel_loop3A_1005#10 {strides = array<i32>} : memref<20x512xf32, #tpu.memory_space<vmem>>, vector<16xf32>,
      %mul3A_1094 = arith.constant 64 : i32
      %mul3A_1095 = arith.muli %scan3A_105, %mul3A_1094 : i32
      %add3A_1096 = arith.constant 16 : i32
      %add3A_1097 = arith.addi %mul3A_1095, %add3A_1096 : i32
      %swap3A_1098 = arith.constant 11 : i32
      %swap3A_1099 = arith.index_cast %swap3A_1098 : i32 to index
      %swap3A_1100 = arith.index_cast %add3A_1097 : i32 to index
      %swap3A_1101 = tpu.vector_load %arg11[%swap3A_1099, %swap3A_1100] {strides = array<i32>} : memref<20x512xf32, #tpu.memory_space<vmem>>, vector<16xf32>,
      tpu.vector_store %arg11[%swap3A_1099, %swap3A_1100], %parallel_loop3A_1005#11 {strides = array<i32>} : memref<20x512xf32, #tpu.memory_space<vmem>>, vector<16xf32>,
      %mul3A_1102 = arith.constant 64 : i32
      %mul3A_1103 = arith.muli %scan3A_105, %mul3A_1102 : i32
      %add3A_1104 = arith.constant 16 : i32
      %add3A_1105 = arith.addi %mul3A_1103, %add3A_1104 : i32
      %swap3A_1106 = arith.constant 12 : i32
      %swap3A_1107 = arith.index_cast %swap3A_1106 : i32 to index
      %swap3A_1108 = arith.index_cast %add3A_1105 : i32 to index
      %swap3A_1109 = tpu.vector_load %arg11[%swap3A_1107, %swap3A_1108] {strides = array<i32>} : memref<20x512xf32, #tpu.memory_space<vmem>>, vector<16xf32>,
      tpu.vector_store %arg11[%swap3A_1107, %swap3A_1108], %parallel_loop3A_1005#12 {strides = array<i32>} : memref<20x512xf32, #tpu.memory_space<vmem>>, vector<16xf32>,
      %mul3A_1110 = arith.constant 64 : i32
      %mul3A_1111 = arith.muli %scan3A_105, %mul3A_1110 : i32
      %add3A_1112 = arith.constant 16 : i32
      %add3A_1113 = arith.addi %mul3A_1111, %add3A_1112 : i32
      %swap3A_1114 = arith.constant 13 : i32
      %swap3A_1115 = arith.index_cast %swap3A_1114 : i32 to index
      %swap3A_1116 = arith.index_cast %add3A_1113 : i32 to index
      %swap3A_1117 = tpu.vector_load %arg11[%swap3A_1115, %swap3A_1116] {strides = array<i32>} : memref<20x512xf32, #tpu.memory_space<vmem>>, vector<16xf32>,
      tpu.vector_store %arg11[%swap3A_1115, %swap3A_1116], %parallel_loop3A_1005#13 {strides = array<i32>} : memref<20x512xf32, #tpu.memory_space<vmem>>, vector<16xf32>,
      %mul3A_1118 = arith.constant 64 : i32
      %mul3A_1119 = arith.muli %scan3A_105, %mul3A_1118 : i32
      %add3A_1120 = arith.constant 16 : i32
      %add3A_1121 = arith.addi %mul3A_1119, %add3A_1120 : i32
      %swap3A_1122 = arith.constant 14 : i32
      %swap3A_1123 = arith.index_cast %swap3A_1122 : i32 to index
      %swap3A_1124 = arith.index_cast %add3A_1121 : i32 to index
      %swap3A_1125 = tpu.vector_load %arg11[%swap3A_1123, %swap3A_1124] {strides = array<i32>} : memref<20x512xf32, #tpu.memory_space<vmem>>, vector<16xf32>,
      tpu.vector_store %arg11[%swap3A_1123, %swap3A_1124], %parallel_loop3A_1005#14 {strides = array<i32>} : memref<20x512xf32, #tpu.memory_space<vmem>>, vector<16xf32>,
      %mul3A_1126 = arith.constant 64 : i32
      %mul3A_1127 = arith.muli %scan3A_105, %mul3A_1126 : i32
      %add3A_1128 = arith.constant 16 : i32
      %add3A_1129 = arith.addi %mul3A_1127, %add3A_1128 : i32
      %swap3A_1130 = arith.constant 15 : i32
      %swap3A_1131 = arith.index_cast %swap3A_1130 : i32 to index
      %swap3A_1132 = arith.index_cast %add3A_1129 : i32 to index
      %swap3A_1133 = tpu.vector_load %arg11[%swap3A_1131, %swap3A_1132] {strides = array<i32>} : memref<20x512xf32, #tpu.memory_space<vmem>>, vector<16xf32>,
      tpu.vector_store %arg11[%swap3A_1131, %swap3A_1132], %parallel_loop3A_1005#15 {strides = array<i32>} : memref<20x512xf32, #tpu.memory_space<vmem>>, vector<16xf32>,
      %mul3A_1134 = arith.constant 64 : i32
      %mul3A_1135 = arith.muli %scan3A_105, %mul3A_1134 : i32
      %add3A_1136 = arith.constant 16 : i32
      %add3A_1137 = arith.addi %mul3A_1135, %add3A_1136 : i32
      %swap3A_1138 = arith.constant 16 : i32
      %swap3A_1139 = arith.index_cast %swap3A_1138 : i32 to index
      %swap3A_1140 = arith.index_cast %add3A_1137 : i32 to index
      %swap3A_1141 = tpu.vector_load %arg11[%swap3A_1139, %swap3A_1140] {strides = array<i32>} : memref<20x512xf32, #tpu.memory_space<vmem>>, vector<16xf32>,
      tpu.vector_store %arg11[%swap3A_1139, %swap3A_1140], %parallel_loop3A_1005#16 {strides = array<i32>} : memref<20x512xf32, #tpu.memory_space<vmem>>, vector<16xf32>,
      %mul3A_1142 = arith.constant 64 : i32
      %mul3A_1143 = arith.muli %scan3A_105, %mul3A_1142 : i32
      %add3A_1144 = arith.constant 16 : i32
      %add3A_1145 = arith.addi %mul3A_1143, %add3A_1144 : i32
      %swap3A_1146 = arith.constant 17 : i32
      %swap3A_1147 = arith.index_cast %swap3A_1146 : i32 to index
      %swap3A_1148 = arith.index_cast %add3A_1145 : i32 to index
      %swap3A_1149 = tpu.vector_load %arg11[%swap3A_1147, %swap3A_1148] {strides = array<i32>} : memref<20x512xf32, #tpu.memory_space<vmem>>, vector<16xf32>,
      tpu.vector_store %arg11[%swap3A_1147, %swap3A_1148], %parallel_loop3A_1005#17 {strides = array<i32>} : memref<20x512xf32, #tpu.memory_space<vmem>>, vector<16xf32>,
      %mul3A_1150 = arith.constant 64 : i32
      %mul3A_1151 = arith.muli %scan3A_105, %mul3A_1150 : i32
      %add3A_1152 = arith.constant 16 : i32
      %add3A_1153 = arith.addi %mul3A_1151, %add3A_1152 : i32
      %swap3A_1154 = arith.constant 18 : i32
      %swap3A_1155 = arith.index_cast %swap3A_1154 : i32 to index
      %swap3A_1156 = arith.index_cast %add3A_1153 : i32 to index
      %swap3A_1157 = tpu.vector_load %arg11[%swap3A_1155, %swap3A_1156] {strides = array<i32>} : memref<20x512xf32, #tpu.memory_space<vmem>>, vector<16xf32>,
      tpu.vector_store %arg11[%swap3A_1155, %swap3A_1156], %parallel_loop3A_1005#18 {strides = array<i32>} : memref<20x512xf32, #tpu.memory_space<vmem>>, vector<16xf32>,
      %mul3A_1158 = arith.constant 64 : i32
      %mul3A_1159 = arith.muli %scan3A_105, %mul3A_1158 : i32
      %add3A_1160 = arith.constant 16 : i32
      %add3A_1161 = arith.addi %mul3A_1159, %add3A_1160 : i32
      %swap3A_1162 = arith.constant 19 : i32
      %swap3A_1163 = arith.index_cast %swap3A_1162 : i32 to index
      %swap3A_1164 = arith.index_cast %add3A_1161 : i32 to index
      %swap3A_1165 = tpu.vector_load %arg11[%swap3A_1163, %swap3A_1164] {strides = array<i32>} : memref<20x512xf32, #tpu.memory_space<vmem>>, vector<16xf32>,
      tpu.vector_store %arg11[%swap3A_1163, %swap3A_1164], %parallel_loop3A_1005#19 {strides = array<i32>} : memref<20x512xf32, #tpu.memory_space<vmem>>, vector<16xf32>,
      %add3A_1166 = arith.constant 32 : i32
      %add3A_1167 = vector.broadcast %add3A_1166 : i32 to vector<16xi32>
      %add3A_1168 = arith.addi %iota3A, %add3A_1167 : vector<16xi32>
      %add3A_1169 = arith.constant 32 : i32
      %add3A_1170 = vector.broadcast %add3A_1169 : i32 to vector<16xi32>
      %add3A_1171 = arith.addi %add3A_1168, %add3A_1170 : vector<16xi32>
      %add3A_1172 = arith.constant 96 : i32
      %add3A_1173 = vector.broadcast %add3A_1172 : i32 to vector<16xi32>
      %add3A_1174 = arith.addi %add3A_1168, %add3A_1173 : vector<16xi32>
      %add3A_1175 = arith.constant 160 : i32
      %add3A_1176 = vector.broadcast %add3A_1175 : i32 to vector<16xi32>
      %add3A_1177 = arith.addi %add3A_1168, %add3A_1176 : vector<16xi32>
      %add3A_1178 = arith.constant 224 : i32
      %add3A_1179 = vector.broadcast %add3A_1178 : i32 to vector<16xi32>
      %add3A_1180 = arith.addi %add3A_1168, %add3A_1179 : vector<16xi32>
      %add3A_1181 = arith.constant 288 : i32
      %add3A_1182 = vector.broadcast %add3A_1181 : i32 to vector<16xi32>
      %add3A_1183 = arith.addi %add3A_1168, %add3A_1182 : vector<16xi32>
      %add3A_1184 = arith.constant 352 : i32
      %add3A_1185 = vector.broadcast %add3A_1184 : i32 to vector<16xi32>
      %add3A_1186 = arith.addi %add3A_1168, %add3A_1185 : vector<16xi32>
      %add3A_1187 = arith.constant 416 : i32
      %add3A_1188 = vector.broadcast %add3A_1187 : i32 to vector<16xi32>
      %add3A_1189 = arith.addi %add3A_1168, %add3A_1188 : vector<16xi32>
      %add3A_1190 = arith.constant 480 : i32
      %add3A_1191 = vector.broadcast %add3A_1190 : i32 to vector<16xi32>
      %add3A_1192 = arith.addi %add3A_1168, %add3A_1191 : vector<16xi32>
      %add3A_1193 = arith.constant 544 : i32
      %add3A_1194 = vector.broadcast %add3A_1193 : i32 to vector<16xi32>
      %add3A_1195 = arith.addi %add3A_1168, %add3A_1194 : vector<16xi32>
      %add3A_1196 = arith.constant 608 : i32
      %add3A_1197 = vector.broadcast %add3A_1196 : i32 to vector<16xi32>
      %add3A_1198 = arith.addi %add3A_1168, %add3A_1197 : vector<16xi32>
      %add3A_1199 = arith.constant 672 : i32
      %add3A_1200 = vector.broadcast %add3A_1199 : i32 to vector<16xi32>
      %add3A_1201 = arith.addi %add3A_1168, %add3A_1200 : vector<16xi32>
      %add3A_1202 = arith.constant 736 : i32
      %add3A_1203 = vector.broadcast %add3A_1202 : i32 to vector<16xi32>
      %add3A_1204 = arith.addi %add3A_1168, %add3A_1203 : vector<16xi32>
      %add3A_1205 = arith.constant 800 : i32
      %add3A_1206 = vector.broadcast %add3A_1205 : i32 to vector<16xi32>
      %add3A_1207 = arith.addi %add3A_1168, %add3A_1206 : vector<16xi32>
      %add3A_1208 = arith.constant 864 : i32
      %add3A_1209 = vector.broadcast %add3A_1208 : i32 to vector<16xi32>
      %add3A_1210 = arith.addi %add3A_1168, %add3A_1209 : vector<16xi32>
      %add3A_1211 = arith.constant 928 : i32
      %add3A_1212 = vector.broadcast %add3A_1211 : i32 to vector<16xi32>
      %add3A_1213 = arith.addi %add3A_1168, %add3A_1212 : vector<16xi32>
      %add3A_1214 = arith.constant 992 : i32
      %add3A_1215 = vector.broadcast %add3A_1214 : i32 to vector<16xi32>
      %add3A_1216 = arith.addi %add3A_1168, %add3A_1215 : vector<16xi32>
      %add3A_1217 = arith.constant 1056 : i32
      %add3A_1218 = vector.broadcast %add3A_1217 : i32 to vector<16xi32>
      %add3A_1219 = arith.addi %add3A_1168, %add3A_1218 : vector<16xi32>
      %add3A_1220 = arith.constant 1120 : i32
      %add3A_1221 = vector.broadcast %add3A_1220 : i32 to vector<16xi32>
      %add3A_1222 = arith.addi %add3A_1168, %add3A_1221 : vector<16xi32>
      %add3A_1223 = arith.constant 1184 : i32
      %add3A_1224 = vector.broadcast %add3A_1223 : i32 to vector<16xi32>
      %add3A_1225 = arith.addi %add3A_1168, %add3A_1224 : vector<16xi32>
      %add3A_1226 = arith.constant 1248 : i32
      %add3A_1227 = vector.broadcast %add3A_1226 : i32 to vector<16xi32>
      %add3A_1228 = arith.addi %add3A_1168, %add3A_1227 : vector<16xi32>
      %broadcast_in_dim3A_1229 = arith.constant 0.000000e+00 : f32
      %broadcast_in_dim3A_1230 = vector.broadcast %broadcast_in_dim3A_1229 : f32 to vector<16xf32>
      %broadcast_in_dim3A_1231 = arith.constant 0.000000e+00 : f32
      %broadcast_in_dim3A_1232 = vector.broadcast %broadcast_in_dim3A_1231 : f32 to vector<16xf32>
      %broadcast_in_dim3A_1233 = arith.constant 0.000000e+00 : f32
      %broadcast_in_dim3A_1234 = vector.broadcast %broadcast_in_dim3A_1233 : f32 to vector<16xf32>
      %broadcast_in_dim3A_1235 = arith.constant 0.000000e+00 : f32
      %broadcast_in_dim3A_1236 = vector.broadcast %broadcast_in_dim3A_1235 : f32 to vector<16xf32>
      %broadcast_in_dim3A_1237 = arith.constant 0.000000e+00 : f32
      %broadcast_in_dim3A_1238 = vector.broadcast %broadcast_in_dim3A_1237 : f32 to vector<16xf32>
      %broadcast_in_dim3A_1239 = arith.constant 0.000000e+00 : f32
      %broadcast_in_dim3A_1240 = vector.broadcast %broadcast_in_dim3A_1239 : f32 to vector<16xf32>
      %broadcast_in_dim3A_1241 = arith.constant 0.000000e+00 : f32
      %broadcast_in_dim3A_1242 = vector.broadcast %broadcast_in_dim3A_1241 : f32 to vector<16xf32>
      %broadcast_in_dim3A_1243 = arith.constant 0.000000e+00 : f32
      %broadcast_in_dim3A_1244 = vector.broadcast %broadcast_in_dim3A_1243 : f32 to vector<16xf32>
      %broadcast_in_dim3A_1245 = arith.constant 0.000000e+00 : f32
      %broadcast_in_dim3A_1246 = vector.broadcast %broadcast_in_dim3A_1245 : f32 to vector<16xf32>
      %broadcast_in_dim3A_1247 = arith.constant 0.000000e+00 : f32
      %broadcast_in_dim3A_1248 = vector.broadcast %broadcast_in_dim3A_1247 : f32 to vector<16xf32>
      %broadcast_in_dim3A_1249 = arith.constant 0.000000e+00 : f32
      %broadcast_in_dim3A_1250 = vector.broadcast %broadcast_in_dim3A_1249 : f32 to vector<16xf32>
      %broadcast_in_dim3A_1251 = arith.constant 0.000000e+00 : f32
      %broadcast_in_dim3A_1252 = vector.broadcast %broadcast_in_dim3A_1251 : f32 to vector<16xf32>
      %broadcast_in_dim3A_1253 = arith.constant 0.000000e+00 : f32
      %broadcast_in_dim3A_1254 = vector.broadcast %broadcast_in_dim3A_1253 : f32 to vector<16xf32>
      %broadcast_in_dim3A_1255 = arith.constant 0.000000e+00 : f32
      %broadcast_in_dim3A_1256 = vector.broadcast %broadcast_in_dim3A_1255 : f32 to vector<16xf32>
      %broadcast_in_dim3A_1257 = arith.constant 0.000000e+00 : f32
      %broadcast_in_dim3A_1258 = vector.broadcast %broadcast_in_dim3A_1257 : f32 to vector<16xf32>
      %broadcast_in_dim3A_1259 = arith.constant 0.000000e+00 : f32
      %broadcast_in_dim3A_1260 = vector.broadcast %broadcast_in_dim3A_1259 : f32 to vector<16xf32>
      %broadcast_in_dim3A_1261 = arith.constant 0.000000e+00 : f32
      %broadcast_in_dim3A_1262 = vector.broadcast %broadcast_in_dim3A_1261 : f32 to vector<16xf32>
      %broadcast_in_dim3A_1263 = arith.constant 0.000000e+00 : f32
      %broadcast_in_dim3A_1264 = vector.broadcast %broadcast_in_dim3A_1263 : f32 to vector<16xf32>
      %broadcast_in_dim3A_1265 = arith.constant 0.000000e+00 : f32
      %broadcast_in_dim3A_1266 = vector.broadcast %broadcast_in_dim3A_1265 : f32 to vector<16xf32>
      %broadcast_in_dim3A_1267 = arith.constant 0.000000e+00 : f32
      %broadcast_in_dim3A_1268 = vector.broadcast %broadcast_in_dim3A_1267 : f32 to vector<16xf32>
      %parallel_loop3A_1269 = arith.constant 0 : i32
      %parallel_loop3A_1270 = arith.constant 64 : i32
      %parallel_loop3A_1271 = arith.constant 1 : i32
      %parallel_loop3A_1272:20 = scf.for %parallel_loop3A_1700 = %parallel_loop3A_1269 to %parallel_loop3A_1270 step %parallel_loop3A_1271 iter_args(%parallel_loop3A_1701 = %broadcast_in_dim3A_1230, %parallel_loop3A_1702 = %broadcast_in_dim3A_1232, %parallel_loop3A_1703 = %broadcast_in_dim3A_1234, %parallel_loop3A_1704 = %broadcast_in_dim3A_1236, %parallel_loop3A_1705 = %broadcast_in_dim3A_1238, %parallel_loop3A_1706 = %broadcast_in_dim3A_1240, %parallel_loop3A_1707 = %broadcast_in_dim3A_1242, %parallel_loop3A_1708 = %broadcast_in_dim3A_1244, %parallel_loop3A_1709 = %broadcast_in_dim3A_1246, %parallel_loop3A_1710 = %broadcast_in_dim3A_1248, %parallel_loop3A_1711 = %broadcast_in_dim3A_1250, %parallel_loop3A_1712 = %broadcast_in_dim3A_1252, %parallel_loop3A_1713 = %broadcast_in_dim3A_1254, %parallel_loop3A_1714 = %broadcast_in_dim3A_1256, %parallel_loop3A_1715 = %broadcast_in_dim3A_1258, %parallel_loop3A_1716 = %broadcast_in_dim3A_1260, %parallel_loop3A_1717 = %broadcast_in_dim3A_1262, %parallel_loop3A_1718 = %broadcast_in_dim3A_1264, %parallel_loop3A_1719 = %broadcast_in_dim3A_1266, %parallel_loop3A_1720 = %broadcast_in_dim3A_1268) -> (vector<16xf32>, vector<16xf32>, vector<16xf32>, vector<16xf32>, vector<16xf32>, vector<16xf32>, vector<16xf32>, vector<16xf32>, vector<16xf32>, vector<16xf32>, vector<16xf32>, vector<16xf32>, vector<16xf32>, vector<16xf32>, vector<16xf32>, vector<16xf32>, vector<16xf32>, vector<16xf32>, vector<16xf32>, vector<16xf32>)  : i32 {
        %parallel_loop3A_1721 = vector.broadcast %parallel_loop3A_1700 : i32 to vector<16xi32>
        %parallel_loop3A_1722 = tpu.vector_load_idx %arg9[%add3A_1168, %parallel_loop3A_1721] : memref<64x64xf32, #tpu.memory_space<vmem>>[vector<16xi32>, vector<16xi32>], vector<16xf32>,
        %parallel_loop3A_1723 = tpu.vector_load_idx %arg10[%add3A_1171, %parallel_loop3A_1721] : memref<1280x64xf32, #tpu.memory_space<vmem>>[vector<16xi32>, vector<16xi32>], vector<16xf32>,
        %parallel_loop3A_1724 = arith.mulf %parallel_loop3A_1722, %parallel_loop3A_1723 : vector<16xf32>
        %parallel_loop3A_1725 = arith.addf %parallel_loop3A_1701, %parallel_loop3A_1724 : vector<16xf32>
        %parallel_loop3A_1726 = tpu.vector_load_idx %arg10[%add3A_1174, %parallel_loop3A_1721] : memref<1280x64xf32, #tpu.memory_space<vmem>>[vector<16xi32>, vector<16xi32>], vector<16xf32>,
        %parallel_loop3A_1727 = arith.mulf %parallel_loop3A_1722, %parallel_loop3A_1726 : vector<16xf32>
        %parallel_loop3A_1728 = arith.addf %parallel_loop3A_1702, %parallel_loop3A_1727 : vector<16xf32>
        %parallel_loop3A_1729 = tpu.vector_load_idx %arg10[%add3A_1177, %parallel_loop3A_1721] : memref<1280x64xf32, #tpu.memory_space<vmem>>[vector<16xi32>, vector<16xi32>], vector<16xf32>,
        %parallel_loop3A_1730 = arith.mulf %parallel_loop3A_1722, %parallel_loop3A_1729 : vector<16xf32>
        %parallel_loop3A_1731 = arith.addf %parallel_loop3A_1703, %parallel_loop3A_1730 : vector<16xf32>
        %parallel_loop3A_1732 = tpu.vector_load_idx %arg10[%add3A_1180, %parallel_loop3A_1721] : memref<1280x64xf32, #tpu.memory_space<vmem>>[vector<16xi32>, vector<16xi32>], vector<16xf32>,
        %parallel_loop3A_1733 = arith.mulf %parallel_loop3A_1722, %parallel_loop3A_1732 : vector<16xf32>
        %parallel_loop3A_1734 = arith.addf %parallel_loop3A_1704, %parallel_loop3A_1733 : vector<16xf32>
        %parallel_loop3A_1735 = tpu.vector_load_idx %arg10[%add3A_1183, %parallel_loop3A_1721] : memref<1280x64xf32, #tpu.memory_space<vmem>>[vector<16xi32>, vector<16xi32>], vector<16xf32>,
        %parallel_loop3A_1736 = arith.mulf %parallel_loop3A_1722, %parallel_loop3A_1735 : vector<16xf32>
        %parallel_loop3A_1737 = arith.addf %parallel_loop3A_1705, %parallel_loop3A_1736 : vector<16xf32>
        %parallel_loop3A_1738 = tpu.vector_load_idx %arg10[%add3A_1186, %parallel_loop3A_1721] : memref<1280x64xf32, #tpu.memory_space<vmem>>[vector<16xi32>, vector<16xi32>], vector<16xf32>,
        %parallel_loop3A_1739 = arith.mulf %parallel_loop3A_1722, %parallel_loop3A_1738 : vector<16xf32>
        %parallel_loop3A_1740 = arith.addf %parallel_loop3A_1706, %parallel_loop3A_1739 : vector<16xf32>
        %parallel_loop3A_1741 = tpu.vector_load_idx %arg10[%add3A_1189, %parallel_loop3A_1721] : memref<1280x64xf32, #tpu.memory_space<vmem>>[vector<16xi32>, vector<16xi32>], vector<16xf32>,
        %parallel_loop3A_1742 = arith.mulf %parallel_loop3A_1722, %parallel_loop3A_1741 : vector<16xf32>
        %parallel_loop3A_1743 = arith.addf %parallel_loop3A_1707, %parallel_loop3A_1742 : vector<16xf32>
        %parallel_loop3A_1744 = tpu.vector_load_idx %arg10[%add3A_1192, %parallel_loop3A_1721] : memref<1280x64xf32, #tpu.memory_space<vmem>>[vector<16xi32>, vector<16xi32>], vector<16xf32>,
        %parallel_loop3A_1745 = arith.mulf %parallel_loop3A_1722, %parallel_loop3A_1744 : vector<16xf32>
        %parallel_loop3A_1746 = arith.addf %parallel_loop3A_1708, %parallel_loop3A_1745 : vector<16xf32>
        %parallel_loop3A_1747 = tpu.vector_load_idx %arg10[%add3A_1195, %parallel_loop3A_1721] : memref<1280x64xf32, #tpu.memory_space<vmem>>[vector<16xi32>, vector<16xi32>], vector<16xf32>,
        %parallel_loop3A_1748 = arith.mulf %parallel_loop3A_1722, %parallel_loop3A_1747 : vector<16xf32>
        %parallel_loop3A_1749 = arith.addf %parallel_loop3A_1709, %parallel_loop3A_1748 : vector<16xf32>
        %parallel_loop3A_1750 = tpu.vector_load_idx %arg10[%add3A_1198, %parallel_loop3A_1721] : memref<1280x64xf32, #tpu.memory_space<vmem>>[vector<16xi32>, vector<16xi32>], vector<16xf32>,
        %parallel_loop3A_1751 = arith.mulf %parallel_loop3A_1722, %parallel_loop3A_1750 : vector<16xf32>
        %parallel_loop3A_1752 = arith.addf %parallel_loop3A_1710, %parallel_loop3A_1751 : vector<16xf32>
        %parallel_loop3A_1753 = tpu.vector_load_idx %arg10[%add3A_1201, %parallel_loop3A_1721] : memref<1280x64xf32, #tpu.memory_space<vmem>>[vector<16xi32>, vector<16xi32>], vector<16xf32>,
        %parallel_loop3A_1754 = arith.mulf %parallel_loop3A_1722, %parallel_loop3A_1753 : vector<16xf32>
        %parallel_loop3A_1755 = arith.addf %parallel_loop3A_1711, %parallel_loop3A_1754 : vector<16xf32>
        %parallel_loop3A_1756 = tpu.vector_load_idx %arg10[%add3A_1204, %parallel_loop3A_1721] : memref<1280x64xf32, #tpu.memory_space<vmem>>[vector<16xi32>, vector<16xi32>], vector<16xf32>,
        %parallel_loop3A_1757 = arith.mulf %parallel_loop3A_1722, %parallel_loop3A_1756 : vector<16xf32>
        %parallel_loop3A_1758 = arith.addf %parallel_loop3A_1712, %parallel_loop3A_1757 : vector<16xf32>
        %parallel_loop3A_1759 = tpu.vector_load_idx %arg10[%add3A_1207, %parallel_loop3A_1721] : memref<1280x64xf32, #tpu.memory_space<vmem>>[vector<16xi32>, vector<16xi32>], vector<16xf32>,
        %parallel_loop3A_1760 = arith.mulf %parallel_loop3A_1722, %parallel_loop3A_1759 : vector<16xf32>
        %parallel_loop3A_1761 = arith.addf %parallel_loop3A_1713, %parallel_loop3A_1760 : vector<16xf32>
        %parallel_loop3A_1762 = tpu.vector_load_idx %arg10[%add3A_1210, %parallel_loop3A_1721] : memref<1280x64xf32, #tpu.memory_space<vmem>>[vector<16xi32>, vector<16xi32>], vector<16xf32>,
        %parallel_loop3A_1763 = arith.mulf %parallel_loop3A_1722, %parallel_loop3A_1762 : vector<16xf32>
        %parallel_loop3A_1764 = arith.addf %parallel_loop3A_1714, %parallel_loop3A_1763 : vector<16xf32>
        %parallel_loop3A_1765 = tpu.vector_load_idx %arg10[%add3A_1213, %parallel_loop3A_1721] : memref<1280x64xf32, #tpu.memory_space<vmem>>[vector<16xi32>, vector<16xi32>], vector<16xf32>,
        %parallel_loop3A_1766 = arith.mulf %parallel_loop3A_1722, %parallel_loop3A_1765 : vector<16xf32>
        %parallel_loop3A_1767 = arith.addf %parallel_loop3A_1715, %parallel_loop3A_1766 : vector<16xf32>
        %parallel_loop3A_1768 = tpu.vector_load_idx %arg10[%add3A_1216, %parallel_loop3A_1721] : memref<1280x64xf32, #tpu.memory_space<vmem>>[vector<16xi32>, vector<16xi32>], vector<16xf32>,
        %parallel_loop3A_1769 = arith.mulf %parallel_loop3A_1722, %parallel_loop3A_1768 : vector<16xf32>
        %parallel_loop3A_1770 = arith.addf %parallel_loop3A_1716, %parallel_loop3A_1769 : vector<16xf32>
        %parallel_loop3A_1771 = tpu.vector_load_idx %arg10[%add3A_1219, %parallel_loop3A_1721] : memref<1280x64xf32, #tpu.memory_space<vmem>>[vector<16xi32>, vector<16xi32>], vector<16xf32>,
        %parallel_loop3A_1772 = arith.mulf %parallel_loop3A_1722, %parallel_loop3A_1771 : vector<16xf32>
        %parallel_loop3A_1773 = arith.addf %parallel_loop3A_1717, %parallel_loop3A_1772 : vector<16xf32>
        %parallel_loop3A_1774 = tpu.vector_load_idx %arg10[%add3A_1222, %parallel_loop3A_1721] : memref<1280x64xf32, #tpu.memory_space<vmem>>[vector<16xi32>, vector<16xi32>], vector<16xf32>,
        %parallel_loop3A_1775 = arith.mulf %parallel_loop3A_1722, %parallel_loop3A_1774 : vector<16xf32>
        %parallel_loop3A_1776 = arith.addf %parallel_loop3A_1718, %parallel_loop3A_1775 : vector<16xf32>
        %parallel_loop3A_1777 = tpu.vector_load_idx %arg10[%add3A_1225, %parallel_loop3A_1721] : memref<1280x64xf32, #tpu.memory_space<vmem>>[vector<16xi32>, vector<16xi32>], vector<16xf32>,
        %parallel_loop3A_1778 = arith.mulf %parallel_loop3A_1722, %parallel_loop3A_1777 : vector<16xf32>
        %parallel_loop3A_1779 = arith.addf %parallel_loop3A_1719, %parallel_loop3A_1778 : vector<16xf32>
        %parallel_loop3A_1780 = tpu.vector_load_idx %arg10[%add3A_1228, %parallel_loop3A_1721] : memref<1280x64xf32, #tpu.memory_space<vmem>>[vector<16xi32>, vector<16xi32>], vector<16xf32>,
        %parallel_loop3A_1781 = arith.mulf %parallel_loop3A_1722, %parallel_loop3A_1780 : vector<16xf32>
        %parallel_loop3A_1782 = arith.addf %parallel_loop3A_1720, %parallel_loop3A_1781 : vector<16xf32>
        scf.yield %parallel_loop3A_1725, %parallel_loop3A_1728, %parallel_loop3A_1731, %parallel_loop3A_1734, %parallel_loop3A_1737, %parallel_loop3A_1740, %parallel_loop3A_1743, %parallel_loop3A_1746, %parallel_loop3A_1749, %parallel_loop3A_1752, %parallel_loop3A_1755, %parallel_loop3A_1758, %parallel_loop3A_1761, %parallel_loop3A_1764, %parallel_loop3A_1767, %parallel_loop3A_1770, %parallel_loop3A_1773, %parallel_loop3A_1776, %parallel_loop3A_1779, %parallel_loop3A_1782 : vector<16xf32>, vector<16xf32>, vector<16xf32>, vector<16xf32>, vector<16xf32>, vector<16xf32>, vector<16xf32>, vector<16xf32>, vector<16xf32>, vector<16xf32>, vector<16xf32>, vector<16xf32>, vector<16xf32>, vector<16xf32>, vector<16xf32>, vector<16xf32>, vector<16xf32>, vector<16xf32>, vector<16xf32>, vector<16xf32>
      } {sc.loop_unroll_factor = 4 : i64, sc.parallel_access}
      %mul3A_1273 = arith.constant 64 : i32
      %mul3A_1274 = arith.muli %scan3A_105, %mul3A_1273 : i32
      %add3A_1275 = arith.constant 32 : i32
      %add3A_1276 = arith.addi %mul3A_1274, %add3A_1275 : i32
      %swap3A_1277 = arith.constant 0 : i32
      %swap3A_1278 = arith.index_cast %swap3A_1277 : i32 to index
      %swap3A_1279 = arith.index_cast %add3A_1276 : i32 to index
      %swap3A_1280 = tpu.vector_load %arg11[%swap3A_1278, %swap3A_1279] {strides = array<i32>} : memref<20x512xf32, #tpu.memory_space<vmem>>, vector<16xf32>,
      tpu.vector_store %arg11[%swap3A_1278, %swap3A_1279], %parallel_loop3A_1272#0 {strides = array<i32>} : memref<20x512xf32, #tpu.memory_space<vmem>>, vector<16xf32>,
      %mul3A_1281 = arith.constant 64 : i32
      %mul3A_1282 = arith.muli %scan3A_105, %mul3A_1281 : i32
      %add3A_1283 = arith.constant 32 : i32
      %add3A_1284 = arith.addi %mul3A_1282, %add3A_1283 : i32
      %swap3A_1285 = arith.constant 1 : i32
      %swap3A_1286 = arith.index_cast %swap3A_1285 : i32 to index
      %swap3A_1287 = arith.index_cast %add3A_1284 : i32 to index
      %swap3A_1288 = tpu.vector_load %arg11[%swap3A_1286, %swap3A_1287] {strides = array<i32>} : memref<20x512xf32, #tpu.memory_space<vmem>>, vector<16xf32>,
      tpu.vector_store %arg11[%swap3A_1286, %swap3A_1287], %parallel_loop3A_1272#1 {strides = array<i32>} : memref<20x512xf32, #tpu.memory_space<vmem>>, vector<16xf32>,
      %mul3A_1289 = arith.constant 64 : i32
      %mul3A_1290 = arith.muli %scan3A_105, %mul3A_1289 : i32
      %add3A_1291 = arith.constant 32 : i32
      %add3A_1292 = arith.addi %mul3A_1290, %add3A_1291 : i32
      %swap3A_1293 = arith.constant 2 : i32
      %swap3A_1294 = arith.index_cast %swap3A_1293 : i32 to index
      %swap3A_1295 = arith.index_cast %add3A_1292 : i32 to index
      %swap3A_1296 = tpu.vector_load %arg11[%swap3A_1294, %swap3A_1295] {strides = array<i32>} : memref<20x512xf32, #tpu.memory_space<vmem>>, vector<16xf32>,
      tpu.vector_store %arg11[%swap3A_1294, %swap3A_1295], %parallel_loop3A_1272#2 {strides = array<i32>} : memref<20x512xf32, #tpu.memory_space<vmem>>, vector<16xf32>,
      %mul3A_1297 = arith.constant 64 : i32
      %mul3A_1298 = arith.muli %scan3A_105, %mul3A_1297 : i32
      %add3A_1299 = arith.constant 32 : i32
      %add3A_1300 = arith.addi %mul3A_1298, %add3A_1299 : i32
      %swap3A_1301 = arith.constant 3 : i32
      %swap3A_1302 = arith.index_cast %swap3A_1301 : i32 to index
      %swap3A_1303 = arith.index_cast %add3A_1300 : i32 to index
      %swap3A_1304 = tpu.vector_load %arg11[%swap3A_1302, %swap3A_1303] {strides = array<i32>} : memref<20x512xf32, #tpu.memory_space<vmem>>, vector<16xf32>,
      tpu.vector_store %arg11[%swap3A_1302, %swap3A_1303], %parallel_loop3A_1272#3 {strides = array<i32>} : memref<20x512xf32, #tpu.memory_space<vmem>>, vector<16xf32>,
      %mul3A_1305 = arith.constant 64 : i32
      %mul3A_1306 = arith.muli %scan3A_105, %mul3A_1305 : i32
      %add3A_1307 = arith.constant 32 : i32
      %add3A_1308 = arith.addi %mul3A_1306, %add3A_1307 : i32
      %swap3A_1309 = arith.constant 4 : i32
      %swap3A_1310 = arith.index_cast %swap3A_1309 : i32 to index
      %swap3A_1311 = arith.index_cast %add3A_1308 : i32 to index
      %swap3A_1312 = tpu.vector_load %arg11[%swap3A_1310, %swap3A_1311] {strides = array<i32>} : memref<20x512xf32, #tpu.memory_space<vmem>>, vector<16xf32>,
      tpu.vector_store %arg11[%swap3A_1310, %swap3A_1311], %parallel_loop3A_1272#4 {strides = array<i32>} : memref<20x512xf32, #tpu.memory_space<vmem>>, vector<16xf32>,
      %mul3A_1313 = arith.constant 64 : i32
      %mul3A_1314 = arith.muli %scan3A_105, %mul3A_1313 : i32
      %add3A_1315 = arith.constant 32 : i32
      %add3A_1316 = arith.addi %mul3A_1314, %add3A_1315 : i32
      %swap3A_1317 = arith.constant 5 : i32
      %swap3A_1318 = arith.index_cast %swap3A_1317 : i32 to index
      %swap3A_1319 = arith.index_cast %add3A_1316 : i32 to index
      %swap3A_1320 = tpu.vector_load %arg11[%swap3A_1318, %swap3A_1319] {strides = array<i32>} : memref<20x512xf32, #tpu.memory_space<vmem>>, vector<16xf32>,
      tpu.vector_store %arg11[%swap3A_1318, %swap3A_1319], %parallel_loop3A_1272#5 {strides = array<i32>} : memref<20x512xf32, #tpu.memory_space<vmem>>, vector<16xf32>,
      %mul3A_1321 = arith.constant 64 : i32
      %mul3A_1322 = arith.muli %scan3A_105, %mul3A_1321 : i32
      %add3A_1323 = arith.constant 32 : i32
      %add3A_1324 = arith.addi %mul3A_1322, %add3A_1323 : i32
      %swap3A_1325 = arith.constant 6 : i32
      %swap3A_1326 = arith.index_cast %swap3A_1325 : i32 to index
      %swap3A_1327 = arith.index_cast %add3A_1324 : i32 to index
      %swap3A_1328 = tpu.vector_load %arg11[%swap3A_1326, %swap3A_1327] {strides = array<i32>} : memref<20x512xf32, #tpu.memory_space<vmem>>, vector<16xf32>,
      tpu.vector_store %arg11[%swap3A_1326, %swap3A_1327], %parallel_loop3A_1272#6 {strides = array<i32>} : memref<20x512xf32, #tpu.memory_space<vmem>>, vector<16xf32>,
      %mul3A_1329 = arith.constant 64 : i32
      %mul3A_1330 = arith.muli %scan3A_105, %mul3A_1329 : i32
      %add3A_1331 = arith.constant 32 : i32
      %add3A_1332 = arith.addi %mul3A_1330, %add3A_1331 : i32
      %swap3A_1333 = arith.constant 7 : i32
      %swap3A_1334 = arith.index_cast %swap3A_1333 : i32 to index
      %swap3A_1335 = arith.index_cast %add3A_1332 : i32 to index
      %swap3A_1336 = tpu.vector_load %arg11[%swap3A_1334, %swap3A_1335] {strides = array<i32>} : memref<20x512xf32, #tpu.memory_space<vmem>>, vector<16xf32>,
      tpu.vector_store %arg11[%swap3A_1334, %swap3A_1335], %parallel_loop3A_1272#7 {strides = array<i32>} : memref<20x512xf32, #tpu.memory_space<vmem>>, vector<16xf32>,
      %mul3A_1337 = arith.constant 64 : i32
      %mul3A_1338 = arith.muli %scan3A_105, %mul3A_1337 : i32
      %add3A_1339 = arith.constant 32 : i32
      %add3A_1340 = arith.addi %mul3A_1338, %add3A_1339 : i32
      %swap3A_1341 = arith.constant 8 : i32
      %swap3A_1342 = arith.index_cast %swap3A_1341 : i32 to index
      %swap3A_1343 = arith.index_cast %add3A_1340 : i32 to index
      %swap3A_1344 = tpu.vector_load %arg11[%swap3A_1342, %swap3A_1343] {strides = array<i32>} : memref<20x512xf32, #tpu.memory_space<vmem>>, vector<16xf32>,
      tpu.vector_store %arg11[%swap3A_1342, %swap3A_1343], %parallel_loop3A_1272#8 {strides = array<i32>} : memref<20x512xf32, #tpu.memory_space<vmem>>, vector<16xf32>,
      %mul3A_1345 = arith.constant 64 : i32
      %mul3A_1346 = arith.muli %scan3A_105, %mul3A_1345 : i32
      %add3A_1347 = arith.constant 32 : i32
      %add3A_1348 = arith.addi %mul3A_1346, %add3A_1347 : i32
      %swap3A_1349 = arith.constant 9 : i32
      %swap3A_1350 = arith.index_cast %swap3A_1349 : i32 to index
      %swap3A_1351 = arith.index_cast %add3A_1348 : i32 to index
      %swap3A_1352 = tpu.vector_load %arg11[%swap3A_1350, %swap3A_1351] {strides = array<i32>} : memref<20x512xf32, #tpu.memory_space<vmem>>, vector<16xf32>,
      tpu.vector_store %arg11[%swap3A_1350, %swap3A_1351], %parallel_loop3A_1272#9 {strides = array<i32>} : memref<20x512xf32, #tpu.memory_space<vmem>>, vector<16xf32>,
      %mul3A_1353 = arith.constant 64 : i32
      %mul3A_1354 = arith.muli %scan3A_105, %mul3A_1353 : i32
      %add3A_1355 = arith.constant 32 : i32
      %add3A_1356 = arith.addi %mul3A_1354, %add3A_1355 : i32
      %swap3A_1357 = arith.constant 10 : i32
      %swap3A_1358 = arith.index_cast %swap3A_1357 : i32 to index
      %swap3A_1359 = arith.index_cast %add3A_1356 : i32 to index
      %swap3A_1360 = tpu.vector_load %arg11[%swap3A_1358, %swap3A_1359] {strides = array<i32>} : memref<20x512xf32, #tpu.memory_space<vmem>>, vector<16xf32>,
      tpu.vector_store %arg11[%swap3A_1358, %swap3A_1359], %parallel_loop3A_1272#10 {strides = array<i32>} : memref<20x512xf32, #tpu.memory_space<vmem>>, vector<16xf32>,
      %mul3A_1361 = arith.constant 64 : i32
      %mul3A_1362 = arith.muli %scan3A_105, %mul3A_1361 : i32
      %add3A_1363 = arith.constant 32 : i32
      %add3A_1364 = arith.addi %mul3A_1362, %add3A_1363 : i32
      %swap3A_1365 = arith.constant 11 : i32
      %swap3A_1366 = arith.index_cast %swap3A_1365 : i32 to index
      %swap3A_1367 = arith.index_cast %add3A_1364 : i32 to index
      %swap3A_1368 = tpu.vector_load %arg11[%swap3A_1366, %swap3A_1367] {strides = array<i32>} : memref<20x512xf32, #tpu.memory_space<vmem>>, vector<16xf32>,
      tpu.vector_store %arg11[%swap3A_1366, %swap3A_1367], %parallel_loop3A_1272#11 {strides = array<i32>} : memref<20x512xf32, #tpu.memory_space<vmem>>, vector<16xf32>,
      %mul3A_1369 = arith.constant 64 : i32
      %mul3A_1370 = arith.muli %scan3A_105, %mul3A_1369 : i32
      %add3A_1371 = arith.constant 32 : i32
      %add3A_1372 = arith.addi %mul3A_1370, %add3A_1371 : i32
      %swap3A_1373 = arith.constant 12 : i32
      %swap3A_1374 = arith.index_cast %swap3A_1373 : i32 to index
      %swap3A_1375 = arith.index_cast %add3A_1372 : i32 to index
      %swap3A_1376 = tpu.vector_load %arg11[%swap3A_1374, %swap3A_1375] {strides = array<i32>} : memref<20x512xf32, #tpu.memory_space<vmem>>, vector<16xf32>,
      tpu.vector_store %arg11[%swap3A_1374, %swap3A_1375], %parallel_loop3A_1272#12 {strides = array<i32>} : memref<20x512xf32, #tpu.memory_space<vmem>>, vector<16xf32>,
      %mul3A_1377 = arith.constant 64 : i32
      %mul3A_1378 = arith.muli %scan3A_105, %mul3A_1377 : i32
      %add3A_1379 = arith.constant 32 : i32
      %add3A_1380 = arith.addi %mul3A_1378, %add3A_1379 : i32
      %swap3A_1381 = arith.constant 13 : i32
      %swap3A_1382 = arith.index_cast %swap3A_1381 : i32 to index
      %swap3A_1383 = arith.index_cast %add3A_1380 : i32 to index
      %swap3A_1384 = tpu.vector_load %arg11[%swap3A_1382, %swap3A_1383] {strides = array<i32>} : memref<20x512xf32, #tpu.memory_space<vmem>>, vector<16xf32>,
      tpu.vector_store %arg11[%swap3A_1382, %swap3A_1383], %parallel_loop3A_1272#13 {strides = array<i32>} : memref<20x512xf32, #tpu.memory_space<vmem>>, vector<16xf32>,
      %mul3A_1385 = arith.constant 64 : i32
      %mul3A_1386 = arith.muli %scan3A_105, %mul3A_1385 : i32
      %add3A_1387 = arith.constant 32 : i32
      %add3A_1388 = arith.addi %mul3A_1386, %add3A_1387 : i32
      %swap3A_1389 = arith.constant 14 : i32
      %swap3A_1390 = arith.index_cast %swap3A_1389 : i32 to index
      %swap3A_1391 = arith.index_cast %add3A_1388 : i32 to index
      %swap3A_1392 = tpu.vector_load %arg11[%swap3A_1390, %swap3A_1391] {strides = array<i32>} : memref<20x512xf32, #tpu.memory_space<vmem>>, vector<16xf32>,
      tpu.vector_store %arg11[%swap3A_1390, %swap3A_1391], %parallel_loop3A_1272#14 {strides = array<i32>} : memref<20x512xf32, #tpu.memory_space<vmem>>, vector<16xf32>,
      %mul3A_1393 = arith.constant 64 : i32
      %mul3A_1394 = arith.muli %scan3A_105, %mul3A_1393 : i32
      %add3A_1395 = arith.constant 32 : i32
      %add3A_1396 = arith.addi %mul3A_1394, %add3A_1395 : i32
      %swap3A_1397 = arith.constant 15 : i32
      %swap3A_1398 = arith.index_cast %swap3A_1397 : i32 to index
      %swap3A_1399 = arith.index_cast %add3A_1396 : i32 to index
      %swap3A_1400 = tpu.vector_load %arg11[%swap3A_1398, %swap3A_1399] {strides = array<i32>} : memref<20x512xf32, #tpu.memory_space<vmem>>, vector<16xf32>,
      tpu.vector_store %arg11[%swap3A_1398, %swap3A_1399], %parallel_loop3A_1272#15 {strides = array<i32>} : memref<20x512xf32, #tpu.memory_space<vmem>>, vector<16xf32>,
      %mul3A_1401 = arith.constant 64 : i32
      %mul3A_1402 = arith.muli %scan3A_105, %mul3A_1401 : i32
      %add3A_1403 = arith.constant 32 : i32
      %add3A_1404 = arith.addi %mul3A_1402, %add3A_1403 : i32
      %swap3A_1405 = arith.constant 16 : i32
      %swap3A_1406 = arith.index_cast %swap3A_1405 : i32 to index
      %swap3A_1407 = arith.index_cast %add3A_1404 : i32 to index
      %swap3A_1408 = tpu.vector_load %arg11[%swap3A_1406, %swap3A_1407] {strides = array<i32>} : memref<20x512xf32, #tpu.memory_space<vmem>>, vector<16xf32>,
      tpu.vector_store %arg11[%swap3A_1406, %swap3A_1407], %parallel_loop3A_1272#16 {strides = array<i32>} : memref<20x512xf32, #tpu.memory_space<vmem>>, vector<16xf32>,
      %mul3A_1409 = arith.constant 64 : i32
      %mul3A_1410 = arith.muli %scan3A_105, %mul3A_1409 : i32
      %add3A_1411 = arith.constant 32 : i32
      %add3A_1412 = arith.addi %mul3A_1410, %add3A_1411 : i32
      %swap3A_1413 = arith.constant 17 : i32
      %swap3A_1414 = arith.index_cast %swap3A_1413 : i32 to index
      %swap3A_1415 = arith.index_cast %add3A_1412 : i32 to index
      %swap3A_1416 = tpu.vector_load %arg11[%swap3A_1414, %swap3A_1415] {strides = array<i32>} : memref<20x512xf32, #tpu.memory_space<vmem>>, vector<16xf32>,
      tpu.vector_store %arg11[%swap3A_1414, %swap3A_1415], %parallel_loop3A_1272#17 {strides = array<i32>} : memref<20x512xf32, #tpu.memory_space<vmem>>, vector<16xf32>,
      %mul3A_1417 = arith.constant 64 : i32
      %mul3A_1418 = arith.muli %scan3A_105, %mul3A_1417 : i32
      %add3A_1419 = arith.constant 32 : i32
      %add3A_1420 = arith.addi %mul3A_1418, %add3A_1419 : i32
      %swap3A_1421 = arith.constant 18 : i32
      %swap3A_1422 = arith.index_cast %swap3A_1421 : i32 to index
      %swap3A_1423 = arith.index_cast %add3A_1420 : i32 to index
      %swap3A_1424 = tpu.vector_load %arg11[%swap3A_1422, %swap3A_1423] {strides = array<i32>} : memref<20x512xf32, #tpu.memory_space<vmem>>, vector<16xf32>,
      tpu.vector_store %arg11[%swap3A_1422, %swap3A_1423], %parallel_loop3A_1272#18 {strides = array<i32>} : memref<20x512xf32, #tpu.memory_space<vmem>>, vector<16xf32>,
      %mul3A_1425 = arith.constant 64 : i32
      %mul3A_1426 = arith.muli %scan3A_105, %mul3A_1425 : i32
      %add3A_1427 = arith.constant 32 : i32
      %add3A_1428 = arith.addi %mul3A_1426, %add3A_1427 : i32
      %swap3A_1429 = arith.constant 19 : i32
      %swap3A_1430 = arith.index_cast %swap3A_1429 : i32 to index
      %swap3A_1431 = arith.index_cast %add3A_1428 : i32 to index
      %swap3A_1432 = tpu.vector_load %arg11[%swap3A_1430, %swap3A_1431] {strides = array<i32>} : memref<20x512xf32, #tpu.memory_space<vmem>>, vector<16xf32>,
      tpu.vector_store %arg11[%swap3A_1430, %swap3A_1431], %parallel_loop3A_1272#19 {strides = array<i32>} : memref<20x512xf32, #tpu.memory_space<vmem>>, vector<16xf32>,
      %add3A_1433 = arith.constant 48 : i32
      %add3A_1434 = vector.broadcast %add3A_1433 : i32 to vector<16xi32>
      %add3A_1435 = arith.addi %iota3A, %add3A_1434 : vector<16xi32>
      %add3A_1436 = arith.constant 48 : i32
      %add3A_1437 = vector.broadcast %add3A_1436 : i32 to vector<16xi32>
      %add3A_1438 = arith.addi %add3A_1435, %add3A_1437 : vector<16xi32>
      %add3A_1439 = arith.constant 112 : i32
      %add3A_1440 = vector.broadcast %add3A_1439 : i32 to vector<16xi32>
      %add3A_1441 = arith.addi %add3A_1435, %add3A_1440 : vector<16xi32>
      %add3A_1442 = arith.constant 176 : i32
      %add3A_1443 = vector.broadcast %add3A_1442 : i32 to vector<16xi32>
      %add3A_1444 = arith.addi %add3A_1435, %add3A_1443 : vector<16xi32>
      %add3A_1445 = arith.constant 240 : i32
      %add3A_1446 = vector.broadcast %add3A_1445 : i32 to vector<16xi32>
      %add3A_1447 = arith.addi %add3A_1435, %add3A_1446 : vector<16xi32>
      %add3A_1448 = arith.constant 304 : i32
      %add3A_1449 = vector.broadcast %add3A_1448 : i32 to vector<16xi32>
      %add3A_1450 = arith.addi %add3A_1435, %add3A_1449 : vector<16xi32>
      %add3A_1451 = arith.constant 368 : i32
      %add3A_1452 = vector.broadcast %add3A_1451 : i32 to vector<16xi32>
      %add3A_1453 = arith.addi %add3A_1435, %add3A_1452 : vector<16xi32>
      %add3A_1454 = arith.constant 432 : i32
      %add3A_1455 = vector.broadcast %add3A_1454 : i32 to vector<16xi32>
      %add3A_1456 = arith.addi %add3A_1435, %add3A_1455 : vector<16xi32>
      %add3A_1457 = arith.constant 496 : i32
      %add3A_1458 = vector.broadcast %add3A_1457 : i32 to vector<16xi32>
      %add3A_1459 = arith.addi %add3A_1435, %add3A_1458 : vector<16xi32>
      %add3A_1460 = arith.constant 560 : i32
      %add3A_1461 = vector.broadcast %add3A_1460 : i32 to vector<16xi32>
      %add3A_1462 = arith.addi %add3A_1435, %add3A_1461 : vector<16xi32>
      %add3A_1463 = arith.constant 624 : i32
      %add3A_1464 = vector.broadcast %add3A_1463 : i32 to vector<16xi32>
      %add3A_1465 = arith.addi %add3A_1435, %add3A_1464 : vector<16xi32>
      %add3A_1466 = arith.constant 688 : i32
      %add3A_1467 = vector.broadcast %add3A_1466 : i32 to vector<16xi32>
      %add3A_1468 = arith.addi %add3A_1435, %add3A_1467 : vector<16xi32>
      %add3A_1469 = arith.constant 752 : i32
      %add3A_1470 = vector.broadcast %add3A_1469 : i32 to vector<16xi32>
      %add3A_1471 = arith.addi %add3A_1435, %add3A_1470 : vector<16xi32>
      %add3A_1472 = arith.constant 816 : i32
      %add3A_1473 = vector.broadcast %add3A_1472 : i32 to vector<16xi32>
      %add3A_1474 = arith.addi %add3A_1435, %add3A_1473 : vector<16xi32>
      %add3A_1475 = arith.constant 880 : i32
      %add3A_1476 = vector.broadcast %add3A_1475 : i32 to vector<16xi32>
      %add3A_1477 = arith.addi %add3A_1435, %add3A_1476 : vector<16xi32>
      %add3A_1478 = arith.constant 944 : i32
      %add3A_1479 = vector.broadcast %add3A_1478 : i32 to vector<16xi32>
      %add3A_1480 = arith.addi %add3A_1435, %add3A_1479 : vector<16xi32>
      %add3A_1481 = arith.constant 1008 : i32
      %add3A_1482 = vector.broadcast %add3A_1481 : i32 to vector<16xi32>
      %add3A_1483 = arith.addi %add3A_1435, %add3A_1482 : vector<16xi32>
      %add3A_1484 = arith.constant 1072 : i32
      %add3A_1485 = vector.broadcast %add3A_1484 : i32 to vector<16xi32>
      %add3A_1486 = arith.addi %add3A_1435, %add3A_1485 : vector<16xi32>
      %add3A_1487 = arith.constant 1136 : i32
      %add3A_1488 = vector.broadcast %add3A_1487 : i32 to vector<16xi32>
      %add3A_1489 = arith.addi %add3A_1435, %add3A_1488 : vector<16xi32>
      %add3A_1490 = arith.constant 1200 : i32
      %add3A_1491 = vector.broadcast %add3A_1490 : i32 to vector<16xi32>
      %add3A_1492 = arith.addi %add3A_1435, %add3A_1491 : vector<16xi32>
      %add3A_1493 = arith.constant 1264 : i32
      %add3A_1494 = vector.broadcast %add3A_1493 : i32 to vector<16xi32>
      %add3A_1495 = arith.addi %add3A_1435, %add3A_1494 : vector<16xi32>
      %broadcast_in_dim3A_1496 = arith.constant 0.000000e+00 : f32
      %broadcast_in_dim3A_1497 = vector.broadcast %broadcast_in_dim3A_1496 : f32 to vector<16xf32>
      %broadcast_in_dim3A_1498 = arith.constant 0.000000e+00 : f32
      %broadcast_in_dim3A_1499 = vector.broadcast %broadcast_in_dim3A_1498 : f32 to vector<16xf32>
      %broadcast_in_dim3A_1500 = arith.constant 0.000000e+00 : f32
      %broadcast_in_dim3A_1501 = vector.broadcast %broadcast_in_dim3A_1500 : f32 to vector<16xf32>
      %broadcast_in_dim3A_1502 = arith.constant 0.000000e+00 : f32
      %broadcast_in_dim3A_1503 = vector.broadcast %broadcast_in_dim3A_1502 : f32 to vector<16xf32>
      %broadcast_in_dim3A_1504 = arith.constant 0.000000e+00 : f32
      %broadcast_in_dim3A_1505 = vector.broadcast %broadcast_in_dim3A_1504 : f32 to vector<16xf32>
      %broadcast_in_dim3A_1506 = arith.constant 0.000000e+00 : f32
      %broadcast_in_dim3A_1507 = vector.broadcast %broadcast_in_dim3A_1506 : f32 to vector<16xf32>
      %broadcast_in_dim3A_1508 = arith.constant 0.000000e+00 : f32
      %broadcast_in_dim3A_1509 = vector.broadcast %broadcast_in_dim3A_1508 : f32 to vector<16xf32>
      %broadcast_in_dim3A_1510 = arith.constant 0.000000e+00 : f32
      %broadcast_in_dim3A_1511 = vector.broadcast %broadcast_in_dim3A_1510 : f32 to vector<16xf32>
      %broadcast_in_dim3A_1512 = arith.constant 0.000000e+00 : f32
      %broadcast_in_dim3A_1513 = vector.broadcast %broadcast_in_dim3A_1512 : f32 to vector<16xf32>
      %broadcast_in_dim3A_1514 = arith.constant 0.000000e+00 : f32
      %broadcast_in_dim3A_1515 = vector.broadcast %broadcast_in_dim3A_1514 : f32 to vector<16xf32>
      %broadcast_in_dim3A_1516 = arith.constant 0.000000e+00 : f32
      %broadcast_in_dim3A_1517 = vector.broadcast %broadcast_in_dim3A_1516 : f32 to vector<16xf32>
      %broadcast_in_dim3A_1518 = arith.constant 0.000000e+00 : f32
      %broadcast_in_dim3A_1519 = vector.broadcast %broadcast_in_dim3A_1518 : f32 to vector<16xf32>
      %broadcast_in_dim3A_1520 = arith.constant 0.000000e+00 : f32
      %broadcast_in_dim3A_1521 = vector.broadcast %broadcast_in_dim3A_1520 : f32 to vector<16xf32>
      %broadcast_in_dim3A_1522 = arith.constant 0.000000e+00 : f32
      %broadcast_in_dim3A_1523 = vector.broadcast %broadcast_in_dim3A_1522 : f32 to vector<16xf32>
      %broadcast_in_dim3A_1524 = arith.constant 0.000000e+00 : f32
      %broadcast_in_dim3A_1525 = vector.broadcast %broadcast_in_dim3A_1524 : f32 to vector<16xf32>
      %broadcast_in_dim3A_1526 = arith.constant 0.000000e+00 : f32
      %broadcast_in_dim3A_1527 = vector.broadcast %broadcast_in_dim3A_1526 : f32 to vector<16xf32>
      %broadcast_in_dim3A_1528 = arith.constant 0.000000e+00 : f32
      %broadcast_in_dim3A_1529 = vector.broadcast %broadcast_in_dim3A_1528 : f32 to vector<16xf32>
      %broadcast_in_dim3A_1530 = arith.constant 0.000000e+00 : f32
      %broadcast_in_dim3A_1531 = vector.broadcast %broadcast_in_dim3A_1530 : f32 to vector<16xf32>
      %broadcast_in_dim3A_1532 = arith.constant 0.000000e+00 : f32
      %broadcast_in_dim3A_1533 = vector.broadcast %broadcast_in_dim3A_1532 : f32 to vector<16xf32>
      %broadcast_in_dim3A_1534 = arith.constant 0.000000e+00 : f32
      %broadcast_in_dim3A_1535 = vector.broadcast %broadcast_in_dim3A_1534 : f32 to vector<16xf32>
      %parallel_loop3A_1536 = arith.constant 0 : i32
      %parallel_loop3A_1537 = arith.constant 64 : i32
      %parallel_loop3A_1538 = arith.constant 1 : i32
      %parallel_loop3A_1539:20 = scf.for %parallel_loop3A_1700 = %parallel_loop3A_1536 to %parallel_loop3A_1537 step %parallel_loop3A_1538 iter_args(%parallel_loop3A_1701 = %broadcast_in_dim3A_1497, %parallel_loop3A_1702 = %broadcast_in_dim3A_1499, %parallel_loop3A_1703 = %broadcast_in_dim3A_1501, %parallel_loop3A_1704 = %broadcast_in_dim3A_1503, %parallel_loop3A_1705 = %broadcast_in_dim3A_1505, %parallel_loop3A_1706 = %broadcast_in_dim3A_1507, %parallel_loop3A_1707 = %broadcast_in_dim3A_1509, %parallel_loop3A_1708 = %broadcast_in_dim3A_1511, %parallel_loop3A_1709 = %broadcast_in_dim3A_1513, %parallel_loop3A_1710 = %broadcast_in_dim3A_1515, %parallel_loop3A_1711 = %broadcast_in_dim3A_1517, %parallel_loop3A_1712 = %broadcast_in_dim3A_1519, %parallel_loop3A_1713 = %broadcast_in_dim3A_1521, %parallel_loop3A_1714 = %broadcast_in_dim3A_1523, %parallel_loop3A_1715 = %broadcast_in_dim3A_1525, %parallel_loop3A_1716 = %broadcast_in_dim3A_1527, %parallel_loop3A_1717 = %broadcast_in_dim3A_1529, %parallel_loop3A_1718 = %broadcast_in_dim3A_1531, %parallel_loop3A_1719 = %broadcast_in_dim3A_1533, %parallel_loop3A_1720 = %broadcast_in_dim3A_1535) -> (vector<16xf32>, vector<16xf32>, vector<16xf32>, vector<16xf32>, vector<16xf32>, vector<16xf32>, vector<16xf32>, vector<16xf32>, vector<16xf32>, vector<16xf32>, vector<16xf32>, vector<16xf32>, vector<16xf32>, vector<16xf32>, vector<16xf32>, vector<16xf32>, vector<16xf32>, vector<16xf32>, vector<16xf32>, vector<16xf32>)  : i32 {
        %parallel_loop3A_1721 = vector.broadcast %parallel_loop3A_1700 : i32 to vector<16xi32>
        %parallel_loop3A_1722 = tpu.vector_load_idx %arg9[%add3A_1435, %parallel_loop3A_1721] : memref<64x64xf32, #tpu.memory_space<vmem>>[vector<16xi32>, vector<16xi32>], vector<16xf32>,
        %parallel_loop3A_1723 = tpu.vector_load_idx %arg10[%add3A_1438, %parallel_loop3A_1721] : memref<1280x64xf32, #tpu.memory_space<vmem>>[vector<16xi32>, vector<16xi32>], vector<16xf32>,
        %parallel_loop3A_1724 = arith.mulf %parallel_loop3A_1722, %parallel_loop3A_1723 : vector<16xf32>
        %parallel_loop3A_1725 = arith.addf %parallel_loop3A_1701, %parallel_loop3A_1724 : vector<16xf32>
        %parallel_loop3A_1726 = tpu.vector_load_idx %arg10[%add3A_1441, %parallel_loop3A_1721] : memref<1280x64xf32, #tpu.memory_space<vmem>>[vector<16xi32>, vector<16xi32>], vector<16xf32>,
        %parallel_loop3A_1727 = arith.mulf %parallel_loop3A_1722, %parallel_loop3A_1726 : vector<16xf32>
        %parallel_loop3A_1728 = arith.addf %parallel_loop3A_1702, %parallel_loop3A_1727 : vector<16xf32>
        %parallel_loop3A_1729 = tpu.vector_load_idx %arg10[%add3A_1444, %parallel_loop3A_1721] : memref<1280x64xf32, #tpu.memory_space<vmem>>[vector<16xi32>, vector<16xi32>], vector<16xf32>,
        %parallel_loop3A_1730 = arith.mulf %parallel_loop3A_1722, %parallel_loop3A_1729 : vector<16xf32>
        %parallel_loop3A_1731 = arith.addf %parallel_loop3A_1703, %parallel_loop3A_1730 : vector<16xf32>
        %parallel_loop3A_1732 = tpu.vector_load_idx %arg10[%add3A_1447, %parallel_loop3A_1721] : memref<1280x64xf32, #tpu.memory_space<vmem>>[vector<16xi32>, vector<16xi32>], vector<16xf32>,
        %parallel_loop3A_1733 = arith.mulf %parallel_loop3A_1722, %parallel_loop3A_1732 : vector<16xf32>
        %parallel_loop3A_1734 = arith.addf %parallel_loop3A_1704, %parallel_loop3A_1733 : vector<16xf32>
        %parallel_loop3A_1735 = tpu.vector_load_idx %arg10[%add3A_1450, %parallel_loop3A_1721] : memref<1280x64xf32, #tpu.memory_space<vmem>>[vector<16xi32>, vector<16xi32>], vector<16xf32>,
        %parallel_loop3A_1736 = arith.mulf %parallel_loop3A_1722, %parallel_loop3A_1735 : vector<16xf32>
        %parallel_loop3A_1737 = arith.addf %parallel_loop3A_1705, %parallel_loop3A_1736 : vector<16xf32>
        %parallel_loop3A_1738 = tpu.vector_load_idx %arg10[%add3A_1453, %parallel_loop3A_1721] : memref<1280x64xf32, #tpu.memory_space<vmem>>[vector<16xi32>, vector<16xi32>], vector<16xf32>,
        %parallel_loop3A_1739 = arith.mulf %parallel_loop3A_1722, %parallel_loop3A_1738 : vector<16xf32>
        %parallel_loop3A_1740 = arith.addf %parallel_loop3A_1706, %parallel_loop3A_1739 : vector<16xf32>
        %parallel_loop3A_1741 = tpu.vector_load_idx %arg10[%add3A_1456, %parallel_loop3A_1721] : memref<1280x64xf32, #tpu.memory_space<vmem>>[vector<16xi32>, vector<16xi32>], vector<16xf32>,
        %parallel_loop3A_1742 = arith.mulf %parallel_loop3A_1722, %parallel_loop3A_1741 : vector<16xf32>
        %parallel_loop3A_1743 = arith.addf %parallel_loop3A_1707, %parallel_loop3A_1742 : vector<16xf32>
        %parallel_loop3A_1744 = tpu.vector_load_idx %arg10[%add3A_1459, %parallel_loop3A_1721] : memref<1280x64xf32, #tpu.memory_space<vmem>>[vector<16xi32>, vector<16xi32>], vector<16xf32>,
        %parallel_loop3A_1745 = arith.mulf %parallel_loop3A_1722, %parallel_loop3A_1744 : vector<16xf32>
        %parallel_loop3A_1746 = arith.addf %parallel_loop3A_1708, %parallel_loop3A_1745 : vector<16xf32>
        %parallel_loop3A_1747 = tpu.vector_load_idx %arg10[%add3A_1462, %parallel_loop3A_1721] : memref<1280x64xf32, #tpu.memory_space<vmem>>[vector<16xi32>, vector<16xi32>], vector<16xf32>,
        %parallel_loop3A_1748 = arith.mulf %parallel_loop3A_1722, %parallel_loop3A_1747 : vector<16xf32>
        %parallel_loop3A_1749 = arith.addf %parallel_loop3A_1709, %parallel_loop3A_1748 : vector<16xf32>
        %parallel_loop3A_1750 = tpu.vector_load_idx %arg10[%add3A_1465, %parallel_loop3A_1721] : memref<1280x64xf32, #tpu.memory_space<vmem>>[vector<16xi32>, vector<16xi32>], vector<16xf32>,
        %parallel_loop3A_1751 = arith.mulf %parallel_loop3A_1722, %parallel_loop3A_1750 : vector<16xf32>
        %parallel_loop3A_1752 = arith.addf %parallel_loop3A_1710, %parallel_loop3A_1751 : vector<16xf32>
        %parallel_loop3A_1753 = tpu.vector_load_idx %arg10[%add3A_1468, %parallel_loop3A_1721] : memref<1280x64xf32, #tpu.memory_space<vmem>>[vector<16xi32>, vector<16xi32>], vector<16xf32>,
        %parallel_loop3A_1754 = arith.mulf %parallel_loop3A_1722, %parallel_loop3A_1753 : vector<16xf32>
        %parallel_loop3A_1755 = arith.addf %parallel_loop3A_1711, %parallel_loop3A_1754 : vector<16xf32>
        %parallel_loop3A_1756 = tpu.vector_load_idx %arg10[%add3A_1471, %parallel_loop3A_1721] : memref<1280x64xf32, #tpu.memory_space<vmem>>[vector<16xi32>, vector<16xi32>], vector<16xf32>,
        %parallel_loop3A_1757 = arith.mulf %parallel_loop3A_1722, %parallel_loop3A_1756 : vector<16xf32>
        %parallel_loop3A_1758 = arith.addf %parallel_loop3A_1712, %parallel_loop3A_1757 : vector<16xf32>
        %parallel_loop3A_1759 = tpu.vector_load_idx %arg10[%add3A_1474, %parallel_loop3A_1721] : memref<1280x64xf32, #tpu.memory_space<vmem>>[vector<16xi32>, vector<16xi32>], vector<16xf32>,
        %parallel_loop3A_1760 = arith.mulf %parallel_loop3A_1722, %parallel_loop3A_1759 : vector<16xf32>
        %parallel_loop3A_1761 = arith.addf %parallel_loop3A_1713, %parallel_loop3A_1760 : vector<16xf32>
        %parallel_loop3A_1762 = tpu.vector_load_idx %arg10[%add3A_1477, %parallel_loop3A_1721] : memref<1280x64xf32, #tpu.memory_space<vmem>>[vector<16xi32>, vector<16xi32>], vector<16xf32>,
        %parallel_loop3A_1763 = arith.mulf %parallel_loop3A_1722, %parallel_loop3A_1762 : vector<16xf32>
        %parallel_loop3A_1764 = arith.addf %parallel_loop3A_1714, %parallel_loop3A_1763 : vector<16xf32>
        %parallel_loop3A_1765 = tpu.vector_load_idx %arg10[%add3A_1480, %parallel_loop3A_1721] : memref<1280x64xf32, #tpu.memory_space<vmem>>[vector<16xi32>, vector<16xi32>], vector<16xf32>,
        %parallel_loop3A_1766 = arith.mulf %parallel_loop3A_1722, %parallel_loop3A_1765 : vector<16xf32>
        %parallel_loop3A_1767 = arith.addf %parallel_loop3A_1715, %parallel_loop3A_1766 : vector<16xf32>
        %parallel_loop3A_1768 = tpu.vector_load_idx %arg10[%add3A_1483, %parallel_loop3A_1721] : memref<1280x64xf32, #tpu.memory_space<vmem>>[vector<16xi32>, vector<16xi32>], vector<16xf32>,
        %parallel_loop3A_1769 = arith.mulf %parallel_loop3A_1722, %parallel_loop3A_1768 : vector<16xf32>
        %parallel_loop3A_1770 = arith.addf %parallel_loop3A_1716, %parallel_loop3A_1769 : vector<16xf32>
        %parallel_loop3A_1771 = tpu.vector_load_idx %arg10[%add3A_1486, %parallel_loop3A_1721] : memref<1280x64xf32, #tpu.memory_space<vmem>>[vector<16xi32>, vector<16xi32>], vector<16xf32>,
        %parallel_loop3A_1772 = arith.mulf %parallel_loop3A_1722, %parallel_loop3A_1771 : vector<16xf32>
        %parallel_loop3A_1773 = arith.addf %parallel_loop3A_1717, %parallel_loop3A_1772 : vector<16xf32>
        %parallel_loop3A_1774 = tpu.vector_load_idx %arg10[%add3A_1489, %parallel_loop3A_1721] : memref<1280x64xf32, #tpu.memory_space<vmem>>[vector<16xi32>, vector<16xi32>], vector<16xf32>,
        %parallel_loop3A_1775 = arith.mulf %parallel_loop3A_1722, %parallel_loop3A_1774 : vector<16xf32>
        %parallel_loop3A_1776 = arith.addf %parallel_loop3A_1718, %parallel_loop3A_1775 : vector<16xf32>
        %parallel_loop3A_1777 = tpu.vector_load_idx %arg10[%add3A_1492, %parallel_loop3A_1721] : memref<1280x64xf32, #tpu.memory_space<vmem>>[vector<16xi32>, vector<16xi32>], vector<16xf32>,
        %parallel_loop3A_1778 = arith.mulf %parallel_loop3A_1722, %parallel_loop3A_1777 : vector<16xf32>
        %parallel_loop3A_1779 = arith.addf %parallel_loop3A_1719, %parallel_loop3A_1778 : vector<16xf32>
        %parallel_loop3A_1780 = tpu.vector_load_idx %arg10[%add3A_1495, %parallel_loop3A_1721] : memref<1280x64xf32, #tpu.memory_space<vmem>>[vector<16xi32>, vector<16xi32>], vector<16xf32>,
        %parallel_loop3A_1781 = arith.mulf %parallel_loop3A_1722, %parallel_loop3A_1780 : vector<16xf32>
        %parallel_loop3A_1782 = arith.addf %parallel_loop3A_1720, %parallel_loop3A_1781 : vector<16xf32>
        scf.yield %parallel_loop3A_1725, %parallel_loop3A_1728, %parallel_loop3A_1731, %parallel_loop3A_1734, %parallel_loop3A_1737, %parallel_loop3A_1740, %parallel_loop3A_1743, %parallel_loop3A_1746, %parallel_loop3A_1749, %parallel_loop3A_1752, %parallel_loop3A_1755, %parallel_loop3A_1758, %parallel_loop3A_1761, %parallel_loop3A_1764, %parallel_loop3A_1767, %parallel_loop3A_1770, %parallel_loop3A_1773, %parallel_loop3A_1776, %parallel_loop3A_1779, %parallel_loop3A_1782 : vector<16xf32>, vector<16xf32>, vector<16xf32>, vector<16xf32>, vector<16xf32>, vector<16xf32>, vector<16xf32>, vector<16xf32>, vector<16xf32>, vector<16xf32>, vector<16xf32>, vector<16xf32>, vector<16xf32>, vector<16xf32>, vector<16xf32>, vector<16xf32>, vector<16xf32>, vector<16xf32>, vector<16xf32>, vector<16xf32>
      } {sc.loop_unroll_factor = 4 : i64, sc.parallel_access}
      %mul3A_1540 = arith.constant 64 : i32
      %mul3A_1541 = arith.muli %scan3A_105, %mul3A_1540 : i32
      %add3A_1542 = arith.constant 48 : i32
      %add3A_1543 = arith.addi %mul3A_1541, %add3A_1542 : i32
      %swap3A_1544 = arith.constant 0 : i32
      %swap3A_1545 = arith.index_cast %swap3A_1544 : i32 to index
      %swap3A_1546 = arith.index_cast %add3A_1543 : i32 to index
      %swap3A_1547 = tpu.vector_load %arg11[%swap3A_1545, %swap3A_1546] {strides = array<i32>} : memref<20x512xf32, #tpu.memory_space<vmem>>, vector<16xf32>,
      tpu.vector_store %arg11[%swap3A_1545, %swap3A_1546], %parallel_loop3A_1539#0 {strides = array<i32>} : memref<20x512xf32, #tpu.memory_space<vmem>>, vector<16xf32>,
      %mul3A_1548 = arith.constant 64 : i32
      %mul3A_1549 = arith.muli %scan3A_105, %mul3A_1548 : i32
      %add3A_1550 = arith.constant 48 : i32
      %add3A_1551 = arith.addi %mul3A_1549, %add3A_1550 : i32
      %swap3A_1552 = arith.constant 1 : i32
      %swap3A_1553 = arith.index_cast %swap3A_1552 : i32 to index
      %swap3A_1554 = arith.index_cast %add3A_1551 : i32 to index
      %swap3A_1555 = tpu.vector_load %arg11[%swap3A_1553, %swap3A_1554] {strides = array<i32>} : memref<20x512xf32, #tpu.memory_space<vmem>>, vector<16xf32>,
      tpu.vector_store %arg11[%swap3A_1553, %swap3A_1554], %parallel_loop3A_1539#1 {strides = array<i32>} : memref<20x512xf32, #tpu.memory_space<vmem>>, vector<16xf32>,
      %mul3A_1556 = arith.constant 64 : i32
      %mul3A_1557 = arith.muli %scan3A_105, %mul3A_1556 : i32
      %add3A_1558 = arith.constant 48 : i32
      %add3A_1559 = arith.addi %mul3A_1557, %add3A_1558 : i32
      %swap3A_1560 = arith.constant 2 : i32
      %swap3A_1561 = arith.index_cast %swap3A_1560 : i32 to index
      %swap3A_1562 = arith.index_cast %add3A_1559 : i32 to index
      %swap3A_1563 = tpu.vector_load %arg11[%swap3A_1561, %swap3A_1562] {strides = array<i32>} : memref<20x512xf32, #tpu.memory_space<vmem>>, vector<16xf32>,
      tpu.vector_store %arg11[%swap3A_1561, %swap3A_1562], %parallel_loop3A_1539#2 {strides = array<i32>} : memref<20x512xf32, #tpu.memory_space<vmem>>, vector<16xf32>,
      %mul3A_1564 = arith.constant 64 : i32
      %mul3A_1565 = arith.muli %scan3A_105, %mul3A_1564 : i32
      %add3A_1566 = arith.constant 48 : i32
      %add3A_1567 = arith.addi %mul3A_1565, %add3A_1566 : i32
      %swap3A_1568 = arith.constant 3 : i32
      %swap3A_1569 = arith.index_cast %swap3A_1568 : i32 to index
      %swap3A_1570 = arith.index_cast %add3A_1567 : i32 to index
      %swap3A_1571 = tpu.vector_load %arg11[%swap3A_1569, %swap3A_1570] {strides = array<i32>} : memref<20x512xf32, #tpu.memory_space<vmem>>, vector<16xf32>,
      tpu.vector_store %arg11[%swap3A_1569, %swap3A_1570], %parallel_loop3A_1539#3 {strides = array<i32>} : memref<20x512xf32, #tpu.memory_space<vmem>>, vector<16xf32>,
      %mul3A_1572 = arith.constant 64 : i32
      %mul3A_1573 = arith.muli %scan3A_105, %mul3A_1572 : i32
      %add3A_1574 = arith.constant 48 : i32
      %add3A_1575 = arith.addi %mul3A_1573, %add3A_1574 : i32
      %swap3A_1576 = arith.constant 4 : i32
      %swap3A_1577 = arith.index_cast %swap3A_1576 : i32 to index
      %swap3A_1578 = arith.index_cast %add3A_1575 : i32 to index
      %swap3A_1579 = tpu.vector_load %arg11[%swap3A_1577, %swap3A_1578] {strides = array<i32>} : memref<20x512xf32, #tpu.memory_space<vmem>>, vector<16xf32>,
      tpu.vector_store %arg11[%swap3A_1577, %swap3A_1578], %parallel_loop3A_1539#4 {strides = array<i32>} : memref<20x512xf32, #tpu.memory_space<vmem>>, vector<16xf32>,
      %mul3A_1580 = arith.constant 64 : i32
      %mul3A_1581 = arith.muli %scan3A_105, %mul3A_1580 : i32
      %add3A_1582 = arith.constant 48 : i32
      %add3A_1583 = arith.addi %mul3A_1581, %add3A_1582 : i32
      %swap3A_1584 = arith.constant 5 : i32
      %swap3A_1585 = arith.index_cast %swap3A_1584 : i32 to index
      %swap3A_1586 = arith.index_cast %add3A_1583 : i32 to index
      %swap3A_1587 = tpu.vector_load %arg11[%swap3A_1585, %swap3A_1586] {strides = array<i32>} : memref<20x512xf32, #tpu.memory_space<vmem>>, vector<16xf32>,
      tpu.vector_store %arg11[%swap3A_1585, %swap3A_1586], %parallel_loop3A_1539#5 {strides = array<i32>} : memref<20x512xf32, #tpu.memory_space<vmem>>, vector<16xf32>,
      %mul3A_1588 = arith.constant 64 : i32
      %mul3A_1589 = arith.muli %scan3A_105, %mul3A_1588 : i32
      %add3A_1590 = arith.constant 48 : i32
      %add3A_1591 = arith.addi %mul3A_1589, %add3A_1590 : i32
      %swap3A_1592 = arith.constant 6 : i32
      %swap3A_1593 = arith.index_cast %swap3A_1592 : i32 to index
      %swap3A_1594 = arith.index_cast %add3A_1591 : i32 to index
      %swap3A_1595 = tpu.vector_load %arg11[%swap3A_1593, %swap3A_1594] {strides = array<i32>} : memref<20x512xf32, #tpu.memory_space<vmem>>, vector<16xf32>,
      tpu.vector_store %arg11[%swap3A_1593, %swap3A_1594], %parallel_loop3A_1539#6 {strides = array<i32>} : memref<20x512xf32, #tpu.memory_space<vmem>>, vector<16xf32>,
      %mul3A_1596 = arith.constant 64 : i32
      %mul3A_1597 = arith.muli %scan3A_105, %mul3A_1596 : i32
      %add3A_1598 = arith.constant 48 : i32
      %add3A_1599 = arith.addi %mul3A_1597, %add3A_1598 : i32
      %swap3A_1600 = arith.constant 7 : i32
      %swap3A_1601 = arith.index_cast %swap3A_1600 : i32 to index
      %swap3A_1602 = arith.index_cast %add3A_1599 : i32 to index
      %swap3A_1603 = tpu.vector_load %arg11[%swap3A_1601, %swap3A_1602] {strides = array<i32>} : memref<20x512xf32, #tpu.memory_space<vmem>>, vector<16xf32>,
      tpu.vector_store %arg11[%swap3A_1601, %swap3A_1602], %parallel_loop3A_1539#7 {strides = array<i32>} : memref<20x512xf32, #tpu.memory_space<vmem>>, vector<16xf32>,
      %mul3A_1604 = arith.constant 64 : i32
      %mul3A_1605 = arith.muli %scan3A_105, %mul3A_1604 : i32
      %add3A_1606 = arith.constant 48 : i32
      %add3A_1607 = arith.addi %mul3A_1605, %add3A_1606 : i32
      %swap3A_1608 = arith.constant 8 : i32
      %swap3A_1609 = arith.index_cast %swap3A_1608 : i32 to index
      %swap3A_1610 = arith.index_cast %add3A_1607 : i32 to index
      %swap3A_1611 = tpu.vector_load %arg11[%swap3A_1609, %swap3A_1610] {strides = array<i32>} : memref<20x512xf32, #tpu.memory_space<vmem>>, vector<16xf32>,
      tpu.vector_store %arg11[%swap3A_1609, %swap3A_1610], %parallel_loop3A_1539#8 {strides = array<i32>} : memref<20x512xf32, #tpu.memory_space<vmem>>, vector<16xf32>,
      %mul3A_1612 = arith.constant 64 : i32
      %mul3A_1613 = arith.muli %scan3A_105, %mul3A_1612 : i32
      %add3A_1614 = arith.constant 48 : i32
      %add3A_1615 = arith.addi %mul3A_1613, %add3A_1614 : i32
      %swap3A_1616 = arith.constant 9 : i32
      %swap3A_1617 = arith.index_cast %swap3A_1616 : i32 to index
      %swap3A_1618 = arith.index_cast %add3A_1615 : i32 to index
      %swap3A_1619 = tpu.vector_load %arg11[%swap3A_1617, %swap3A_1618] {strides = array<i32>} : memref<20x512xf32, #tpu.memory_space<vmem>>, vector<16xf32>,
      tpu.vector_store %arg11[%swap3A_1617, %swap3A_1618], %parallel_loop3A_1539#9 {strides = array<i32>} : memref<20x512xf32, #tpu.memory_space<vmem>>, vector<16xf32>,
      %mul3A_1620 = arith.constant 64 : i32
      %mul3A_1621 = arith.muli %scan3A_105, %mul3A_1620 : i32
      %add3A_1622 = arith.constant 48 : i32
      %add3A_1623 = arith.addi %mul3A_1621, %add3A_1622 : i32
      %swap3A_1624 = arith.constant 10 : i32
      %swap3A_1625 = arith.index_cast %swap3A_1624 : i32 to index
      %swap3A_1626 = arith.index_cast %add3A_1623 : i32 to index
      %swap3A_1627 = tpu.vector_load %arg11[%swap3A_1625, %swap3A_1626] {strides = array<i32>} : memref<20x512xf32, #tpu.memory_space<vmem>>, vector<16xf32>,
      tpu.vector_store %arg11[%swap3A_1625, %swap3A_1626], %parallel_loop3A_1539#10 {strides = array<i32>} : memref<20x512xf32, #tpu.memory_space<vmem>>, vector<16xf32>,
      %mul3A_1628 = arith.constant 64 : i32
      %mul3A_1629 = arith.muli %scan3A_105, %mul3A_1628 : i32
      %add3A_1630 = arith.constant 48 : i32
      %add3A_1631 = arith.addi %mul3A_1629, %add3A_1630 : i32
      %swap3A_1632 = arith.constant 11 : i32
      %swap3A_1633 = arith.index_cast %swap3A_1632 : i32 to index
      %swap3A_1634 = arith.index_cast %add3A_1631 : i32 to index
      %swap3A_1635 = tpu.vector_load %arg11[%swap3A_1633, %swap3A_1634] {strides = array<i32>} : memref<20x512xf32, #tpu.memory_space<vmem>>, vector<16xf32>,
      tpu.vector_store %arg11[%swap3A_1633, %swap3A_1634], %parallel_loop3A_1539#11 {strides = array<i32>} : memref<20x512xf32, #tpu.memory_space<vmem>>, vector<16xf32>,
      %mul3A_1636 = arith.constant 64 : i32
      %mul3A_1637 = arith.muli %scan3A_105, %mul3A_1636 : i32
      %add3A_1638 = arith.constant 48 : i32
      %add3A_1639 = arith.addi %mul3A_1637, %add3A_1638 : i32
      %swap3A_1640 = arith.constant 12 : i32
      %swap3A_1641 = arith.index_cast %swap3A_1640 : i32 to index
      %swap3A_1642 = arith.index_cast %add3A_1639 : i32 to index
      %swap3A_1643 = tpu.vector_load %arg11[%swap3A_1641, %swap3A_1642] {strides = array<i32>} : memref<20x512xf32, #tpu.memory_space<vmem>>, vector<16xf32>,
      tpu.vector_store %arg11[%swap3A_1641, %swap3A_1642], %parallel_loop3A_1539#12 {strides = array<i32>} : memref<20x512xf32, #tpu.memory_space<vmem>>, vector<16xf32>,
      %mul3A_1644 = arith.constant 64 : i32
      %mul3A_1645 = arith.muli %scan3A_105, %mul3A_1644 : i32
      %add3A_1646 = arith.constant 48 : i32
      %add3A_1647 = arith.addi %mul3A_1645, %add3A_1646 : i32
      %swap3A_1648 = arith.constant 13 : i32
      %swap3A_1649 = arith.index_cast %swap3A_1648 : i32 to index
      %swap3A_1650 = arith.index_cast %add3A_1647 : i32 to index
      %swap3A_1651 = tpu.vector_load %arg11[%swap3A_1649, %swap3A_1650] {strides = array<i32>} : memref<20x512xf32, #tpu.memory_space<vmem>>, vector<16xf32>,
      tpu.vector_store %arg11[%swap3A_1649, %swap3A_1650], %parallel_loop3A_1539#13 {strides = array<i32>} : memref<20x512xf32, #tpu.memory_space<vmem>>, vector<16xf32>,
      %mul3A_1652 = arith.constant 64 : i32
      %mul3A_1653 = arith.muli %scan3A_105, %mul3A_1652 : i32
      %add3A_1654 = arith.constant 48 : i32
      %add3A_1655 = arith.addi %mul3A_1653, %add3A_1654 : i32
      %swap3A_1656 = arith.constant 14 : i32
      %swap3A_1657 = arith.index_cast %swap3A_1656 : i32 to index
      %swap3A_1658 = arith.index_cast %add3A_1655 : i32 to index
      %swap3A_1659 = tpu.vector_load %arg11[%swap3A_1657, %swap3A_1658] {strides = array<i32>} : memref<20x512xf32, #tpu.memory_space<vmem>>, vector<16xf32>,
      tpu.vector_store %arg11[%swap3A_1657, %swap3A_1658], %parallel_loop3A_1539#14 {strides = array<i32>} : memref<20x512xf32, #tpu.memory_space<vmem>>, vector<16xf32>,
      %mul3A_1660 = arith.constant 64 : i32
      %mul3A_1661 = arith.muli %scan3A_105, %mul3A_1660 : i32
      %add3A_1662 = arith.constant 48 : i32
      %add3A_1663 = arith.addi %mul3A_1661, %add3A_1662 : i32
      %swap3A_1664 = arith.constant 15 : i32
      %swap3A_1665 = arith.index_cast %swap3A_1664 : i32 to index
      %swap3A_1666 = arith.index_cast %add3A_1663 : i32 to index
      %swap3A_1667 = tpu.vector_load %arg11[%swap3A_1665, %swap3A_1666] {strides = array<i32>} : memref<20x512xf32, #tpu.memory_space<vmem>>, vector<16xf32>,
      tpu.vector_store %arg11[%swap3A_1665, %swap3A_1666], %parallel_loop3A_1539#15 {strides = array<i32>} : memref<20x512xf32, #tpu.memory_space<vmem>>, vector<16xf32>,
      %mul3A_1668 = arith.constant 64 : i32
      %mul3A_1669 = arith.muli %scan3A_105, %mul3A_1668 : i32
      %add3A_1670 = arith.constant 48 : i32
      %add3A_1671 = arith.addi %mul3A_1669, %add3A_1670 : i32
      %swap3A_1672 = arith.constant 16 : i32
      %swap3A_1673 = arith.index_cast %swap3A_1672 : i32 to index
      %swap3A_1674 = arith.index_cast %add3A_1671 : i32 to index
      %swap3A_1675 = tpu.vector_load %arg11[%swap3A_1673, %swap3A_1674] {strides = array<i32>} : memref<20x512xf32, #tpu.memory_space<vmem>>, vector<16xf32>,
      tpu.vector_store %arg11[%swap3A_1673, %swap3A_1674], %parallel_loop3A_1539#16 {strides = array<i32>} : memref<20x512xf32, #tpu.memory_space<vmem>>, vector<16xf32>,
      %mul3A_1676 = arith.constant 64 : i32
      %mul3A_1677 = arith.muli %scan3A_105, %mul3A_1676 : i32
      %add3A_1678 = arith.constant 48 : i32
      %add3A_1679 = arith.addi %mul3A_1677, %add3A_1678 : i32
      %swap3A_1680 = arith.constant 17 : i32
      %swap3A_1681 = arith.index_cast %swap3A_1680 : i32 to index
      %swap3A_1682 = arith.index_cast %add3A_1679 : i32 to index
      %swap3A_1683 = tpu.vector_load %arg11[%swap3A_1681, %swap3A_1682] {strides = array<i32>} : memref<20x512xf32, #tpu.memory_space<vmem>>, vector<16xf32>,
      tpu.vector_store %arg11[%swap3A_1681, %swap3A_1682], %parallel_loop3A_1539#17 {strides = array<i32>} : memref<20x512xf32, #tpu.memory_space<vmem>>, vector<16xf32>,
      %mul3A_1684 = arith.constant 64 : i32
      %mul3A_1685 = arith.muli %scan3A_105, %mul3A_1684 : i32
      %add3A_1686 = arith.constant 48 : i32
      %add3A_1687 = arith.addi %mul3A_1685, %add3A_1686 : i32
      %swap3A_1688 = arith.constant 18 : i32
      %swap3A_1689 = arith.index_cast %swap3A_1688 : i32 to index
      %swap3A_1690 = arith.index_cast %add3A_1687 : i32 to index
      %swap3A_1691 = tpu.vector_load %arg11[%swap3A_1689, %swap3A_1690] {strides = array<i32>} : memref<20x512xf32, #tpu.memory_space<vmem>>, vector<16xf32>,
      tpu.vector_store %arg11[%swap3A_1689, %swap3A_1690], %parallel_loop3A_1539#18 {strides = array<i32>} : memref<20x512xf32, #tpu.memory_space<vmem>>, vector<16xf32>,
      %mul3A_1692 = arith.constant 64 : i32
      %mul3A_1693 = arith.muli %scan3A_105, %mul3A_1692 : i32
      %add3A_1694 = arith.constant 48 : i32
      %add3A_1695 = arith.addi %mul3A_1693, %add3A_1694 : i32
      %swap3A_1696 = arith.constant 19 : i32
      %swap3A_1697 = arith.index_cast %swap3A_1696 : i32 to index
      %swap3A_1698 = arith.index_cast %add3A_1695 : i32 to index
      %swap3A_1699 = tpu.vector_load %arg11[%swap3A_1697, %swap3A_1698] {strides = array<i32>} : memref<20x512xf32, #tpu.memory_space<vmem>>, vector<16xf32>,
      tpu.vector_store %arg11[%swap3A_1697, %swap3A_1698], %parallel_loop3A_1539#19 {strides = array<i32>} : memref<20x512xf32, #tpu.memory_space<vmem>>, vector<16xf32>,
    }
    %scan3A_5 = arith.constant 8 : i32
    %mul3A_6 = arith.constant 512 : i32
    %mul3A_7 = arith.muli %add3A, %mul3A_6 : i32
    %add3A_8 = arith.constant 0 : i32
    %add3A_9 = arith.addi %add3A_8, %mul3A_7 : i32
    %run_scoped3A = arith.constant 0 : i32
    "tpu.region"() ({
      %run_scoped3A_105 = tpu.sem_alloc : memref<!tpu.dma_semaphore, #tpu.memory_space<semaphore_mem>>
      %dma_start3A = arith.constant 0 : i32
      %dma_start3A_106 = tpu.memref_slice %arg11[%run_scoped3A, %dma_start3A] : memref<20x512xf32, #tpu.memory_space<vmem>> -> memref<1x512xf32, #tpu.memory_space<vmem>>
      %dma_start3A_107 = tpu.memref_squeeze %dma_start3A_106 : memref<1x512xf32, #tpu.memory_space<vmem>> -> memref<512xf32, #tpu.memory_space<vmem>>
      %dma_start3A_108 = tpu.memref_slice %arg6[%add3A_9] : memref<327680xf32, #tpu.memory_space<hbm>> -> memref<512xf32, #tpu.memory_space<hbm>>
      %dma_start3A_109 = tpu.memref_slice %arg6[%add3A_9] : memref<327680xf32, #tpu.memory_space<hbm>> -> memref<512xf32, #tpu.memory_space<hbm>>
      %dma_start3A_110 = arith.constant 0 : i32
      %dma_start3A_111 = tpu.memref_slice %arg11[%run_scoped3A, %dma_start3A_110] : memref<20x512xf32, #tpu.memory_space<vmem>> -> memref<1x512xf32, #tpu.memory_space<vmem>>
      %dma_start3A_112 = tpu.memref_squeeze %dma_start3A_111 : memref<1x512xf32, #tpu.memory_space<vmem>> -> memref<512xf32, #tpu.memory_space<vmem>>
      tpu.enqueue_dma source(%dma_start3A_112 : memref<512xf32, #tpu.memory_space<vmem>>) target(%dma_start3A_109 : memref<512xf32, #tpu.memory_space<hbm>>) target_semaphore(%run_scoped3A_105 : memref<!tpu.dma_semaphore, #tpu.memory_space<semaphore_mem>>)
      %dma_wait3A = arith.constant 0 : i32
      %dma_wait3A_113 = tpu.memref_slice %arg11[%run_scoped3A, %dma_wait3A] : memref<20x512xf32, #tpu.memory_space<vmem>> -> memref<1x512xf32, #tpu.memory_space<vmem>>
      %dma_wait3A_114 = tpu.memref_squeeze %dma_wait3A_113 : memref<1x512xf32, #tpu.memory_space<vmem>> -> memref<512xf32, #tpu.memory_space<vmem>>
      %dma_wait3A_115 = tpu.memref_slice %arg6[%add3A_9] : memref<327680xf32, #tpu.memory_space<hbm>> -> memref<512xf32, #tpu.memory_space<hbm>>
      %dma_wait3A_116 = tpu.memref_slice %arg6[%add3A_9] : memref<327680xf32, #tpu.memory_space<hbm>> -> memref<512xf32, #tpu.memory_space<hbm>>
      %dma_wait3A_117 = arith.constant 0 : i32
      %dma_wait3A_118 = tpu.memref_slice %arg11[%run_scoped3A, %dma_wait3A_117] : memref<20x512xf32, #tpu.memory_space<vmem>> -> memref<1x512xf32, #tpu.memory_space<vmem>>
      %dma_wait3A_119 = tpu.memref_squeeze %dma_wait3A_118 : memref<1x512xf32, #tpu.memory_space<vmem>> -> memref<512xf32, #tpu.memory_space<vmem>>
      tpu.wait_dma2 semaphore(%run_scoped3A_105 : memref<!tpu.dma_semaphore, #tpu.memory_space<semaphore_mem>>) src(%dma_wait3A_119 : memref<512xf32, #tpu.memory_space<vmem>>) dst(%dma_wait3A_116 : memref<512xf32, #tpu.memory_space<hbm>>)
      tpu.yield
    }) : () -> ()
    %mul3A_10 = arith.constant 512 : i32
    %mul3A_11 = arith.muli %add3A, %mul3A_10 : i32
    %add3A_12 = arith.constant 16384 : i32
    %add3A_13 = arith.addi %add3A_12, %mul3A_11 : i32
    %run_scoped3A_14 = arith.constant 1 : i32
    "tpu.region"() ({
      %run_scoped3A_105 = tpu.sem_alloc : memref<!tpu.dma_semaphore, #tpu.memory_space<semaphore_mem>>
      %dma_start3A = arith.constant 0 : i32
      %dma_start3A_106 = tpu.memref_slice %arg11[%run_scoped3A_14, %dma_start3A] : memref<20x512xf32, #tpu.memory_space<vmem>> -> memref<1x512xf32, #tpu.memory_space<vmem>>
      %dma_start3A_107 = tpu.memref_squeeze %dma_start3A_106 : memref<1x512xf32, #tpu.memory_space<vmem>> -> memref<512xf32, #tpu.memory_space<vmem>>
      %dma_start3A_108 = tpu.memref_slice %arg6[%add3A_13] : memref<327680xf32, #tpu.memory_space<hbm>> -> memref<512xf32, #tpu.memory_space<hbm>>
      %dma_start3A_109 = tpu.memref_slice %arg6[%add3A_13] : memref<327680xf32, #tpu.memory_space<hbm>> -> memref<512xf32, #tpu.memory_space<hbm>>
      %dma_start3A_110 = arith.constant 0 : i32
      %dma_start3A_111 = tpu.memref_slice %arg11[%run_scoped3A_14, %dma_start3A_110] : memref<20x512xf32, #tpu.memory_space<vmem>> -> memref<1x512xf32, #tpu.memory_space<vmem>>
      %dma_start3A_112 = tpu.memref_squeeze %dma_start3A_111 : memref<1x512xf32, #tpu.memory_space<vmem>> -> memref<512xf32, #tpu.memory_space<vmem>>
      tpu.enqueue_dma source(%dma_start3A_112 : memref<512xf32, #tpu.memory_space<vmem>>) target(%dma_start3A_109 : memref<512xf32, #tpu.memory_space<hbm>>) target_semaphore(%run_scoped3A_105 : memref<!tpu.dma_semaphore, #tpu.memory_space<semaphore_mem>>)
      %dma_wait3A = arith.constant 0 : i32
      %dma_wait3A_113 = tpu.memref_slice %arg11[%run_scoped3A_14, %dma_wait3A] : memref<20x512xf32, #tpu.memory_space<vmem>> -> memref<1x512xf32, #tpu.memory_space<vmem>>
      %dma_wait3A_114 = tpu.memref_squeeze %dma_wait3A_113 : memref<1x512xf32, #tpu.memory_space<vmem>> -> memref<512xf32, #tpu.memory_space<vmem>>
      %dma_wait3A_115 = tpu.memref_slice %arg6[%add3A_13] : memref<327680xf32, #tpu.memory_space<hbm>> -> memref<512xf32, #tpu.memory_space<hbm>>
      %dma_wait3A_116 = tpu.memref_slice %arg6[%add3A_13] : memref<327680xf32, #tpu.memory_space<hbm>> -> memref<512xf32, #tpu.memory_space<hbm>>
      %dma_wait3A_117 = arith.constant 0 : i32
      %dma_wait3A_118 = tpu.memref_slice %arg11[%run_scoped3A_14, %dma_wait3A_117] : memref<20x512xf32, #tpu.memory_space<vmem>> -> memref<1x512xf32, #tpu.memory_space<vmem>>
      %dma_wait3A_119 = tpu.memref_squeeze %dma_wait3A_118 : memref<1x512xf32, #tpu.memory_space<vmem>> -> memref<512xf32, #tpu.memory_space<vmem>>
      tpu.wait_dma2 semaphore(%run_scoped3A_105 : memref<!tpu.dma_semaphore, #tpu.memory_space<semaphore_mem>>) src(%dma_wait3A_119 : memref<512xf32, #tpu.memory_space<vmem>>) dst(%dma_wait3A_116 : memref<512xf32, #tpu.memory_space<hbm>>)
      tpu.yield
    }) : () -> ()
    %mul3A_15 = arith.constant 512 : i32
    %mul3A_16 = arith.muli %add3A, %mul3A_15 : i32
    %add3A_17 = arith.constant 32768 : i32
    %add3A_18 = arith.addi %add3A_17, %mul3A_16 : i32
    %run_scoped3A_19 = arith.constant 2 : i32
    "tpu.region"() ({
      %run_scoped3A_105 = tpu.sem_alloc : memref<!tpu.dma_semaphore, #tpu.memory_space<semaphore_mem>>
      %dma_start3A = arith.constant 0 : i32
      %dma_start3A_106 = tpu.memref_slice %arg11[%run_scoped3A_19, %dma_start3A] : memref<20x512xf32, #tpu.memory_space<vmem>> -> memref<1x512xf32, #tpu.memory_space<vmem>>
      %dma_start3A_107 = tpu.memref_squeeze %dma_start3A_106 : memref<1x512xf32, #tpu.memory_space<vmem>> -> memref<512xf32, #tpu.memory_space<vmem>>
      %dma_start3A_108 = tpu.memref_slice %arg6[%add3A_18] : memref<327680xf32, #tpu.memory_space<hbm>> -> memref<512xf32, #tpu.memory_space<hbm>>
      %dma_start3A_109 = tpu.memref_slice %arg6[%add3A_18] : memref<327680xf32, #tpu.memory_space<hbm>> -> memref<512xf32, #tpu.memory_space<hbm>>
      %dma_start3A_110 = arith.constant 0 : i32
      %dma_start3A_111 = tpu.memref_slice %arg11[%run_scoped3A_19, %dma_start3A_110] : memref<20x512xf32, #tpu.memory_space<vmem>> -> memref<1x512xf32, #tpu.memory_space<vmem>>
      %dma_start3A_112 = tpu.memref_squeeze %dma_start3A_111 : memref<1x512xf32, #tpu.memory_space<vmem>> -> memref<512xf32, #tpu.memory_space<vmem>>
      tpu.enqueue_dma source(%dma_start3A_112 : memref<512xf32, #tpu.memory_space<vmem>>) target(%dma_start3A_109 : memref<512xf32, #tpu.memory_space<hbm>>) target_semaphore(%run_scoped3A_105 : memref<!tpu.dma_semaphore, #tpu.memory_space<semaphore_mem>>)
      %dma_wait3A = arith.constant 0 : i32
      %dma_wait3A_113 = tpu.memref_slice %arg11[%run_scoped3A_19, %dma_wait3A] : memref<20x512xf32, #tpu.memory_space<vmem>> -> memref<1x512xf32, #tpu.memory_space<vmem>>
      %dma_wait3A_114 = tpu.memref_squeeze %dma_wait3A_113 : memref<1x512xf32, #tpu.memory_space<vmem>> -> memref<512xf32, #tpu.memory_space<vmem>>
      %dma_wait3A_115 = tpu.memref_slice %arg6[%add3A_18] : memref<327680xf32, #tpu.memory_space<hbm>> -> memref<512xf32, #tpu.memory_space<hbm>>
      %dma_wait3A_116 = tpu.memref_slice %arg6[%add3A_18] : memref<327680xf32, #tpu.memory_space<hbm>> -> memref<512xf32, #tpu.memory_space<hbm>>
      %dma_wait3A_117 = arith.constant 0 : i32
      %dma_wait3A_118 = tpu.memref_slice %arg11[%run_scoped3A_19, %dma_wait3A_117] : memref<20x512xf32, #tpu.memory_space<vmem>> -> memref<1x512xf32, #tpu.memory_space<vmem>>
      %dma_wait3A_119 = tpu.memref_squeeze %dma_wait3A_118 : memref<1x512xf32, #tpu.memory_space<vmem>> -> memref<512xf32, #tpu.memory_space<vmem>>
      tpu.wait_dma2 semaphore(%run_scoped3A_105 : memref<!tpu.dma_semaphore, #tpu.memory_space<semaphore_mem>>) src(%dma_wait3A_119 : memref<512xf32, #tpu.memory_space<vmem>>) dst(%dma_wait3A_116 : memref<512xf32, #tpu.memory_space<hbm>>)
      tpu.yield
    }) : () -> ()
    %mul3A_20 = arith.constant 512 : i32
    %mul3A_21 = arith.muli %add3A, %mul3A_20 : i32
    %add3A_22 = arith.constant 49152 : i32
    %add3A_23 = arith.addi %add3A_22, %mul3A_21 : i32
    %run_scoped3A_24 = arith.constant 3 : i32
    "tpu.region"() ({
      %run_scoped3A_105 = tpu.sem_alloc : memref<!tpu.dma_semaphore, #tpu.memory_space<semaphore_mem>>
      %dma_start3A = arith.constant 0 : i32
      %dma_start3A_106 = tpu.memref_slice %arg11[%run_scoped3A_24, %dma_start3A] : memref<20x512xf32, #tpu.memory_space<vmem>> -> memref<1x512xf32, #tpu.memory_space<vmem>>
      %dma_start3A_107 = tpu.memref_squeeze %dma_start3A_106 : memref<1x512xf32, #tpu.memory_space<vmem>> -> memref<512xf32, #tpu.memory_space<vmem>>
      %dma_start3A_108 = tpu.memref_slice %arg6[%add3A_23] : memref<327680xf32, #tpu.memory_space<hbm>> -> memref<512xf32, #tpu.memory_space<hbm>>
      %dma_start3A_109 = tpu.memref_slice %arg6[%add3A_23] : memref<327680xf32, #tpu.memory_space<hbm>> -> memref<512xf32, #tpu.memory_space<hbm>>
      %dma_start3A_110 = arith.constant 0 : i32
      %dma_start3A_111 = tpu.memref_slice %arg11[%run_scoped3A_24, %dma_start3A_110] : memref<20x512xf32, #tpu.memory_space<vmem>> -> memref<1x512xf32, #tpu.memory_space<vmem>>
      %dma_start3A_112 = tpu.memref_squeeze %dma_start3A_111 : memref<1x512xf32, #tpu.memory_space<vmem>> -> memref<512xf32, #tpu.memory_space<vmem>>
      tpu.enqueue_dma source(%dma_start3A_112 : memref<512xf32, #tpu.memory_space<vmem>>) target(%dma_start3A_109 : memref<512xf32, #tpu.memory_space<hbm>>) target_semaphore(%run_scoped3A_105 : memref<!tpu.dma_semaphore, #tpu.memory_space<semaphore_mem>>)
      %dma_wait3A = arith.constant 0 : i32
      %dma_wait3A_113 = tpu.memref_slice %arg11[%run_scoped3A_24, %dma_wait3A] : memref<20x512xf32, #tpu.memory_space<vmem>> -> memref<1x512xf32, #tpu.memory_space<vmem>>
      %dma_wait3A_114 = tpu.memref_squeeze %dma_wait3A_113 : memref<1x512xf32, #tpu.memory_space<vmem>> -> memref<512xf32, #tpu.memory_space<vmem>>
      %dma_wait3A_115 = tpu.memref_slice %arg6[%add3A_23] : memref<327680xf32, #tpu.memory_space<hbm>> -> memref<512xf32, #tpu.memory_space<hbm>>
      %dma_wait3A_116 = tpu.memref_slice %arg6[%add3A_23] : memref<327680xf32, #tpu.memory_space<hbm>> -> memref<512xf32, #tpu.memory_space<hbm>>
      %dma_wait3A_117 = arith.constant 0 : i32
      %dma_wait3A_118 = tpu.memref_slice %arg11[%run_scoped3A_24, %dma_wait3A_117] : memref<20x512xf32, #tpu.memory_space<vmem>> -> memref<1x512xf32, #tpu.memory_space<vmem>>
      %dma_wait3A_119 = tpu.memref_squeeze %dma_wait3A_118 : memref<1x512xf32, #tpu.memory_space<vmem>> -> memref<512xf32, #tpu.memory_space<vmem>>
      tpu.wait_dma2 semaphore(%run_scoped3A_105 : memref<!tpu.dma_semaphore, #tpu.memory_space<semaphore_mem>>) src(%dma_wait3A_119 : memref<512xf32, #tpu.memory_space<vmem>>) dst(%dma_wait3A_116 : memref<512xf32, #tpu.memory_space<hbm>>)
      tpu.yield
    }) : () -> ()
    %mul3A_25 = arith.constant 512 : i32
    %mul3A_26 = arith.muli %add3A, %mul3A_25 : i32
    %add3A_27 = arith.constant 65536 : i32
    %add3A_28 = arith.addi %add3A_27, %mul3A_26 : i32
    %run_scoped3A_29 = arith.constant 4 : i32
    "tpu.region"() ({
      %run_scoped3A_105 = tpu.sem_alloc : memref<!tpu.dma_semaphore, #tpu.memory_space<semaphore_mem>>
      %dma_start3A = arith.constant 0 : i32
      %dma_start3A_106 = tpu.memref_slice %arg11[%run_scoped3A_29, %dma_start3A] : memref<20x512xf32, #tpu.memory_space<vmem>> -> memref<1x512xf32, #tpu.memory_space<vmem>>
      %dma_start3A_107 = tpu.memref_squeeze %dma_start3A_106 : memref<1x512xf32, #tpu.memory_space<vmem>> -> memref<512xf32, #tpu.memory_space<vmem>>
      %dma_start3A_108 = tpu.memref_slice %arg6[%add3A_28] : memref<327680xf32, #tpu.memory_space<hbm>> -> memref<512xf32, #tpu.memory_space<hbm>>
      %dma_start3A_109 = tpu.memref_slice %arg6[%add3A_28] : memref<327680xf32, #tpu.memory_space<hbm>> -> memref<512xf32, #tpu.memory_space<hbm>>
      %dma_start3A_110 = arith.constant 0 : i32
      %dma_start3A_111 = tpu.memref_slice %arg11[%run_scoped3A_29, %dma_start3A_110] : memref<20x512xf32, #tpu.memory_space<vmem>> -> memref<1x512xf32, #tpu.memory_space<vmem>>
      %dma_start3A_112 = tpu.memref_squeeze %dma_start3A_111 : memref<1x512xf32, #tpu.memory_space<vmem>> -> memref<512xf32, #tpu.memory_space<vmem>>
      tpu.enqueue_dma source(%dma_start3A_112 : memref<512xf32, #tpu.memory_space<vmem>>) target(%dma_start3A_109 : memref<512xf32, #tpu.memory_space<hbm>>) target_semaphore(%run_scoped3A_105 : memref<!tpu.dma_semaphore, #tpu.memory_space<semaphore_mem>>)
      %dma_wait3A = arith.constant 0 : i32
      %dma_wait3A_113 = tpu.memref_slice %arg11[%run_scoped3A_29, %dma_wait3A] : memref<20x512xf32, #tpu.memory_space<vmem>> -> memref<1x512xf32, #tpu.memory_space<vmem>>
      %dma_wait3A_114 = tpu.memref_squeeze %dma_wait3A_113 : memref<1x512xf32, #tpu.memory_space<vmem>> -> memref<512xf32, #tpu.memory_space<vmem>>
      %dma_wait3A_115 = tpu.memref_slice %arg6[%add3A_28] : memref<327680xf32, #tpu.memory_space<hbm>> -> memref<512xf32, #tpu.memory_space<hbm>>
      %dma_wait3A_116 = tpu.memref_slice %arg6[%add3A_28] : memref<327680xf32, #tpu.memory_space<hbm>> -> memref<512xf32, #tpu.memory_space<hbm>>
      %dma_wait3A_117 = arith.constant 0 : i32
      %dma_wait3A_118 = tpu.memref_slice %arg11[%run_scoped3A_29, %dma_wait3A_117] : memref<20x512xf32, #tpu.memory_space<vmem>> -> memref<1x512xf32, #tpu.memory_space<vmem>>
      %dma_wait3A_119 = tpu.memref_squeeze %dma_wait3A_118 : memref<1x512xf32, #tpu.memory_space<vmem>> -> memref<512xf32, #tpu.memory_space<vmem>>
      tpu.wait_dma2 semaphore(%run_scoped3A_105 : memref<!tpu.dma_semaphore, #tpu.memory_space<semaphore_mem>>) src(%dma_wait3A_119 : memref<512xf32, #tpu.memory_space<vmem>>) dst(%dma_wait3A_116 : memref<512xf32, #tpu.memory_space<hbm>>)
      tpu.yield
    }) : () -> ()
    %mul3A_30 = arith.constant 512 : i32
    %mul3A_31 = arith.muli %add3A, %mul3A_30 : i32
    %add3A_32 = arith.constant 81920 : i32
    %add3A_33 = arith.addi %add3A_32, %mul3A_31 : i32
    %run_scoped3A_34 = arith.constant 5 : i32
    "tpu.region"() ({
      %run_scoped3A_105 = tpu.sem_alloc : memref<!tpu.dma_semaphore, #tpu.memory_space<semaphore_mem>>
      %dma_start3A = arith.constant 0 : i32
      %dma_start3A_106 = tpu.memref_slice %arg11[%run_scoped3A_34, %dma_start3A] : memref<20x512xf32, #tpu.memory_space<vmem>> -> memref<1x512xf32, #tpu.memory_space<vmem>>
      %dma_start3A_107 = tpu.memref_squeeze %dma_start3A_106 : memref<1x512xf32, #tpu.memory_space<vmem>> -> memref<512xf32, #tpu.memory_space<vmem>>
      %dma_start3A_108 = tpu.memref_slice %arg6[%add3A_33] : memref<327680xf32, #tpu.memory_space<hbm>> -> memref<512xf32, #tpu.memory_space<hbm>>
      %dma_start3A_109 = tpu.memref_slice %arg6[%add3A_33] : memref<327680xf32, #tpu.memory_space<hbm>> -> memref<512xf32, #tpu.memory_space<hbm>>
      %dma_start3A_110 = arith.constant 0 : i32
      %dma_start3A_111 = tpu.memref_slice %arg11[%run_scoped3A_34, %dma_start3A_110] : memref<20x512xf32, #tpu.memory_space<vmem>> -> memref<1x512xf32, #tpu.memory_space<vmem>>
      %dma_start3A_112 = tpu.memref_squeeze %dma_start3A_111 : memref<1x512xf32, #tpu.memory_space<vmem>> -> memref<512xf32, #tpu.memory_space<vmem>>
      tpu.enqueue_dma source(%dma_start3A_112 : memref<512xf32, #tpu.memory_space<vmem>>) target(%dma_start3A_109 : memref<512xf32, #tpu.memory_space<hbm>>) target_semaphore(%run_scoped3A_105 : memref<!tpu.dma_semaphore, #tpu.memory_space<semaphore_mem>>)
      %dma_wait3A = arith.constant 0 : i32
      %dma_wait3A_113 = tpu.memref_slice %arg11[%run_scoped3A_34, %dma_wait3A] : memref<20x512xf32, #tpu.memory_space<vmem>> -> memref<1x512xf32, #tpu.memory_space<vmem>>
      %dma_wait3A_114 = tpu.memref_squeeze %dma_wait3A_113 : memref<1x512xf32, #tpu.memory_space<vmem>> -> memref<512xf32, #tpu.memory_space<vmem>>
      %dma_wait3A_115 = tpu.memref_slice %arg6[%add3A_33] : memref<327680xf32, #tpu.memory_space<hbm>> -> memref<512xf32, #tpu.memory_space<hbm>>
      %dma_wait3A_116 = tpu.memref_slice %arg6[%add3A_33] : memref<327680xf32, #tpu.memory_space<hbm>> -> memref<512xf32, #tpu.memory_space<hbm>>
      %dma_wait3A_117 = arith.constant 0 : i32
      %dma_wait3A_118 = tpu.memref_slice %arg11[%run_scoped3A_34, %dma_wait3A_117] : memref<20x512xf32, #tpu.memory_space<vmem>> -> memref<1x512xf32, #tpu.memory_space<vmem>>
      %dma_wait3A_119 = tpu.memref_squeeze %dma_wait3A_118 : memref<1x512xf32, #tpu.memory_space<vmem>> -> memref<512xf32, #tpu.memory_space<vmem>>
      tpu.wait_dma2 semaphore(%run_scoped3A_105 : memref<!tpu.dma_semaphore, #tpu.memory_space<semaphore_mem>>) src(%dma_wait3A_119 : memref<512xf32, #tpu.memory_space<vmem>>) dst(%dma_wait3A_116 : memref<512xf32, #tpu.memory_space<hbm>>)
      tpu.yield
    }) : () -> ()
    %mul3A_35 = arith.constant 512 : i32
    %mul3A_36 = arith.muli %add3A, %mul3A_35 : i32
    %add3A_37 = arith.constant 98304 : i32
    %add3A_38 = arith.addi %add3A_37, %mul3A_36 : i32
    %run_scoped3A_39 = arith.constant 6 : i32
    "tpu.region"() ({
      %run_scoped3A_105 = tpu.sem_alloc : memref<!tpu.dma_semaphore, #tpu.memory_space<semaphore_mem>>
      %dma_start3A = arith.constant 0 : i32
      %dma_start3A_106 = tpu.memref_slice %arg11[%run_scoped3A_39, %dma_start3A] : memref<20x512xf32, #tpu.memory_space<vmem>> -> memref<1x512xf32, #tpu.memory_space<vmem>>
      %dma_start3A_107 = tpu.memref_squeeze %dma_start3A_106 : memref<1x512xf32, #tpu.memory_space<vmem>> -> memref<512xf32, #tpu.memory_space<vmem>>
      %dma_start3A_108 = tpu.memref_slice %arg6[%add3A_38] : memref<327680xf32, #tpu.memory_space<hbm>> -> memref<512xf32, #tpu.memory_space<hbm>>
      %dma_start3A_109 = tpu.memref_slice %arg6[%add3A_38] : memref<327680xf32, #tpu.memory_space<hbm>> -> memref<512xf32, #tpu.memory_space<hbm>>
      %dma_start3A_110 = arith.constant 0 : i32
      %dma_start3A_111 = tpu.memref_slice %arg11[%run_scoped3A_39, %dma_start3A_110] : memref<20x512xf32, #tpu.memory_space<vmem>> -> memref<1x512xf32, #tpu.memory_space<vmem>>
      %dma_start3A_112 = tpu.memref_squeeze %dma_start3A_111 : memref<1x512xf32, #tpu.memory_space<vmem>> -> memref<512xf32, #tpu.memory_space<vmem>>
      tpu.enqueue_dma source(%dma_start3A_112 : memref<512xf32, #tpu.memory_space<vmem>>) target(%dma_start3A_109 : memref<512xf32, #tpu.memory_space<hbm>>) target_semaphore(%run_scoped3A_105 : memref<!tpu.dma_semaphore, #tpu.memory_space<semaphore_mem>>)
      %dma_wait3A = arith.constant 0 : i32
      %dma_wait3A_113 = tpu.memref_slice %arg11[%run_scoped3A_39, %dma_wait3A] : memref<20x512xf32, #tpu.memory_space<vmem>> -> memref<1x512xf32, #tpu.memory_space<vmem>>
      %dma_wait3A_114 = tpu.memref_squeeze %dma_wait3A_113 : memref<1x512xf32, #tpu.memory_space<vmem>> -> memref<512xf32, #tpu.memory_space<vmem>>
      %dma_wait3A_115 = tpu.memref_slice %arg6[%add3A_38] : memref<327680xf32, #tpu.memory_space<hbm>> -> memref<512xf32, #tpu.memory_space<hbm>>
      %dma_wait3A_116 = tpu.memref_slice %arg6[%add3A_38] : memref<327680xf32, #tpu.memory_space<hbm>> -> memref<512xf32, #tpu.memory_space<hbm>>
      %dma_wait3A_117 = arith.constant 0 : i32
      %dma_wait3A_118 = tpu.memref_slice %arg11[%run_scoped3A_39, %dma_wait3A_117] : memref<20x512xf32, #tpu.memory_space<vmem>> -> memref<1x512xf32, #tpu.memory_space<vmem>>
      %dma_wait3A_119 = tpu.memref_squeeze %dma_wait3A_118 : memref<1x512xf32, #tpu.memory_space<vmem>> -> memref<512xf32, #tpu.memory_space<vmem>>
      tpu.wait_dma2 semaphore(%run_scoped3A_105 : memref<!tpu.dma_semaphore, #tpu.memory_space<semaphore_mem>>) src(%dma_wait3A_119 : memref<512xf32, #tpu.memory_space<vmem>>) dst(%dma_wait3A_116 : memref<512xf32, #tpu.memory_space<hbm>>)
      tpu.yield
    }) : () -> ()
    %mul3A_40 = arith.constant 512 : i32
    %mul3A_41 = arith.muli %add3A, %mul3A_40 : i32
    %add3A_42 = arith.constant 114688 : i32
    %add3A_43 = arith.addi %add3A_42, %mul3A_41 : i32
    %run_scoped3A_44 = arith.constant 7 : i32
    "tpu.region"() ({
      %run_scoped3A_105 = tpu.sem_alloc : memref<!tpu.dma_semaphore, #tpu.memory_space<semaphore_mem>>
      %dma_start3A = arith.constant 0 : i32
      %dma_start3A_106 = tpu.memref_slice %arg11[%run_scoped3A_44, %dma_start3A] : memref<20x512xf32, #tpu.memory_space<vmem>> -> memref<1x512xf32, #tpu.memory_space<vmem>>
      %dma_start3A_107 = tpu.memref_squeeze %dma_start3A_106 : memref<1x512xf32, #tpu.memory_space<vmem>> -> memref<512xf32, #tpu.memory_space<vmem>>
      %dma_start3A_108 = tpu.memref_slice %arg6[%add3A_43] : memref<327680xf32, #tpu.memory_space<hbm>> -> memref<512xf32, #tpu.memory_space<hbm>>
      %dma_start3A_109 = tpu.memref_slice %arg6[%add3A_43] : memref<327680xf32, #tpu.memory_space<hbm>> -> memref<512xf32, #tpu.memory_space<hbm>>
      %dma_start3A_110 = arith.constant 0 : i32
      %dma_start3A_111 = tpu.memref_slice %arg11[%run_scoped3A_44, %dma_start3A_110] : memref<20x512xf32, #tpu.memory_space<vmem>> -> memref<1x512xf32, #tpu.memory_space<vmem>>
      %dma_start3A_112 = tpu.memref_squeeze %dma_start3A_111 : memref<1x512xf32, #tpu.memory_space<vmem>> -> memref<512xf32, #tpu.memory_space<vmem>>
      tpu.enqueue_dma source(%dma_start3A_112 : memref<512xf32, #tpu.memory_space<vmem>>) target(%dma_start3A_109 : memref<512xf32, #tpu.memory_space<hbm>>) target_semaphore(%run_scoped3A_105 : memref<!tpu.dma_semaphore, #tpu.memory_space<semaphore_mem>>)
      %dma_wait3A = arith.constant 0 : i32
      %dma_wait3A_113 = tpu.memref_slice %arg11[%run_scoped3A_44, %dma_wait3A] : memref<20x512xf32, #tpu.memory_space<vmem>> -> memref<1x512xf32, #tpu.memory_space<vmem>>
      %dma_wait3A_114 = tpu.memref_squeeze %dma_wait3A_113 : memref<1x512xf32, #tpu.memory_space<vmem>> -> memref<512xf32, #tpu.memory_space<vmem>>
      %dma_wait3A_115 = tpu.memref_slice %arg6[%add3A_43] : memref<327680xf32, #tpu.memory_space<hbm>> -> memref<512xf32, #tpu.memory_space<hbm>>
      %dma_wait3A_116 = tpu.memref_slice %arg6[%add3A_43] : memref<327680xf32, #tpu.memory_space<hbm>> -> memref<512xf32, #tpu.memory_space<hbm>>
      %dma_wait3A_117 = arith.constant 0 : i32
      %dma_wait3A_118 = tpu.memref_slice %arg11[%run_scoped3A_44, %dma_wait3A_117] : memref<20x512xf32, #tpu.memory_space<vmem>> -> memref<1x512xf32, #tpu.memory_space<vmem>>
      %dma_wait3A_119 = tpu.memref_squeeze %dma_wait3A_118 : memref<1x512xf32, #tpu.memory_space<vmem>> -> memref<512xf32, #tpu.memory_space<vmem>>
      tpu.wait_dma2 semaphore(%run_scoped3A_105 : memref<!tpu.dma_semaphore, #tpu.memory_space<semaphore_mem>>) src(%dma_wait3A_119 : memref<512xf32, #tpu.memory_space<vmem>>) dst(%dma_wait3A_116 : memref<512xf32, #tpu.memory_space<hbm>>)
      tpu.yield
    }) : () -> ()
    %mul3A_45 = arith.constant 512 : i32
    %mul3A_46 = arith.muli %add3A, %mul3A_45 : i32
    %add3A_47 = arith.constant 131072 : i32
    %add3A_48 = arith.addi %add3A_47, %mul3A_46 : i32
    %run_scoped3A_49 = arith.constant 8 : i32
    "tpu.region"() ({
      %run_scoped3A_105 = tpu.sem_alloc : memref<!tpu.dma_semaphore, #tpu.memory_space<semaphore_mem>>
      %dma_start3A = arith.constant 0 : i32
      %dma_start3A_106 = tpu.memref_slice %arg11[%run_scoped3A_49, %dma_start3A] : memref<20x512xf32, #tpu.memory_space<vmem>> -> memref<1x512xf32, #tpu.memory_space<vmem>>
      %dma_start3A_107 = tpu.memref_squeeze %dma_start3A_106 : memref<1x512xf32, #tpu.memory_space<vmem>> -> memref<512xf32, #tpu.memory_space<vmem>>
      %dma_start3A_108 = tpu.memref_slice %arg6[%add3A_48] : memref<327680xf32, #tpu.memory_space<hbm>> -> memref<512xf32, #tpu.memory_space<hbm>>
      %dma_start3A_109 = tpu.memref_slice %arg6[%add3A_48] : memref<327680xf32, #tpu.memory_space<hbm>> -> memref<512xf32, #tpu.memory_space<hbm>>
      %dma_start3A_110 = arith.constant 0 : i32
      %dma_start3A_111 = tpu.memref_slice %arg11[%run_scoped3A_49, %dma_start3A_110] : memref<20x512xf32, #tpu.memory_space<vmem>> -> memref<1x512xf32, #tpu.memory_space<vmem>>
      %dma_start3A_112 = tpu.memref_squeeze %dma_start3A_111 : memref<1x512xf32, #tpu.memory_space<vmem>> -> memref<512xf32, #tpu.memory_space<vmem>>
      tpu.enqueue_dma source(%dma_start3A_112 : memref<512xf32, #tpu.memory_space<vmem>>) target(%dma_start3A_109 : memref<512xf32, #tpu.memory_space<hbm>>) target_semaphore(%run_scoped3A_105 : memref<!tpu.dma_semaphore, #tpu.memory_space<semaphore_mem>>)
      %dma_wait3A = arith.constant 0 : i32
      %dma_wait3A_113 = tpu.memref_slice %arg11[%run_scoped3A_49, %dma_wait3A] : memref<20x512xf32, #tpu.memory_space<vmem>> -> memref<1x512xf32, #tpu.memory_space<vmem>>
      %dma_wait3A_114 = tpu.memref_squeeze %dma_wait3A_113 : memref<1x512xf32, #tpu.memory_space<vmem>> -> memref<512xf32, #tpu.memory_space<vmem>>
      %dma_wait3A_115 = tpu.memref_slice %arg6[%add3A_48] : memref<327680xf32, #tpu.memory_space<hbm>> -> memref<512xf32, #tpu.memory_space<hbm>>
      %dma_wait3A_116 = tpu.memref_slice %arg6[%add3A_48] : memref<327680xf32, #tpu.memory_space<hbm>> -> memref<512xf32, #tpu.memory_space<hbm>>
      %dma_wait3A_117 = arith.constant 0 : i32
      %dma_wait3A_118 = tpu.memref_slice %arg11[%run_scoped3A_49, %dma_wait3A_117] : memref<20x512xf32, #tpu.memory_space<vmem>> -> memref<1x512xf32, #tpu.memory_space<vmem>>
      %dma_wait3A_119 = tpu.memref_squeeze %dma_wait3A_118 : memref<1x512xf32, #tpu.memory_space<vmem>> -> memref<512xf32, #tpu.memory_space<vmem>>
      tpu.wait_dma2 semaphore(%run_scoped3A_105 : memref<!tpu.dma_semaphore, #tpu.memory_space<semaphore_mem>>) src(%dma_wait3A_119 : memref<512xf32, #tpu.memory_space<vmem>>) dst(%dma_wait3A_116 : memref<512xf32, #tpu.memory_space<hbm>>)
      tpu.yield
    }) : () -> ()
    %mul3A_50 = arith.constant 512 : i32
    %mul3A_51 = arith.muli %add3A, %mul3A_50 : i32
    %add3A_52 = arith.constant 147456 : i32
    %add3A_53 = arith.addi %add3A_52, %mul3A_51 : i32
    %run_scoped3A_54 = arith.constant 9 : i32
    "tpu.region"() ({
      %run_scoped3A_105 = tpu.sem_alloc : memref<!tpu.dma_semaphore, #tpu.memory_space<semaphore_mem>>
      %dma_start3A = arith.constant 0 : i32
      %dma_start3A_106 = tpu.memref_slice %arg11[%run_scoped3A_54, %dma_start3A] : memref<20x512xf32, #tpu.memory_space<vmem>> -> memref<1x512xf32, #tpu.memory_space<vmem>>
      %dma_start3A_107 = tpu.memref_squeeze %dma_start3A_106 : memref<1x512xf32, #tpu.memory_space<vmem>> -> memref<512xf32, #tpu.memory_space<vmem>>
      %dma_start3A_108 = tpu.memref_slice %arg6[%add3A_53] : memref<327680xf32, #tpu.memory_space<hbm>> -> memref<512xf32, #tpu.memory_space<hbm>>
      %dma_start3A_109 = tpu.memref_slice %arg6[%add3A_53] : memref<327680xf32, #tpu.memory_space<hbm>> -> memref<512xf32, #tpu.memory_space<hbm>>
      %dma_start3A_110 = arith.constant 0 : i32
      %dma_start3A_111 = tpu.memref_slice %arg11[%run_scoped3A_54, %dma_start3A_110] : memref<20x512xf32, #tpu.memory_space<vmem>> -> memref<1x512xf32, #tpu.memory_space<vmem>>
      %dma_start3A_112 = tpu.memref_squeeze %dma_start3A_111 : memref<1x512xf32, #tpu.memory_space<vmem>> -> memref<512xf32, #tpu.memory_space<vmem>>
      tpu.enqueue_dma source(%dma_start3A_112 : memref<512xf32, #tpu.memory_space<vmem>>) target(%dma_start3A_109 : memref<512xf32, #tpu.memory_space<hbm>>) target_semaphore(%run_scoped3A_105 : memref<!tpu.dma_semaphore, #tpu.memory_space<semaphore_mem>>)
      %dma_wait3A = arith.constant 0 : i32
      %dma_wait3A_113 = tpu.memref_slice %arg11[%run_scoped3A_54, %dma_wait3A] : memref<20x512xf32, #tpu.memory_space<vmem>> -> memref<1x512xf32, #tpu.memory_space<vmem>>
      %dma_wait3A_114 = tpu.memref_squeeze %dma_wait3A_113 : memref<1x512xf32, #tpu.memory_space<vmem>> -> memref<512xf32, #tpu.memory_space<vmem>>
      %dma_wait3A_115 = tpu.memref_slice %arg6[%add3A_53] : memref<327680xf32, #tpu.memory_space<hbm>> -> memref<512xf32, #tpu.memory_space<hbm>>
      %dma_wait3A_116 = tpu.memref_slice %arg6[%add3A_53] : memref<327680xf32, #tpu.memory_space<hbm>> -> memref<512xf32, #tpu.memory_space<hbm>>
      %dma_wait3A_117 = arith.constant 0 : i32
      %dma_wait3A_118 = tpu.memref_slice %arg11[%run_scoped3A_54, %dma_wait3A_117] : memref<20x512xf32, #tpu.memory_space<vmem>> -> memref<1x512xf32, #tpu.memory_space<vmem>>
      %dma_wait3A_119 = tpu.memref_squeeze %dma_wait3A_118 : memref<1x512xf32, #tpu.memory_space<vmem>> -> memref<512xf32, #tpu.memory_space<vmem>>
      tpu.wait_dma2 semaphore(%run_scoped3A_105 : memref<!tpu.dma_semaphore, #tpu.memory_space<semaphore_mem>>) src(%dma_wait3A_119 : memref<512xf32, #tpu.memory_space<vmem>>) dst(%dma_wait3A_116 : memref<512xf32, #tpu.memory_space<hbm>>)
      tpu.yield
    }) : () -> ()
    %mul3A_55 = arith.constant 512 : i32
    %mul3A_56 = arith.muli %add3A, %mul3A_55 : i32
    %add3A_57 = arith.constant 163840 : i32
    %add3A_58 = arith.addi %add3A_57, %mul3A_56 : i32
    %run_scoped3A_59 = arith.constant 10 : i32
    "tpu.region"() ({
      %run_scoped3A_105 = tpu.sem_alloc : memref<!tpu.dma_semaphore, #tpu.memory_space<semaphore_mem>>
      %dma_start3A = arith.constant 0 : i32
      %dma_start3A_106 = tpu.memref_slice %arg11[%run_scoped3A_59, %dma_start3A] : memref<20x512xf32, #tpu.memory_space<vmem>> -> memref<1x512xf32, #tpu.memory_space<vmem>>
      %dma_start3A_107 = tpu.memref_squeeze %dma_start3A_106 : memref<1x512xf32, #tpu.memory_space<vmem>> -> memref<512xf32, #tpu.memory_space<vmem>>
      %dma_start3A_108 = tpu.memref_slice %arg6[%add3A_58] : memref<327680xf32, #tpu.memory_space<hbm>> -> memref<512xf32, #tpu.memory_space<hbm>>
      %dma_start3A_109 = tpu.memref_slice %arg6[%add3A_58] : memref<327680xf32, #tpu.memory_space<hbm>> -> memref<512xf32, #tpu.memory_space<hbm>>
      %dma_start3A_110 = arith.constant 0 : i32
      %dma_start3A_111 = tpu.memref_slice %arg11[%run_scoped3A_59, %dma_start3A_110] : memref<20x512xf32, #tpu.memory_space<vmem>> -> memref<1x512xf32, #tpu.memory_space<vmem>>
      %dma_start3A_112 = tpu.memref_squeeze %dma_start3A_111 : memref<1x512xf32, #tpu.memory_space<vmem>> -> memref<512xf32, #tpu.memory_space<vmem>>
      tpu.enqueue_dma source(%dma_start3A_112 : memref<512xf32, #tpu.memory_space<vmem>>) target(%dma_start3A_109 : memref<512xf32, #tpu.memory_space<hbm>>) target_semaphore(%run_scoped3A_105 : memref<!tpu.dma_semaphore, #tpu.memory_space<semaphore_mem>>)
      %dma_wait3A = arith.constant 0 : i32
      %dma_wait3A_113 = tpu.memref_slice %arg11[%run_scoped3A_59, %dma_wait3A] : memref<20x512xf32, #tpu.memory_space<vmem>> -> memref<1x512xf32, #tpu.memory_space<vmem>>
      %dma_wait3A_114 = tpu.memref_squeeze %dma_wait3A_113 : memref<1x512xf32, #tpu.memory_space<vmem>> -> memref<512xf32, #tpu.memory_space<vmem>>
      %dma_wait3A_115 = tpu.memref_slice %arg6[%add3A_58] : memref<327680xf32, #tpu.memory_space<hbm>> -> memref<512xf32, #tpu.memory_space<hbm>>
      %dma_wait3A_116 = tpu.memref_slice %arg6[%add3A_58] : memref<327680xf32, #tpu.memory_space<hbm>> -> memref<512xf32, #tpu.memory_space<hbm>>
      %dma_wait3A_117 = arith.constant 0 : i32
      %dma_wait3A_118 = tpu.memref_slice %arg11[%run_scoped3A_59, %dma_wait3A_117] : memref<20x512xf32, #tpu.memory_space<vmem>> -> memref<1x512xf32, #tpu.memory_space<vmem>>
      %dma_wait3A_119 = tpu.memref_squeeze %dma_wait3A_118 : memref<1x512xf32, #tpu.memory_space<vmem>> -> memref<512xf32, #tpu.memory_space<vmem>>
      tpu.wait_dma2 semaphore(%run_scoped3A_105 : memref<!tpu.dma_semaphore, #tpu.memory_space<semaphore_mem>>) src(%dma_wait3A_119 : memref<512xf32, #tpu.memory_space<vmem>>) dst(%dma_wait3A_116 : memref<512xf32, #tpu.memory_space<hbm>>)
      tpu.yield
    }) : () -> ()
    %mul3A_60 = arith.constant 512 : i32
    %mul3A_61 = arith.muli %add3A, %mul3A_60 : i32
    %add3A_62 = arith.constant 180224 : i32
    %add3A_63 = arith.addi %add3A_62, %mul3A_61 : i32
    %run_scoped3A_64 = arith.constant 11 : i32
    "tpu.region"() ({
      %run_scoped3A_105 = tpu.sem_alloc : memref<!tpu.dma_semaphore, #tpu.memory_space<semaphore_mem>>
      %dma_start3A = arith.constant 0 : i32
      %dma_start3A_106 = tpu.memref_slice %arg11[%run_scoped3A_64, %dma_start3A] : memref<20x512xf32, #tpu.memory_space<vmem>> -> memref<1x512xf32, #tpu.memory_space<vmem>>
      %dma_start3A_107 = tpu.memref_squeeze %dma_start3A_106 : memref<1x512xf32, #tpu.memory_space<vmem>> -> memref<512xf32, #tpu.memory_space<vmem>>
      %dma_start3A_108 = tpu.memref_slice %arg6[%add3A_63] : memref<327680xf32, #tpu.memory_space<hbm>> -> memref<512xf32, #tpu.memory_space<hbm>>
      %dma_start3A_109 = tpu.memref_slice %arg6[%add3A_63] : memref<327680xf32, #tpu.memory_space<hbm>> -> memref<512xf32, #tpu.memory_space<hbm>>
      %dma_start3A_110 = arith.constant 0 : i32
      %dma_start3A_111 = tpu.memref_slice %arg11[%run_scoped3A_64, %dma_start3A_110] : memref<20x512xf32, #tpu.memory_space<vmem>> -> memref<1x512xf32, #tpu.memory_space<vmem>>
      %dma_start3A_112 = tpu.memref_squeeze %dma_start3A_111 : memref<1x512xf32, #tpu.memory_space<vmem>> -> memref<512xf32, #tpu.memory_space<vmem>>
      tpu.enqueue_dma source(%dma_start3A_112 : memref<512xf32, #tpu.memory_space<vmem>>) target(%dma_start3A_109 : memref<512xf32, #tpu.memory_space<hbm>>) target_semaphore(%run_scoped3A_105 : memref<!tpu.dma_semaphore, #tpu.memory_space<semaphore_mem>>)
      %dma_wait3A = arith.constant 0 : i32
      %dma_wait3A_113 = tpu.memref_slice %arg11[%run_scoped3A_64, %dma_wait3A] : memref<20x512xf32, #tpu.memory_space<vmem>> -> memref<1x512xf32, #tpu.memory_space<vmem>>
      %dma_wait3A_114 = tpu.memref_squeeze %dma_wait3A_113 : memref<1x512xf32, #tpu.memory_space<vmem>> -> memref<512xf32, #tpu.memory_space<vmem>>
      %dma_wait3A_115 = tpu.memref_slice %arg6[%add3A_63] : memref<327680xf32, #tpu.memory_space<hbm>> -> memref<512xf32, #tpu.memory_space<hbm>>
      %dma_wait3A_116 = tpu.memref_slice %arg6[%add3A_63] : memref<327680xf32, #tpu.memory_space<hbm>> -> memref<512xf32, #tpu.memory_space<hbm>>
      %dma_wait3A_117 = arith.constant 0 : i32
      %dma_wait3A_118 = tpu.memref_slice %arg11[%run_scoped3A_64, %dma_wait3A_117] : memref<20x512xf32, #tpu.memory_space<vmem>> -> memref<1x512xf32, #tpu.memory_space<vmem>>
      %dma_wait3A_119 = tpu.memref_squeeze %dma_wait3A_118 : memref<1x512xf32, #tpu.memory_space<vmem>> -> memref<512xf32, #tpu.memory_space<vmem>>
      tpu.wait_dma2 semaphore(%run_scoped3A_105 : memref<!tpu.dma_semaphore, #tpu.memory_space<semaphore_mem>>) src(%dma_wait3A_119 : memref<512xf32, #tpu.memory_space<vmem>>) dst(%dma_wait3A_116 : memref<512xf32, #tpu.memory_space<hbm>>)
      tpu.yield
    }) : () -> ()
    %mul3A_65 = arith.constant 512 : i32
    %mul3A_66 = arith.muli %add3A, %mul3A_65 : i32
    %add3A_67 = arith.constant 196608 : i32
    %add3A_68 = arith.addi %add3A_67, %mul3A_66 : i32
    %run_scoped3A_69 = arith.constant 12 : i32
    "tpu.region"() ({
      %run_scoped3A_105 = tpu.sem_alloc : memref<!tpu.dma_semaphore, #tpu.memory_space<semaphore_mem>>
      %dma_start3A = arith.constant 0 : i32
      %dma_start3A_106 = tpu.memref_slice %arg11[%run_scoped3A_69, %dma_start3A] : memref<20x512xf32, #tpu.memory_space<vmem>> -> memref<1x512xf32, #tpu.memory_space<vmem>>
      %dma_start3A_107 = tpu.memref_squeeze %dma_start3A_106 : memref<1x512xf32, #tpu.memory_space<vmem>> -> memref<512xf32, #tpu.memory_space<vmem>>
      %dma_start3A_108 = tpu.memref_slice %arg6[%add3A_68] : memref<327680xf32, #tpu.memory_space<hbm>> -> memref<512xf32, #tpu.memory_space<hbm>>
      %dma_start3A_109 = tpu.memref_slice %arg6[%add3A_68] : memref<327680xf32, #tpu.memory_space<hbm>> -> memref<512xf32, #tpu.memory_space<hbm>>
      %dma_start3A_110 = arith.constant 0 : i32
      %dma_start3A_111 = tpu.memref_slice %arg11[%run_scoped3A_69, %dma_start3A_110] : memref<20x512xf32, #tpu.memory_space<vmem>> -> memref<1x512xf32, #tpu.memory_space<vmem>>
      %dma_start3A_112 = tpu.memref_squeeze %dma_start3A_111 : memref<1x512xf32, #tpu.memory_space<vmem>> -> memref<512xf32, #tpu.memory_space<vmem>>
      tpu.enqueue_dma source(%dma_start3A_112 : memref<512xf32, #tpu.memory_space<vmem>>) target(%dma_start3A_109 : memref<512xf32, #tpu.memory_space<hbm>>) target_semaphore(%run_scoped3A_105 : memref<!tpu.dma_semaphore, #tpu.memory_space<semaphore_mem>>)
      %dma_wait3A = arith.constant 0 : i32
      %dma_wait3A_113 = tpu.memref_slice %arg11[%run_scoped3A_69, %dma_wait3A] : memref<20x512xf32, #tpu.memory_space<vmem>> -> memref<1x512xf32, #tpu.memory_space<vmem>>
      %dma_wait3A_114 = tpu.memref_squeeze %dma_wait3A_113 : memref<1x512xf32, #tpu.memory_space<vmem>> -> memref<512xf32, #tpu.memory_space<vmem>>
      %dma_wait3A_115 = tpu.memref_slice %arg6[%add3A_68] : memref<327680xf32, #tpu.memory_space<hbm>> -> memref<512xf32, #tpu.memory_space<hbm>>
      %dma_wait3A_116 = tpu.memref_slice %arg6[%add3A_68] : memref<327680xf32, #tpu.memory_space<hbm>> -> memref<512xf32, #tpu.memory_space<hbm>>
      %dma_wait3A_117 = arith.constant 0 : i32
      %dma_wait3A_118 = tpu.memref_slice %arg11[%run_scoped3A_69, %dma_wait3A_117] : memref<20x512xf32, #tpu.memory_space<vmem>> -> memref<1x512xf32, #tpu.memory_space<vmem>>
      %dma_wait3A_119 = tpu.memref_squeeze %dma_wait3A_118 : memref<1x512xf32, #tpu.memory_space<vmem>> -> memref<512xf32, #tpu.memory_space<vmem>>
      tpu.wait_dma2 semaphore(%run_scoped3A_105 : memref<!tpu.dma_semaphore, #tpu.memory_space<semaphore_mem>>) src(%dma_wait3A_119 : memref<512xf32, #tpu.memory_space<vmem>>) dst(%dma_wait3A_116 : memref<512xf32, #tpu.memory_space<hbm>>)
      tpu.yield
    }) : () -> ()
    %mul3A_70 = arith.constant 512 : i32
    %mul3A_71 = arith.muli %add3A, %mul3A_70 : i32
    %add3A_72 = arith.constant 212992 : i32
    %add3A_73 = arith.addi %add3A_72, %mul3A_71 : i32
    %run_scoped3A_74 = arith.constant 13 : i32
    "tpu.region"() ({
      %run_scoped3A_105 = tpu.sem_alloc : memref<!tpu.dma_semaphore, #tpu.memory_space<semaphore_mem>>
      %dma_start3A = arith.constant 0 : i32
      %dma_start3A_106 = tpu.memref_slice %arg11[%run_scoped3A_74, %dma_start3A] : memref<20x512xf32, #tpu.memory_space<vmem>> -> memref<1x512xf32, #tpu.memory_space<vmem>>
      %dma_start3A_107 = tpu.memref_squeeze %dma_start3A_106 : memref<1x512xf32, #tpu.memory_space<vmem>> -> memref<512xf32, #tpu.memory_space<vmem>>
      %dma_start3A_108 = tpu.memref_slice %arg6[%add3A_73] : memref<327680xf32, #tpu.memory_space<hbm>> -> memref<512xf32, #tpu.memory_space<hbm>>
      %dma_start3A_109 = tpu.memref_slice %arg6[%add3A_73] : memref<327680xf32, #tpu.memory_space<hbm>> -> memref<512xf32, #tpu.memory_space<hbm>>
      %dma_start3A_110 = arith.constant 0 : i32
      %dma_start3A_111 = tpu.memref_slice %arg11[%run_scoped3A_74, %dma_start3A_110] : memref<20x512xf32, #tpu.memory_space<vmem>> -> memref<1x512xf32, #tpu.memory_space<vmem>>
      %dma_start3A_112 = tpu.memref_squeeze %dma_start3A_111 : memref<1x512xf32, #tpu.memory_space<vmem>> -> memref<512xf32, #tpu.memory_space<vmem>>
      tpu.enqueue_dma source(%dma_start3A_112 : memref<512xf32, #tpu.memory_space<vmem>>) target(%dma_start3A_109 : memref<512xf32, #tpu.memory_space<hbm>>) target_semaphore(%run_scoped3A_105 : memref<!tpu.dma_semaphore, #tpu.memory_space<semaphore_mem>>)
      %dma_wait3A = arith.constant 0 : i32
      %dma_wait3A_113 = tpu.memref_slice %arg11[%run_scoped3A_74, %dma_wait3A] : memref<20x512xf32, #tpu.memory_space<vmem>> -> memref<1x512xf32, #tpu.memory_space<vmem>>
      %dma_wait3A_114 = tpu.memref_squeeze %dma_wait3A_113 : memref<1x512xf32, #tpu.memory_space<vmem>> -> memref<512xf32, #tpu.memory_space<vmem>>
      %dma_wait3A_115 = tpu.memref_slice %arg6[%add3A_73] : memref<327680xf32, #tpu.memory_space<hbm>> -> memref<512xf32, #tpu.memory_space<hbm>>
      %dma_wait3A_116 = tpu.memref_slice %arg6[%add3A_73] : memref<327680xf32, #tpu.memory_space<hbm>> -> memref<512xf32, #tpu.memory_space<hbm>>
      %dma_wait3A_117 = arith.constant 0 : i32
      %dma_wait3A_118 = tpu.memref_slice %arg11[%run_scoped3A_74, %dma_wait3A_117] : memref<20x512xf32, #tpu.memory_space<vmem>> -> memref<1x512xf32, #tpu.memory_space<vmem>>
      %dma_wait3A_119 = tpu.memref_squeeze %dma_wait3A_118 : memref<1x512xf32, #tpu.memory_space<vmem>> -> memref<512xf32, #tpu.memory_space<vmem>>
      tpu.wait_dma2 semaphore(%run_scoped3A_105 : memref<!tpu.dma_semaphore, #tpu.memory_space<semaphore_mem>>) src(%dma_wait3A_119 : memref<512xf32, #tpu.memory_space<vmem>>) dst(%dma_wait3A_116 : memref<512xf32, #tpu.memory_space<hbm>>)
      tpu.yield
    }) : () -> ()
    %mul3A_75 = arith.constant 512 : i32
    %mul3A_76 = arith.muli %add3A, %mul3A_75 : i32
    %add3A_77 = arith.constant 229376 : i32
    %add3A_78 = arith.addi %add3A_77, %mul3A_76 : i32
    %run_scoped3A_79 = arith.constant 14 : i32
    "tpu.region"() ({
      %run_scoped3A_105 = tpu.sem_alloc : memref<!tpu.dma_semaphore, #tpu.memory_space<semaphore_mem>>
      %dma_start3A = arith.constant 0 : i32
      %dma_start3A_106 = tpu.memref_slice %arg11[%run_scoped3A_79, %dma_start3A] : memref<20x512xf32, #tpu.memory_space<vmem>> -> memref<1x512xf32, #tpu.memory_space<vmem>>
      %dma_start3A_107 = tpu.memref_squeeze %dma_start3A_106 : memref<1x512xf32, #tpu.memory_space<vmem>> -> memref<512xf32, #tpu.memory_space<vmem>>
      %dma_start3A_108 = tpu.memref_slice %arg6[%add3A_78] : memref<327680xf32, #tpu.memory_space<hbm>> -> memref<512xf32, #tpu.memory_space<hbm>>
      %dma_start3A_109 = tpu.memref_slice %arg6[%add3A_78] : memref<327680xf32, #tpu.memory_space<hbm>> -> memref<512xf32, #tpu.memory_space<hbm>>
      %dma_start3A_110 = arith.constant 0 : i32
      %dma_start3A_111 = tpu.memref_slice %arg11[%run_scoped3A_79, %dma_start3A_110] : memref<20x512xf32, #tpu.memory_space<vmem>> -> memref<1x512xf32, #tpu.memory_space<vmem>>
      %dma_start3A_112 = tpu.memref_squeeze %dma_start3A_111 : memref<1x512xf32, #tpu.memory_space<vmem>> -> memref<512xf32, #tpu.memory_space<vmem>>
      tpu.enqueue_dma source(%dma_start3A_112 : memref<512xf32, #tpu.memory_space<vmem>>) target(%dma_start3A_109 : memref<512xf32, #tpu.memory_space<hbm>>) target_semaphore(%run_scoped3A_105 : memref<!tpu.dma_semaphore, #tpu.memory_space<semaphore_mem>>)
      %dma_wait3A = arith.constant 0 : i32
      %dma_wait3A_113 = tpu.memref_slice %arg11[%run_scoped3A_79, %dma_wait3A] : memref<20x512xf32, #tpu.memory_space<vmem>> -> memref<1x512xf32, #tpu.memory_space<vmem>>
      %dma_wait3A_114 = tpu.memref_squeeze %dma_wait3A_113 : memref<1x512xf32, #tpu.memory_space<vmem>> -> memref<512xf32, #tpu.memory_space<vmem>>
      %dma_wait3A_115 = tpu.memref_slice %arg6[%add3A_78] : memref<327680xf32, #tpu.memory_space<hbm>> -> memref<512xf32, #tpu.memory_space<hbm>>
      %dma_wait3A_116 = tpu.memref_slice %arg6[%add3A_78] : memref<327680xf32, #tpu.memory_space<hbm>> -> memref<512xf32, #tpu.memory_space<hbm>>
      %dma_wait3A_117 = arith.constant 0 : i32
      %dma_wait3A_118 = tpu.memref_slice %arg11[%run_scoped3A_79, %dma_wait3A_117] : memref<20x512xf32, #tpu.memory_space<vmem>> -> memref<1x512xf32, #tpu.memory_space<vmem>>
      %dma_wait3A_119 = tpu.memref_squeeze %dma_wait3A_118 : memref<1x512xf32, #tpu.memory_space<vmem>> -> memref<512xf32, #tpu.memory_space<vmem>>
      tpu.wait_dma2 semaphore(%run_scoped3A_105 : memref<!tpu.dma_semaphore, #tpu.memory_space<semaphore_mem>>) src(%dma_wait3A_119 : memref<512xf32, #tpu.memory_space<vmem>>) dst(%dma_wait3A_116 : memref<512xf32, #tpu.memory_space<hbm>>)
      tpu.yield
    }) : () -> ()
    %mul3A_80 = arith.constant 512 : i32
    %mul3A_81 = arith.muli %add3A, %mul3A_80 : i32
    %add3A_82 = arith.constant 245760 : i32
    %add3A_83 = arith.addi %add3A_82, %mul3A_81 : i32
    %run_scoped3A_84 = arith.constant 15 : i32
    "tpu.region"() ({
      %run_scoped3A_105 = tpu.sem_alloc : memref<!tpu.dma_semaphore, #tpu.memory_space<semaphore_mem>>
      %dma_start3A = arith.constant 0 : i32
      %dma_start3A_106 = tpu.memref_slice %arg11[%run_scoped3A_84, %dma_start3A] : memref<20x512xf32, #tpu.memory_space<vmem>> -> memref<1x512xf32, #tpu.memory_space<vmem>>
      %dma_start3A_107 = tpu.memref_squeeze %dma_start3A_106 : memref<1x512xf32, #tpu.memory_space<vmem>> -> memref<512xf32, #tpu.memory_space<vmem>>
      %dma_start3A_108 = tpu.memref_slice %arg6[%add3A_83] : memref<327680xf32, #tpu.memory_space<hbm>> -> memref<512xf32, #tpu.memory_space<hbm>>
      %dma_start3A_109 = tpu.memref_slice %arg6[%add3A_83] : memref<327680xf32, #tpu.memory_space<hbm>> -> memref<512xf32, #tpu.memory_space<hbm>>
      %dma_start3A_110 = arith.constant 0 : i32
      %dma_start3A_111 = tpu.memref_slice %arg11[%run_scoped3A_84, %dma_start3A_110] : memref<20x512xf32, #tpu.memory_space<vmem>> -> memref<1x512xf32, #tpu.memory_space<vmem>>
      %dma_start3A_112 = tpu.memref_squeeze %dma_start3A_111 : memref<1x512xf32, #tpu.memory_space<vmem>> -> memref<512xf32, #tpu.memory_space<vmem>>
      tpu.enqueue_dma source(%dma_start3A_112 : memref<512xf32, #tpu.memory_space<vmem>>) target(%dma_start3A_109 : memref<512xf32, #tpu.memory_space<hbm>>) target_semaphore(%run_scoped3A_105 : memref<!tpu.dma_semaphore, #tpu.memory_space<semaphore_mem>>)
      %dma_wait3A = arith.constant 0 : i32
      %dma_wait3A_113 = tpu.memref_slice %arg11[%run_scoped3A_84, %dma_wait3A] : memref<20x512xf32, #tpu.memory_space<vmem>> -> memref<1x512xf32, #tpu.memory_space<vmem>>
      %dma_wait3A_114 = tpu.memref_squeeze %dma_wait3A_113 : memref<1x512xf32, #tpu.memory_space<vmem>> -> memref<512xf32, #tpu.memory_space<vmem>>
      %dma_wait3A_115 = tpu.memref_slice %arg6[%add3A_83] : memref<327680xf32, #tpu.memory_space<hbm>> -> memref<512xf32, #tpu.memory_space<hbm>>
      %dma_wait3A_116 = tpu.memref_slice %arg6[%add3A_83] : memref<327680xf32, #tpu.memory_space<hbm>> -> memref<512xf32, #tpu.memory_space<hbm>>
      %dma_wait3A_117 = arith.constant 0 : i32
      %dma_wait3A_118 = tpu.memref_slice %arg11[%run_scoped3A_84, %dma_wait3A_117] : memref<20x512xf32, #tpu.memory_space<vmem>> -> memref<1x512xf32, #tpu.memory_space<vmem>>
      %dma_wait3A_119 = tpu.memref_squeeze %dma_wait3A_118 : memref<1x512xf32, #tpu.memory_space<vmem>> -> memref<512xf32, #tpu.memory_space<vmem>>
      tpu.wait_dma2 semaphore(%run_scoped3A_105 : memref<!tpu.dma_semaphore, #tpu.memory_space<semaphore_mem>>) src(%dma_wait3A_119 : memref<512xf32, #tpu.memory_space<vmem>>) dst(%dma_wait3A_116 : memref<512xf32, #tpu.memory_space<hbm>>)
      tpu.yield
    }) : () -> ()
    %mul3A_85 = arith.constant 512 : i32
    %mul3A_86 = arith.muli %add3A, %mul3A_85 : i32
    %add3A_87 = arith.constant 262144 : i32
    %add3A_88 = arith.addi %add3A_87, %mul3A_86 : i32
    %run_scoped3A_89 = arith.constant 16 : i32
    "tpu.region"() ({
      %run_scoped3A_105 = tpu.sem_alloc : memref<!tpu.dma_semaphore, #tpu.memory_space<semaphore_mem>>
      %dma_start3A = arith.constant 0 : i32
      %dma_start3A_106 = tpu.memref_slice %arg11[%run_scoped3A_89, %dma_start3A] : memref<20x512xf32, #tpu.memory_space<vmem>> -> memref<1x512xf32, #tpu.memory_space<vmem>>
      %dma_start3A_107 = tpu.memref_squeeze %dma_start3A_106 : memref<1x512xf32, #tpu.memory_space<vmem>> -> memref<512xf32, #tpu.memory_space<vmem>>
      %dma_start3A_108 = tpu.memref_slice %arg6[%add3A_88] : memref<327680xf32, #tpu.memory_space<hbm>> -> memref<512xf32, #tpu.memory_space<hbm>>
      %dma_start3A_109 = tpu.memref_slice %arg6[%add3A_88] : memref<327680xf32, #tpu.memory_space<hbm>> -> memref<512xf32, #tpu.memory_space<hbm>>
      %dma_start3A_110 = arith.constant 0 : i32
      %dma_start3A_111 = tpu.memref_slice %arg11[%run_scoped3A_89, %dma_start3A_110] : memref<20x512xf32, #tpu.memory_space<vmem>> -> memref<1x512xf32, #tpu.memory_space<vmem>>
      %dma_start3A_112 = tpu.memref_squeeze %dma_start3A_111 : memref<1x512xf32, #tpu.memory_space<vmem>> -> memref<512xf32, #tpu.memory_space<vmem>>
      tpu.enqueue_dma source(%dma_start3A_112 : memref<512xf32, #tpu.memory_space<vmem>>) target(%dma_start3A_109 : memref<512xf32, #tpu.memory_space<hbm>>) target_semaphore(%run_scoped3A_105 : memref<!tpu.dma_semaphore, #tpu.memory_space<semaphore_mem>>)
      %dma_wait3A = arith.constant 0 : i32
      %dma_wait3A_113 = tpu.memref_slice %arg11[%run_scoped3A_89, %dma_wait3A] : memref<20x512xf32, #tpu.memory_space<vmem>> -> memref<1x512xf32, #tpu.memory_space<vmem>>
      %dma_wait3A_114 = tpu.memref_squeeze %dma_wait3A_113 : memref<1x512xf32, #tpu.memory_space<vmem>> -> memref<512xf32, #tpu.memory_space<vmem>>
      %dma_wait3A_115 = tpu.memref_slice %arg6[%add3A_88] : memref<327680xf32, #tpu.memory_space<hbm>> -> memref<512xf32, #tpu.memory_space<hbm>>
      %dma_wait3A_116 = tpu.memref_slice %arg6[%add3A_88] : memref<327680xf32, #tpu.memory_space<hbm>> -> memref<512xf32, #tpu.memory_space<hbm>>
      %dma_wait3A_117 = arith.constant 0 : i32
      %dma_wait3A_118 = tpu.memref_slice %arg11[%run_scoped3A_89, %dma_wait3A_117] : memref<20x512xf32, #tpu.memory_space<vmem>> -> memref<1x512xf32, #tpu.memory_space<vmem>>
      %dma_wait3A_119 = tpu.memref_squeeze %dma_wait3A_118 : memref<1x512xf32, #tpu.memory_space<vmem>> -> memref<512xf32, #tpu.memory_space<vmem>>
      tpu.wait_dma2 semaphore(%run_scoped3A_105 : memref<!tpu.dma_semaphore, #tpu.memory_space<semaphore_mem>>) src(%dma_wait3A_119 : memref<512xf32, #tpu.memory_space<vmem>>) dst(%dma_wait3A_116 : memref<512xf32, #tpu.memory_space<hbm>>)
      tpu.yield
    }) : () -> ()
    %mul3A_90 = arith.constant 512 : i32
    %mul3A_91 = arith.muli %add3A, %mul3A_90 : i32
    %add3A_92 = arith.constant 278528 : i32
    %add3A_93 = arith.addi %add3A_92, %mul3A_91 : i32
    %run_scoped3A_94 = arith.constant 17 : i32
    "tpu.region"() ({
      %run_scoped3A_105 = tpu.sem_alloc : memref<!tpu.dma_semaphore, #tpu.memory_space<semaphore_mem>>
      %dma_start3A = arith.constant 0 : i32
      %dma_start3A_106 = tpu.memref_slice %arg11[%run_scoped3A_94, %dma_start3A] : memref<20x512xf32, #tpu.memory_space<vmem>> -> memref<1x512xf32, #tpu.memory_space<vmem>>
      %dma_start3A_107 = tpu.memref_squeeze %dma_start3A_106 : memref<1x512xf32, #tpu.memory_space<vmem>> -> memref<512xf32, #tpu.memory_space<vmem>>
      %dma_start3A_108 = tpu.memref_slice %arg6[%add3A_93] : memref<327680xf32, #tpu.memory_space<hbm>> -> memref<512xf32, #tpu.memory_space<hbm>>
      %dma_start3A_109 = tpu.memref_slice %arg6[%add3A_93] : memref<327680xf32, #tpu.memory_space<hbm>> -> memref<512xf32, #tpu.memory_space<hbm>>
      %dma_start3A_110 = arith.constant 0 : i32
      %dma_start3A_111 = tpu.memref_slice %arg11[%run_scoped3A_94, %dma_start3A_110] : memref<20x512xf32, #tpu.memory_space<vmem>> -> memref<1x512xf32, #tpu.memory_space<vmem>>
      %dma_start3A_112 = tpu.memref_squeeze %dma_start3A_111 : memref<1x512xf32, #tpu.memory_space<vmem>> -> memref<512xf32, #tpu.memory_space<vmem>>
      tpu.enqueue_dma source(%dma_start3A_112 : memref<512xf32, #tpu.memory_space<vmem>>) target(%dma_start3A_109 : memref<512xf32, #tpu.memory_space<hbm>>) target_semaphore(%run_scoped3A_105 : memref<!tpu.dma_semaphore, #tpu.memory_space<semaphore_mem>>)
      %dma_wait3A = arith.constant 0 : i32
      %dma_wait3A_113 = tpu.memref_slice %arg11[%run_scoped3A_94, %dma_wait3A] : memref<20x512xf32, #tpu.memory_space<vmem>> -> memref<1x512xf32, #tpu.memory_space<vmem>>
      %dma_wait3A_114 = tpu.memref_squeeze %dma_wait3A_113 : memref<1x512xf32, #tpu.memory_space<vmem>> -> memref<512xf32, #tpu.memory_space<vmem>>
      %dma_wait3A_115 = tpu.memref_slice %arg6[%add3A_93] : memref<327680xf32, #tpu.memory_space<hbm>> -> memref<512xf32, #tpu.memory_space<hbm>>
      %dma_wait3A_116 = tpu.memref_slice %arg6[%add3A_93] : memref<327680xf32, #tpu.memory_space<hbm>> -> memref<512xf32, #tpu.memory_space<hbm>>
      %dma_wait3A_117 = arith.constant 0 : i32
      %dma_wait3A_118 = tpu.memref_slice %arg11[%run_scoped3A_94, %dma_wait3A_117] : memref<20x512xf32, #tpu.memory_space<vmem>> -> memref<1x512xf32, #tpu.memory_space<vmem>>
      %dma_wait3A_119 = tpu.memref_squeeze %dma_wait3A_118 : memref<1x512xf32, #tpu.memory_space<vmem>> -> memref<512xf32, #tpu.memory_space<vmem>>
      tpu.wait_dma2 semaphore(%run_scoped3A_105 : memref<!tpu.dma_semaphore, #tpu.memory_space<semaphore_mem>>) src(%dma_wait3A_119 : memref<512xf32, #tpu.memory_space<vmem>>) dst(%dma_wait3A_116 : memref<512xf32, #tpu.memory_space<hbm>>)
      tpu.yield
    }) : () -> ()
    %mul3A_95 = arith.constant 512 : i32
    %mul3A_96 = arith.muli %add3A, %mul3A_95 : i32
    %add3A_97 = arith.constant 294912 : i32
    %add3A_98 = arith.addi %add3A_97, %mul3A_96 : i32
    %run_scoped3A_99 = arith.constant 18 : i32
    "tpu.region"() ({
      %run_scoped3A_105 = tpu.sem_alloc : memref<!tpu.dma_semaphore, #tpu.memory_space<semaphore_mem>>
      %dma_start3A = arith.constant 0 : i32
      %dma_start3A_106 = tpu.memref_slice %arg11[%run_scoped3A_99, %dma_start3A] : memref<20x512xf32, #tpu.memory_space<vmem>> -> memref<1x512xf32, #tpu.memory_space<vmem>>
      %dma_start3A_107 = tpu.memref_squeeze %dma_start3A_106 : memref<1x512xf32, #tpu.memory_space<vmem>> -> memref<512xf32, #tpu.memory_space<vmem>>
      %dma_start3A_108 = tpu.memref_slice %arg6[%add3A_98] : memref<327680xf32, #tpu.memory_space<hbm>> -> memref<512xf32, #tpu.memory_space<hbm>>
      %dma_start3A_109 = tpu.memref_slice %arg6[%add3A_98] : memref<327680xf32, #tpu.memory_space<hbm>> -> memref<512xf32, #tpu.memory_space<hbm>>
      %dma_start3A_110 = arith.constant 0 : i32
      %dma_start3A_111 = tpu.memref_slice %arg11[%run_scoped3A_99, %dma_start3A_110] : memref<20x512xf32, #tpu.memory_space<vmem>> -> memref<1x512xf32, #tpu.memory_space<vmem>>
      %dma_start3A_112 = tpu.memref_squeeze %dma_start3A_111 : memref<1x512xf32, #tpu.memory_space<vmem>> -> memref<512xf32, #tpu.memory_space<vmem>>
      tpu.enqueue_dma source(%dma_start3A_112 : memref<512xf32, #tpu.memory_space<vmem>>) target(%dma_start3A_109 : memref<512xf32, #tpu.memory_space<hbm>>) target_semaphore(%run_scoped3A_105 : memref<!tpu.dma_semaphore, #tpu.memory_space<semaphore_mem>>)
      %dma_wait3A = arith.constant 0 : i32
      %dma_wait3A_113 = tpu.memref_slice %arg11[%run_scoped3A_99, %dma_wait3A] : memref<20x512xf32, #tpu.memory_space<vmem>> -> memref<1x512xf32, #tpu.memory_space<vmem>>
      %dma_wait3A_114 = tpu.memref_squeeze %dma_wait3A_113 : memref<1x512xf32, #tpu.memory_space<vmem>> -> memref<512xf32, #tpu.memory_space<vmem>>
      %dma_wait3A_115 = tpu.memref_slice %arg6[%add3A_98] : memref<327680xf32, #tpu.memory_space<hbm>> -> memref<512xf32, #tpu.memory_space<hbm>>
      %dma_wait3A_116 = tpu.memref_slice %arg6[%add3A_98] : memref<327680xf32, #tpu.memory_space<hbm>> -> memref<512xf32, #tpu.memory_space<hbm>>
      %dma_wait3A_117 = arith.constant 0 : i32
      %dma_wait3A_118 = tpu.memref_slice %arg11[%run_scoped3A_99, %dma_wait3A_117] : memref<20x512xf32, #tpu.memory_space<vmem>> -> memref<1x512xf32, #tpu.memory_space<vmem>>
      %dma_wait3A_119 = tpu.memref_squeeze %dma_wait3A_118 : memref<1x512xf32, #tpu.memory_space<vmem>> -> memref<512xf32, #tpu.memory_space<vmem>>
      tpu.wait_dma2 semaphore(%run_scoped3A_105 : memref<!tpu.dma_semaphore, #tpu.memory_space<semaphore_mem>>) src(%dma_wait3A_119 : memref<512xf32, #tpu.memory_space<vmem>>) dst(%dma_wait3A_116 : memref<512xf32, #tpu.memory_space<hbm>>)
      tpu.yield
    }) : () -> ()
    %mul3A_100 = arith.constant 512 : i32
    %mul3A_101 = arith.muli %add3A, %mul3A_100 : i32
    %add3A_102 = arith.constant 311296 : i32
    %add3A_103 = arith.addi %add3A_102, %mul3A_101 : i32
    %run_scoped3A_104 = arith.constant 19 : i32
    "tpu.region"() ({
      %run_scoped3A_105 = tpu.sem_alloc : memref<!tpu.dma_semaphore, #tpu.memory_space<semaphore_mem>>
      %dma_start3A = arith.constant 0 : i32
      %dma_start3A_106 = tpu.memref_slice %arg11[%run_scoped3A_104, %dma_start3A] : memref<20x512xf32, #tpu.memory_space<vmem>> -> memref<1x512xf32, #tpu.memory_space<vmem>>
      %dma_start3A_107 = tpu.memref_squeeze %dma_start3A_106 : memref<1x512xf32, #tpu.memory_space<vmem>> -> memref<512xf32, #tpu.memory_space<vmem>>
      %dma_start3A_108 = tpu.memref_slice %arg6[%add3A_103] : memref<327680xf32, #tpu.memory_space<hbm>> -> memref<512xf32, #tpu.memory_space<hbm>>
      %dma_start3A_109 = tpu.memref_slice %arg6[%add3A_103] : memref<327680xf32, #tpu.memory_space<hbm>> -> memref<512xf32, #tpu.memory_space<hbm>>
      %dma_start3A_110 = arith.constant 0 : i32
      %dma_start3A_111 = tpu.memref_slice %arg11[%run_scoped3A_104, %dma_start3A_110] : memref<20x512xf32, #tpu.memory_space<vmem>> -> memref<1x512xf32, #tpu.memory_space<vmem>>
      %dma_start3A_112 = tpu.memref_squeeze %dma_start3A_111 : memref<1x512xf32, #tpu.memory_space<vmem>> -> memref<512xf32, #tpu.memory_space<vmem>>
      tpu.enqueue_dma source(%dma_start3A_112 : memref<512xf32, #tpu.memory_space<vmem>>) target(%dma_start3A_109 : memref<512xf32, #tpu.memory_space<hbm>>) target_semaphore(%run_scoped3A_105 : memref<!tpu.dma_semaphore, #tpu.memory_space<semaphore_mem>>)
      %dma_wait3A = arith.constant 0 : i32
      %dma_wait3A_113 = tpu.memref_slice %arg11[%run_scoped3A_104, %dma_wait3A] : memref<20x512xf32, #tpu.memory_space<vmem>> -> memref<1x512xf32, #tpu.memory_space<vmem>>
      %dma_wait3A_114 = tpu.memref_squeeze %dma_wait3A_113 : memref<1x512xf32, #tpu.memory_space<vmem>> -> memref<512xf32, #tpu.memory_space<vmem>>
      %dma_wait3A_115 = tpu.memref_slice %arg6[%add3A_103] : memref<327680xf32, #tpu.memory_space<hbm>> -> memref<512xf32, #tpu.memory_space<hbm>>
      %dma_wait3A_116 = tpu.memref_slice %arg6[%add3A_103] : memref<327680xf32, #tpu.memory_space<hbm>> -> memref<512xf32, #tpu.memory_space<hbm>>
      %dma_wait3A_117 = arith.constant 0 : i32
      %dma_wait3A_118 = tpu.memref_slice %arg11[%run_scoped3A_104, %dma_wait3A_117] : memref<20x512xf32, #tpu.memory_space<vmem>> -> memref<1x512xf32, #tpu.memory_space<vmem>>
      %dma_wait3A_119 = tpu.memref_squeeze %dma_wait3A_118 : memref<1x512xf32, #tpu.memory_space<vmem>> -> memref<512xf32, #tpu.memory_space<vmem>>
      tpu.wait_dma2 semaphore(%run_scoped3A_105 : memref<!tpu.dma_semaphore, #tpu.memory_space<semaphore_mem>>) src(%dma_wait3A_119 : memref<512xf32, #tpu.memory_space<vmem>>) dst(%dma_wait3A_116 : memref<512xf32, #tpu.memory_space<hbm>>)
      tpu.yield
    }) : () -> ()
    return
  }
}

</mosaic_0001>

<sc_bundles>
// kernel: _sc_dots.3.cloned.1.call-start
scs
__scs_entry_jumppad:
0x0: {  	(pc) =	sbr.rel $0x88, $3  }
0x1: {  	(tag) =	ssettag $0x0;
	lr =	simm.s32 $0x1  }
0x2: {  	[smem:$0x3F9D] =	sst lr;
	_ =	strace $0xD0000000  }
0x3: {  	_ = 	snop  }
0x4: {  	_ = 	snop  }
0x5: {  	_ = 	snop  }
0x6: {  	_ = 	snop  }
0x7: {  	_ = 	snop  }
__scs_overlays_trampoline_lowered:
0x8: {  	[smem:$0x3FAC] =	sst s0  }
0x9: {  	[smem:$0x3FAD] =	sst s1  }
0xa: {  	[smem:$0x3FAE] =	sst s2  }
0xb: {  	[smem:$0x3FAF] =	sst s3  }
0xc: {  	[smem:$0x3FB0] =	sst s4  }
0xd: {  	[smem:$0x3FB1] =	sst s5  }
0xe: {  	[smem:$0x3FB2] =	sst s6  }
0xf: {  	[smem:$0x3FB3] =	sst s7  }
0x10: {  	[smem:$0x3FB4] =	sst s8  }
0x11: {  	[smem:$0x3FB5] =	sst s9;
	s0 =	simm.s32 @!p0 $0x0  }
0x12: {  	s1 =	sld [smem:$0x3F9B];
	s0 =	simm.s32 @p0 $0x1  }
0x13: {  	[smem:$0x3FB6] =	sst s0;
	s0 =	simm.s32 @!p1 $0x0  }
0x14: {  	s2 =	sld [smem:$0x3F9A];
	s0 =	simm.s32 @p1 $0x1  }
0x15: {  	[smem:$0x3FB7] =	sst s0;
	s0 =	simm.s32 @!p2 $0x0  }
0x16: {  	s3 =	sld [smem:$0x3FDB];
	s0 =	simm.s32 @p2 $0x1  }
0x17: {  	s4 =	simm.s32 $0x1BF5;
	[smem:$0x3FB9] =	sst s0  }
0x18: {  	s0 =	sld [smem:$0x3F9C];
	_ =	swait.ge [sflag:s4], $0x0  }
0x19: {  	s7 =	sld [smem:$0x3F9D]  }
0x1a: {  	s8 =	sadd.s32 $0xFFFFE003, lr  }
0x1b: {  	s9 =	sadd.s32 $0xFFFFFEF7, lr;
	s5 =	simm.s32 $0xFFFFFFFF;
	p2 =	slt.u32 s8, $0xFFFFF086  }
0x1c: {  	p1 =	slt.u32 s9, $0xF7A;
	s5 =	simm.s32 @!p2 $0x0  }
0x1d: {  	s5 =	simm.s32 @p1 $0x1;
	p0 =	seq.s32 s7, s2  }
0x1e: {  	s7 =	smul.u32 @!p0 $0xF7A, s2;
	p2 =	seq.s32 @!p0 s5, $0x0  }
0x1f: {  	s9 =	smul.u32 $0xF7A, s1;
	s8 =	simm.s32 @!p0 $0x1BF5;
	p2 =	por !p2, p0  }
0x20: {  	[sflag:s8] =	ssyncset.s32 @!p0 $0xFFFFF086;
	s6 =	sadd.s32 @!p0 s3, s7;
	s7 =	simm.s32 @!p0 $0x108  }
0x21: {  	s3 =	sadd.s32 s3, s9;
	s6 =	sadd.s32 @!p0 $0x88, s6;
	s7 =	simm.s32 @p2 $0x1082  }
0x22: {  	[simem:s7], [sflag:s8] =	dma.local @!p0 [hbm:s6], $0xF7A  }
0x23: {  	s9 =	sor.u32 $0xD0000000, s2;
	s6 =	simm.s32 $0x108;
	_ =	swait.ge @!p0 [sflag:s8], $0x0  }
0x24: {  	s3 =	sadd.s32 $0x88, s3;
	s6 =	simm.s32 @!p1 $0x1082;
	[sflag:s4] =	ssyncset.s32 $0xFFFFF086  }
0x25: {  	[simem:s6], [sflag:s4] =	dma.local [hbm:s3], $0xF7A  }
0x26: {  	[smem:$0x3F9D] =	sst s1;
	(tag) =	ssettag s2;
	_ =	strace s9  }
0x27: {  	s1 =	sld [smem:$0x3FAD]  }
0x28: {  	s2 =	sld [smem:$0x3FAE]  }
0x29: {  	s4 =	sld [smem:$0x3FB0]  }
0x2a: {  	p0 =	seq.s32 s5, $0x0;
	s5 =	sld [smem:$0x3FB1]  }
0x2b: {  	s6 =	sld [smem:$0x3FB2]  }
0x2c: {  	s7 =	sld [smem:$0x3FB3]  }
0x2d: {  	s3 =	simm.s32 $0x108;
	s8 =	sld [smem:$0x3FB4]  }
0x2e: {  	s3 =	simm.s32 @!p0 $0x1082;
	s9 =	sld [smem:$0x3FB5]  }
0x2f: {  	lr =	sadd.s32 s0, s3;
	s0 =	sld [smem:$0x3FAC]  }
0x30: {  	s3 =	sld [smem:$0x3FAF]  }
0x31: {  	[smem:$0x3FB8] =	sst s10  }
0x32: {  	s10 =	sld [smem:$0x3FB6];
	_ =	sdelay $0x3  }
0x33: {  	p0 =	seq.s32 s10, $0x1;
	s10 =	sld [smem:$0x3FB8];
	_ =	sdelay $0x3  }
0x34: {  	[smem:$0x3FB8] =	sst s10  }
0x35: {  	s10 =	sld [smem:$0x3FB7];
	_ =	sdelay $0x3  }
0x36: {  	p1 =	seq.s32 s10, $0x1;
	s10 =	sld [smem:$0x3FB8];
	_ =	sdelay $0x3  }
0x37: {  	[smem:$0x3FB8] =	sst s10  }
0x38: {  	s10 =	sld [smem:$0x3FB9]  }
0x39: {  	_ = 	snop;
	(pc) =	sbr.ind lr, $3  }
0x3a: {  	_ = 	snop  }
0x3b: {  	_ = 	snop  }
0x3c: {  	p2 =	seq.s32 s10, $0x1;
	s10 =	sld [smem:$0x3FB8]  }
0x3d: {  	_ =	shalt  }
0x3e: {  	_ =	shalt  }
0x3f: {  	_ =	shalt  }
0x40: {  	_ =	shalt  }
0x41: {  	_ =	shalt  }
0x42: {  	_ =	shalt  }
0x43: {  	_ =	shalt  }
0x44: {  	_ =	shalt  }
0x45: {  	_ =	shalt  }
0x46: {  	_ =	shalt  }
0x47: {  	_ =	shalt  }
0x48: {  	_ =	shalt  }
0x49: {  	_ =	shalt  }
0x4a: {  	_ =	shalt  }
0x4b: {  	_ =	shalt  }
0x4c: {  	_ =	shalt  }
0x4d: {  	_ =	shalt  }
0x4e: {  	_ =	shalt  }
0x4f: {  	_ =	shalt  }
0x50: {  	_ =	shalt  }
0x51: {  	_ =	shalt  }
0x52: {  	_ =	shalt  }
0x53: {  	_ =	shalt  }
0x54: {  	_ =	shalt  }
0x55: {  	_ =	shalt  }
0x56: {  	_ =	shalt  }
0x57: {  	_ =	shalt  }
0x58: {  	_ =	shalt  }
0x59: {  	_ =	shalt  }
0x5a: {  	_ =	shalt  }
0x5b: {  	_ =	shalt  }
0x5c: {  	_ =	shalt  }
0x5d: {  	_ =	shalt  }
0x5e: {  	_ =	shalt  }
0x5f: {  	_ =	shalt  }
0x60: {  	_ =	shalt  }
0x61: {  	_ =	shalt  }
0x62: {  	_ =	shalt  }
0x63: {  	_ =	shalt  }
0x64: {  	_ =	shalt  }
0x65: {  	_ =	shalt  }
0x66: {  	_ =	shalt  }
0x67: {  	_ =	shalt  }
0x68: {  	_ =	shalt  }
0x69: {  	_ =	shalt  }
0x6a: {  	_ =	shalt  }
0x6b: {  	_ =	shalt  }
0x6c: {  	_ =	shalt  }
0x6d: {  	_ =	shalt  }
0x6e: {  	_ =	shalt  }
0x6f: {  	_ =	shalt  }
0x70: {  	_ =	shalt  }
0x71: {  	_ =	shalt  }
0x72: {  	_ =	shalt  }
0x73: {  	_ =	shalt  }
0x74: {  	_ =	shalt  }
0x75: {  	_ =	shalt  }
0x76: {  	_ =	shalt  }
0x77: {  	_ =	shalt  }
0x78: {  	_ =	shalt  }
0x79: {  	_ =	shalt  }
0x7a: {  	_ =	shalt  }
0x7b: {  	_ =	shalt  }
0x7c: {  	_ =	shalt  }
0x7d: {  	_ =	shalt  }
0x7e: {  	_ =	shalt  }
0x7f: {  	_ =	shalt  }
0x80: {  	_ =	shalt  }
0x81: {  	_ =	shalt  }
0x82: {  	_ =	shalt  }
0x83: {  	_ =	shalt  }
0x84: {  	_ =	shalt  }
0x85: {  	_ =	shalt  }
0x86: {  	_ =	shalt  }
0x87: {  	_ =	shalt  }
.Lfunc_end0:
.L_simem_size_0:
called_computation_lowered:
.L_overlay_start_0:
0x88: {  	s2 =	sld [smem:$0x3FD9]  }
0x89: {  	s3 =	sld [smem:$0x3FFE];
	_ =	sdelay $0x1  }
0x8a: {  	s1 =	srdreg.scid  }
0x8b: {  	s0 =	sand.u32 $0x1, s1  }
0x8c: {  	s17 =	sshll.u32 s0, $0xA;
	s2 =	sadd.s32 s3, s2  }
0x8d: {  	s2 =	sadd.s32 s2, s17  }
0x8e: {  	[smem:$0x3FC4] =	sst s2  }
0x8f: {  	_ = 	snop  }
0x90: {  	s2 =	sld [smem:$0x3FC7]  }
0x91: {  	s18 =	sld [smem:$0x3FD0];
	(tm) =	ssettm $0x1  }
0x92: {  	s4 =	sld [smem:$0x3FFB];
	_ =	sdelay $0x3  }
0x93: {  	_ =	strace s4  }
0x94: {  	s4 =	sld [smem:$0x3FFC];
	_ =	sdelay $0x3  }
0x95: {  	_ =	strace s4  }
0x96: {  	s4 =	sld [smem:$0x3FFD];
	_ =	sdelay $0x3  }
0x97: {  	_ =	strace s4  }
0x98: {  	_ =	strace $0x8FFFFFFF  }
0x99: {  	s19 =	sld [smem:$0x3FDB];
	_ =	sdelay $0x1  }
0x9a: {  	s5 =	simm.s32 $_scs_section_size  }
0x9b: {  	s6 =	simm.s32 $_size__tile_overlayer_lowered;
	s7 =	simm.s32 $_tile_overlayer_lowered  }
0x9c: {  	s22 =	simm.s32 $0x1BFF;
	s21 =	sshll.u32 s7, $0x1;
	s4 =	sadd.s32 s5, s19  }
0x9d: {  	s8 =	simm.s32 $0x0;
	s20 =	sshll.u32 s6, $0x1;
	s6 =	sadd.s32 s21, s4  }
0x9e: {  	[timem:s8], [sflag:s22] =	dma.local [hbm:s6], s20  }
0x9f: {  	_ =	swait.ge [sflag:s22], s20  }
0xa0: {  	s5 =	ssub.s32 $0x0, s20;
	[sflag:s22] =	ssyncset.done $0x0  }
0xa1: {  	[sflag:s22] =	ssyncadd.s32 s5;
	_ =	sdelay $0x1  }
0xa2: {  	s23 =	simm.s32 $0x1B8B  }
0xa3: {  	_ =	swait.ge [sflag:s23], $0x1  }
0xa4: {  	[sflag:s23] =	ssyncset.done $0x0  }
0xa5: {  	s25 =	simm.s32 $0x1B8E;
	s24 =	sld [smem:$0x3FFE];
	[sflag:s23] =	ssyncadd.s32 $0xFFFFFFFF  }
0xa6: {  	s26 =	simm.s32 $execute0_lowered;
	[smem:$0x3FD2] =	sst s25  }
0xa7: {  	s6 =	sshll.u32 s26, $0x1;
	_ =	strace $0x80000046;
	[dreg:$0x1] =	wrdreg $0xFFFFFFFF  }
0xa8: {  	s28 =	simm.s32 $_size_execute0_lowered;
	s4 =	sadd.s32 s4, s6;
	[dreg:$0x0] =	wrdreg $0x0  }
0xa9: {  	s6 =	sshll.u32 s28, $0x1;
	[dreg:$0x2] =	wrdreg s4  }
0xaa: {  	[dreg:$0x3] =	wrdreg s6  }
0xab: {  	[dreg:$0x4] =	wrdreg $0xC0  }
0xac: {  	_ =	task [dreg:s8], $0x5FFFF  }
0xad: {  	[dreg:$0x1] =	wrdreg $0xFFFFFFFF  }
0xae: {  	[dreg:$0x0] =	wrdreg $0x60  }
0xaf: {  	[dreg:$0x2] =	wrdreg s24  }
0xb0: {  	[dreg:$0x3] =	wrdreg s2  }
0xb1: {  	[dreg:$0x4] =	wrdreg s18  }
0xb2: {  	[dreg:$0x5] =	wrdreg $0x9  }
0xb3: {  	_ =	task.clear_ibuf [dreg:s8], $0x6FFFF;
	_ =	strace $0x90000046  }
0xb4: {  	s29 =	simm.s32 $0x9;
	_ =	strace $0x80000048  }
0xb5: {  	_ =	swait.ge [sflag:s29], $0x1  }
0xb6: {  	[sflag:s29] =	ssyncadd.s32 $0xFFFFFFFF  }
0xb7: {  	_ =	strace $0x90000048  }
0xb8: {  	_ =	sfence  }
0xb9: {  	s30 =	sld [smem:$0x0];
	_ =	sdelay $0x2  }
0xba: {  	s31 =	sshll.u32 s1, $0xD;
	s1 =	sshrl.u32 s1, $0x2  }
0xbb: {  	s3 =	sand.u32 $0x4000, s31;
	s1 =	sadd.s32 s1, s30  }
0xbc: {  	s0 =	sor.u32 s3, s0;
	s1 =	sshll.u32 s1, $0x11  }
0xbd: {  	s0 =	sor.u32 s1, s0  }
0xbe: {  	s0 =	sadd.s32 $0x8F2B, s0  }
0xbf: {  	[sflag:s0] =	ssyncadd.remote.s32 $0x1  }
0xc0: {  	_ =	sfence.sel $0xFFFF  }
0xc1: {  	[dreg:$0x0] =	wrdreg $0xFFFFFFFF;
	(pc) =	sbr.abs _section_cstart, $3  }
0xc2: {  	[dreg:$0x1] =	wrdreg $0xFFFFFFFF  }
0xc3: {  	_ =	task.clear_ibuf [dreg:s8], $0x2FFFF;
	_ =	strace $0x9FFFFFFF  }
0xc4: {  	(tm) =	ssettm $0x7FFFFFFF  }
0xc5: {  	_ =	shalt  }
tec
execute0_lowered:
.L_overlay_start_1:
0x0: {  	(tag) =	ssettag $0x1  }
0x1: {  	s0 =	rddreg [dreg:$0x0];
	v0 =	vlaneseq.u32  }
0x2: {  	s1 =	rddreg [dreg:$0x2];
	s4 =	simm.s32 $0x0;
	s2 =	srdreg.scid;
	v52 =	vmul.u32 $0x40, v0  }
0x3: {  	s3 =	stileid.u32;
	[smem:$0x7FF] =	sst s4  }
0x4: {  	s2 =	sand.u32 $0x1, s2;
	s3 =	sshll.u32 s3, $0x1;
	_ =	strace $0x80000047;
	v0 =	vor.u32 $0x400, v52;
	[tilespmem:$0x1FE80] =	vst v52  }
0x5: {  	s3 =	sor.u32 s2, s3;
	v57 =	vor.u32 $0x800, v52;
	[tilespmem:$0x1FE20] =	vst v0  }
0x6: {  	s7 =	sshll.u32 s3, $0x6;
	v58 =	vor.u32 $0x3800, v52;
	[tilespmem:$0x1FE30] =	vst v57  }
0x7: {  	v59 =	vor.u32 $0x4800, v52;
	s1 =	sadd.s32 s1, s7;
	[tilespmem:$0x1FE40] =	vst v58  }
0x8: {  	v61 =	vor.u32 $0x7800, v52;
	[tilespmem:$0x1FE50] =	vst v59;
	s7 =	sadd.s32 $0x800, s1;
	[dreg:$0x4] =	wrdreg s1  }
0x9: {  	v63 =	vor.u32 $0x8800, v52;
	[tilespmem:$0x1FE60] =	vst v61;
	s9 =	sadd.s32 $0x1000, s1;
	[dreg:$0x5] =	wrdreg s7  }
0xa: {  	v62 =	vor.u32 $0x1000, v52;
	[tilespmem:$0x1FE70] =	vst v63;
	s10 =	sadd.s32 $0x1800, s1;
	[dreg:$0x6] =	wrdreg s9  }
0xb: {  	v46 =	vor.u32 $0x2000, v52;
	[tilespmem:$0x1FE90] =	vst v62;
	s11 =	sadd.s32 $0x2000, s1;
	[dreg:$0x7] =	wrdreg s10  }
0xc: {  	v4 =	vor.u32 $0x3000, v52;
	[tilespmem:$0x1FEA0] =	vst v46;
	s12 =	sadd.s32 $0x2800, s1;
	[dreg:$0x8] =	wrdreg s11  }
0xd: {  	v5 =	vor.u32 $0x4000, v52;
	[tilespmem:$0x1FEB0] =	vst v4;
	s13 =	sadd.s32 $0x3000, s1;
	[dreg:$0x9] =	wrdreg s12  }
0xe: {  	v47 =	vor.u32 $0x5000, v52;
	[tilespmem:$0x1FEC0] =	vst v5;
	s14 =	sadd.s32 $0x3800, s1;
	[dreg:$0xa] =	wrdreg s13  }
0xf: {  	v38 =	vor.u32 $0x6000, v52;
	[tilespmem:$0x1FED0] =	vst v47;
	s15 =	sadd.s32 $0x4000, s1;
	[dreg:$0xb] =	wrdreg s14  }
0x10: {  	s30 =	simm.s32 $0x4;
	v56 =	vor.u32 $0x7000, v52;
	[tilespmem:$0x1FEE0] =	vst v38;
	s16 =	sadd.s32 $0x4800, s1;
	[dreg:$0xc] =	wrdreg s15  }
0x11: {  	s31 =	simm.s32 $0x40;
	v40 =	vor.u32 $0x8000, v52;
	[tilespmem:$0x1FEF0] =	vst v56;
	s17 =	sadd.s32 $0x5000, s1;
	[dreg:$0xd] =	wrdreg s16  }
0x12: {  	s4 =	sadd.s32 $0x16E3C00, s0;
	v45 =	vor.u32 $0x9000, v52;
	[tilespmem:$0x1FF00] =	vst v40;
	s18 =	sadd.s32 $0x5800, s1;
	[dreg:$0xe] =	wrdreg s17  }
0x13: {  	s5 =	sadd.s32 $0xF42A00, s0;
	v43 =	vor.u32 $0xA000, v52;
	[tilespmem:$0x1FF10] =	vst v45;
	s19 =	sadd.s32 $0x6000, s1;
	[dreg:$0xf] =	wrdreg s18  }
0x14: {  	s6 =	sadd.s32 $0x600, s0;
	v60 =	vor.u32 $0xB000, v52;
	[tilespmem:$0x1FF20] =	vst v43;
	s20 =	sadd.s32 $0x6800, s1;
	[dreg:$0x10] =	wrdreg s19  }
0x15: {  	s2 =	ssub.s32 $0x2, s2;
	v9 =	vor.u32 $0xC000, v52;
	[tilespmem:$0x1FF30] =	vst v60;
	s21 =	sadd.s32 $0x7000, s1;
	[dreg:$0x11] =	wrdreg s20  }
0x16: {  	s26 =	sshrl.u32 s2, $0x1;
	v55 =	vor.u32 $0xD000, v52;
	[tilespmem:$0x1FF40] =	vst v9;
	s22 =	sadd.s32 $0x7800, s1;
	[dreg:$0x12] =	wrdreg s21  }
0x17: {  	v27 =	vor.u32 $0xE000, v52;
	s0 =	ssub.s32 s2, s26;
	[tilespmem:$0x1FF50] =	vst v55;
	s23 =	sadd.s32 $0x8000, s1;
	[dreg:$0x13] =	wrdreg s22  }
0x18: {  	s28 =	simm.s32 $0x540;
	v15 =	vor.u32 $0xF000, v52;
	[tilespmem:$0x1FF60] =	vst v27;
	s0 =	smax.u32 s0, $0x1;
	[dreg:$0x14] =	wrdreg s23  }
0x19: {  	s29 =	simm.s32 $0x1540;
	v29 =	vor.u32 $0x10000, v52;
	[tilespmem:$0x1FF70] =	vst v15;
	s24 =	sadd.s32 $0x8800, s1;
	[dreg:$0x15] =	wrdreg s0  }
0x1a: {  	s8 =	sshll.u32 s3, $0x9;
	v33 =	vor.u32 $0x11000, v52;
	[tilespmem:$0x1FF80] =	vst v29;
	s25 =	sadd.s32 $0x9000, s1;
	[dreg:$0x16] =	wrdreg s24  }
0x1b: {  	v32 =	vor.u32 $0x12000, v52;
	s3 =	simm.s32 $0x0;
	[tilespmem:$0x1FF90] =	vst v33;
	s26 =	sadd.s32 $0x9800, s1;
	[dreg:$0x17] =	wrdreg s25  }
0x1c: {  	v37 =	vor.u32 $0x13000, v52;
	s2 =	simm.s32 $0xC0;
	[tilespmem:$0x1FFA0] =	vst v32;
	[dreg:$0x18] =	wrdreg s26;
	s0 =	simm.s32 $0x80  }
0x1d: {  	v1 =	vor.u32 $0x1800, v52;
	[tilespmem:$0x1FFB0] =	vst v37;
	s10 =	simm.s32 $0x140;
	s12 =	simm.s32 $0x1C0;
	s14 =	simm.s32 $0x240  }
0x1e: {  	v54 =	vor.u32 $0x2800, v52;
	[tilespmem:$0x1FFC0] =	vst v1;
	s16 =	simm.s32 $0x2C0;
	s18 =	simm.s32 $0x340;
	s20 =	simm.s32 $0x3C0  }
0x1f: {  	v51 =	vor.u32 $0x5800, v52;
	[tilespmem:$0x1FFD0] =	vst v54;
	s22 =	simm.s32 $0x440;
	s24 =	simm.s32 $0x4C0;
	s26 =	simm.s32 $0x3  }
0x20: {  	v53 =	vor.u32 $0x6800, v52;
	[tilespmem:$0x1FFE0] =	vst v51;
	s13 =	simm.s32 $0xD540;
	s15 =	simm.s32 $0xF540;
	s17 =	simm.s32 $0x11540  }
0x21: {  	[tilespmem:$0x1FFF0] =	vst v53;
	s19 =	simm.s32 $0x13540;
	s21 =	simm.s32 $0x1;
	s23 =	simm.s32 $0x2  }
.LBB2_1:
0x22: {  	[dreg:$0x19] =	wrdreg s3;
	s25 =	simm.s32 $0x0  }
.LBB2_2:
0x23: {  	s7 =	sshll.u32 s25, $0x6  }
0x24: {  	s1 =	sadd.s32 s8, s7  }
0x25: {  	s3 =	rddreg [dreg:$0x1];
	s1 =	sshrl.u32 s1, $0x3  }
0x26: {  	s9 =	sadd.s32 s3, s1;
	s3 =	simm.s32 $0x0  }
0x27: {  	[tilespmem:s3], [sflag:$0x4] =	stream.linear.gather [hbm4b:s9+s3], $0x40, $0x38;
	[tilespmem:$0x17D40] =	vst v63  }
0x28: {  	_ =	swait.ge [sflag:s30], $0x40  }
0x29: {  	[sflag:s30] =	ssyncset.done $0x0  }
0x2a: {  	s11 =	sadd.s32 s6, s1;
	[sflag:s30] =	ssyncadd.s32 $0xFFFFFFC0  }
0x2b: {  	[tilespmem:s31], [sflag:$0x3] =	stream.linear.gather [hbm4b:s11+s3], $0x40, $0x38;
	[tilespmem:$0x17D40] =	vst v63  }
0x2c: {  	s11 =	sor.u32 $0x800, s1  }
0x2d: {  	s9 =	sadd.s32 s6, s11;
	s11 =	sor.u32 $0x1000, s1  }
0x2e: {  	[tilespmem:s0], [sflag:$0x3] =	stream.linear.gather [hbm4b:s9+s3], $0x40, $0x38;
	[tilespmem:$0x17D40] =	vst v63  }
0x2f: {  	s9 =	sadd.s32 s6, s11;
	s11 =	sor.u32 $0x1800, s1  }
0x30: {  	[tilespmem:s2], [sflag:$0x3] =	stream.linear.gather [hbm4b:s9+s3], $0x40, $0x38;
	[tilespmem:$0x17D40] =	vst v63  }
0x31: {  	s9 =	sadd.s32 s6, s11;
	s11 =	simm.s32 $0x100  }
0x32: {  	[tilespmem:s11], [sflag:$0x3] =	stream.linear.gather [hbm4b:s9+s3], $0x40, $0x38;
	[tilespmem:$0x17D40] =	vst v63  }
0x33: {  	s11 =	sor.u32 $0x2000, s1  }
0x34: {  	s9 =	sadd.s32 s6, s11;
	s11 =	sor.u32 $0x2800, s1  }
0x35: {  	[tilespmem:s10], [sflag:$0x3] =	stream.linear.gather [hbm4b:s9+s3], $0x40, $0x38;
	[tilespmem:$0x17D40] =	vst v63  }
0x36: {  	s9 =	sadd.s32 s6, s11;
	s11 =	simm.s32 $0x180  }
0x37: {  	[tilespmem:s11], [sflag:$0x3] =	stream.linear.gather [hbm4b:s9+s3], $0x40, $0x38;
	[tilespmem:$0x17D40] =	vst v63  }
0x38: {  	s11 =	sor.u32 $0x3000, s1  }
0x39: {  	s9 =	sadd.s32 s6, s11;
	s11 =	sor.u32 $0x3800, s1  }
0x3a: {  	[tilespmem:s12], [sflag:$0x3] =	stream.linear.gather [hbm4b:s9+s3], $0x40, $0x38;
	[tilespmem:$0x17D40] =	vst v63  }
0x3b: {  	s9 =	sadd.s32 s6, s11;
	s11 =	simm.s32 $0x200  }
0x3c: {  	[tilespmem:s11], [sflag:$0x3] =	stream.linear.gather [hbm4b:s9+s3], $0x40, $0x38;
	[tilespmem:$0x17D40] =	vst v63  }
0x3d: {  	s11 =	sor.u32 $0x4000, s1  }
0x3e: {  	s9 =	sadd.s32 s6, s11;
	s11 =	sor.u32 $0x4800, s1  }
0x3f: {  	[tilespmem:s14], [sflag:$0x3] =	stream.linear.gather [hbm4b:s9+s3], $0x40, $0x38;
	[tilespmem:$0x17D40] =	vst v63  }
0x40: {  	s9 =	sadd.s32 s6, s11;
	s11 =	simm.s32 $0x280  }
0x41: {  	[tilespmem:s11], [sflag:$0x3] =	stream.linear.gather [hbm4b:s9+s3], $0x40, $0x38;
	[tilespmem:$0x17D40] =	vst v63  }
0x42: {  	s11 =	sor.u32 $0x5000, s1  }
0x43: {  	s9 =	sadd.s32 s6, s11;
	s11 =	sor.u32 $0x5800, s1  }
0x44: {  	[tilespmem:s16], [sflag:$0x3] =	stream.linear.gather [hbm4b:s9+s3], $0x40, $0x38;
	[tilespmem:$0x17D40] =	vst v63  }
0x45: {  	s9 =	sadd.s32 s6, s11;
	s11 =	simm.s32 $0x300  }
0x46: {  	[tilespmem:s11], [sflag:$0x3] =	stream.linear.gather [hbm4b:s9+s3], $0x40, $0x38;
	[tilespmem:$0x17D40] =	vst v63  }
0x47: {  	s11 =	sor.u32 $0x6000, s1  }
0x48: {  	s9 =	sadd.s32 s6, s11;
	s11 =	sor.u32 $0x6800, s1  }
0x49: {  	[tilespmem:s18], [sflag:$0x3] =	stream.linear.gather [hbm4b:s9+s3], $0x40, $0x38;
	[tilespmem:$0x17D40] =	vst v63  }
0x4a: {  	s9 =	sadd.s32 s6, s11;
	s11 =	simm.s32 $0x380  }
0x4b: {  	[tilespmem:s11], [sflag:$0x3] =	stream.linear.gather [hbm4b:s9+s3], $0x40, $0x38;
	[tilespmem:$0x17D40] =	vst v63  }
0x4c: {  	s11 =	sor.u32 $0x7000, s1  }
0x4d: {  	s9 =	sadd.s32 s6, s11;
	s11 =	sor.u32 $0x7800, s1  }
0x4e: {  	[tilespmem:s20], [sflag:$0x3] =	stream.linear.gather [hbm4b:s9+s3], $0x40, $0x38;
	[tilespmem:$0x17D40] =	vst v63  }
0x4f: {  	s9 =	sadd.s32 s6, s11;
	s11 =	simm.s32 $0x400  }
0x50: {  	[tilespmem:s11], [sflag:$0x3] =	stream.linear.gather [hbm4b:s9+s3], $0x40, $0x38;
	[tilespmem:$0x17D40] =	vst v63  }
0x51: {  	s11 =	sor.u32 $0x8000, s1  }
0x52: {  	s9 =	sadd.s32 s6, s11;
	s11 =	sor.u32 $0x8800, s1  }
0x53: {  	[tilespmem:s22], [sflag:$0x3] =	stream.linear.gather [hbm4b:s9+s3], $0x40, $0x38;
	[tilespmem:$0x17D40] =	vst v63  }
0x54: {  	s9 =	sadd.s32 s6, s11;
	s11 =	simm.s32 $0x480  }
0x55: {  	[tilespmem:s11], [sflag:$0x3] =	stream.linear.gather [hbm4b:s9+s3], $0x40, $0x38;
	[tilespmem:$0x17D40] =	vst v63  }
0x56: {  	s11 =	sor.u32 $0x9000, s1  }
0x57: {  	s1 =	sor.u32 $0x9800, s1;
	s9 =	sadd.s32 s6, s11  }
0x58: {  	[tilespmem:s24], [sflag:$0x3] =	stream.linear.gather [hbm4b:s9+s3], $0x40, $0x38;
	[tilespmem:$0x17D40] =	vst v63  }
0x59: {  	s1 =	sadd.s32 s6, s1;
	s11 =	simm.s32 $0x500  }
0x5a: {  	[tilespmem:s11], [sflag:$0x3] =	stream.linear.gather [hbm4b:s1+s3], $0x40, $0x38;
	[tilespmem:$0x17D40] =	vst v63  }
0x5b: {  	_ =	swait.ge [sflag:s26], $0x40  }
0x5c: {  	[sflag:s26] =	ssyncset.done $0x0  }
0x5d: {  	[sflag:s26] =	ssyncadd.s32 $0xFFFFFFC0  }
0x5e: {  	_ =	swait.ge [sflag:s26], $0x40  }
0x5f: {  	[sflag:s26] =	ssyncset.done $0x0  }
0x60: {  	[sflag:s26] =	ssyncadd.s32 $0xFFFFFFC0  }
0x61: {  	_ =	swait.ge [sflag:s26], $0x40  }
0x62: {  	[sflag:s26] =	ssyncset.done $0x0  }
0x63: {  	[sflag:s26] =	ssyncadd.s32 $0xFFFFFFC0  }
0x64: {  	_ =	swait.ge [sflag:s26], $0x40  }
0x65: {  	[sflag:s26] =	ssyncset.done $0x0  }
0x66: {  	[sflag:s26] =	ssyncadd.s32 $0xFFFFFFC0  }
0x67: {  	_ =	swait.ge [sflag:s26], $0x40  }
0x68: {  	[sflag:s26] =	ssyncset.done $0x0  }
0x69: {  	[sflag:s26] =	ssyncadd.s32 $0xFFFFFFC0  }
0x6a: {  	_ =	swait.ge [sflag:s26], $0x40  }
0x6b: {  	[sflag:s26] =	ssyncset.done $0x0  }
0x6c: {  	[sflag:s26] =	ssyncadd.s32 $0xFFFFFFC0  }
0x6d: {  	_ =	swait.ge [sflag:s26], $0x40  }
0x6e: {  	[sflag:s26] =	ssyncset.done $0x0  }
0x6f: {  	[sflag:s26] =	ssyncadd.s32 $0xFFFFFFC0  }
0x70: {  	_ =	swait.ge [sflag:s26], $0x40  }
0x71: {  	[sflag:s26] =	ssyncset.done $0x0  }
0x72: {  	[sflag:s26] =	ssyncadd.s32 $0xFFFFFFC0  }
0x73: {  	_ =	swait.ge [sflag:s26], $0x40  }
0x74: {  	[sflag:s26] =	ssyncset.done $0x0  }
0x75: {  	[sflag:s26] =	ssyncadd.s32 $0xFFFFFFC0  }
0x76: {  	_ =	swait.ge [sflag:s26], $0x40  }
0x77: {  	[sflag:s26] =	ssyncset.done $0x0  }
0x78: {  	[sflag:s26] =	ssyncadd.s32 $0xFFFFFFC0  }
0x79: {  	_ =	swait.ge [sflag:s26], $0x40  }
0x7a: {  	[sflag:s26] =	ssyncset.done $0x0  }
0x7b: {  	[sflag:s26] =	ssyncadd.s32 $0xFFFFFFC0  }
0x7c: {  	_ =	swait.ge [sflag:s26], $0x40  }
0x7d: {  	[sflag:s26] =	ssyncset.done $0x0  }
0x7e: {  	[sflag:s26] =	ssyncadd.s32 $0xFFFFFFC0  }
0x7f: {  	_ =	swait.ge [sflag:s26], $0x40  }
0x80: {  	[sflag:s26] =	ssyncset.done $0x0  }
0x81: {  	[sflag:s26] =	ssyncadd.s32 $0xFFFFFFC0  }
0x82: {  	_ =	swait.ge [sflag:s26], $0x40  }
0x83: {  	[sflag:s26] =	ssyncset.done $0x0  }
0x84: {  	[sflag:s26] =	ssyncadd.s32 $0xFFFFFFC0  }
0x85: {  	_ =	swait.ge [sflag:s26], $0x40  }
0x86: {  	[sflag:s26] =	ssyncset.done $0x0  }
0x87: {  	[sflag:s26] =	ssyncadd.s32 $0xFFFFFFC0  }
0x88: {  	_ =	swait.ge [sflag:s26], $0x40  }
0x89: {  	[sflag:s26] =	ssyncset.done $0x0  }
0x8a: {  	[sflag:s26] =	ssyncadd.s32 $0xFFFFFFC0  }
0x8b: {  	_ =	swait.ge [sflag:s26], $0x40  }
0x8c: {  	[sflag:s26] =	ssyncset.done $0x0  }
0x8d: {  	[sflag:s26] =	ssyncadd.s32 $0xFFFFFFC0  }
0x8e: {  	_ =	swait.ge [sflag:s26], $0x40  }
0x8f: {  	[sflag:s26] =	ssyncset.done $0x0  }
0x90: {  	[sflag:s26] =	ssyncadd.s32 $0xFFFFFFC0  }
0x91: {  	_ =	swait.ge [sflag:s26], $0x40  }
0x92: {  	[sflag:s26] =	ssyncset.done $0x0  }
0x93: {  	[sflag:s26] =	ssyncadd.s32 $0xFFFFFFC0  }
0x94: {  	_ =	swait.ge [sflag:s26], $0x40  }
0x95: {  	[sflag:s26] =	ssyncset.done $0x0  }
0x96: {  	[sflag:s26] =	ssyncadd.s32 $0xFFFFFFC0  }
0x97: {  	[tilespmem:s28], [sflag:$0x1] =	stream.indirect.gather [hbm4b:s4+s31], $0x40, s3, s31, $0xb8;
	[tilespmem:$0x17D40] =	vst v63  }
0x98: {  	_ = 	snop  }
0x99: {  	[tilespmem:s29], [sflag:$0x2] =	stream.indirect.gather [hbm4b:s5+s0], $0x40, s31, s0, $0xb8;
	[tilespmem:$0x17D40] =	vst v63  }
0x9a: {  	s11 =	simm.s32 $0x3540  }
0x9b: {  	[tilespmem:s11], [sflag:$0x2] =	stream.indirect.gather [hbm4b:s5+s0], $0x40, s2, s0, $0xb8;
	[tilespmem:$0x17D40] =	vst v63  }
0x9c: {  	s9 =	simm.s32 $0x5540  }
0x9d: {  	[tilespmem:s9], [sflag:$0x2] =	stream.indirect.gather [hbm4b:s5+s0], $0x40, s10, s0, $0xb8;
	[tilespmem:$0x17D40] =	vst v63  }
0x9e: {  	s11 =	simm.s32 $0x7540  }
0x9f: {  	[tilespmem:s11], [sflag:$0x2] =	stream.indirect.gather [hbm4b:s5+s0], $0x40, s12, s0, $0xb8;
	[tilespmem:$0x17D40] =	vst v63  }
0xa0: {  	s9 =	simm.s32 $0x9540  }
0xa1: {  	[tilespmem:s9], [sflag:$0x2] =	stream.indirect.gather [hbm4b:s5+s0], $0x40, s14, s0, $0xb8;
	[tilespmem:$0x17D40] =	vst v63  }
0xa2: {  	s11 =	simm.s32 $0xB540  }
0xa3: {  	[tilespmem:s11], [sflag:$0x2] =	stream.indirect.gather [hbm4b:s5+s0], $0x40, s16, s0, $0xb8;
	[tilespmem:$0x17D40] =	vst v63  }
0xa4: {  	_ = 	snop  }
0xa5: {  	[tilespmem:s13], [sflag:$0x2] =	stream.indirect.gather [hbm4b:s5+s0], $0x40, s18, s0, $0xb8;
	[tilespmem:$0x17D40] =	vst v63  }
0xa6: {  	_ = 	snop  }
0xa7: {  	[tilespmem:s15], [sflag:$0x2] =	stream.indirect.gather [hbm4b:s5+s0], $0x40, s20, s0, $0xb8;
	[tilespmem:$0x17D40] =	vst v63  }
0xa8: {  	_ = 	snop  }
0xa9: {  	[tilespmem:s17], [sflag:$0x2] =	stream.indirect.gather [hbm4b:s5+s0], $0x40, s22, s0, $0xb8;
	[tilespmem:$0x17D40] =	vst v63  }
0xaa: {  	_ = 	snop  }
0xab: {  	[tilespmem:s19], [sflag:$0x2] =	stream.indirect.gather [hbm4b:s5+s0], $0x40, s24, s0, $0xb8;
	[tilespmem:$0x17D40] =	vst v63  }
0xac: {  	_ =	swait.ge [sflag:s21], $0x1000  }
0xad: {  	[sflag:s21] =	ssyncset.done $0x0  }
0xae: {  	[sflag:s21] =	ssyncadd.s32 $0xFFFFF000  }
0xaf: {  	_ =	swait.ge [sflag:s23], $0x2000  }
0xb0: {  	[sflag:s23] =	ssyncset.done $0x0  }
0xb1: {  	[sflag:s23] =	ssyncadd.s32 $0xFFFFE000  }
0xb2: {  	_ =	swait.ge [sflag:s23], $0x2000  }
0xb3: {  	[sflag:s23] =	ssyncset.done $0x0  }
0xb4: {  	[sflag:s23] =	ssyncadd.s32 $0xFFFFE000  }
0xb5: {  	_ =	swait.ge [sflag:s23], $0x2000  }
0xb6: {  	[sflag:s23] =	ssyncset.done $0x0  }
0xb7: {  	[sflag:s23] =	ssyncadd.s32 $0xFFFFE000  }
0xb8: {  	_ =	swait.ge [sflag:s23], $0x2000  }
0xb9: {  	[sflag:s23] =	ssyncset.done $0x0  }
0xba: {  	[sflag:s23] =	ssyncadd.s32 $0xFFFFE000  }
0xbb: {  	_ =	swait.ge [sflag:s23], $0x2000  }
0xbc: {  	[sflag:s23] =	ssyncset.done $0x0  }
0xbd: {  	[sflag:s23] =	ssyncadd.s32 $0xFFFFE000  }
0xbe: {  	_ =	swait.ge [sflag:s23], $0x2000  }
0xbf: {  	[sflag:s23] =	ssyncset.done $0x0  }
0xc0: {  	[sflag:s23] =	ssyncadd.s32 $0xFFFFE000  }
0xc1: {  	_ =	swait.ge [sflag:s23], $0x2000  }
0xc2: {  	[sflag:s23] =	ssyncset.done $0x0  }
0xc3: {  	[sflag:s23] =	ssyncadd.s32 $0xFFFFE000  }
0xc4: {  	v0 =	vmov s3;
	_ =	swait.ge [sflag:s23], $0x2000  }
0xc5: {  	v0 =	vand.u32 $0x3C, v0;
	[sflag:s23] =	ssyncset.done $0x0  }
0xc6: {  	v0 =	vbroadcast v0, $0x0;
	[sflag:s23] =	ssyncadd.s32 $0xFFFFE000  }
0xc7: {  	_ =	swait.ge [sflag:s23], $0x2000  }
0xc8: {  	v1 =	vor.u32 v52, v0;
	[sflag:s23] =	ssyncset.done $0x0  }
0xc9: {  	[sflag:s23] =	ssyncadd.s32 $0xFFFFE000  }
0xca: {  	v2 =	vor.u32 v62, v0;
	_ =	swait.ge [sflag:s23], $0x2000  }
0xcb: {  	v3 =	vor.u32 v46, v0;
	[sflag:s23] =	ssyncset.done $0x0  }
0xcc: {  	v51 =	vmov v4;
	v4 =	vor.u32 v4, v0;
	[sflag:s23] =	ssyncadd.s32 $0xFFFFE000  }
0xcd: {  	v63 =	vmov v5;
	v5 =	vor.u32 v5, v0;
	v10 =	vld.idx.msk [tilespmem:v1+s28+$0x0], $0xffff  }
0xce: {  	v6 =	vor.u32 v47, v0;
	v1 =	vld.idx.msk [tilespmem:v1+s29+$0x0], $0xffff  }
0xcf: {  	v7 =	vor.u32 v38, v0;
	v2 =	vld.idx.msk [tilespmem:v2+s29+$0x0], $0xffff  }
0xd0: {  	v8 =	vor.u32 v56, v0;
	v3 =	vld.idx.msk [tilespmem:v3+s29+$0x0], $0xffff  }
0xd1: {  	v11 =	vor.u32 v45, v0;
	v61 =	vld.idx.msk [tilespmem:v4+s29+$0x0], $0xffff  }
0xd2: {  	v12 =	vor.u32 v43, v0;
	v5 =	vld.idx.msk [tilespmem:v5+s29+$0x0], $0xffff  }
0xd3: {  	v13 =	vor.u32 v60, v0;
	v41 =	vld.idx.msk [tilespmem:v6+s29+$0x0], $0xffff  }
0xd4: {  	v14 =	vor.u32 v9, v0;
	v42 =	vld.idx.msk [tilespmem:v7+s29+$0x0], $0xffff  }
0xd5: {  	v4 =	vor.u32 v40, v0;
	v8 =	vld.idx.msk [tilespmem:v8+s29+$0x0], $0xffff  }
0xd6: {  	v16 =	vor.u32 v27, v0;
	v44 =	vld.idx.msk [tilespmem:v11+s29+$0x0], $0xffff  }
0xd7: {  	v17 =	vor.u32 v15, v0;
	v12 =	vld.idx.msk [tilespmem:v12+s29+$0x0], $0xffff  }
0xd8: {  	v18 =	vor.u32 v29, v0;
	s3 =	simm.s32 $0x3;
	v13 =	vld.idx.msk [tilespmem:v13+s29+$0x0], $0xffff  }
0xd9: {  	v20 =	vor.u32 v33, v0;
	v19 =	vmov s3;
	v14 =	vld.idx.msk [tilespmem:v14+s29+$0x0], $0xffff  }
0xda: {  	v19 =	vand.u32 $0x3F, v19;
	v48 =	vld.idx.msk [tilespmem:v4+s29+$0x0], $0xffff;
	v4 =	vor.u32 v55, v0  }
0xdb: {  	v22 =	vor.u32 v32, v0;
	v19 =	vbroadcast v19, $0x0;
	v23 =	vld.idx.msk [tilespmem:v16+s29+$0x0], $0xffff;
	v0 =	vor.u32 v37, v0  }
0xdc: {  	v24 =	vld.idx.msk [tilespmem:v17+s29+$0x0], $0xffff  }
0xdd: {  	v17 =	vor.u32 v52, v19;
	v18 =	vld.idx.msk [tilespmem:v18+s29+$0x0], $0xffff  }
0xde: {  	v39 =	vld.idx.msk [tilespmem:v20+s29+$0x0], $0xffff  }
0xdf: {  	s9 =	simm.s32 $0x2;
	v21 =	vld.idx.msk [tilespmem:v4+s29+$0x0], $0xffff  }
0xe0: {  	s11 =	simm.s32 $0x1;
	v4 =	vmov s9;
	v36 =	vld.idx.msk [tilespmem:v0+s29+$0x0], $0xffff;
	v0 =	vor.u32 v60, v19  }
0xe1: {  	v16 =	vmov s11;
	v22 =	vld.idx.msk [tilespmem:v22+s29+$0x0], $0xffff;
	v4 =	vand.u32 $0x3E, v4;
	[tilespmem:$0x1FCA0] =	vst v0;
	v0 =	vor.u32 v9, v19  }
0xe2: {  	v7 =	vmovc v27;
	v16 =	vand.u32 $0x3D, v16;
	v25 =	vbroadcast v4, $0x0;
	v31 =	vld.idx.msk [tilespmem:v17+s28+$0x0], $0xffff;
	[tilespmem:$0x1FCC0] =	vst v0;
	v0 =	vor.u32 v55, v19  }
0xe3: {  	v4 =	vbroadcast v16, $0x0;
	v16 =	vor.u32 v62, v19;
	[tilespmem:$0x1FD00] =	vst v0;
	v0 =	vor.u32 v7, v19  }
0xe4: {  	v20 =	vmov v29;
	[tilespmem:$0x1FD10] =	vst v0;
	v0 =	vor.u32 v15, v19  }
0xe5: {  	v17 =	vld.idx.msk [tilespmem:v17+s29+$0x0], $0xffff;
	[tilespmem:$0x1FD40] =	vst v0;
	v0 =	vor.u32 v20, v19  }
0xe6: {  	[tilespmem:$0x1FD70] =	vst v0;
	v0 =	vor.u32 v33, v19  }
0xe7: {  	[tilespmem:$0x1FDA0] =	vst v0  }
0xe8: {  	v0 =	vld.idx.msk [tilespmem:v16+s29+$0x0], $0xffff;
	_ =	sdelay $0x2  }
0xe9: {  	v26 =	vor.u32 v46, v19  }
0xea: {  	v27 =	vor.u32 v51, v19  }
0xeb: {  	[tilespmem:$0x1FCD0] =	vst v0;
	v0 =	vor.u32 v32, v19  }
0xec: {  	v28 =	vor.u32 v63, v19;
	v30 =	vor.u32 v38, v19;
	[tilespmem:$0x1FBC0] =	vst v0;
	v0 =	vor.u32 v37, v19  }
0xed: {  	v34 =	vor.u32 v56, v19;
	v35 =	vor.u32 v40, v19;
	v53 =	vor.u32 v45, v19;
	[tilespmem:$0x1FBD0] =	vst v0  }
0xee: {  	v54 =	vor.u32 v43, v19;
	v29 =	vor.u32 v47, v19;
	v0 =	vor.u32 v63, v25;
	v19 =	vld.idx.msk [tilespmem:v26+s29+$0x0], $0xffff  }
0xef: {  	v27 =	vld.idx.msk [tilespmem:v27+s29+$0x0], $0xffff;
	[tilespmem:$0x1FD30] =	vst v0;
	v0 =	vor.u32 v47, v25  }
0xf0: {  	[tilespmem:$0x1FD60] =	vst v0;
	v0 =	vor.u32 v38, v25  }
0xf1: {  	[tilespmem:$0x1FD80] =	vst v0;
	v0 =	vor.u32 v56, v25  }
0xf2: {  	v28 =	vld.idx.msk [tilespmem:v28+s29+$0x0], $0xffff;
	[tilespmem:$0x1FD90] =	vst v0  }
0xf3: {  	v0 =	vld.idx.msk [tilespmem:v29+s29+$0x0], $0xffff;
	_ =	sdelay $0x1  }
0xf4: {  	v16 =	vor.u32 v52, v4;
	_ =	sdelay $0x1  }
0xf5: {  	v59 =	vmul.f32 v3, v10;
	v49 =	vor.u32 v52, v25;
	v3 =	vor.u32 v51, v4  }
0xf6: {  	v52 =	vor.u32 v51, v25;
	v51 =	vmul.f32 v8, v10;
	v8 =	vmul.f32 v48, v10;
	[tilespmem:$0x1FD50] =	vst v0  }
0xf7: {  	v29 =	vld.idx.msk [tilespmem:v30+s29+$0x0], $0xffff  }
0xf8: {  	v11 =	vor.u32 v40, v25;
	v0 =	vld.idx.msk [tilespmem:v16+s28+$0x0], $0xffff;
	[tilespmem:$0x1FDF0] =	vst v8;
	v8 =	vmul.f32 v44, v10  }
0xf9: {  	[tilespmem:$0x1FDB0] =	vst v11  }
0xfa: {  	v11 =	vld.idx.msk [tilespmem:v16+s29+$0x0], $0xffff;
	[tilespmem:$0x1FE00] =	vst v8;
	v8 =	vmul.f32 v12, v10  }
0xfb: {  	v57 =	vmul.f32 v1, v10;
	v58 =	vmul.f32 v2, v10  }
0xfc: {  	v50 =	vor.u32 v46, v25;
	v1 =	vor.u32 v62, v4;
	[tilespmem:$0x1FBE0] =	vst v8;
	v8 =	vor.u32 v43, v25  }
0xfd: {  	v2 =	vor.u32 v46, v4;
	v46 =	vld.idx.msk [tilespmem:v49+s28+$0x0], $0xffff;
	[tilespmem:$0x1FDD0] =	vst v8;
	v8 =	vmul.f32 v13, v10;
	_ =	sdelay $0x1  }
0xfe: {  	[tilespmem:$0x1FBF0] =	vst v8;
	v8 =	vmul.f32 v14, v10;
	_ =	sdelay $0x1  }
0xff: {  	[tilespmem:$0x1FC00] =	vst v8  }
0x100: {  	v12 =	vld.idx.msk [tilespmem:v1+s29+$0x0], $0xffff;
	v1 =	vor.u32 v60, v25  }
0x101: {  	[tilespmem:$0x1FDE0] =	vst v1;
	v1 =	vmul.f32 v21, v10;
	_ =	sdelay $0x1  }
0x102: {  	[tilespmem:$0x1FC10] =	vst v1;
	v1 =	vmul.f32 v23, v10;
	_ =	sdelay $0x1  }
0x103: {  	[tilespmem:$0x1FC20] =	vst v1;
	v1 =	vor.u32 v9, v25  }
0x104: {  	v13 =	vld.idx.msk [tilespmem:v2+s29+$0x0], $0xffff;
	[tilespmem:$0x1FE10] =	vst v1;
	v1 =	vmul.f32 v24, v10;
	_ =	sdelay $0x1  }
0x105: {  	[tilespmem:$0x1FC30] =	vst v1;
	v1 =	vmul.f32 v18, v10;
	_ =	sdelay $0x1  }
0x106: {  	[tilespmem:$0x1FC40] =	vst v1;
	v1 =	vmul.f32 v39, v10;
	_ =	sdelay $0x1  }
0x107: {  	v26 =	vor.u32 v62, v25;
	v14 =	vld.idx.msk [tilespmem:v3+s29+$0x0], $0xffff;
	[tilespmem:$0x1FC50] =	vst v1;
	v1 =	vmul.f32 v22, v10;
	_ =	sdelay $0x1  }
0x108: {  	v18 =	vld.idx.msk [tilespmem:v49+s29+$0x0], $0xffff;
	[tilespmem:$0x1FC60] =	vst v1;
	v1 =	vmul.f32 v36, v10;
	_ =	sdelay $0x1  }
0x109: {  	v61 =	vmul.f32 v61, v10;
	v62 =	vmul.f32 v5, v10;
	[tilespmem:$0x1FC70] =	vst v1  }
0x10a: {  	v5 =	vmul.f32 v41, v10;
	v30 =	vmul.f32 v42, v10;
	v10 =	vld.idx.msk [tilespmem:v26+s29+$0x0], $0xffff  }
0x10b: {  	v41 =	vld.idx.msk [tilespmem:v50+s29+$0x0], $0xffff  }
0x10c: {  	v6 =	vimm.f32 $0.0e+00;
	v1 =	vor.u32 v7, v25;
	v24 =	vld.idx.msk [tilespmem:v52+s29+$0x0], $0xffff  }
0x10d: {  	v42 =	vadd.f32 v58, v6;
	v12 =	vmul.f32 v12, v0;
	v34 =	vld.idx.msk [tilespmem:v34+s29+$0x0], $0xffff;
	[tilespmem:$0x1FC80] =	vst v1  }
0x10e: {  	v35 =	vld.idx.msk [tilespmem:v35+s29+$0x0], $0xffff  }
0x10f: {  	v23 =	vadd.f32 v12, v42;
	v1 =	vor.u32 v15, v25;
	v12 =	vld.idx.msk [tilespmem:v53+s29+$0x0], $0xffff  }
0x110: {  	[tilespmem:$0x1FC90] =	vst v1;
	v1 =	vld [tilespmem:$0x1FCA0];
	_ =	sdelay $0x3  }
0x111: {  	v11 =	vmul.f32 v11, v0;
	v39 =	vadd.f32 v57, v6;
	_ =	sdelay $0x1  }
0x112: {  	v11 =	vadd.f32 v11, v39;
	v18 =	vmul.f32 v18, v46  }
0x113: {  	v36 =	vld.idx.msk [tilespmem:v54+s29+$0x0], $0xffff  }
0x114: {  	v3 =	vor.u32 v20, v25;
	v11 =	vadd.f32 v18, v11;
	v18 =	vld.idx.msk [tilespmem:v1+s29+$0x0], $0xffff  }
0x115: {  	[tilespmem:$0x1FCB0] =	vst v3;
	v3 =	vld [tilespmem:$0x1FCC0]  }
0x116: {  	v44 =	vor.u32 v63, v4;
	v8 =	vld [tilespmem:$0x1FCD0]  }
0x117: {  	v57 =	vor.u32 v47, v4;
	_ =	sdelay $0x1  }
0x118: {  	v13 =	vmul.f32 v13, v0;
	v26 =	vadd.f32 v59, v6  }
0x119: {  	v14 =	vmul.f32 v14, v0;
	v52 =	vadd.f32 v61, v6;
	v1 =	vor.u32 v38, v4  }
0x11a: {  	v58 =	vmul.f32 v8, v31;
	v26 =	vadd.f32 v13, v26;
	v22 =	vmul.f32 v41, v46;
	v21 =	vld.idx.msk [tilespmem:v44+s29+$0x0], $0xffff  }
0x11b: {  	v8 =	vor.u32 v32, v25;
	v14 =	vadd.f32 v14, v52;
	v24 =	vmul.f32 v24, v46;
	v59 =	vld.idx.msk [tilespmem:v57+s29+$0x0], $0xffff  }
0x11c: {  	v22 =	vadd.f32 v22, v26;
	v26 =	vld.idx.msk [tilespmem:v3+s29+$0x0], $0xffff;
	[tilespmem:$0x1FCE0] =	vst v8;
	v8 =	vor.u32 v37, v25  }
0x11d: {  	v16 =	vor.u32 v45, v25;
	[tilespmem:$0x1FCF0] =	vst v8  }
0x11e: {  	v2 =	vor.u32 v55, v25;
	v24 =	vadd.f32 v24, v14;
	v14 =	vor.u32 v33, v25;
	v25 =	vld.idx.msk [tilespmem:v1+s29+$0x0], $0xffff  }
0x11f: {  	v1 =	vld [tilespmem:$0x1FD10];
	_ =	sdelay $0x1  }
0x120: {  	v8 =	vld [tilespmem:$0x1FD00];
	_ =	sdelay $0x3  }
0x121: {  	v19 =	vmul.f32 v19, v31;
	v61 =	vmul.f32 v27, v31;
	v3 =	vor.u32 v56, v4;
	_ =	sdelay $0x1  }
0x122: {  	v41 =	vor.u32 v40, v4;
	v40 =	vadd.f32 v19, v22;
	v19 =	vld.idx.msk [tilespmem:v1+s29+$0x0], $0xffff;
	v1 =	vadd.f32 v61, v24;
	_ =	sdelay $0x1  }
0x123: {  	v42 =	vld.idx.msk [tilespmem:v8+s29+$0x0], $0xffff;
	[tilespmem:$0x1FD20] =	vst v1  }
0x124: {  	v63 =	vld.idx.msk [tilespmem:v3+s29+$0x0], $0xffff  }
0x125: {  	v3 =	vld [tilespmem:$0x1FD30];
	_ =	sdelay $0x2  }
0x126: {  	v10 =	vmul.f32 v10, v46;
	_ =	sdelay $0x1  }
0x127: {  	v23 =	vadd.f32 v10, v23;
	v10 =	vmul.f32 v17, v31;
	_ =	sdelay $0x1  }
0x128: {  	v52 =	vadd.f32 v10, v11;
	v11 =	vld [tilespmem:$0x1FD90]  }
0x129: {  	v24 =	vld.idx.msk [tilespmem:v3+s29+$0x0], $0xffff  }
0x12a: {  	v3 =	vadd.f32 v5, v6;
	v5 =	vld [tilespmem:$0x1FD40];
	_ =	sdelay $0x5  }
0x12b: {  	v10 =	vld [tilespmem:$0x1FD80]  }
0x12c: {  	v57 =	vld.idx.msk [tilespmem:v11+s29+$0x0], $0xffff  }
0x12d: {  	v44 =	vld.idx.msk [tilespmem:v5+s29+$0x0], $0xffff  }
0x12e: {  	v1 =	vor.u32 v43, v4;
	v43 =	vmul.f32 v28, v31;
	v28 =	vmul.f32 v59, v0;
	v5 =	vld [tilespmem:$0x1FD50]  }
0x12f: {  	v11 =	vld [tilespmem:$0x1FDA0]  }
0x130: {  	v28 =	vadd.f32 v28, v3;
	v3 =	vld [tilespmem:$0x1FD70]  }
0x131: {  	v27 =	vor.u32 v45, v4;
	v45 =	vor.u32 v60, v4;
	v60 =	vor.u32 v7, v4;
	v7 =	vld [tilespmem:$0x1FDB0];
	_ =	sdelay $0x1  }
0x132: {  	v48 =	vmul.f32 v5, v31;
	v5 =	vld [tilespmem:$0x1FD60];
	_ =	sdelay $0x2  }
0x133: {  	v38 =	vld.idx.msk [tilespmem:v10+s29+$0x0], $0xffff  }
0x134: {  	v59 =	vld.idx.msk [tilespmem:v11+s29+$0x0], $0xffff  }
0x135: {  	v3 =	vld.idx.msk [tilespmem:v3+s29+$0x0], $0xffff  }
0x136: {  	v22 =	vld.idx.msk [tilespmem:v7+s29+$0x0], $0xffff  }
0x137: {  	v62 =	vadd.f32 v62, v6;
	v49 =	vmul.f32 v29, v31;
	v21 =	vmul.f32 v21, v0;
	v41 =	vld.idx.msk [tilespmem:v41+s29+$0x0], $0xffff  }
0x138: {  	v39 =	vmul.f32 v63, v0;
	v29 =	vld.idx.msk [tilespmem:v5+s29+$0x0], $0xffff;
	v5 =	vadd.f32 v30, v6;
	v6 =	vadd.f32 v51, v6  }
0x139: {  	v21 =	vadd.f32 v21, v62;
	v62 =	vld.idx.msk [tilespmem:v27+s29+$0x0], $0xffff  }
0x13a: {  	v1 =	vld.idx.msk [tilespmem:v1+s29+$0x0], $0xffff;
	v6 =	vadd.f32 v39, v6;
	v39 =	vmul.f32 v3, v31;
	v3 =	vmul.f32 v59, v31  }
0x13b: {  	v30 =	vld.idx.msk [tilespmem:v16+s29+$0x0], $0xffff  }
0x13c: {  	[tilespmem:$0x1FDC0] =	vst v3;
	v3 =	vld [tilespmem:$0x1FDD0];
	_ =	sdelay $0x7  }
0x13d: {  	v8 =	vmul.f32 v35, v31;
	v35 =	vmul.f32 v30, v46;
	v30 =	vld.idx.msk [tilespmem:v3+s29+$0x0], $0xffff  }
0x13e: {  	v3 =	vld [tilespmem:$0x1FDE0];
	_ =	sdelay $0x3  }
0x13f: {  	v9 =	vor.u32 v9, v4  }
0x140: {  	v47 =	vmul.f32 v34, v31;
	v54 =	vadd.f32 v58, v23;
	v58 =	vor.u32 v55, v4  }
0x141: {  	v25 =	vmul.f32 v25, v0;
	v61 =	vor.u32 v15, v4;
	v10 =	vmul.f32 v12, v31  }
0x142: {  	v27 =	vor.u32 v33, v4;
	v53 =	vmul.f32 v42, v31;
	v19 =	vmul.f32 v19, v31  }
0x143: {  	v12 =	vmul.f32 v24, v46;
	v13 =	vmul.f32 v29, v46;
	v29 =	vor.u32 v32, v4;
	v32 =	vld.idx.msk [tilespmem:v3+s29+$0x0], $0xffff  }
0x144: {  	v42 =	vimm.f32 $0.0e+00;
	v63 =	vmul.f32 v26, v31;
	v17 =	vmul.f32 v38, v46;
	v3 =	vld [tilespmem:$0x1FDF0]  }
0x145: {  	v34 =	vmul.f32 v22, v46;
	v55 =	vmul.f32 v1, v0;
	v1 =	vld [tilespmem:$0x1FE10];
	v12 =	vadd.f32 v12, v21  }
0x146: {  	v26 =	vor.u32 v20, v4;
	v56 =	vmul.f32 v62, v0;
	v11 =	vmul.f32 v36, v31  }
0x147: {  	v50 =	vadd.f32 v43, v12;
	v43 =	vimm.f32 $0.0e+00;
	v38 =	vmul.f32 v44, v31  }
0x148: {  	v5 =	vadd.f32 v25, v5;
	v23 =	vadd.f32 v13, v28;
	v13 =	vimm.f32 $0.0e+00  }
0x149: {  	v44 =	vimm.f32 $0.0e+00;
	v51 =	vmul.f32 v18, v31;
	v62 =	vadd.f32 v3, v13;
	v3 =	vld [tilespmem:$0x1FE00]  }
0x14a: {  	v16 =	vimm.f32 $0.0e+00;
	v5 =	vadd.f32 v17, v5;
	v28 =	vmul.f32 v57, v46  }
0x14b: {  	v18 =	vimm.f32 $0.0e+00;
	v25 =	vimm.f32 $0.0e+00;
	v36 =	vld.idx.msk [tilespmem:v45+s29+$0x0], $0xffff;
	v57 =	vmul.f32 v41, v0  }
0x14c: {  	v33 =	vld.idx.msk [tilespmem:v9+s29+$0x0], $0xffff;
	v41 =	vadd.f32 v49, v5;
	v49 =	vimm.f32 $0.0e+00;
	v6 =	vadd.f32 v28, v6  }
0x14d: {  	v5 =	vld.idx.msk [tilespmem:v1+s29+$0x0], $0xffff;
	v28 =	vor.u32 v37, v4;
	v45 =	vadd.f32 v48, v23;
	v48 =	vimm.f32 $0.0e+00  }
0x14e: {  	s3 =	simm.s32 $0x4;
	v37 =	vadd.f32 v47, v6;
	v6 =	vld.idx.msk [tilespmem:v2+s29+$0x0], $0xffff;
	v47 =	vimm.f32 $0.0e+00;
	v59 =	vadd.f32 v3, v13  }
.LBB2_3:
0x14f: {  	v1 =	vld [tilespmem:$0x1FBE0];
	_ =	sdelay $0x4  }
0x150: {  	v15 =	vadd.f32 v1, v13;
	v1 =	vld [tilespmem:$0x1FBF0];
	_ =	sdelay $0x4  }
0x151: {  	v4 =	vadd.f32 v1, v16;
	v1 =	vld [tilespmem:$0x1FC80];
	_ =	sdelay $0x7  }
0x152: {  	v12 =	vld.idx.msk [tilespmem:v1+s29+$0x0], $0xffff  }
0x153: {  	v1 =	vld [tilespmem:$0x1FC90];
	_ =	sdelay $0x5  }
0x154: {  	v30 =	vmul.f32 v30, v46;
	v15 =	vadd.f32 v55, v15;
	_ =	sdelay $0x1  }
0x155: {  	v15 =	vadd.f32 v30, v15;
	v30 =	vld.idx.msk [tilespmem:v1+s29+$0x0], $0xffff  }
0x156: {  	v1 =	vld [tilespmem:$0x1FCB0];
	_ =	sdelay $0x3  }
0x157: {  	v57 =	vadd.f32 v57, v62;
	_ =	sdelay $0x1  }
0x158: {  	v56 =	vadd.f32 v56, v59;
	v34 =	vadd.f32 v34, v57;
	_ =	sdelay $0x1  }
0x159: {  	v35 =	vadd.f32 v35, v56;
	v16 =	vmul.f32 v36, v0;
	v13 =	vld.idx.msk [tilespmem:v1+s29+$0x0], $0xffff;
	v1 =	vadd.f32 v8, v34;
	_ =	sdelay $0x1  }
0x15a: {  	v32 =	vmul.f32 v32, v46;
	v4 =	vadd.f32 v16, v4;
	[tilespmem:$0x1FB70] =	vst v1;
	v1 =	vadd.f32 v10, v35;
	_ =	sdelay $0x1  }
0x15b: {  	v4 =	vadd.f32 v32, v4;
	[tilespmem:$0x1FB90] =	vst v1;
	v1 =	vadd.f32 v11, v15;
	_ =	sdelay $0x1  }
0x15c: {  	[tilespmem:$0x1FB10] =	vst v1;
	v1 =	vadd.f32 v51, v4;
	_ =	sdelay $0x1  }
0x15d: {  	[tilespmem:$0x1FAD0] =	vst v1;
	v1 =	vld [tilespmem:$0x1FC00];
	_ =	sdelay $0x4  }
0x15e: {  	v7 =	vadd.f32 v1, v25;
	v1 =	vld [tilespmem:$0x1FC10];
	_ =	sdelay $0x4  }
0x15f: {  	v9 =	vadd.f32 v1, v49;
	v1 =	vld [tilespmem:$0x1FC20];
	_ =	sdelay $0x4  }
0x160: {  	v8 =	vadd.f32 v1, v18;
	v1 =	vld [tilespmem:$0x1FC30];
	_ =	sdelay $0x3  }
0x161: {  	[tilespmem:$0x1F9B0] =	vst v52;
	v52 =	vld.idx.msk [tilespmem:v58+s29+$0x0], $0xffff  }
0x162: {  	v24 =	vadd.f32 v1, v48;
	v1 =	vld [tilespmem:$0x1FCE0];
	_ =	sdelay $0x3  }
0x163: {  	v22 =	vmul.f32 v52, v0;
	_ =	sdelay $0x1  }
0x164: {  	v6 =	vmul.f32 v6, v46;
	v9 =	vadd.f32 v22, v9;
	_ =	sdelay $0x1  }
0x165: {  	v6 =	vadd.f32 v6, v9;
	v9 =	vld.idx.msk [tilespmem:v1+s29+$0x0], $0xffff  }
0x166: {  	v1 =	vld [tilespmem:$0x1FCF0];
	_ =	sdelay $0x1  }
0x167: {  	[tilespmem:$0x1F9C0] =	vst v54;
	v54 =	vld.idx.msk [tilespmem:v60+s29+$0x0], $0xffff;
	v60 =	vmul.f32 v33, v0;
	_ =	sdelay $0x1  }
0x168: {  	v5 =	vmul.f32 v5, v46;
	v7 =	vadd.f32 v60, v7;
	_ =	sdelay $0x1  }
0x169: {  	v5 =	vadd.f32 v5, v7;
	_ =	sdelay $0x1  }
0x16a: {  	v10 =	vld.idx.msk [tilespmem:v1+s29+$0x0], $0xffff;
	v1 =	vadd.f32 v63, v5;
	_ =	sdelay $0x1  }
0x16b: {  	[tilespmem:$0x1FAC0] =	vst v1;
	v1 =	vadd.f32 v53, v6  }
0x16c: {  	v16 =	vld.idx.msk [tilespmem:v61+s29+$0x0], $0xffff  }
0x16d: {  	[tilespmem:$0x1FB60] =	vst v1;
	v1 =	vld [tilespmem:$0x1FBC0];
	_ =	sdelay $0x1  }
0x16e: {  	v15 =	vmul.f32 v54, v0;
	_ =	sdelay $0x1  }
0x16f: {  	v16 =	vmul.f32 v16, v0;
	v12 =	vmul.f32 v12, v46;
	v8 =	vadd.f32 v15, v8;
	_ =	sdelay $0x1  }
0x170: {  	v8 =	vadd.f32 v12, v8;
	v15 =	vadd.f32 v16, v24;
	v24 =	vmul.f32 v30, v46;
	_ =	sdelay $0x1  }
0x171: {  	v11 =	vadd.f32 v24, v15;
	v5 =	vld.idx.msk [tilespmem:v1+s29+$0x0], $0xffff;
	v1 =	vadd.f32 v19, v8;
	_ =	sdelay $0x1  }
0x172: {  	[tilespmem:$0x1FAE0] =	vst v1;
	v1 =	vadd.f32 v38, v11;
	_ =	sdelay $0x1  }
0x173: {  	[tilespmem:$0x1FB40] =	vst v1;
	v1 =	vld [tilespmem:$0x1FBD0];
	_ =	sdelay $0x6  }
0x174: {  	v23 =	vld.idx.msk [tilespmem:v26+s29+$0x0], $0xffff  }
0x175: {  	v8 =	vld.idx.msk [tilespmem:v1+s29+$0x0], $0xffff  }
0x176: {  	v1 =	vld [tilespmem:$0x1FC40];
	_ =	sdelay $0x4  }
0x177: {  	v2 =	vld [tilespmem:$0x1FC50];
	v7 =	vmul.f32 v13, v46;
	v13 =	vmul.f32 v23, v0;
	v1 =	vadd.f32 v1, v42;
	_ =	sdelay $0x1  }
0x178: {  	v25 =	vld.idx.msk [tilespmem:v27+s29+$0x0], $0xffff;
	v1 =	vadd.f32 v13, v1  }
0x179: {  	v14 =	vld.idx.msk [tilespmem:v14+s29+$0x0], $0xffff  }
0x17a: {  	v61 =	vld.idx.msk [tilespmem:v29+s29+$0x0], $0xffff;
	v1 =	vadd.f32 v7, v1  }
0x17b: {  	v11 =	vadd.f32 v2, v47;
	v2 =	vld [tilespmem:$0x1FC60]  }
0x17c: {  	v1 =	vadd.f32 v39, v1  }
0x17d: {  	v6 =	vmul.f32 v25, v0  }
0x17e: {  	[tilespmem:$0x1FA40] =	vst v1;
	v1 =	vld [tilespmem:$0x1FDC0]  }
0x17f: {  	v3 =	vld [tilespmem:$0x1FC70];
	v12 =	vmul.f32 v14, v46;
	v6 =	vadd.f32 v6, v11  }
0x180: {  	v14 =	vmul.f32 v61, v0;
	v16 =	vld.idx.msk [tilespmem:v28+s29+$0x0], $0xffff;
	v2 =	vadd.f32 v2, v43  }
0x181: {  	v6 =	vadd.f32 v12, v6  }
0x182: {  	v9 =	vmul.f32 v9, v46;
	v2 =	vadd.f32 v14, v2  }
0x183: {  	v4 =	vld [tilespmem:$0x1FE80];
	v1 =	vadd.f32 v1, v6  }
0x184: {  	v5 =	vmul.f32 v5, v31;
	v2 =	vadd.f32 v9, v2;
	v7 =	vmov s3  }
0x185: {  	v3 =	vadd.f32 v3, v44;
	v0 =	vmul.f32 v16, v0;
	[tilespmem:$0x1FA50] =	vst v1;
	v1 =	vand.u32 $0x3C, v7  }
0x186: {  	v2 =	vadd.f32 v5, v2;
	v1 =	vbroadcast v1, $0x0  }
0x187: {  	v15 =	vld [tilespmem:$0x1FE90];
	v0 =	vadd.f32 v0, v3;
	v3 =	vmul.f32 v10, v46  }
0x188: {  	[tilespmem:$0x1F9E0] =	vst v2;
	v2 =	vor.u32 v4, v1  }
0x189: {  	[tilespmem:$0x1FA80] =	vst v45;
	v45 =	vld [tilespmem:$0x1FEB0];
	v0 =	vadd.f32 v3, v0;
	v3 =	vmul.f32 v8, v31  }
0x18a: {  	v17 =	vld [tilespmem:$0x1FEF0]  }
0x18b: {  	v48 =	vld [tilespmem:$0x1FEC0];
	v0 =	vadd.f32 v3, v0  }
0x18c: {  	v16 =	vld [tilespmem:$0x1FEA0];
	v3 =	vor.u32 v15, v1  }
0x18d: {  	[tilespmem:$0x1F9F0] =	vst v0;
	v0 =	vld.idx.msk [tilespmem:v2+s28+$0x0], $0xffff  }
0x18e: {  	v2 =	vld.idx.msk [tilespmem:v2+s29+$0x0], $0xffff  }
0x18f: {  	v20 =	vld [tilespmem:$0x1FF80]  }
0x190: {  	v21 =	vld [tilespmem:$0x1FF90]  }
0x191: {  	v5 =	vor.u32 v16, v1;
	v30 =	vld.idx.msk [tilespmem:v3+s29+$0x0], $0xffff  }
0x192: {  	v7 =	vor.u32 v48, v1;
	v3 =	vld [tilespmem:$0x1FEE0]  }
0x193: {  	[tilespmem:$0x1F930] =	vst v2;
	v2 =	vld [tilespmem:$0x1FED0]  }
0x194: {  	v49 =	vld [tilespmem:$0x1FF10]  }
0x195: {  	v18 =	vld [tilespmem:$0x1FF00];
	v6 =	vor.u32 v45, v1  }
0x196: {  	v57 =	vld.idx.msk [tilespmem:v5+s29+$0x0], $0xffff;
	v5 =	vor.u32 v17, v1  }
0x197: {  	v7 =	vld.idx.msk [tilespmem:v7+s29+$0x0], $0xffff;
	v9 =	vor.u32 v3, v1  }
0x198: {  	v61 =	vld [tilespmem:$0x1FF20];
	v8 =	vor.u32 v2, v1  }
0x199: {  	v19 =	vld [tilespmem:$0x1FF60]  }
0x19a: {  	v52 =	vld.idx.msk [tilespmem:v6+s29+$0x0], $0xffff;
	v6 =	vor.u32 v18, v1  }
0x19b: {  	v5 =	vld.idx.msk [tilespmem:v5+s29+$0x0], $0xffff  }
0x19c: {  	[tilespmem:$0x1F940] =	vst v7;
	v7 =	vld.idx.msk [tilespmem:v9+s29+$0x0], $0xffff  }
0x19d: {  	s1 =	sadd.s32 $0x3, s3;
	v55 =	vld.idx.msk [tilespmem:v8+s29+$0x0], $0xffff  }
0x19e: {  	v13 =	vmov s1;
	v10 =	vor.u32 v49, v1;
	v8 =	vld [tilespmem:$0x1FF40]  }
0x19f: {  	v13 =	vand.u32 $0x3F, v13;
	v11 =	vor.u32 v61, v1;
	v6 =	vld.idx.msk [tilespmem:v6+s29+$0x0], $0xffff  }
0x1a0: {  	v13 =	vbroadcast v13, $0x0;
	v9 =	vld [tilespmem:$0x1FF50]  }
0x1a1: {  	[tilespmem:$0x1F950] =	vst v7;
	v7 =	vld [tilespmem:$0x1FF30]  }
0x1a2: {  	v63 =	vld [tilespmem:$0x1FF70];
	v14 =	vor.u32 v4, v13  }
0x1a3: {  	v62 =	vld.idx.msk [tilespmem:v10+s29+$0x0], $0xffff;
	[tilespmem:$0x1F960] =	vst v5;
	v5 =	vor.u32 v8, v1  }
0x1a4: {  	v10 =	vor.u32 v19, v1;
	v11 =	vld.idx.msk [tilespmem:v11+s29+$0x0], $0xffff  }
0x1a5: {  	v22 =	vld [tilespmem:$0x1FFA0];
	[tilespmem:$0x1F970] =	vst v6;
	v6 =	vor.u32 v9, v1  }
0x1a6: {  	v23 =	vld [tilespmem:$0x1FFB0];
	v12 =	vor.u32 v7, v1  }
0x1a7: {  	v31 =	vld.idx.msk [tilespmem:v14+s28+$0x0], $0xffff  }
0x1a8: {  	v56 =	vld.idx.msk [tilespmem:v5+s29+$0x0], $0xffff;
	v5 =	vor.u32 v21, v1  }
0x1a9: {  	[tilespmem:$0x1F980] =	vst v11;
	v11 =	vor.u32 v63, v1;
	v25 =	vld.idx.msk [tilespmem:v10+s29+$0x0], $0xffff  }
0x1aa: {  	s11 =	sadd.s32 $0x2, s3;
	v34 =	vor.u32 v17, v13;
	v35 =	vor.u32 v18, v13;
	v32 =	vld.idx.msk [tilespmem:v6+s29+$0x0], $0xffff;
	v6 =	vor.u32 v22, v1  }
0x1ab: {  	v36 =	vor.u32 v49, v13;
	v10 =	vmov s11;
	v59 =	vld.idx.msk [tilespmem:v12+s29+$0x0], $0xffff;
	v12 =	vor.u32 v20, v1  }
0x1ac: {  	v51 =	vor.u32 v61, v13;
	v54 =	vld.idx.msk [tilespmem:v14+s29+$0x0], $0xffff;
	v10 =	vand.u32 $0x3E, v10;
	v1 =	vor.u32 v23, v1  }
0x1ad: {  	s9 =	sadd.s32 $0x1, s3;
	v38 =	vor.u32 v63, v13;
	v10 =	vbroadcast v10, $0x0;
	v27 =	vld.idx.msk [tilespmem:v5+s29+$0x0], $0xffff;
	v5 =	vor.u32 v15, v13  }
0x1ae: {  	[tilespmem:$0x1F9D0] =	vst v40;
	v39 =	vor.u32 v20, v13;
	v40 =	vor.u32 v21, v13;
	v24 =	vld.idx.msk [tilespmem:v11+s29+$0x0], $0xffff;
	v11 =	vmov s9  }
0x1af: {  	[tilespmem:$0x1FAA0] =	vst v41;
	v14 =	vor.u32 v19, v13;
	v41 =	vor.u32 v4, v10;
	v11 =	vand.u32 $0x3D, v11;
	v29 =	vld.idx.msk [tilespmem:v6+s29+$0x0], $0xffff  }
0x1b0: {  	[tilespmem:$0x1FAB0] =	vst v37;
	v33 =	vor.u32 v2, v13;
	v28 =	vbroadcast v11, $0x0;
	v11 =	vor.u32 v16, v13;
	v26 =	vld.idx.msk [tilespmem:v12+s29+$0x0], $0xffff  }
0x1b1: {  	v60 =	vor.u32 v9, v13;
	v53 =	vor.u32 v7, v13;
	v58 =	vor.u32 v8, v13;
	v46 =	vld.idx.msk [tilespmem:v1+s29+$0x0], $0xffff  }
0x1b2: {  	v6 =	vor.u32 v45, v13;
	v12 =	vor.u32 v48, v13;
	v37 =	vld.idx.msk [tilespmem:v5+s29+$0x0], $0xffff;
	v5 =	vor.u32 v22, v13  }
0x1b3: {  	v1 =	vor.u32 v3, v13;
	[tilespmem:$0x1FBC0] =	vst v5;
	v5 =	vor.u32 v23, v13;
	v13 =	vor.u32 v4, v28;
	v4 =	vld [tilespmem:$0x1F940];
	_ =	sdelay $0x4  }
0x1b4: {  	v4 =	vmul.f32 v4, v0;
	_ =	sdelay $0x1  }
0x1b5: {  	v43 =	vor.u32 v15, v10;
	[tilespmem:$0x1FA70] =	vst v4;
	v4 =	vmul.f32 v55, v0;
	v55 =	vor.u32 v15, v28;
	v15 =	vld [tilespmem:$0x1F970];
	_ =	sdelay $0x2  }
0x1b6: {  	[tilespmem:$0x1FA60] =	vst v50  }
0x1b7: {  	[tilespmem:$0x1FBD0] =	vst v5;
	v5 =	vor.u32 v45, v10  }
0x1b8: {  	[tilespmem:$0x1F990] =	vst v5;
	v5 =	vor.u32 v2, v10;
	v15 =	vmul.f32 v15, v0  }
0x1b9: {  	[tilespmem:$0x1F9A0] =	vst v5  }
0x1ba: {  	v5 =	vor.u32 v3, v10;
	[tilespmem:$0x1FB80] =	vst v15;
	v15 =	vmul.f32 v62, v0  }
0x1bb: {  	[tilespmem:$0x1FA00] =	vst v5  }
0x1bc: {  	v5 =	vor.u32 v17, v10;
	[tilespmem:$0x1FBA0] =	vst v15;
	v15 =	vld [tilespmem:$0x1F980]  }
0x1bd: {  	[tilespmem:$0x1FA10] =	vst v5;
	v5 =	vor.u32 v18, v10  }
0x1be: {  	[tilespmem:$0x1FA20] =	vst v5;
	v5 =	vor.u32 v49, v10  }
0x1bf: {  	[tilespmem:$0x1FA30] =	vst v5;
	v5 =	vor.u32 v61, v10  }
0x1c0: {  	[tilespmem:$0x1FAF0] =	vst v5;
	v5 =	vor.u32 v7, v10  }
0x1c1: {  	[tilespmem:$0x1FB20] =	vst v5;
	v15 =	vmul.f32 v15, v0  }
0x1c2: {  	[tilespmem:$0x1FA90] =	vst v4  }
0x1c3: {  	v5 =	vor.u32 v8, v10;
	[tilespmem:$0x1FBE0] =	vst v15;
	v15 =	vmul.f32 v59, v0  }
0x1c4: {  	[tilespmem:$0x1FB30] =	vst v5  }
0x1c5: {  	v5 =	vor.u32 v9, v10;
	[tilespmem:$0x1FBF0] =	vst v15;
	v15 =	vmul.f32 v56, v0  }
0x1c6: {  	[tilespmem:$0x1FB50] =	vst v5  }
0x1c7: {  	v5 =	vor.u32 v19, v10;
	[tilespmem:$0x1FC00] =	vst v15;
	v15 =	vmul.f32 v32, v0  }
0x1c8: {  	[tilespmem:$0x1FC80] =	vst v5  }
0x1c9: {  	v5 =	vor.u32 v63, v10;
	[tilespmem:$0x1FC10] =	vst v15;
	v15 =	vor.u32 v2, v28;
	v2 =	vmul.f32 v25, v0  }
0x1ca: {  	[tilespmem:$0x1FC90] =	vst v5  }
0x1cb: {  	v5 =	vor.u32 v20, v10;
	[tilespmem:$0x1FC20] =	vst v2;
	v2 =	vmul.f32 v24, v0  }
0x1cc: {  	v4 =	vld [tilespmem:$0x1F950];
	[tilespmem:$0x1FCB0] =	vst v5  }
0x1cd: {  	v40 =	vld.idx.msk [tilespmem:v40+s29+$0x0], $0xffff;
	v5 =	vor.u32 v21, v10;
	[tilespmem:$0x1FC30] =	vst v2;
	v2 =	vmul.f32 v26, v0  }
0x1ce: {  	v50 =	vld.idx.msk [tilespmem:v12+s29+$0x0], $0xffff;
	[tilespmem:$0x1FB00] =	vst v5  }
0x1cf: {  	v12 =	vld.idx.msk [tilespmem:v35+s29+$0x0], $0xffff;
	v5 =	vor.u32 v22, v10;
	[tilespmem:$0x1FC40] =	vst v2;
	v2 =	vmul.f32 v27, v0  }
0x1d0: {  	[tilespmem:$0x1FCE0] =	vst v5;
	v5 =	vld [tilespmem:$0x1F930]  }
0x1d1: {  	v35 =	vmul.f32 v4, v0;
	v4 =	vld [tilespmem:$0x1F960];
	[tilespmem:$0x1FC50] =	vst v2;
	v2 =	vmul.f32 v29, v0  }
0x1d2: {  	v42 =	vld.idx.msk [tilespmem:v11+s29+$0x0], $0xffff  }
0x1d3: {  	v11 =	vld.idx.msk [tilespmem:v34+s29+$0x0], $0xffff;
	[tilespmem:$0x1FC60] =	vst v2;
	v2 =	vor.u32 v8, v28  }
0x1d4: {  	[tilespmem:$0x1FBB0] =	vst v2;
	v2 =	vld [tilespmem:$0x1F990]  }
0x1d5: {  	v44 =	vor.u32 v16, v10;
	v47 =	vld.idx.msk [tilespmem:v6+s29+$0x0], $0xffff;
	v6 =	vor.u32 v48, v10;
	v34 =	vmul.f32 v5, v0  }
0x1d6: {  	v5 =	vor.u32 v23, v10;
	v10 =	vld.idx.msk [tilespmem:v36+s29+$0x0], $0xffff;
	v36 =	vmul.f32 v4, v0;
	v4 =	vor.u32 v16, v28  }
0x1d7: {  	[tilespmem:$0x1FCF0] =	vst v5;
	v5 =	vld.idx.msk [tilespmem:v58+s29+$0x0], $0xffff;
	_ =	sdelay $0x2  }
0x1d8: {  	v1 =	vld.idx.msk [tilespmem:v1+s29+$0x0], $0xffff;
	v62 =	vor.u32 v45, v28  }
0x1d9: {  	v56 =	vor.u32 v18, v28;
	v18 =	vor.u32 v61, v28;
	v8 =	vmul.f32 v12, v31;
	v12 =	vld.idx.msk [tilespmem:v4+s29+$0x0], $0xffff  }
0x1da: {  	v61 =	vor.u32 v63, v28;
	v63 =	vmul.f32 v5, v31;
	v5 =	vld.idx.msk [tilespmem:v2+s29+$0x0], $0xffff;
	v2 =	vmul.f32 v40, v31  }
0x1db: {  	v4 =	vld [tilespmem:$0x1F9D0]  }
0x1dc: {  	[tilespmem:$0x1FDC0] =	vst v2;
	v2 =	vld [tilespmem:$0x1F9A0]  }
0x1dd: {  	v14 =	vld.idx.msk [tilespmem:v14+s29+$0x0], $0xffff  }
0x1de: {  	v30 =	vmul.f32 v30, v0;
	v16 =	vor.u32 v17, v28;
	v17 =	vld.idx.msk [tilespmem:v62+s29+$0x0], $0xffff  }
0x1df: {  	v57 =	vmul.f32 v57, v0;
	v25 =	vor.u32 v49, v28;
	v49 =	vmul.f32 v1, v31;
	v1 =	vld.idx.msk [tilespmem:v55+s29+$0x0], $0xffff  }
0x1e0: {  	v52 =	vmul.f32 v52, v0;
	v0 =	vmul.f32 v46, v0;
	v46 =	vld.idx.msk [tilespmem:v41+s28+$0x0], $0xffff  }
0x1e1: {  	v55 =	vadd.f32 v57, v4;
	v4 =	vld [tilespmem:$0x1FD20]  }
0x1e2: {  	[tilespmem:$0x1FC70] =	vst v0;
	v0 =	vld.idx.msk [tilespmem:v13+s28+$0x0], $0xffff  }
0x1e3: {  	v13 =	vld.idx.msk [tilespmem:v13+s29+$0x0], $0xffff  }
0x1e4: {  	v62 =	vld.idx.msk [tilespmem:v2+s29+$0x0], $0xffff  }
0x1e5: {  	v2 =	vld [tilespmem:$0x1F9B0]  }
0x1e6: {  	v57 =	vadd.f32 v52, v4;
	v4 =	vld [tilespmem:$0x1FA00]  }
0x1e7: {  	v41 =	vld.idx.msk [tilespmem:v41+s29+$0x0], $0xffff;
	_ =	sdelay $0x2  }
0x1e8: {  	v13 =	vmul.f32 v13, v0;
	v2 =	vadd.f32 v34, v2  }
0x1e9: {  	v45 =	vld.idx.msk [tilespmem:v60+s29+$0x0], $0xffff;
	v60 =	vor.u32 v19, v28  }
0x1ea: {  	v19 =	vmul.f32 v14, v31;
	v14 =	vmul.f32 v41, v46;
	v2 =	vadd.f32 v13, v2  }
0x1eb: {  	v58 =	vor.u32 v9, v28;
	v9 =	vld.idx.msk [tilespmem:v44+s29+$0x0], $0xffff  }
0x1ec: {  	v2 =	vadd.f32 v14, v2;
	v14 =	vld.idx.msk [tilespmem:v4+s29+$0x0], $0xffff  }
0x1ed: {  	v4 =	vld [tilespmem:$0x1FA10];
	_ =	sdelay $0x3  }
0x1ee: {  	v12 =	vmul.f32 v12, v0;
	v17 =	vmul.f32 v17, v0  }
0x1ef: {  	v24 =	vor.u32 v7, v28;
	v7 =	vmul.f32 v9, v46  }
0x1f0: {  	v9 =	vadd.f32 v12, v55;
	v12 =	vadd.f32 v17, v57;
	v5 =	vmul.f32 v5, v46;
	_ =	sdelay $0x1  }
0x1f1: {  	v5 =	vadd.f32 v5, v12;
	v12 =	vld.idx.msk [tilespmem:v4+s29+$0x0], $0xffff  }
0x1f2: {  	v4 =	vld [tilespmem:$0x1FA20];
	_ =	sdelay $0x4  }
0x1f3: {  	v32 =	vor.u32 v3, v28;
	v3 =	vld [tilespmem:$0x1F9C0]  }
0x1f4: {  	v47 =	vmul.f32 v47, v31  }
0x1f5: {  	v43 =	vld.idx.msk [tilespmem:v43+s29+$0x0], $0xffff  }
0x1f6: {  	v17 =	vld.idx.msk [tilespmem:v4+s29+$0x0], $0xffff;
	v4 =	vadd.f32 v47, v5  }
0x1f7: {  	v54 =	vmul.f32 v54, v31;
	v5 =	vld [tilespmem:$0x1FA70]  }
0x1f8: {  	v3 =	vadd.f32 v30, v3;
	v1 =	vmul.f32 v1, v0;
	[tilespmem:$0x1FD20] =	vst v4;
	v4 =	vld [tilespmem:$0x1FA60]  }
0x1f9: {  	v42 =	vmul.f32 v42, v31;
	v52 =	vadd.f32 v54, v2;
	v2 =	vld [tilespmem:$0x1FA30]  }
0x1fa: {  	v1 =	vadd.f32 v1, v3;
	v40 =	vmul.f32 v43, v46;
	v7 =	vadd.f32 v7, v9  }
0x1fb: {  	v59 =	vor.u32 v48, v28  }
0x1fc: {  	v1 =	vadd.f32 v40, v1;
	v40 =	vadd.f32 v42, v7;
	v7 =	vld [tilespmem:$0x1FA90]  }
0x1fd: {  	v5 =	vadd.f32 v5, v4;
	v4 =	vld [tilespmem:$0x1FA80];
	_ =	sdelay $0x2  }
0x1fe: {  	v26 =	vor.u32 v20, v28;
	v20 =	vld.idx.msk [tilespmem:v59+s29+$0x0], $0xffff  }
0x1ff: {  	v2 =	vld.idx.msk [tilespmem:v2+s29+$0x0], $0xffff  }
0x200: {  	v7 =	vadd.f32 v7, v4;
	v4 =	vld [tilespmem:$0x1FAA0]  }
0x201: {  	v15 =	vld.idx.msk [tilespmem:v15+s29+$0x0], $0xffff;
	_ =	sdelay $0x1  }
0x202: {  	v33 =	vld.idx.msk [tilespmem:v33+s29+$0x0], $0xffff  }
0x203: {  	v37 =	vmul.f32 v37, v31;
	v13 =	vld.idx.msk [tilespmem:v16+s29+$0x0], $0xffff  }
0x204: {  	v16 =	vmul.f32 v20, v0;
	v20 =	vadd.f32 v35, v4;
	v35 =	vmul.f32 v2, v46;
	v2 =	vld [tilespmem:$0x1FB20]  }
0x205: {  	v51 =	vld.idx.msk [tilespmem:v51+s29+$0x0], $0xffff;
	v54 =	vadd.f32 v37, v1;
	v1 =	vmul.f32 v15, v0  }
0x206: {  	v53 =	vld.idx.msk [tilespmem:v53+s29+$0x0], $0xffff  }
0x207: {  	v9 =	vmul.f32 v62, v46;
	v1 =	vadd.f32 v1, v7;
	_ =	sdelay $0x1  }
0x208: {  	v6 =	vld.idx.msk [tilespmem:v6+s29+$0x0], $0xffff;
	v48 =	vmul.f32 v33, v31;
	v1 =	vadd.f32 v9, v1  }
0x209: {  	v33 =	vmul.f32 v11, v31;
	v11 =	vmul.f32 v51, v31;
	v3 =	vld.idx.msk [tilespmem:v32+s29+$0x0], $0xffff  }
0x20a: {  	v51 =	vmul.f32 v53, v31;
	v53 =	vmul.f32 v45, v31;
	v45 =	vadd.f32 v48, v1;
	v1 =	vld [tilespmem:$0x1FB50]  }
0x20b: {  	v32 =	vld.idx.msk [tilespmem:v2+s29+$0x0], $0xffff  }
0x20c: {  	v2 =	vld [tilespmem:$0x1FB30]  }
0x20d: {  	v38 =	vld.idx.msk [tilespmem:v38+s29+$0x0], $0xffff  }
0x20e: {  	v39 =	vld.idx.msk [tilespmem:v39+s29+$0x0], $0xffff;
	v6 =	vmul.f32 v6, v46;
	v5 =	vadd.f32 v16, v5  }
0x20f: {  	v44 =	vld [tilespmem:$0x1F9F0]  }
0x210: {  	v50 =	vmul.f32 v50, v31;
	v43 =	vld [tilespmem:$0x1F9E0];
	v6 =	vadd.f32 v6, v5  }
0x211: {  	v62 =	vld.idx.msk [tilespmem:v25+s29+$0x0], $0xffff  }
0x212: {  	v50 =	vadd.f32 v50, v6;
	v6 =	vld.idx.msk [tilespmem:v1+s29+$0x0], $0xffff  }
0x213: {  	v1 =	vld [tilespmem:$0x1FB70]  }
0x214: {  	v5 =	vld.idx.msk [tilespmem:v2+s29+$0x0], $0xffff  }
0x215: {  	v2 =	vld [tilespmem:$0x1FB80]  }
0x216: {  	v42 =	vld [tilespmem:$0x1FA40]  }
0x217: {  	v25 =	vld [tilespmem:$0x1FAC0]  }
0x218: {  	v15 =	vld.idx.msk [tilespmem:v56+s29+$0x0], $0xffff  }
0x219: {  	v4 =	vld [tilespmem:$0x1FAB0]  }
0x21a: {  	v56 =	vmul.f32 v62, v0;
	v62 =	vadd.f32 v2, v1;
	v1 =	vld [tilespmem:$0x1FB90]  }
0x21b: {  	v2 =	vld [tilespmem:$0x1FBA0]  }
0x21c: {  	v47 =	vld [tilespmem:$0x1FA50]  }
0x21d: {  	v16 =	vld [tilespmem:$0x1FAD0]  }
0x21e: {  	v13 =	vmul.f32 v13, v0;
	v7 =	vld.idx.msk [tilespmem:v18+s29+$0x0], $0xffff;
	v59 =	vadd.f32 v36, v4  }
0x21f: {  	v3 =	vmul.f32 v3, v0;
	v4 =	vld [tilespmem:$0x1FAF0]  }
0x220: {  	v13 =	vadd.f32 v13, v59;
	v59 =	vadd.f32 v2, v1;
	v1 =	vld [tilespmem:$0x1FBB0]  }
0x221: {  	v14 =	vmul.f32 v14, v46;
	v18 =	vld [tilespmem:$0x1FAE0];
	v3 =	vadd.f32 v3, v20  }
0x222: {  	v48 =	vld [tilespmem:$0x1FB40]  }
0x223: {  	p0 =	slt.u32 s3, $0x3C;
	v3 =	vadd.f32 v14, v3;
	v14 =	vld [tilespmem:$0x1FB00]  }
.Ltmp0:
0x224: {  	v12 =	vmul.f32 v12, v46;
	v36 =	vld.idx.msk [tilespmem:v24+s29+$0x0], $0xffff;
	(pc) =	sbr.rel @p0 .LBB2_3-.Ltmp0, $4  }
0x225: {  	v38 =	vmul.f32 v38, v31;
	v39 =	vmul.f32 v39, v31;
	v41 =	vadd.f32 v49, v3;
	v49 =	vld [tilespmem:$0x1FB60]  }
0x226: {  	v10 =	vmul.f32 v10, v31;
	v27 =	vor.u32 v21, v28;
	v9 =	vadd.f32 v12, v13;
	v13 =	vld [tilespmem:$0x1FB10]  }
0x227: {  	v29 =	vor.u32 v22, v28;
	v28 =	vor.u32 v23, v28;
	v57 =	vmul.f32 v15, v0;
	v30 =	vld.idx.msk [tilespmem:v4+s29+$0x0], $0xffff  }
0x228: {  	s3 =	sadd.s32 $0x4, s3;
	v34 =	vmul.f32 v17, v46;
	v55 =	vmul.f32 v7, v0;
	v37 =	vadd.f32 v33, v9;
	v33 =	vld.idx.msk [tilespmem:v1+s29+$0x0], $0xffff  }
0x229: {  	_ =	sdelay $0x3  }
0x22a: {  	v1 =	vld.idx.msk [tilespmem:v58+s29+$0x0], $0xffff  }
0x22b: {  	v2 =	vld.idx.msk [tilespmem:v60+s29+$0x0], $0xffff  }
0x22c: {  	v3 =	vld.idx.msk [tilespmem:v61+s29+$0x0], $0xffff  }
0x22d: {  	v4 =	vld [tilespmem:$0x1FC80]  }
0x22e: {  	v7 =	vld [tilespmem:$0x1FC90]  }
0x22f: {  	v9 =	vld [tilespmem:$0x1FCB0]  }
0x230: {  	v12 =	vld.idx.msk [tilespmem:v14+s29+$0x0], $0xffff  }
0x231: {  	v14 =	vld [tilespmem:$0x1FBE0]  }
0x232: {  	v15 =	vld [tilespmem:$0x1FBF0]  }
0x233: {  	v20 =	vld.idx.msk [tilespmem:v27+s29+$0x0], $0xffff;
	v21 =	vadd.f32 v56, v59  }
0x234: {  	v27 =	vld [tilespmem:$0x1FC20]  }
0x235: {  	v22 =	vld.idx.msk [tilespmem:v29+s29+$0x0], $0xffff;
	v21 =	vadd.f32 v35, v21  }
0x236: {  	v24 =	vld.idx.msk [tilespmem:v28+s29+$0x0], $0xffff  }
0x237: {  	v10 =	vadd.f32 v10, v21;
	v21 =	vld [tilespmem:$0x1FC00]  }
0x238: {  	v17 =	vmul.f32 v36, v0;
	v13 =	vadd.f32 v14, v13;
	v14 =	vld.idx.msk [tilespmem:v26+s29+$0x0], $0xffff;
	v15 =	vadd.f32 v15, v16  }
0x239: {  	v23 =	vmul.f32 v30, v46;
	v16 =	vadd.f32 v57, v62;
	v26 =	vld [tilespmem:$0x1FCE0];
	v27 =	vadd.f32 v27, v18  }
0x23a: {  	v18 =	vld [tilespmem:$0x1FC30];
	v13 =	vadd.f32 v55, v13;
	v15 =	vadd.f32 v17, v15;
	v17 =	vmul.f32 v32, v46  }
0x23b: {  	v16 =	vadd.f32 v34, v16;
	v4 =	vld.idx.msk [tilespmem:v4+s29+$0x0], $0xffff  }
0x23c: {  	v13 =	vadd.f32 v23, v13;
	v15 =	vadd.f32 v17, v15;
	v17 =	vld [tilespmem:$0x1FCF0]  }
0x23d: {  	v8 =	vadd.f32 v8, v16;
	v16 =	vld [tilespmem:$0x1FBC0]  }
0x23e: {  	v11 =	vadd.f32 v11, v13;
	v13 =	vadd.f32 v51, v15;
	v15 =	vld [tilespmem:$0x1FBD0]  }
0x23f: {  	v7 =	vld.idx.msk [tilespmem:v7+s29+$0x0], $0xffff  }
0x240: {  	v9 =	vld.idx.msk [tilespmem:v9+s29+$0x0], $0xffff  }
0x241: {  	v21 =	vadd.f32 v21, v25;
	v25 =	vld [tilespmem:$0x1FC10]  }
0x242: {  	v28 =	vadd.f32 v18, v48;
	v18 =	vld [tilespmem:$0x1FD20]  }
0x243: {  	v26 =	vld.idx.msk [tilespmem:v26+s29+$0x0], $0xffff  }
0x244: {  	v2 =	vmul.f32 v2, v0;
	v17 =	vld.idx.msk [tilespmem:v17+s29+$0x0], $0xffff  }
0x245: {  	v3 =	vmul.f32 v3, v0;
	v23 =	vmul.f32 v33, v0;
	v16 =	vld.idx.msk [tilespmem:v16+s29+$0x0], $0xffff  }
0x246: {  	v2 =	vadd.f32 v2, v27;
	v4 =	vmul.f32 v4, v46;
	v15 =	vld.idx.msk [tilespmem:v15+s29+$0x0], $0xffff;
	[tilespmem:s7+$0x15540] =	vst v52  }
0x247: {  	v5 =	vmul.f32 v5, v46;
	v21 =	vadd.f32 v23, v21;
	v3 =	vadd.f32 v3, v28;
	[tilespmem:s7+$0x15740] =	vst v54  }
0x248: {  	v7 =	vmul.f32 v7, v46;
	v2 =	vadd.f32 v4, v2;
	v4 =	vmul.f32 v12, v46;
	v12 =	vld [tilespmem:$0x1FC40];
	[tilespmem:s7+$0x15940] =	vst v40  }
0x249: {  	v1 =	vmul.f32 v1, v0;
	v5 =	vadd.f32 v5, v21;
	v25 =	vadd.f32 v25, v49;
	[tilespmem:s7+$0x16540] =	vst v8;
	v8 =	vld [tilespmem:$0x1FC60]  }
0x24a: {  	v6 =	vmul.f32 v6, v46;
	v3 =	vadd.f32 v7, v3;
	[tilespmem:s7+$0x15B40] =	vst v18  }
0x24b: {  	v7 =	vmul.f32 v14, v0;
	v5 =	vadd.f32 v63, v5;
	v1 =	vadd.f32 v1, v25;
	[tilespmem:s7+$0x15D40] =	vst v50;
	v18 =	vld [tilespmem:$0x1FC70]  }
0x24c: {  	v14 =	vld [tilespmem:$0x1FC50];
	v2 =	vadd.f32 v19, v2;
	v3 =	vadd.f32 v38, v3;
	v19 =	vmul.f32 v22, v0;
	[tilespmem:s7+$0x15F40] =	vst v45  }
0x24d: {  	v1 =	vadd.f32 v6, v1;
	v6 =	vmul.f32 v9, v46;
	[tilespmem:s7+$0x16140] =	vst v41;
	v12 =	vadd.f32 v12, v42  }
0x24e: {  	v51 =	vld [tilespmem:$0x1FFC0];
	v9 =	vmul.f32 v20, v0;
	v0 =	vmul.f32 v24, v0;
	[tilespmem:s7+$0x16340] =	vst v37;
	v8 =	vadd.f32 v8, v43  }
0x24f: {  	s1 =	simm.s32 $0x0;
	v21 =	vld [tilespmem:$0x1FE80];
	[tilespmem:s7+$0x16740] =	vst v10;
	v10 =	vmul.f32 v26, v46;
	v1 =	vadd.f32 v53, v1;
	v7 =	vadd.f32 v7, v12  }
0x250: {  	[tilespmem:s7+$0x16940] =	vst v11;
	v11 =	vmov s1;
	v45 =	vld [tilespmem:$0x1FE20];
	v20 =	vadd.f32 v18, v44;
	v8 =	vadd.f32 v19, v8  }
0x251: {  	[tilespmem:s7+$0x16D40] =	vst v5;
	v52 =	vld [tilespmem:$0x1FE30];
	v14 =	vadd.f32 v14, v47;
	v5 =	vand.u32 $0x3C, v11;
	v6 =	vadd.f32 v6, v7  }
0x252: {  	[tilespmem:s7+$0x16B40] =	vst v13;
	v12 =	vmul.f32 v17, v46;
	v0 =	vadd.f32 v0, v20;
	v7 =	vadd.f32 v10, v8;
	v8 =	vld [tilespmem:$0x1FDC0]  }
0x253: {  	v53 =	vld [tilespmem:$0x1FE70];
	v9 =	vadd.f32 v9, v14;
	[tilespmem:s7+$0x16F40] =	vst v1;
	v1 =	vbroadcast v5, $0x0;
	v5 =	vmul.f32 v16, v31  }
0x254: {  	v56 =	vld [tilespmem:$0x1FE40];
	[tilespmem:s7+$0x17140] =	vst v2;
	v2 =	vmul.f32 v15, v31;
	v6 =	vadd.f32 v39, v6;
	v0 =	vadd.f32 v12, v0  }
0x255: {  	v49 =	vld [tilespmem:$0x1FE50];
	[tilespmem:s7+$0x17340] =	vst v3;
	v4 =	vadd.f32 v4, v9;
	v3 =	vor.u32 v45, v1;
	v5 =	vadd.f32 v5, v7  }
0x256: {  	v59 =	vld [tilespmem:$0x1FFF0];
	[tilespmem:s7+$0x17540] =	vst v6;
	v6 =	vor.u32 v52, v1;
	v0 =	vadd.f32 v2, v0  }
0x257: {  	v57 =	vld [tilespmem:$0x1FFE0];
	v2 =	vor.u32 v51, v1;
	[tilespmem:s7+$0x17940] =	vst v5;
	v4 =	vadd.f32 v8, v4  }
0x258: {  	v62 =	vld [tilespmem:$0x1FE60];
	v9 =	vor.u32 v53, v1;
	v10 =	vor.u32 $0xA800, v21;
	[tilespmem:s7+$0x17B40] =	vst v0  }
0x259: {  	v55 =	vld [tilespmem:$0x1FFD0];
	v12 =	vor.u32 v10, v1;
	[tilespmem:s7+$0x17740] =	vst v4  }
0x25a: {  	v35 =	vor.u32 $0xC800, v21;
	v11 =	vld.idx.msk [tilespmem:v3+s28+$0x0], $0xffff;
	v3 =	vor.u32 v49, v1  }
0x25b: {  	v61 =	vor.u32 $0xD800, v21;
	v14 =	vor.u32 v35, v1;
	v5 =	vld.idx.msk [tilespmem:v6+s29+$0x0], $0xffff  }
0x25c: {  	v63 =	vor.u32 $0x11800, v21;
	v15 =	vor.u32 v61, v1;
	v43 =	vld.idx.msk [tilespmem:v2+s29+$0x0], $0xffff  }
0x25d: {  	v20 =	vor.u32 v63, v1;
	v13 =	vld.idx.msk [tilespmem:v9+s29+$0x0], $0xffff  }
0x25e: {  	v48 =	vor.u32 $0x9800, v21;
	v2 =	vor.u32 v59, v1;
	v12 =	vld.idx.msk [tilespmem:v12+s29+$0x0], $0xffff  }
0x25f: {  	v47 =	vld.idx.msk [tilespmem:v3+s29+$0x0], $0xffff;
	v3 =	vor.u32 v48, v1  }
0x260: {  	v8 =	vor.u32 v62, v1;
	v14 =	vld.idx.msk [tilespmem:v14+s29+$0x0], $0xffff  }
0x261: {  	v0 =	vor.u32 v56, v1;
	v15 =	vld.idx.msk [tilespmem:v15+s29+$0x0], $0xffff  }
0x262: {  	v7 =	vor.u32 $0xB800, v21;
	v6 =	vor.u32 v57, v1;
	v50 =	vld.idx.msk [tilespmem:v20+s29+$0x0], $0xffff  }
0x263: {  	v9 =	vor.u32 $0xE800, v21;
	v37 =	vld.idx.msk [tilespmem:v2+s29+$0x0], $0xffff;
	v2 =	vor.u32 v7, v1  }
0x264: {  	v16 =	vld.idx.msk [tilespmem:v3+s29+$0x0], $0xffff;
	v3 =	vor.u32 v9, v1  }
0x265: {  	s9 =	simm.s32 $0x3;
	v36 =	vor.u32 $0x12800, v21;
	v4 =	vor.u32 v55, v1;
	v58 =	vld.idx.msk [tilespmem:v8+s29+$0x0], $0xffff;
	v8 =	vor.u32 $0xF800, v21  }
0x266: {  	v60 =	vor.u32 $0x13800, v21;
	v19 =	vmov s9;
	v0 =	vld.idx.msk [tilespmem:v0+s29+$0x0], $0xffff;
	v17 =	vor.u32 v8, v1  }
0x267: {  	s11 =	simm.s32 $0x2;
	v19 =	vand.u32 $0x3F, v19;
	v54 =	vld.idx.msk [tilespmem:v6+s29+$0x0], $0xffff;
	v6 =	vor.u32 $0x10800, v21;
	v21 =	vor.u32 v36, v1  }
0x268: {  	s3 =	simm.s32 $0x1;
	v22 =	vmov s11;
	v19 =	vbroadcast v19, $0x0;
	v18 =	vld.idx.msk [tilespmem:v2+s29+$0x0], $0xffff;
	v2 =	vor.u32 v6, v1  }
0x269: {  	v22 =	vand.u32 $0x3E, v22;
	v1 =	vor.u32 v60, v1;
	v23 =	vld.idx.msk [tilespmem:v3+s29+$0x0], $0xffff;
	v3 =	vmov s3  }
0x26a: {  	v4 =	vld.idx.msk [tilespmem:v4+s29+$0x0], $0xffff;
	v24 =	vand.u32 $0x3D, v3;
	v3 =	vbroadcast v22, $0x0;
	v22 =	vor.u32 v45, v19  }
0x26b: {  	v17 =	vld.idx.msk [tilespmem:v17+s29+$0x0], $0xffff  }
0x26c: {  	v21 =	vld.idx.msk [tilespmem:v21+s29+$0x0], $0xffff  }
0x26d: {  	v29 =	vor.u32 v10, v19;
	v25 =	vld.idx.msk [tilespmem:v2+s29+$0x0], $0xffff;
	v2 =	vbroadcast v24, $0x0;
	v24 =	vor.u32 v52, v19  }
0x26e: {  	v28 =	vor.u32 v56, v19;
	v1 =	vld.idx.msk [tilespmem:v1+s29+$0x0], $0xffff;
	[tilespmem:$0x1F7A0] =	vst v29  }
0x26f: {  	v29 =	vor.u32 v45, v2;
	v42 =	vld.idx.msk [tilespmem:v22+s28+$0x0], $0xffff;
	v22 =	vor.u32 v35, v19  }
0x270: {  	v26 =	vor.u32 v51, v19;
	[tilespmem:$0x1F7B0] =	vst v22;
	v22 =	vor.u32 v61, v19  }
0x271: {  	v27 =	vor.u32 v55, v19;
	[tilespmem:$0x1F7C0] =	vst v22;
	v22 =	vor.u32 v9, v19  }
0x272: {  	v40 =	vor.u32 v52, v2;
	v24 =	vld.idx.msk [tilespmem:v24+s29+$0x0], $0xffff;
	[tilespmem:$0x1F7D0] =	vst v22  }
0x273: {  	v46 =	vld.idx.msk [tilespmem:v28+s29+$0x0], $0xffff;
	v28 =	vmul.f32 v37, v11;
	v37 =	vmul.f32 v58, v11  }
0x274: {  	v58 =	vld.idx.msk [tilespmem:v29+s28+$0x0], $0xffff;
	v29 =	vmul.f32 v13, v11;
	v13 =	vmul.f32 v16, v11  }
0x275: {  	v41 =	vmul.f32 v5, v11;
	v12 =	vmul.f32 v12, v11;
	v5 =	vor.u32 v51, v2;
	v26 =	vld.idx.msk [tilespmem:v26+s29+$0x0], $0xffff  }
0x276: {  	v27 =	vld.idx.msk [tilespmem:v27+s29+$0x0], $0xffff;
	[tilespmem:$0x1F890] =	vst v13  }
0x277: {  	v40 =	vld.idx.msk [tilespmem:v40+s29+$0x0], $0xffff;
	[tilespmem:$0x1F6D0] =	vst v12;
	v12 =	vmul.f32 v18, v11;
	_ =	sdelay $0x1  }
0x278: {  	[tilespmem:$0x1F6E0] =	vst v12  }
0x279: {  	v12 =	vld.idx.msk [tilespmem:v5+s29+$0x0], $0xffff;
	v5 =	vmul.f32 v14, v11  }
0x27a: {  	v44 =	vmul.f32 v0, v11;
	v0 =	vor.u32 v55, v2  }
0x27b: {  	[tilespmem:$0x1F6F0] =	vst v5;
	v5 =	vmul.f32 v15, v11;
	_ =	sdelay $0x1  }
0x27c: {  	[tilespmem:$0x1F700] =	vst v5;
	v5 =	vmul.f32 v23, v11  }
0x27d: {  	v45 =	vor.u32 v45, v3  }
0x27e: {  	v14 =	vld.idx.msk [tilespmem:v0+s29+$0x0], $0xffff;
	[tilespmem:$0x1F710] =	vst v5;
	v5 =	vmul.f32 v17, v11;
	_ =	sdelay $0x1  }
0x27f: {  	v22 =	vmul.f32 v54, v11;
	v54 =	vor.u32 v52, v3;
	[tilespmem:$0x1F720] =	vst v5;
	v5 =	vmul.f32 v25, v11  }
0x280: {  	v16 =	vor.u32 v56, v2  }
0x281: {  	v18 =	vor.u32 v55, v3;
	v55 =	vld.idx.msk [tilespmem:v45+s28+$0x0], $0xffff;
	[tilespmem:$0x1F730] =	vst v5;
	v5 =	vmul.f32 v50, v11  }
0x282: {  	v30 =	vor.u32 v49, v19;
	v51 =	vor.u32 v51, v3;
	v1 =	vmul.f32 v1, v11  }
0x283: {  	v31 =	vor.u32 v57, v19;
	v32 =	vor.u32 v59, v19;
	[tilespmem:$0x1F740] =	vst v5;
	v5 =	vmul.f32 v21, v11  }
0x284: {  	v34 =	vimm.f32 $0.0e+00;
	v33 =	vor.u32 v62, v19;
	v38 =	vor.u32 v48, v19;
	v17 =	vld.idx.msk [tilespmem:v54+s29+$0x0], $0xffff;
	[tilespmem:$0x1F760] =	vst v1  }
0x285: {  	v39 =	vor.u32 v7, v19;
	v43 =	vmul.f32 v43, v11;
	v15 =	vor.u32 v56, v3;
	[tilespmem:$0x1F750] =	vst v5  }
0x286: {  	v20 =	vor.u32 v53, v19;
	v4 =	vmul.f32 v4, v11;
	v47 =	vmul.f32 v47, v11;
	v11 =	vld.idx.msk [tilespmem:v16+s29+$0x0], $0xffff  }
0x287: {  	v25 =	vadd.f32 v41, v34;
	v21 =	vmul.f32 v40, v58;
	v1 =	vor.u32 v36, v19;
	v16 =	vld.idx.msk [tilespmem:v51+s29+$0x0], $0xffff  }
0x288: {  	v4 =	vadd.f32 v4, v34;
	v14 =	vmul.f32 v14, v58;
	v18 =	vld.idx.msk [tilespmem:v18+s29+$0x0], $0xffff;
	[tilespmem:$0x1F770] =	vst v1  }
0x289: {  	v24 =	vmul.f32 v24, v42;
	v21 =	vadd.f32 v21, v25;
	v25 =	vld.idx.msk [tilespmem:v30+s29+$0x0], $0xffff;
	v17 =	vmul.f32 v17, v55  }
0x28a: {  	v23 =	vor.u32 v6, v19;
	v4 =	vadd.f32 v14, v4;
	v1 =	vor.u32 v60, v19;
	v15 =	vld.idx.msk [tilespmem:v15+s29+$0x0], $0xffff  }
0x28b: {  	v30 =	vor.u32 v49, v2;
	v14 =	vld.idx.msk [tilespmem:v31+s29+$0x0], $0xffff;
	[tilespmem:$0x1F780] =	vst v1;
	v17 =	vadd.f32 v17, v21  }
0x28c: {  	v0 =	vor.u32 v8, v19;
	v41 =	vor.u32 v63, v19;
	v31 =	vor.u32 v57, v2;
	v19 =	vld.idx.msk [tilespmem:v32+s29+$0x0], $0xffff  }
0x28d: {  	v32 =	vld.idx.msk [tilespmem:v33+s29+$0x0], $0xffff;
	v13 =	vadd.f32 v24, v17;
	v17 =	vor.u32 v62, v3  }
0x28e: {  	v5 =	vld.idx.msk [tilespmem:v20+s29+$0x0], $0xffff  }
0x28f: {  	v1 =	vld.idx.msk [tilespmem:v38+s29+$0x0], $0xffff  }
0x290: {  	v56 =	vadd.f32 v43, v34;
	v12 =	vmul.f32 v12, v58;
	v30 =	vld.idx.msk [tilespmem:v30+s29+$0x0], $0xffff  }
0x291: {  	v21 =	vor.u32 v62, v2;
	v31 =	vld.idx.msk [tilespmem:v31+s29+$0x0], $0xffff;
	[tilespmem:$0x1F790] =	vst v13  }
0x292: {  	v12 =	vadd.f32 v12, v56;
	v51 =	vld.idx.msk [tilespmem:v17+s29+$0x0], $0xffff  }
0x293: {  	v45 =	vadd.f32 v44, v34;
	v11 =	vmul.f32 v11, v58;
	v16 =	vmul.f32 v16, v55;
	v17 =	vld [tilespmem:$0x1F7A0]  }
0x294: {  	v26 =	vmul.f32 v26, v42  }
0x295: {  	v15 =	vmul.f32 v15, v55;
	v11 =	vadd.f32 v11, v45;
	v12 =	vadd.f32 v16, v12  }
0x296: {  	v21 =	vld.idx.msk [tilespmem:v21+s29+$0x0], $0xffff  }
0x297: {  	v11 =	vadd.f32 v15, v11;
	v56 =	vadd.f32 v26, v12;
	v26 =	vmul.f32 v46, v42  }
0x298: {  	v50 =	vor.u32 v59, v2  }
0x299: {  	v31 =	vmul.f32 v31, v58;
	v62 =	vadd.f32 v26, v11;
	v11 =	vadd.f32 v22, v34  }
0x29a: {  	v18 =	vmul.f32 v18, v55;
	v16 =	vor.u32 v49, v3  }
0x29b: {  	v11 =	vadd.f32 v31, v11;
	v21 =	vmul.f32 v21, v58;
	v31 =	vld.idx.msk [tilespmem:v17+s29+$0x0], $0xffff;
	v17 =	vadd.f32 v37, v34  }
0x29c: {  	v4 =	vadd.f32 v18, v4;
	v18 =	vor.u32 v57, v3  }
0x29d: {  	v21 =	vadd.f32 v21, v17;
	v17 =	vld [tilespmem:$0x1F7B0]  }
0x29e: {  	v15 =	vor.u32 v59, v3;
	v24 =	vld.idx.msk [tilespmem:v50+s29+$0x0], $0xffff  }
0x29f: {  	v27 =	vmul.f32 v27, v42  }
0x2a0: {  	v16 =	vld.idx.msk [tilespmem:v16+s29+$0x0], $0xffff  }
0x2a1: {  	v57 =	vadd.f32 v27, v4;
	v27 =	vmul.f32 v30, v58;
	v30 =	vadd.f32 v47, v34;
	v18 =	vld.idx.msk [tilespmem:v18+s29+$0x0], $0xffff;
	_ =	sdelay $0x1  }
0x2a2: {  	v13 =	vadd.f32 v28, v34;
	v26 =	vadd.f32 v27, v30;
	v27 =	vld.idx.msk [tilespmem:v15+s29+$0x0], $0xffff;
	v15 =	vmul.f32 v24, v58;
	_ =	sdelay $0x1  }
0x2a3: {  	v13 =	vadd.f32 v15, v13;
	v15 =	vmul.f32 v16, v55;
	v37 =	vld.idx.msk [tilespmem:v17+s29+$0x0], $0xffff  }
0x2a4: {  	v17 =	vmul.f32 v18, v55;
	v18 =	vld [tilespmem:$0x1F7C0]  }
0x2a5: {  	v24 =	vadd.f32 v15, v26;
	v26 =	vld [tilespmem:$0x1F7D0];
	_ =	sdelay $0x3  }
0x2a6: {  	v33 =	vld.idx.msk [tilespmem:v0+s29+$0x0], $0xffff  }
0x2a7: {  	v43 =	vld.idx.msk [tilespmem:v23+s29+$0x0], $0xffff  }
0x2a8: {  	v12 =	vor.u32 v53, v3;
	v22 =	vld.idx.msk [tilespmem:v39+s29+$0x0], $0xffff  }
0x2a9: {  	v25 =	vmul.f32 v25, v42;
	v4 =	vor.u32 v48, v3;
	v38 =	vld.idx.msk [tilespmem:v18+s29+$0x0], $0xffff;
	v18 =	vmul.f32 v27, v55  }
0x2aa: {  	v19 =	vmul.f32 v19, v42;
	v39 =	vld.idx.msk [tilespmem:v26+s29+$0x0], $0xffff;
	v26 =	vmul.f32 v51, v55  }
0x2ab: {  	v59 =	vor.u32 v53, v2;
	v41 =	vld.idx.msk [tilespmem:v41+s29+$0x0], $0xffff;
	[tilespmem:$0x1F7E0] =	vst v48;
	v13 =	vadd.f32 v18, v13  }
0x2ac: {  	v45 =	vor.u32 v48, v2;
	v0 =	vmul.f32 v32, v42;
	v23 =	vadd.f32 v26, v21;
	[tilespmem:$0x1F7F0] =	vst v10  }
0x2ad: {  	v53 =	vadd.f32 v25, v24;
	v25 =	vmul.f32 v1, v42;
	v32 =	vld.idx.msk [tilespmem:v12+s29+$0x0], $0xffff;
	v1 =	vadd.f32 v19, v13  }
0x2ae: {  	v46 =	vor.u32 v10, v2;
	v0 =	vadd.f32 v0, v23;
	v4 =	vld.idx.msk [tilespmem:v4+s29+$0x0], $0xffff;
	[tilespmem:$0x1F810] =	vst v7  }
0x2af: {  	v27 =	vmul.f32 v22, v42;
	[tilespmem:$0x1F800] =	vst v1  }
0x2b0: {  	v22 =	vmul.f32 v37, v42;
	v37 =	vld.idx.msk [tilespmem:v59+s29+$0x0], $0xffff;
	[tilespmem:$0x1F820] =	vst v0;
	v0 =	vor.u32 v36, v3  }
0x2b1: {  	[tilespmem:$0x1F830] =	vst v0  }
0x2b2: {  	v34 =	vor.u32 v7, v2;
	v44 =	vld.idx.msk [tilespmem:v45+s29+$0x0], $0xffff  }
0x2b3: {  	v40 =	vor.u32 v10, v3;
	v54 =	vmov v49;
	v51 =	vld.idx.msk [tilespmem:v46+s29+$0x0], $0xffff;
	[tilespmem:$0x1F840] =	vst v35  }
0x2b4: {  	v20 =	vor.u32 v61, v3;
	v14 =	vmul.f32 v14, v42;
	v30 =	vor.u32 v7, v3;
	v1 =	vld [tilespmem:$0x1F890];
	[tilespmem:$0x1F850] =	vst v61  }
0x2b5: {  	v47 =	vor.u32 v35, v3;
	v50 =	vmul.f32 v43, v42;
	v49 =	vmul.f32 v41, v42;
	[tilespmem:$0x1F860] =	vst v9  }
0x2b6: {  	v41 =	vor.u32 v8, v2;
	v16 =	vor.u32 v9, v3;
	v15 =	vor.u32 v8, v3;
	[tilespmem:$0x1F870] =	vst v8  }
0x2b7: {  	v26 =	vmul.f32 v31, v42;
	v59 =	vmul.f32 v39, v42;
	v39 =	vld.idx.msk [tilespmem:v34+s29+$0x0], $0xffff;
	[tilespmem:$0x1F880] =	vst v6  }
0x2b8: {  	v21 =	vor.u32 v60, v3;
	v23 =	vmul.f32 v33, v42;
	v7 =	vimm.f32 $0.0e+00;
	v40 =	vld.idx.msk [tilespmem:v40+s29+$0x0], $0xffff  }
0x2b9: {  	v0 =	vor.u32 v35, v2;
	v30 =	vld.idx.msk [tilespmem:v30+s29+$0x0], $0xffff;
	v45 =	vadd.f32 v1, v7;
	v1 =	vimm.f32 $0.0e+00  }
0x2ba: {  	v11 =	vadd.f32 v17, v11;
	v46 =	vadd.f32 v29, v7;
	v29 =	vld.idx.msk [tilespmem:v47+s29+$0x0], $0xffff;
	[tilespmem:$0x1F8A0] =	vst v1;
	v1 =	vimm.f32 $0.0e+00  }
0x2bb: {  	v33 =	vor.u32 v36, v2;
	v17 =	vor.u32 v6, v3;
	[tilespmem:$0x1F8B0] =	vst v1;
	v1 =	vimm.f32 $0.0e+00  }
0x2bc: {  	v48 =	vadd.f32 v14, v11;
	v11 =	vmul.f32 v5, v42;
	v28 =	vld.idx.msk [tilespmem:v20+s29+$0x0], $0xffff;
	[tilespmem:$0x1F8C0] =	vst v1;
	v1 =	vimm.f32 $0.0e+00  }
0x2bd: {  	v18 =	vor.u32 v63, v3;
	v12 =	vmul.f32 v38, v42;
	v38 =	vmul.f32 v32, v55;
	[tilespmem:$0x1F8D0] =	vst v1  }
0x2be: {  	v31 =	vmul.f32 v4, v55;
	v4 =	vor.u32 v9, v2;
	v3 =	vmov v36;
	v36 =	vld.idx.msk [tilespmem:v0+s29+$0x0], $0xffff;
	[tilespmem:$0x1F900] =	vst v63  }
0x2bf: {  	v32 =	vor.u32 v60, v2;
	v61 =	vor.u32 v61, v2;
	v35 =	vor.u32 v6, v2;
	[tilespmem:$0x1F910] =	vst v3  }
0x2c0: {  	v9 =	vimm.f32 $0.0e+00;
	v34 =	vor.u32 v63, v2;
	v0 =	vimm.f32 $0.0e+00;
	[tilespmem:$0x1F920] =	vst v60  }
0x2c1: {  	v47 =	vimm.f32 $0.0e+00;
	v43 =	vmul.f32 v37, v58;
	[tilespmem:$0x1F8E0] =	vst v0;
	v0 =	vimm.f32 $0.0e+00  }
0x2c2: {  	s3 =	simm.s32 $0x4;
	v44 =	vmul.f32 v44, v58;
	v37 =	vmul.f32 v51, v58;
	v51 =	vimm.f32 $0.0e+00;
	[tilespmem:$0x1F8F0] =	vst v0  }
.LBB2_5:
0x2c3: {  	v0 =	vld [tilespmem:$0x1F6D0];
	_ =	sdelay $0x4  }
0x2c4: {  	v10 =	vadd.f32 v0, v7;
	v0 =	vld [tilespmem:$0x1F6E0]  }
0x2c5: {  	[tilespmem:$0x1F510] =	vst v57;
	v57 =	vadd.f32 v43, v46  }
0x2c6: {  	[tilespmem:$0x1F580] =	vst v53;
	v53 =	vmov v3;
	v3 =	vld.idx.msk [tilespmem:v61+s29+$0x0], $0xffff;
	v61 =	vadd.f32 v44, v45  }
0x2c7: {  	[tilespmem:$0x1F520] =	vst v62;
	v62 =	vadd.f32 v38, v57  }
0x2c8: {  	v31 =	vadd.f32 v31, v61;
	v40 =	vmul.f32 v40, v55;
	v10 =	vadd.f32 v37, v10  }
0x2c9: {  	v2 =	vadd.f32 v0, v9;
	v9 =	vmul.f32 v39, v58;
	v0 =	vadd.f32 v11, v62  }
0x2ca: {  	v10 =	vadd.f32 v40, v10  }
0x2cb: {  	v30 =	vmul.f32 v30, v55;
	v2 =	vadd.f32 v9, v2;
	[tilespmem:$0x1F670] =	vst v0;
	v0 =	vadd.f32 v25, v31;
	_ =	sdelay $0x1  }
0x2cc: {  	v2 =	vadd.f32 v30, v2;
	[tilespmem:$0x1F690] =	vst v0;
	v0 =	vadd.f32 v26, v10;
	_ =	sdelay $0x1  }
0x2cd: {  	[tilespmem:$0x1F6B0] =	vst v0;
	v0 =	vadd.f32 v27, v2  }
0x2ce: {  	v1 =	vld [tilespmem:$0x1F6F0]  }
0x2cf: {  	[tilespmem:$0x1F610] =	vst v0;
	v0 =	vld [tilespmem:$0x1F8A0];
	_ =	sdelay $0x4  }
0x2d0: {  	v5 =	vadd.f32 v1, v0;
	v0 =	vld [tilespmem:$0x1F8B0]  }
0x2d1: {  	v1 =	vld [tilespmem:$0x1F700];
	_ =	sdelay $0x4  }
0x2d2: {  	v6 =	vadd.f32 v1, v0;
	v0 =	vld [tilespmem:$0x1F8C0]  }
0x2d3: {  	v1 =	vld [tilespmem:$0x1F710];
	_ =	sdelay $0x4  }
0x2d4: {  	v7 =	vadd.f32 v1, v0;
	v0 =	vld [tilespmem:$0x1F8D0]  }
0x2d5: {  	v1 =	vld [tilespmem:$0x1F720];
	_ =	sdelay $0x4  }
0x2d6: {  	v8 =	vadd.f32 v1, v0;
	v0 =	vld [tilespmem:$0x1F830];
	_ =	sdelay $0x1  }
0x2d7: {  	v30 =	vmul.f32 v36, v58;
	_ =	sdelay $0x1  }
0x2d8: {  	v29 =	vmul.f32 v29, v55;
	v3 =	vmul.f32 v3, v58;
	v5 =	vadd.f32 v30, v5;
	_ =	sdelay $0x1  }
0x2d9: {  	v28 =	vmul.f32 v28, v55;
	v5 =	vadd.f32 v29, v5;
	v3 =	vadd.f32 v3, v6;
	_ =	sdelay $0x1  }
0x2da: {  	v3 =	vadd.f32 v28, v3;
	v14 =	vld.idx.msk [tilespmem:v0+s29+$0x0], $0xffff;
	v0 =	vadd.f32 v22, v5  }
0x2db: {  	v4 =	vld.idx.msk [tilespmem:v4+s29+$0x0], $0xffff  }
0x2dc: {  	v16 =	vld.idx.msk [tilespmem:v16+s29+$0x0], $0xffff;
	[tilespmem:$0x1F8A0] =	vst v0;
	v0 =	vadd.f32 v12, v3  }
0x2dd: {  	v9 =	vld.idx.msk [tilespmem:v41+s29+$0x0], $0xffff  }
0x2de: {  	[tilespmem:$0x1F8B0] =	vst v0;
	v0 =	vld [tilespmem:$0x1F770]  }
0x2df: {  	v15 =	vld.idx.msk [tilespmem:v15+s29+$0x0], $0xffff  }
0x2e0: {  	v4 =	vmul.f32 v4, v58;
	_ =	sdelay $0x1  }
0x2e1: {  	v16 =	vmul.f32 v16, v55;
	v9 =	vmul.f32 v9, v58;
	v4 =	vadd.f32 v4, v7;
	_ =	sdelay $0x1  }
0x2e2: {  	v4 =	vadd.f32 v16, v4;
	v7 =	vadd.f32 v9, v8;
	v9 =	vmul.f32 v15, v55;
	_ =	sdelay $0x1  }
0x2e3: {  	v7 =	vadd.f32 v9, v7;
	v3 =	vld.idx.msk [tilespmem:v0+s29+$0x0], $0xffff;
	v0 =	vadd.f32 v59, v4;
	_ =	sdelay $0x1  }
0x2e4: {  	[tilespmem:$0x1F8C0] =	vst v0;
	v0 =	vadd.f32 v23, v7;
	_ =	sdelay $0x1  }
0x2e5: {  	[tilespmem:$0x1F8D0] =	vst v0;
	v0 =	vld [tilespmem:$0x1F780];
	_ =	sdelay $0x7  }
0x2e6: {  	v4 =	vld.idx.msk [tilespmem:v0+s29+$0x0], $0xffff  }
0x2e7: {  	v0 =	vld [tilespmem:$0x1F730];
	_ =	sdelay $0x3  }
0x2e8: {  	v1 =	vld [tilespmem:$0x1F740]  }
0x2e9: {  	v7 =	vadd.f32 v0, v47;
	v0 =	vld [tilespmem:$0x1F8E0]  }
0x2ea: {  	v24 =	vld.idx.msk [tilespmem:v34+s29+$0x0], $0xffff  }
0x2eb: {  	v18 =	vld.idx.msk [tilespmem:v18+s29+$0x0], $0xffff  }
0x2ec: {  	v10 =	vld.idx.msk [tilespmem:v35+s29+$0x0], $0xffff  }
0x2ed: {  	v6 =	vld.idx.msk [tilespmem:v33+s29+$0x0], $0xffff  }
0x2ee: {  	v0 =	vadd.f32 v1, v0;
	v1 =	vld [tilespmem:$0x1F750]  }
0x2ef: {  	v17 =	vld.idx.msk [tilespmem:v17+s29+$0x0], $0xffff;
	_ =	sdelay $0x1  }
0x2f0: {  	v5 =	vmul.f32 v24, v58  }
0x2f1: {  	v2 =	vld [tilespmem:$0x1F760];
	v10 =	vmul.f32 v10, v58;
	v6 =	vmul.f32 v6, v58  }
0x2f2: {  	v9 =	vmul.f32 v18, v55;
	v0 =	vadd.f32 v5, v0;
	v16 =	vadd.f32 v1, v51;
	v1 =	vld [tilespmem:$0x1F8F0]  }
0x2f3: {  	v8 =	vld.idx.msk [tilespmem:v32+s29+$0x0], $0xffff;
	v15 =	vmul.f32 v17, v55;
	v7 =	vadd.f32 v10, v7  }
0x2f4: {  	v5 =	vmul.f32 v14, v55;
	v0 =	vadd.f32 v9, v0;
	v6 =	vadd.f32 v6, v16  }
0x2f5: {  	v13 =	vld.idx.msk [tilespmem:v21+s29+$0x0], $0xffff;
	v7 =	vadd.f32 v15, v7  }
0x2f6: {  	v44 =	vld [tilespmem:$0x1FE20];
	v3 =	vmul.f32 v3, v42;
	v0 =	vadd.f32 v49, v0;
	v5 =	vadd.f32 v5, v6  }
0x2f7: {  	v47 =	vld [tilespmem:$0x1FFC0];
	v6 =	vmov s3;
	v1 =	vadd.f32 v2, v1;
	v2 =	vadd.f32 v50, v7  }
0x2f8: {  	v8 =	vmul.f32 v8, v58;
	[tilespmem:$0x1F8E0] =	vst v0;
	v0 =	vand.u32 $0x3C, v6  }
0x2f9: {  	[tilespmem:$0x1F6C0] =	vst v2;
	v2 =	vadd.f32 v3, v5;
	v3 =	vbroadcast v0, $0x0  }
0x2fa: {  	v1 =	vadd.f32 v8, v1;
	v8 =	vmul.f32 v13, v55  }
0x2fb: {  	v0 =	vor.u32 v44, v3  }
0x2fc: {  	v4 =	vmul.f32 v4, v42;
	v1 =	vadd.f32 v8, v1;
	v5 =	vor.u32 v47, v3  }
0x2fd: {  	v19 =	vld [tilespmem:$0x1FFD0]  }
0x2fe: {  	v20 =	vld [tilespmem:$0x1FE40];
	v8 =	vor.u32 v54, v3;
	v1 =	vadd.f32 v4, v1  }
0x2ff: {  	v21 =	vld [tilespmem:$0x1FFE0];
	v4 =	vor.u32 v52, v3  }
0x300: {  	[tilespmem:$0x1F8F0] =	vst v1;
	v1 =	vld.idx.msk [tilespmem:v0+s28+$0x0], $0xffff  }
0x301: {  	v30 =	vld.idx.msk [tilespmem:v5+s29+$0x0], $0xffff  }
0x302: {  	v6 =	vor.u32 v19, v3;
	v5 =	vld [tilespmem:$0x1FFF0]  }
0x303: {  	[tilespmem:$0x1F560] =	vst v2;
	v2 =	vld.idx.msk [tilespmem:v8+s29+$0x0], $0xffff  }
0x304: {  	v0 =	vld.idx.msk [tilespmem:v4+s29+$0x0], $0xffff;
	v4 =	vor.u32 v21, v3;
	_ =	sdelay $0x2  }
0x305: {  	v7 =	vor.u32 v20, v3;
	v31 =	vld.idx.msk [tilespmem:v6+s29+$0x0], $0xffff  }
0x306: {  	v6 =	vld [tilespmem:$0x1FE60]  }
0x307: {  	v9 =	vor.u32 v5, v3;
	[tilespmem:$0x1F480] =	vst v2;
	v2 =	vld.idx.msk [tilespmem:v4+s29+$0x0], $0xffff;
	_ =	sdelay $0x2  }
0x308: {  	[tilespmem:$0x1F470] =	vst v0;
	v0 =	vld.idx.msk [tilespmem:v7+s29+$0x0], $0xffff  }
0x309: {  	v7 =	vld [tilespmem:$0x1FE70]  }
0x30a: {  	v10 =	vor.u32 v6, v3;
	[tilespmem:$0x1F490] =	vst v2;
	v2 =	vld.idx.msk [tilespmem:v9+s29+$0x0], $0xffff;
	_ =	sdelay $0x3  }
0x30b: {  	v8 =	vld [tilespmem:$0x1F7E0]  }
0x30c: {  	v11 =	vor.u32 v7, v3;
	[tilespmem:$0x1F4A0] =	vst v2;
	v2 =	vld.idx.msk [tilespmem:v10+s29+$0x0], $0xffff;
	_ =	sdelay $0x4  }
0x30d: {  	v12 =	vor.u32 v8, v3;
	[tilespmem:$0x1F4B0] =	vst v2;
	v2 =	vld.idx.msk [tilespmem:v11+s29+$0x0], $0xffff;
	_ =	sdelay $0x1  }
0x30e: {  	v4 =	vld [tilespmem:$0x1F7F0];
	_ =	sdelay $0x2  }
0x30f: {  	s1 =	sadd.s32 $0x3, s3;
	[tilespmem:$0x1F4C0] =	vst v2;
	v2 =	vld.idx.msk [tilespmem:v12+s29+$0x0], $0xffff  }
0x310: {  	v18 =	vmov s1;
	v12 =	vld [tilespmem:$0x1F860]  }
0x311: {  	v18 =	vand.u32 $0x3F, v18;
	v22 =	vld [tilespmem:$0x1F870];
	v13 =	vor.u32 v4, v3  }
0x312: {  	v18 =	vbroadcast v18, $0x0;
	_ =	sdelay $0x1  }
0x313: {  	v29 =	vor.u32 v54, v18  }
0x314: {  	v17 =	vor.u32 v12, v3  }
0x315: {  	[tilespmem:$0x1F4D0] =	vst v2;
	v2 =	vld.idx.msk [tilespmem:v13+s29+$0x0], $0xffff;
	v13 =	vor.u32 v22, v3;
	_ =	sdelay $0x2  }
0x316: {  	s9 =	sadd.s32 $0x1, s3;
	v25 =	vld.idx.msk [tilespmem:v29+s29+$0x0], $0xffff  }
0x317: {  	v43 =	vld.idx.msk [tilespmem:v17+s29+$0x0], $0xffff;
	v17 =	vmov s9  }
0x318: {  	v29 =	vmul.f32 v30, v1;
	v39 =	vld.idx.msk [tilespmem:v13+s29+$0x0], $0xffff;
	v13 =	vand.u32 $0x3D, v17;
	v17 =	vor.u32 v44, v18  }
0x319: {  	v30 =	vmul.f32 v31, v1;
	v31 =	vmul.f32 v0, v1;
	v0 =	vld [tilespmem:$0x1FE30];
	_ =	sdelay $0x2  }
0x31a: {  	[tilespmem:$0x1F4E0] =	vst v2;
	v2 =	vld [tilespmem:$0x1F900];
	v32 =	vbroadcast v13, $0x0  }
0x31b: {  	v42 =	vld.idx.msk [tilespmem:v17+s28+$0x0], $0xffff  }
0x31c: {  	v17 =	vor.u32 v0, v32;
	v0 =	vld [tilespmem:$0x1F480];
	_ =	sdelay $0x3  }
0x31d: {  	v13 =	vor.u32 v52, v18  }
0x31e: {  	v52 =	vor.u32 v2, v18;
	v2 =	vor.u32 v53, v18;
	v0 =	vmul.f32 v0, v1  }
0x31f: {  	v9 =	vld [tilespmem:$0x1F810];
	[tilespmem:$0x1F770] =	vst v2  }
0x320: {  	v2 =	vor.u32 v60, v18;
	[tilespmem:$0x1F590] =	vst v0;
	v0 =	vld [tilespmem:$0x1F490]  }
0x321: {  	s11 =	sadd.s32 $0x2, s3;
	[tilespmem:$0x1F780] =	vst v2;
	v2 =	vld [tilespmem:$0x1FE30]  }
0x322: {  	v23 =	vmov s11  }
0x323: {  	v23 =	vand.u32 $0x3E, v23  }
0x324: {  	v23 =	vbroadcast v23, $0x0  }
0x325: {  	v0 =	vmul.f32 v0, v1  }
0x326: {  	v46 =	vor.u32 v9, v18;
	v54 =	vor.u32 v2, v23;
	v2 =	vld [tilespmem:$0x1FE50]  }
0x327: {  	[tilespmem:$0x1F5B0] =	vst v0;
	v0 =	vld [tilespmem:$0x1F4A0];
	_ =	sdelay $0x1  }
0x328: {  	v28 =	vor.u32 v20, v18  }
0x329: {  	[tilespmem:$0x1F5A0] =	vst v48;
	v48 =	vld.idx.msk [tilespmem:v13+s29+$0x0], $0xffff  }
0x32a: {  	v13 =	vld.idx.msk [tilespmem:v46+s29+$0x0], $0xffff  }
0x32b: {  	[tilespmem:$0x1F500] =	vst v56;
	v2 =	vor.u32 v2, v23;
	v46 =	vmul.f32 v0, v1;
	v0 =	vld [tilespmem:$0x1F4B0]  }
0x32c: {  	[tilespmem:$0x1F4F0] =	vst v2;
	v2 =	vor.u32 v5, v23  }
0x32d: {  	v62 =	vld.idx.msk [tilespmem:v28+s29+$0x0], $0xffff;
	[tilespmem:$0x1F530] =	vst v2;
	v2 =	vor.u32 v6, v23  }
0x32e: {  	v10 =	vld [tilespmem:$0x1F840];
	[tilespmem:$0x1F540] =	vst v2;
	v2 =	vor.u32 v7, v23  }
0x32f: {  	v28 =	vor.u32 v21, v23;
	v11 =	vld [tilespmem:$0x1F850];
	[tilespmem:$0x1F550] =	vst v2;
	v2 =	vor.u32 v8, v23  }
0x330: {  	v56 =	vor.u32 v47, v23;
	[tilespmem:$0x1F570] =	vst v2;
	v2 =	vor.u32 v4, v23;
	v0 =	vmul.f32 v0, v1  }
0x331: {  	v24 =	vld [tilespmem:$0x1F880];
	[tilespmem:$0x1F620] =	vst v2  }
0x332: {  	v14 =	vor.u32 v9, v3;
	v2 =	vor.u32 v9, v23;
	[tilespmem:$0x1F5C0] =	vst v0;
	v0 =	vld [tilespmem:$0x1F4C0]  }
0x333: {  	[tilespmem:$0x1F640] =	vst v2;
	v2 =	vor.u32 v10, v23  }
0x334: {  	v28 =	vld.idx.msk [tilespmem:v28+s29+$0x0], $0xffff;
	[tilespmem:$0x1F650] =	vst v2;
	v2 =	vor.u32 v11, v23  }
0x335: {  	v56 =	vld.idx.msk [tilespmem:v56+s29+$0x0], $0xffff;
	v49 =	vor.u32 v22, v18;
	[tilespmem:$0x1F660] =	vst v2;
	v2 =	vor.u32 v12, v23  }
0x336: {  	v50 =	vor.u32 v24, v18;
	v34 =	vor.u32 v5, v18;
	[tilespmem:$0x1F600] =	vst v2;
	v2 =	vor.u32 v22, v23  }
0x337: {  	v40 =	vld.idx.msk [tilespmem:v14+s29+$0x0], $0xffff;
	[tilespmem:$0x1F5F0] =	vst v2;
	v2 =	vor.u32 v24, v23;
	v0 =	vmul.f32 v0, v1  }
0x338: {  	v15 =	vor.u32 v10, v3;
	[tilespmem:$0x1F630] =	vst v2;
	v2 =	vld [tilespmem:$0x1F900]  }
0x339: {  	v14 =	vor.u32 v24, v3;
	[tilespmem:$0x1F680] =	vst v0;
	v0 =	vld [tilespmem:$0x1F4D0]  }
0x33a: {  	v49 =	vld.idx.msk [tilespmem:v49+s29+$0x0], $0xffff  }
0x33b: {  	v50 =	vld.idx.msk [tilespmem:v50+s29+$0x0], $0xffff  }
0x33c: {  	v35 =	vor.u32 v6, v18;
	v34 =	vld.idx.msk [tilespmem:v34+s29+$0x0], $0xffff  }
0x33d: {  	v16 =	vor.u32 v11, v3;
	v45 =	vld.idx.msk [tilespmem:v15+s29+$0x0], $0xffff  }
0x33e: {  	v41 =	vor.u32 v4, v18;
	v26 =	vld.idx.msk [tilespmem:v14+s29+$0x0], $0xffff;
	v2 =	vor.u32 v2, v23;
	v0 =	vmul.f32 v0, v1  }
0x33f: {  	v15 =	vor.u32 v63, v3;
	[tilespmem:$0x1F5D0] =	vst v2;
	v2 =	vld [tilespmem:$0x1F910]  }
0x340: {  	v14 =	vor.u32 v47, v18;
	[tilespmem:$0x1F6A0] =	vst v0;
	v0 =	vld [tilespmem:$0x1F4E0]  }
0x341: {  	v35 =	vld.idx.msk [tilespmem:v35+s29+$0x0], $0xffff  }
0x342: {  	v38 =	vld.idx.msk [tilespmem:v16+s29+$0x0], $0xffff;
	v16 =	vor.u32 v53, v3  }
0x343: {  	v41 =	vld.idx.msk [tilespmem:v41+s29+$0x0], $0xffff;
	v3 =	vor.u32 v60, v3  }
0x344: {  	v27 =	vld.idx.msk [tilespmem:v15+s29+$0x0], $0xffff  }
0x345: {  	v15 =	vor.u32 v19, v18;
	v51 =	vld.idx.msk [tilespmem:v14+s29+$0x0], $0xffff;
	v2 =	vor.u32 v2, v23;
	v0 =	vmul.f32 v0, v1  }
0x346: {  	v55 =	vor.u32 v10, v18;
	[tilespmem:$0x1F830] =	vst v2;
	v2 =	vld [tilespmem:$0x1F920]  }
0x347: {  	v33 =	vld.idx.msk [tilespmem:v16+s29+$0x0], $0xffff;
	[tilespmem:$0x1F6D0] =	vst v0;
	v0 =	vmul.f32 v40, v1  }
0x348: {  	v63 =	vor.u32 v12, v18;
	v61 =	vld.idx.msk [tilespmem:v3+s29+$0x0], $0xffff  }
0x349: {  	v16 =	vor.u32 v21, v18;
	[tilespmem:$0x1F6E0] =	vst v0;
	v0 =	vld [tilespmem:$0x1FE50]  }
0x34a: {  	v37 =	vor.u32 v8, v18;
	v57 =	vld.idx.msk [tilespmem:v15+s29+$0x0], $0xffff  }
0x34b: {  	v36 =	vor.u32 v7, v18;
	v3 =	vld.idx.msk [tilespmem:v55+s29+$0x0], $0xffff;
	v2 =	vor.u32 v2, v23  }
0x34c: {  	v58 =	vor.u32 v11, v18;
	[tilespmem:$0x1F5E0] =	vst v2;
	v2 =	vld [tilespmem:$0x1F470]  }
0x34d: {  	v63 =	vld.idx.msk [tilespmem:v63+s29+$0x0], $0xffff  }
0x34e: {  	v53 =	vor.u32 v44, v23;
	v14 =	vld.idx.msk [tilespmem:v16+s29+$0x0], $0xffff;
	v40 =	vor.u32 v0, v32;
	v0 =	vmul.f32 v45, v1  }
0x34f: {  	v59 =	vor.u32 v19, v23;
	v16 =	vld.idx.msk [tilespmem:v37+s29+$0x0], $0xffff  }
0x350: {  	v60 =	vor.u32 v20, v23;
	v23 =	vld.idx.msk [tilespmem:v36+s29+$0x0], $0xffff;
	[tilespmem:$0x1F6F0] =	vst v0;
	v0 =	vmul.f32 v38, v1  }
0x351: {  	v36 =	vmul.f32 v2, v1;
	v2 =	vld.idx.msk [tilespmem:v58+s29+$0x0], $0xffff  }
0x352: {  	v52 =	vld.idx.msk [tilespmem:v52+s29+$0x0], $0xffff;
	[tilespmem:$0x1F700] =	vst v0;
	v0 =	vmul.f32 v43, v1  }
0x353: {  	v15 =	vor.u32 v44, v32;
	v55 =	vld.idx.msk [tilespmem:v53+s28+$0x0], $0xffff  }
0x354: {  	v19 =	vor.u32 v19, v32;
	v17 =	vld.idx.msk [tilespmem:v17+s29+$0x0], $0xffff;
	[tilespmem:$0x1F710] =	vst v0;
	v0 =	vmul.f32 v39, v1  }
0x355: {  	v44 =	vmul.f32 v25, v42;
	v25 =	vmul.f32 v16, v42;
	v16 =	vld.idx.msk [tilespmem:v60+s29+$0x0], $0xffff;
	v43 =	vor.u32 v4, v32  }
0x356: {  	v4 =	vor.u32 v12, v32;
	v12 =	vmul.f32 v2, v42;
	v2 =	vld [tilespmem:$0x1F4F0];
	[tilespmem:$0x1F720] =	vst v0;
	v0 =	vmul.f32 v26, v1  }
0x357: {  	v60 =	vld [tilespmem:$0x1F920]  }
0x358: {  	v54 =	vld.idx.msk [tilespmem:v54+s29+$0x0], $0xffff;
	[tilespmem:$0x1F730] =	vst v0;
	v0 =	vmul.f32 v27, v1  }
0x359: {  	v18 =	vor.u32 v47, v32;
	v20 =	vor.u32 v20, v32;
	v47 =	vor.u32 v10, v32;
	v10 =	vld.idx.msk [tilespmem:v59+s29+$0x0], $0xffff  }
0x35a: {  	v58 =	vld.idx.msk [tilespmem:v15+s28+$0x0], $0xffff;
	v15 =	vor.u32 v9, v32;
	[tilespmem:$0x1F740] =	vst v0;
	v0 =	vmul.f32 v33, v1  }
0x35b: {  	v9 =	vld.idx.msk [tilespmem:v19+s29+$0x0], $0xffff;
	v38 =	vor.u32 v21, v32;
	v21 =	vor.u32 v6, v32;
	v27 =	vmul.f32 v13, v42  }
0x35c: {  	v6 =	vld [tilespmem:$0x1F510];
	[tilespmem:$0x1F750] =	vst v0;
	v0 =	vmul.f32 v61, v1;
	v61 =	vor.u32 v11, v32;
	v11 =	vmul.f32 v23, v42  }
0x35d: {  	v13 =	vld [tilespmem:$0x1F530];
	v23 =	vmul.f32 v49, v42;
	v49 =	vmul.f32 v52, v42  }
0x35e: {  	v52 =	vmul.f32 v54, v55;
	v54 =	vmul.f32 v56, v55;
	v56 =	vld.idx.msk [tilespmem:v2+s29+$0x0], $0xffff  }
0x35f: {  	v2 =	vld [tilespmem:$0x1F790]  }
0x360: {  	v53 =	vor.u32 v8, v32;
	v8 =	vld.idx.msk [tilespmem:v20+s29+$0x0], $0xffff  }
0x361: {  	v9 =	vmul.f32 v9, v58;
	v6 =	vadd.f32 v30, v6;
	v1 =	vor.u32 v7, v32;
	v7 =	vld [tilespmem:$0x1F520]  }
0x362: {  	v59 =	vmul.f32 v63, v42;
	v63 =	vld [tilespmem:$0x1F900]  }
0x363: {  	v10 =	vmul.f32 v10, v55;
	v20 =	vld.idx.msk [tilespmem:v40+s29+$0x0], $0xffff;
	v6 =	vadd.f32 v9, v6  }
0x364: {  	v17 =	vmul.f32 v17, v58;
	v39 =	vor.u32 v5, v32;
	v5 =	vld [tilespmem:$0x1F500];
	v2 =	vadd.f32 v36, v2  }
0x365: {  	v6 =	vadd.f32 v10, v6;
	v10 =	vld [tilespmem:$0x1F540]  }
0x366: {  	v8 =	vmul.f32 v8, v58;
	v7 =	vadd.f32 v31, v7;
	v2 =	vadd.f32 v17, v2;
	v17 =	vld.idx.msk [tilespmem:v13+s29+$0x0], $0xffff  }
0x367: {  	v57 =	vmul.f32 v57, v42;
	v26 =	vmul.f32 v41, v42;
	v41 =	vor.u32 v22, v32;
	v13 =	vld [tilespmem:$0x1F550]  }
0x368: {  	v22 =	vmul.f32 v3, v42;
	v3 =	vld [tilespmem:$0x1F910];
	v9 =	vmul.f32 v16, v55;
	v7 =	vadd.f32 v8, v7  }
0x369: {  	v57 =	vadd.f32 v57, v6;
	v6 =	vld [tilespmem:$0x1F580]  }
0x36a: {  	v62 =	vmul.f32 v62, v42;
	[tilespmem:$0x1F760] =	vst v0;
	v0 =	vld.idx.msk [tilespmem:v18+s29+$0x0], $0xffff;
	v7 =	vadd.f32 v9, v7  }
0x36b: {  	v18 =	vld.idx.msk [tilespmem:v38+s29+$0x0], $0xffff  }
0x36c: {  	v62 =	vadd.f32 v62, v7;
	v7 =	vld [tilespmem:$0x1F590]  }
0x36d: {  	v10 =	vld.idx.msk [tilespmem:v10+s29+$0x0], $0xffff  }
0x36e: {  	v1 =	vld.idx.msk [tilespmem:v1+s29+$0x0], $0xffff  }
0x36f: {  	v19 =	vmul.f32 v20, v58;
	v20 =	vld.idx.msk [tilespmem:v13+s29+$0x0], $0xffff  }
0x370: {  	v5 =	vadd.f32 v29, v5;
	v0 =	vmul.f32 v0, v58;
	v13 =	vld [tilespmem:$0x1F5B0]  }
0x371: {  	v6 =	vadd.f32 v7, v6;
	v7 =	vld [tilespmem:$0x1F5A0]  }
0x372: {  	v36 =	vld.idx.msk [tilespmem:v47+s29+$0x0], $0xffff;
	v0 =	vadd.f32 v0, v5  }
0x373: {  	v47 =	vld [tilespmem:$0x1F6C0]  }
0x374: {  	v51 =	vmul.f32 v51, v42;
	v8 =	vld.idx.msk [tilespmem:v21+s29+$0x0], $0xffff;
	v0 =	vadd.f32 v54, v0  }
0x375: {  	v48 =	vmul.f32 v48, v42;
	v16 =	vmul.f32 v56, v55;
	v21 =	vld [tilespmem:$0x1F5C0];
	v2 =	vadd.f32 v52, v2  }
0x376: {  	v56 =	vadd.f32 v51, v0;
	v0 =	vmul.f32 v18, v58;
	v7 =	vadd.f32 v13, v7;
	v13 =	vld [tilespmem:$0x1F800]  }
0x377: {  	v5 =	vld.idx.msk [tilespmem:v39+s29+$0x0], $0xffff  }
0x378: {  	v52 =	vld [tilespmem:$0x1FE30];
	v9 =	vmul.f32 v28, v55;
	v2 =	vadd.f32 v48, v2;
	v0 =	vadd.f32 v0, v7  }
0x379: {  	v28 =	vld.idx.msk [tilespmem:v53+s29+$0x0], $0xffff  }
0x37a: {  	v14 =	vmul.f32 v14, v42;
	[tilespmem:$0x1F790] =	vst v2;
	v2 =	vld [tilespmem:$0x1F570];
	v0 =	vadd.f32 v9, v0  }
0x37b: {  	v18 =	vadd.f32 v46, v13;
	v13 =	vld [tilespmem:$0x1F820]  }
0x37c: {  	v48 =	vadd.f32 v14, v0;
	v0 =	vld [tilespmem:$0x1F660]  }
0x37d: {  	v7 =	vld.idx.msk [tilespmem:v43+s29+$0x0], $0xffff  }
0x37e: {  	v5 =	vmul.f32 v5, v58;
	v43 =	vmul.f32 v1, v58;
	v1 =	vld [tilespmem:$0x1F650]  }
0x37f: {  	v39 =	vld.idx.msk [tilespmem:v15+s29+$0x0], $0xffff;
	v8 =	vmul.f32 v8, v58;
	v6 =	vadd.f32 v19, v6  }
0x380: {  	v15 =	vld [tilespmem:$0x1F5F0];
	v17 =	vmul.f32 v17, v55;
	v5 =	vadd.f32 v5, v18;
	v21 =	vadd.f32 v21, v13  }
0x381: {  	v37 =	vmul.f32 v34, v42;
	v54 =	vld [tilespmem:$0x1FE50];
	v6 =	vadd.f32 v16, v6  }
0x382: {  	v10 =	vmul.f32 v10, v55;
	v51 =	vld [tilespmem:$0x1F560];
	v5 =	vadd.f32 v17, v5;
	v8 =	vadd.f32 v8, v21  }
0x383: {  	v45 =	vmul.f32 v35, v42;
	v2 =	vld.idx.msk [tilespmem:v2+s29+$0x0], $0xffff;
	v53 =	vadd.f32 v44, v6  }
0x384: {  	v44 =	vmul.f32 v28, v58;
	v8 =	vadd.f32 v10, v8;
	v28 =	vld.idx.msk [tilespmem:v0+s29+$0x0], $0xffff;
	v0 =	vadd.f32 v37, v5  }
0x385: {  	v16 =	vld [tilespmem:$0x1F600]  }
0x386: {  	v29 =	vld.idx.msk [tilespmem:v1+s29+$0x0], $0xffff;
	[tilespmem:$0x1F800] =	vst v0;
	v0 =	vadd.f32 v45, v8  }
0x387: {  	v1 =	vld [tilespmem:$0x1F680]  }
0x388: {  	[tilespmem:$0x1F820] =	vst v0;
	v0 =	vld [tilespmem:$0x1F670]  }
0x389: {  	v31 =	vmul.f32 v2, v55;
	v2 =	vld [tilespmem:$0x1F640]  }
0x38a: {  	v9 =	vld [tilespmem:$0x1F610]  }
0x38b: {  	v13 =	vld [tilespmem:$0x1F620]  }
0x38c: {  	v18 =	vld [tilespmem:$0x1F5D0]  }
0x38d: {  	v46 =	vadd.f32 v1, v0;
	v0 =	vld [tilespmem:$0x1F690]  }
0x38e: {  	p0 =	slt.u32 s3, $0x3C;
	v1 =	vld [tilespmem:$0x1F6A0]  }
.Ltmp1:
0x38f: {  	v17 =	vld [tilespmem:$0x1F630];
	(pc) =	sbr.rel @p0 .LBB2_5-.Ltmp1, $4  }
0x390: {  	v21 =	vld [tilespmem:$0x1F5E0]  }
0x391: {  	v50 =	vmul.f32 v50, v42;
	v34 =	vor.u32 v63, v32;
	v30 =	vld.idx.msk [tilespmem:v2+s29+$0x0], $0xffff  }
0x392: {  	v35 =	vor.u32 v24, v32;
	v33 =	vor.u32 v3, v32;
	v37 =	vmul.f32 v7, v58;
	v7 =	vld [tilespmem:$0x1F6B0]  }
0x393: {  	s3 =	sadd.s32 $0x4, s3;
	v32 =	vor.u32 v60, v32;
	v38 =	vmul.f32 v20, v55;
	v40 =	vld.idx.msk [tilespmem:v13+s29+$0x0], $0xffff;
	v45 =	vadd.f32 v1, v0  }
0x394: {  	v10 =	vld [tilespmem:$0x1F6E0];
	_ =	sdelay $0x4  }
0x395: {  	v9 =	vadd.f32 v10, v9;
	v10 =	vadd.f32 v43, v46;
	_ =	sdelay $0x1  }
0x396: {  	v10 =	vadd.f32 v38, v10;
	_ =	sdelay $0x1  }
0x397: {  	v10 =	vadd.f32 v11, v10;
	v11 =	vld [tilespmem:$0x1F770];
	_ =	sdelay $0x7  }
0x398: {  	v19 =	vmul.f32 v29, v55;
	v29 =	vld.idx.msk [tilespmem:v11+s29+$0x0], $0xffff  }
0x399: {  	v11 =	vld [tilespmem:$0x1F780]  }
0x39a: {  	v1 =	vld.idx.msk [tilespmem:v4+s29+$0x0], $0xffff  }
0x39b: {  	v8 =	vld [tilespmem:$0x1F6D0]  }
0x39c: {  	v4 =	vld.idx.msk [tilespmem:v15+s29+$0x0], $0xffff;
	v15 =	vadd.f32 v44, v45;
	_ =	sdelay $0x1  }
0x39d: {  	v0 =	vld.idx.msk [tilespmem:v61+s29+$0x0], $0xffff;
	v15 =	vadd.f32 v31, v15  }
0x39e: {  	v5 =	vld.idx.msk [tilespmem:v17+s29+$0x0], $0xffff  }
0x39f: {  	v7 =	vadd.f32 v8, v7;
	v15 =	vadd.f32 v25, v15;
	v25 =	vld [tilespmem:$0x1F6F0]  }
0x3a0: {  	v24 =	vld.idx.msk [tilespmem:v11+s29+$0x0], $0xffff  }
0x3a1: {  	v17 =	vmul.f32 v40, v55;
	v7 =	vadd.f32 v37, v7;
	v11 =	vld [tilespmem:$0x1F8A0]  }
0x3a2: {  	v2 =	vld.idx.msk [tilespmem:v41+s29+$0x0], $0xffff  }
0x3a3: {  	v3 =	vld.idx.msk [tilespmem:v16+s29+$0x0], $0xffff;
	v7 =	vadd.f32 v17, v7  }
0x3a4: {  	v20 =	vld [tilespmem:$0x1F830]  }
0x3a5: {  	v7 =	vadd.f32 v26, v7;
	v26 =	vld [tilespmem:$0x1F700]  }
0x3a6: {  	v25 =	vadd.f32 v25, v11;
	v11 =	vld [tilespmem:$0x1F8B0]  }
0x3a7: {  	v6 =	vld.idx.msk [tilespmem:v18+s29+$0x0], $0xffff  }
0x3a8: {  	v14 =	vld.idx.msk [tilespmem:v34+s29+$0x0], $0xffff  }
0x3a9: {  	v13 =	vmul.f32 v39, v58;
	v16 =	vld.idx.msk [tilespmem:v33+s29+$0x0], $0xffff  }
0x3aa: {  	v18 =	vld.idx.msk [tilespmem:v32+s29+$0x0], $0xffff  }
0x3ab: {  	v9 =	vadd.f32 v13, v9;
	v13 =	vmul.f32 v30, v55;
	v26 =	vadd.f32 v26, v11;
	v11 =	vld [tilespmem:$0x1F790]  }
0x3ac: {  	v8 =	vld.idx.msk [tilespmem:v35+s29+$0x0], $0xffff  }
0x3ad: {  	v20 =	vld.idx.msk [tilespmem:v20+s29+$0x0], $0xffff;
	v9 =	vadd.f32 v13, v9  }
0x3ae: {  	v17 =	vld.idx.msk [tilespmem:v21+s29+$0x0], $0xffff  }
0x3af: {  	v9 =	vadd.f32 v27, v9;
	v27 =	vld [tilespmem:$0x1F710]  }
0x3b0: {  	[tilespmem:s7+$0x15550] =	vst v11;
	v11 =	vld [tilespmem:$0x1F8C0];
	_ =	sdelay $0x3  }
0x3b1: {  	v13 =	vmul.f32 v28, v55;
	v28 =	vld [tilespmem:$0x1F720]  }
0x3b2: {  	v27 =	vadd.f32 v27, v11;
	v11 =	vld [tilespmem:$0x1F8D0];
	_ =	sdelay $0x1  }
0x3b3: {  	v0 =	vmul.f32 v0, v58;
	_ =	sdelay $0x1  }
0x3b4: {  	v0 =	vadd.f32 v0, v26  }
0x3b5: {  	v2 =	vmul.f32 v2, v58;
	v28 =	vadd.f32 v28, v11  }
0x3b6: {  	v0 =	vadd.f32 v13, v0;
	v11 =	vld [tilespmem:$0x1F820]  }
0x3b7: {  	v4 =	vmul.f32 v4, v55;
	v13 =	vld [tilespmem:$0x1F740];
	v2 =	vadd.f32 v2, v28  }
0x3b8: {  	v0 =	vadd.f32 v12, v0;
	v12 =	vld [tilespmem:$0x1F8E0]  }
0x3b9: {  	v2 =	vadd.f32 v4, v2;
	v4 =	vmul.f32 v8, v58;
	v8 =	vld [tilespmem:$0x1F800]  }
0x3ba: {  	[tilespmem:s7+$0x16550] =	vst v10;
	v10 =	vld [tilespmem:$0x1F750]  }
0x3bb: {  	v21 =	vmul.f32 v36, v58;
	[tilespmem:s7+$0x16350] =	vst v11;
	v11 =	vld [tilespmem:$0x1F730]  }
0x3bc: {  	v1 =	vmul.f32 v1, v58;
	[tilespmem:s7+$0x15750] =	vst v56  }
0x3bd: {  	[tilespmem:s7+$0x15950] =	vst v57;
	v21 =	vadd.f32 v21, v25;
	v12 =	vadd.f32 v13, v12;
	v13 =	vmul.f32 v16, v58;
	v16 =	vld [tilespmem:$0x1F760]  }
0x3be: {  	v3 =	vmul.f32 v3, v55;
	v1 =	vadd.f32 v1, v27;
	[tilespmem:s7+$0x16150] =	vst v8;
	v8 =	vmul.f32 v14, v58;
	v14 =	vld [tilespmem:$0x1F8F0]  }
0x3bf: {  	[tilespmem:s7+$0x15B50] =	vst v62;
	v10 =	vadd.f32 v10, v51;
	v19 =	vadd.f32 v19, v21  }
0x3c0: {  	v5 =	vmul.f32 v5, v55;
	[tilespmem:s7+$0x15D50] =	vst v53;
	v1 =	vadd.f32 v3, v1;
	v11 =	vadd.f32 v11, v47  }
0x3c1: {  	s1 =	simm.s32 $0x0;
	[tilespmem:s7+$0x16950] =	vst v7;
	v7 =	vadd.f32 v13, v10;
	v3 =	vmul.f32 v6, v55;
	v6 =	vadd.f32 v22, v19  }
0x3c2: {  	v41 =	vld [tilespmem:$0x1FE90];
	[tilespmem:s7+$0x16B50] =	vst v9;
	v9 =	vmov s1;
	v1 =	vadd.f32 v59, v1;
	v4 =	vadd.f32 v4, v11  }
0x3c3: {  	v54 =	vld [tilespmem:$0x1FEC0];
	[tilespmem:s7+$0x15F50] =	vst v48;
	v8 =	vadd.f32 v8, v12;
	v11 =	vmul.f32 v20, v55;
	v14 =	vadd.f32 v16, v14  }
0x3c4: {  	v51 =	vld [tilespmem:$0x1FEB0];
	[tilespmem:s7+$0x16F50] =	vst v0;
	v16 =	vmul.f32 v18, v58;
	v4 =	vadd.f32 v5, v4;
	v5 =	vand.u32 $0x3C, v9  }
0x3c5: {  	v34 =	vld [tilespmem:$0x1FF70];
	[tilespmem:s7+$0x16D50] =	vst v6;
	v6 =	vadd.f32 v11, v7;
	v0 =	vbroadcast v5, $0x0;
	v5 =	vmul.f32 v29, v42  }
0x3c6: {  	v61 =	vld [tilespmem:$0x1FF90];
	[tilespmem:s7+$0x16750] =	vst v15;
	v12 =	vmul.f32 v17, v55;
	v10 =	vadd.f32 v16, v14;
	v4 =	vadd.f32 v50, v4  }
0x3c7: {  	v57 =	vld [tilespmem:$0x1FEE0];
	[tilespmem:s7+$0x17150] =	vst v1;
	v1 =	vmul.f32 v24, v42;
	v3 =	vadd.f32 v3, v8;
	v5 =	vadd.f32 v5, v6  }
0x3c8: {  	v46 =	vld [tilespmem:$0x1FED0];
	v2 =	vadd.f32 v23, v2;
	v7 =	vadd.f32 v12, v10;
	[tilespmem:s7+$0x17550] =	vst v4;
	v4 =	vor.u32 v41, v0  }
0x3c9: {  	v3 =	vadd.f32 v49, v3;
	v50 =	vld [tilespmem:$0x1FEA0];
	[tilespmem:s7+$0x17950] =	vst v5;
	v5 =	vor.u32 v51, v0  }
0x3ca: {  	v62 =	vld [tilespmem:$0x1FEF0];
	[tilespmem:s7+$0x17350] =	vst v2;
	v1 =	vadd.f32 v1, v7  }
0x3cb: {  	v53 =	vld [tilespmem:$0x1FF80];
	[tilespmem:s7+$0x17750] =	vst v3  }
0x3cc: {  	v20 =	vld [tilespmem:$0x1FF40];
	v7 =	vor.u32 v57, v0;
	[tilespmem:s7+$0x17B50] =	vst v1  }
0x3cd: {  	v55 =	vld.idx.msk [tilespmem:v4+s29+$0x0], $0xffff  }
0x3ce: {  	v3 =	vor.u32 v50, v0;
	v59 =	vld.idx.msk [tilespmem:v5+s29+$0x0], $0xffff  }
0x3cf: {  	v5 =	vld [tilespmem:$0x1FF00]  }
0x3d0: {  	v4 =	vld [tilespmem:$0x1FF10]  }
0x3d1: {  	v6 =	vor.u32 v46, v0;
	v58 =	vld.idx.msk [tilespmem:v7+s29+$0x0], $0xffff  }
0x3d2: {  	v7 =	vld [tilespmem:$0x1FF30]  }
0x3d3: {  	v8 =	vld.idx.msk [tilespmem:v3+s29+$0x0], $0xffff;
	v3 =	vor.u32 v62, v0  }
0x3d4: {  	v48 =	vld [tilespmem:$0x1FFA0];
	v9 =	vor.u32 v5, v0  }
0x3d5: {  	v28 =	vld [tilespmem:$0x1FF60]  }
0x3d6: {  	v44 =	vld.idx.msk [tilespmem:v6+s29+$0x0], $0xffff;
	v10 =	vor.u32 v4, v0  }
0x3d7: {  	v6 =	vld [tilespmem:$0x1FF20];
	v12 =	vor.u32 v7, v0  }
0x3d8: {  	v39 =	vld.idx.msk [tilespmem:v3+s29+$0x0], $0xffff;
	v3 =	vor.u32 v20, v0  }
0x3d9: {  	v13 =	vld.idx.msk [tilespmem:v9+s29+$0x0], $0xffff  }
0x3da: {  	v9 =	vld [tilespmem:$0x1FF50]  }
0x3db: {  	v2 =	vor.u32 v52, v0;
	v42 =	vld.idx.msk [tilespmem:v10+s29+$0x0], $0xffff  }
0x3dc: {  	v1 =	vor.u32 v54, v0;
	v38 =	vld.idx.msk [tilespmem:v12+s29+$0x0], $0xffff  }
0x3dd: {  	v11 =	vor.u32 v6, v0;
	v12 =	vld.idx.msk [tilespmem:v3+s29+$0x0], $0xffff  }
0x3de: {  	v10 =	vor.u32 v28, v0;
	v3 =	vld [tilespmem:$0x1FE80]  }
0x3df: {  	v47 =	vld [tilespmem:$0x1FFB0];
	v14 =	vor.u32 v9, v0  }
0x3e0: {  	v16 =	vor.u32 v34, v0;
	v2 =	vld.idx.msk [tilespmem:v2+s28+$0x0], $0xffff  }
0x3e1: {  	v17 =	vor.u32 v53, v0;
	v1 =	vld.idx.msk [tilespmem:v1+s29+$0x0], $0xffff  }
0x3e2: {  	s9 =	simm.s32 $0x3;
	v18 =	vor.u32 v61, v0;
	v11 =	vld.idx.msk [tilespmem:v11+s29+$0x0], $0xffff  }
0x3e3: {  	v19 =	vmov s9;
	v21 =	vor.u32 v48, v0;
	v24 =	vld.idx.msk [tilespmem:v10+s29+$0x0], $0xffff;
	v56 =	vor.u32 $0x14000, v3  }
0x3e4: {  	v3 =	vand.u32 $0x3F, v19;
	v22 =	vld.idx.msk [tilespmem:v14+s29+$0x0], $0xffff;
	v14 =	vor.u32 v47, v0;
	v0 =	vor.u32 v56, v0;
	[tilespmem:$0x1F350] =	vst v56  }
0x3e5: {  	v23 =	vbroadcast v3, $0x0;
	v25 =	vld.idx.msk [tilespmem:v16+s29+$0x0], $0xffff  }
0x3e6: {  	v15 =	vld.idx.msk [tilespmem:v17+s29+$0x0], $0xffff  }
0x3e7: {  	v16 =	vor.u32 v52, v23;
	v17 =	vld.idx.msk [tilespmem:v18+s29+$0x0], $0xffff  }
0x3e8: {  	s11 =	simm.s32 $0x2;
	v21 =	vld.idx.msk [tilespmem:v21+s29+$0x0], $0xffff  }
0x3e9: {  	s3 =	simm.s32 $0x1;
	v19 =	vmov s11;
	v40 =	vld.idx.msk [tilespmem:v0+s29+$0x0], $0xffff;
	v0 =	vor.u32 v9, v23  }
0x3ea: {  	v3 =	vmov s3;
	v26 =	vor.u32 v41, v23;
	v36 =	vld.idx.msk [tilespmem:v14+s29+$0x0], $0xffff;
	[tilespmem:$0x1F320] =	vst v0;
	v0 =	vor.u32 v28, v23  }
0x3eb: {  	v10 =	vand.u32 $0x3E, v19;
	v3 =	vand.u32 $0x3D, v3;
	[tilespmem:$0x1F370] =	vst v0;
	v0 =	vor.u32 v34, v23  }
0x3ec: {  	v49 =	vbroadcast v10, $0x0;
	v27 =	vor.u32 v50, v23;
	v43 =	vld.idx.msk [tilespmem:v16+s28+$0x0], $0xffff;
	[tilespmem:$0x1F390] =	vst v0;
	v0 =	vor.u32 v53, v23  }
0x3ed: {  	v29 =	vor.u32 v51, v23;
	v30 =	vor.u32 v54, v23;
	[tilespmem:$0x1F3B0] =	vst v0;
	v0 =	vor.u32 v61, v23  }
0x3ee: {  	v31 =	vor.u32 v46, v23;
	v60 =	vor.u32 v57, v23;
	[tilespmem:$0x1F3D0] =	vst v0;
	v0 =	vor.u32 v48, v23  }
0x3ef: {  	v3 =	vbroadcast v3, $0x0;
	v33 =	vor.u32 v62, v23;
	v26 =	vld.idx.msk [tilespmem:v26+s29+$0x0], $0xffff;
	[tilespmem:$0x1F3E0] =	vst v0;
	v0 =	vor.u32 v47, v23  }
0x3f0: {  	v35 =	vor.u32 v5, v23;
	v37 =	vor.u32 v4, v23;
	[tilespmem:$0x1F250] =	vst v0;
	v0 =	vor.u32 v56, v23  }
0x3f1: {  	v19 =	vor.u32 v7, v23;
	v45 =	vor.u32 v20, v23;
	v18 =	vor.u32 v6, v23;
	[tilespmem:$0x1F260] =	vst v0  }
0x3f2: {  	v14 =	vor.u32 v46, v49;
	v48 =	vor.u32 v50, v49;
	v47 =	vor.u32 v41, v49;
	v23 =	vld.idx.msk [tilespmem:v27+s29+$0x0], $0xffff  }
0x3f3: {  	v0 =	vor.u32 v52, v3;
	v29 =	vld.idx.msk [tilespmem:v29+s29+$0x0], $0xffff;
	[tilespmem:$0x1F380] =	vst v14;
	v14 =	vor.u32 v57, v49  }
0x3f4: {  	v27 =	vor.u32 v52, v49;
	v52 =	vor.u32 v62, v49;
	v30 =	vld.idx.msk [tilespmem:v30+s29+$0x0], $0xffff;
	[tilespmem:$0x1F3A0] =	vst v14  }
0x3f5: {  	v56 =	vmul.f32 v8, v2;
	v14 =	vor.u32 v41, v3;
	v31 =	vld.idx.msk [tilespmem:v31+s29+$0x0], $0xffff;
	[tilespmem:$0x1F3C0] =	vst v52  }
0x3f6: {  	v8 =	vor.u32 v50, v3;
	v50 =	vmul.f32 v58, v2;
	v58 =	vmul.f32 v42, v2;
	v41 =	vld.idx.msk [tilespmem:v60+s29+$0x0], $0xffff  }
0x3f7: {  	v11 =	vmul.f32 v11, v2;
	v33 =	vld.idx.msk [tilespmem:v33+s29+$0x0], $0xffff  }
0x3f8: {  	v0 =	vld.idx.msk [tilespmem:v0+s28+$0x0], $0xffff;
	[tilespmem:$0x1F430] =	vst v58  }
0x3f9: {  	[tilespmem:$0x1F440] =	vst v11  }
0x3fa: {  	v12 =	vmul.f32 v12, v2;
	v11 =	vld.idx.msk [tilespmem:v14+s29+$0x0], $0xffff;
	v14 =	vor.u32 v4, v49  }
0x3fb: {  	[tilespmem:$0x1F3F0] =	vst v14;
	v14 =	vmul.f32 v38, v2  }
0x3fc: {  	[tilespmem:$0x1F280] =	vst v12  }
0x3fd: {  	[tilespmem:$0x1F270] =	vst v14  }
0x3fe: {  	v12 =	vld.idx.msk [tilespmem:v8+s29+$0x0], $0xffff;
	v8 =	vmul.f32 v22, v2;
	_ =	sdelay $0x1  }
0x3ff: {  	[tilespmem:$0x1F290] =	vst v8;
	v8 =	vmul.f32 v24, v2;
	_ =	sdelay $0x1  }
0x400: {  	v60 =	vmul.f32 v1, v2;
	[tilespmem:$0x1F2A0] =	vst v8;
	v8 =	vor.u32 v7, v49  }
0x401: {  	v1 =	vor.u32 v51, v3;
	v58 =	vld.idx.msk [tilespmem:v27+s28+$0x0], $0xffff;
	[tilespmem:$0x1F410] =	vst v8;
	v8 =	vmul.f32 v25, v2;
	_ =	sdelay $0x1  }
0x402: {  	[tilespmem:$0x1F2B0] =	vst v8;
	v8 =	vmul.f32 v15, v2;
	_ =	sdelay $0x1  }
0x403: {  	[tilespmem:$0x1F2C0] =	vst v8  }
0x404: {  	v15 =	vld.idx.msk [tilespmem:v1+s29+$0x0], $0xffff;
	v1 =	vor.u32 v20, v49  }
0x405: {  	[tilespmem:$0x1F420] =	vst v1;
	v1 =	vmul.f32 v17, v2  }
0x406: {  	v10 =	vor.u32 v51, v49;
	v51 =	vmul.f32 v13, v2;
	v13 =	vor.u32 v54, v3  }
0x407: {  	[tilespmem:$0x1F2D0] =	vst v1;
	v1 =	vmul.f32 v21, v2;
	_ =	sdelay $0x1  }
0x408: {  	[tilespmem:$0x1F2E0] =	vst v1;
	v1 =	vmul.f32 v36, v2  }
0x409: {  	v55 =	vmul.f32 v55, v2  }
0x40a: {  	v16 =	vor.u32 v54, v49;
	v13 =	vld.idx.msk [tilespmem:v13+s29+$0x0], $0xffff;
	[tilespmem:$0x1F2F0] =	vst v1;
	v1 =	vmul.f32 v40, v2  }
0x40b: {  	v63 =	vimm.f32 $0.0e+00  }
0x40c: {  	v11 =	vmul.f32 v11, v0;
	v21 =	vadd.f32 v55, v63;
	v17 =	vld.idx.msk [tilespmem:v47+s29+$0x0], $0xffff;
	[tilespmem:$0x1F300] =	vst v1  }
0x40d: {  	v22 =	vld.idx.msk [tilespmem:v48+s29+$0x0], $0xffff  }
0x40e: {  	v59 =	vmul.f32 v59, v2;
	v11 =	vadd.f32 v11, v21;
	v21 =	vld.idx.msk [tilespmem:v10+s29+$0x0], $0xffff  }
0x40f: {  	v44 =	vmul.f32 v44, v2;
	v32 =	vmul.f32 v39, v2;
	v25 =	vld.idx.msk [tilespmem:v16+s29+$0x0], $0xffff  }
0x410: {  	v54 =	vor.u32 v5, v49;
	v27 =	vadd.f32 v59, v63;
	v15 =	vmul.f32 v15, v0;
	v2 =	vld.idx.msk [tilespmem:v35+s29+$0x0], $0xffff  }
0x411: {  	v24 =	vadd.f32 v56, v63;
	v12 =	vmul.f32 v12, v0;
	v1 =	vor.u32 v34, v49;
	v36 =	vld.idx.msk [tilespmem:v37+s29+$0x0], $0xffff  }
0x412: {  	v15 =	vadd.f32 v15, v27;
	v27 =	vor.u32 v57, v3;
	[tilespmem:$0x1F310] =	vst v1;
	v1 =	vor.u32 v5, v3;
	v5 =	vld [tilespmem:$0x1F320];
	_ =	sdelay $0x1  }
0x413: {  	v24 =	vadd.f32 v12, v24;
	v12 =	vadd.f32 v60, v63;
	v13 =	vmul.f32 v13, v0  }
0x414: {  	v59 =	vor.u32 v46, v3;
	v16 =	vld [tilespmem:$0x1FFB0]  }
0x415: {  	v38 =	vld.idx.msk [tilespmem:v18+s29+$0x0], $0xffff;
	v17 =	vmul.f32 v17, v58;
	v46 =	vadd.f32 v13, v12;
	v13 =	vmul.f32 v22, v58  }
0x416: {  	v23 =	vmul.f32 v23, v43;
	v27 =	vld.idx.msk [tilespmem:v27+s29+$0x0], $0xffff  }
0x417: {  	v12 =	vld [tilespmem:$0x1F350];
	v11 =	vadd.f32 v17, v11;
	v17 =	vmul.f32 v21, v58;
	v21 =	vadd.f32 v13, v24  }
0x418: {  	v47 =	vor.u32 v62, v3;
	v22 =	vld.idx.msk [tilespmem:v19+s29+$0x0], $0xffff  }
0x419: {  	v35 =	vld.idx.msk [tilespmem:v5+s29+$0x0], $0xffff;
	v5 =	vadd.f32 v23, v21  }
0x41a: {  	v24 =	vld.idx.msk [tilespmem:v45+s29+$0x0], $0xffff;
	v48 =	vadd.f32 v17, v15  }
0x41b: {  	v17 =	vmul.f32 v26, v43;
	v26 =	vld.idx.msk [tilespmem:v59+s29+$0x0], $0xffff;
	[tilespmem:$0x1F330] =	vst v5;
	v5 =	vor.u32 v16, v49  }
0x41c: {  	[tilespmem:$0x1F340] =	vst v5;
	v5 =	vor.u32 v12, v49  }
0x41d: {  	v23 =	vld.idx.msk [tilespmem:v47+s29+$0x0], $0xffff;
	[tilespmem:$0x1F360] =	vst v5  }
0x41e: {  	v52 =	vld.idx.msk [tilespmem:v1+s29+$0x0], $0xffff  }
0x41f: {  	v1 =	vld [tilespmem:$0x1F380];
	_ =	sdelay $0x3  }
0x420: {  	v25 =	vmul.f32 v25, v58;
	_ =	sdelay $0x1  }
0x421: {  	v25 =	vadd.f32 v25, v46;
	v21 =	vmul.f32 v30, v43;
	_ =	sdelay $0x1  }
0x422: {  	v59 =	vadd.f32 v21, v25;
	v25 =	vld.idx.msk [tilespmem:v1+s29+$0x0], $0xffff  }
0x423: {  	v1 =	vld [tilespmem:$0x1F390];
	_ =	sdelay $0x7  }
0x424: {  	v8 =	vld.idx.msk [tilespmem:v1+s29+$0x0], $0xffff  }
0x425: {  	v1 =	vld [tilespmem:$0x1F3A0];
	_ =	sdelay $0x7  }
0x426: {  	v45 =	vmul.f32 v31, v43;
	v31 =	vld.idx.msk [tilespmem:v1+s29+$0x0], $0xffff  }
0x427: {  	v1 =	vld [tilespmem:$0x1F3B0]  }
0x428: {  	v14 =	vor.u32 v6, v49;
	v40 =	vor.u32 v6, v3;
	v6 =	vld [tilespmem:$0x1F3D0];
	_ =	sdelay $0x1  }
0x429: {  	v5 =	vld [tilespmem:$0x1F370];
	_ =	sdelay $0x4  }
0x42a: {  	v46 =	vld.idx.msk [tilespmem:v1+s29+$0x0], $0xffff  }
0x42b: {  	v1 =	vmul.f32 v33, v43;
	v33 =	vld.idx.msk [tilespmem:v6+s29+$0x0], $0xffff  }
0x42c: {  	v6 =	vld [tilespmem:$0x1F3E0]  }
0x42d: {  	v42 =	vld.idx.msk [tilespmem:v5+s29+$0x0], $0xffff  }
0x42e: {  	v5 =	vld [tilespmem:$0x1F3C0];
	_ =	sdelay $0x2  }
0x42f: {  	v18 =	vld [tilespmem:$0x1FFA0];
	_ =	sdelay $0x1  }
0x430: {  	v29 =	vmul.f32 v29, v43  }
0x431: {  	v56 =	vor.u32 v28, v49;
	v55 =	vor.u32 v9, v49;
	v62 =	vadd.f32 v50, v63;
	v50 =	vld.idx.msk [tilespmem:v6+s29+$0x0], $0xffff  }
0x432: {  	v13 =	vor.u32 v53, v49;
	v15 =	vor.u32 v61, v49;
	v60 =	vadd.f32 v17, v11;
	v6 =	vld [tilespmem:$0x1F3F0]  }
0x433: {  	v17 =	vor.u32 v18, v49;
	v49 =	vadd.f32 v29, v48;
	v48 =	vmul.f32 v41, v43;
	v41 =	vld.idx.msk [tilespmem:v5+s29+$0x0], $0xffff;
	_ =	sdelay $0x2  }
0x434: {  	v29 =	vor.u32 v4, v3;
	v4 =	vadd.f32 v32, v63;
	v23 =	vmul.f32 v23, v0  }
0x435: {  	v27 =	vmul.f32 v27, v0;
	v21 =	vadd.f32 v44, v63  }
0x436: {  	v44 =	vor.u32 v7, v3;
	v4 =	vadd.f32 v23, v4;
	v7 =	vmul.f32 v41, v58  }
0x437: {  	v39 =	vadd.f32 v27, v62  }
0x438: {  	v4 =	vadd.f32 v7, v4;
	v31 =	vmul.f32 v31, v58;
	v30 =	vld.idx.msk [tilespmem:v6+s29+$0x0], $0xffff;
	v6 =	vmul.f32 v35, v43  }
0x439: {  	v57 =	vmul.f32 v2, v43;
	v2 =	vld.idx.msk [tilespmem:v54+s29+$0x0], $0xffff  }
0x43a: {  	[tilespmem:$0x1F400] =	vst v6;
	v6 =	vadd.f32 v31, v39;
	v39 =	vor.u32 v53, v3;
	v53 =	vadd.f32 v1, v4;
	v1 =	vld [tilespmem:$0x1F420];
	_ =	sdelay $0x2  }
0x43b: {  	v35 =	vld.idx.msk [tilespmem:v14+s29+$0x0], $0xffff  }
0x43c: {  	v26 =	vmul.f32 v26, v0;
	_ =	sdelay $0x1  }
0x43d: {  	v21 =	vadd.f32 v26, v21;
	v26 =	vmul.f32 v52, v0;
	v5 =	vadd.f32 v51, v63;
	_ =	sdelay $0x1  }
0x43e: {  	v5 =	vadd.f32 v26, v5;
	v26 =	vmul.f32 v36, v43;
	v36 =	vmul.f32 v35, v58;
	v35 =	vld.idx.msk [tilespmem:v1+s29+$0x0], $0xffff  }
0x43f: {  	v2 =	vmul.f32 v2, v58;
	v23 =	vmul.f32 v25, v58;
	v1 =	vld [tilespmem:$0x1F430]  }
0x440: {  	v37 =	vor.u32 v28, v3  }
0x441: {  	v19 =	vmul.f32 v38, v43;
	v10 =	vadd.f32 v23, v21;
	v5 =	vadd.f32 v2, v5;
	v2 =	vld [tilespmem:$0x1F410]  }
0x442: {  	v38 =	vor.u32 v34, v3;
	v11 =	vor.u32 v9, v3;
	v28 =	vmul.f32 v22, v43  }
0x443: {  	v47 =	vor.u32 v20, v3;
	v51 =	vadd.f32 v45, v10;
	v10 =	vimm.f32 $0.0e+00;
	v40 =	vld.idx.msk [tilespmem:v40+s29+$0x0], $0xffff  }
0x444: {  	v27 =	vmul.f32 v24, v43;
	v54 =	vadd.f32 v48, v6;
	v48 =	vadd.f32 v1, v10;
	v1 =	vld [tilespmem:$0x1F440]  }
0x445: {  	v32 =	vor.u32 v12, v3;
	v12 =	vimm.f32 $0.0e+00;
	v24 =	vimm.f32 $0.0e+00  }
0x446: {  	v63 =	vmul.f32 v42, v43;
	v21 =	vmul.f32 v8, v43;
	v41 =	vadd.f32 v57, v5;
	v62 =	vld.idx.msk [tilespmem:v29+s29+$0x0], $0xffff  }
0x447: {  	v57 =	vimm.f32 $0.0e+00;
	v23 =	vmul.f32 v46, v43;
	v52 =	vmul.f32 v33, v43;
	v7 =	vld.idx.msk [tilespmem:v44+s29+$0x0], $0xffff  }
0x448: {  	v33 =	vor.u32 v16, v3;
	v50 =	vmul.f32 v50, v43;
	v31 =	vor.u32 v18, v3;
	v44 =	vld.idx.msk [tilespmem:v47+s29+$0x0], $0xffff  }
0x449: {  	v45 =	vld.idx.msk [tilespmem:v2+s29+$0x0], $0xffff;
	v47 =	vmul.f32 v40, v0;
	v40 =	vadd.f32 v1, v10;
	v1 =	vimm.f32 $0.0e+00  }
0x44a: {  	v29 =	vor.u32 v61, v3;
	v4 =	vld.idx.msk [tilespmem:v55+s29+$0x0], $0xffff;
	v61 =	vimm.f32 $0.0e+00;
	[tilespmem:$0x1F450] =	vst v1;
	v1 =	vimm.f32 $0.0e+00  }
0x44b: {  	v55 =	vimm.f32 $0.0e+00;
	v42 =	vmul.f32 v30, v58;
	v46 =	vmul.f32 v62, v0;
	v5 =	vld.idx.msk [tilespmem:v56+s29+$0x0], $0xffff;
	[tilespmem:$0x1F460] =	vst v1  }
0x44c: {  	s3 =	simm.s32 $0x4;
	v34 =	vmul.f32 v7, v0;
	v62 =	vimm.f32 $0.0e+00;
	v56 =	vimm.f32 $0.0e+00;
	v30 =	vld.idx.msk [tilespmem:v11+s29+$0x0], $0xffff  }
.LBB2_7:
0x44d: {  	v1 =	vld [tilespmem:$0x1F270];
	_ =	sdelay $0x4  }
0x44e: {  	v16 =	vadd.f32 v1, v10;
	v1 =	vld [tilespmem:$0x1F280];
	_ =	sdelay $0x4  }
0x44f: {  	v3 =	vadd.f32 v1, v12;
	v1 =	vld [tilespmem:$0x1F310];
	_ =	sdelay $0x3  }
0x450: {  	[tilespmem:$0x1F0F0] =	vst v51;
	v51 =	vadd.f32 v46, v48;
	_ =	sdelay $0x1  }
0x451: {  	[tilespmem:$0x1F070] =	vst v59;
	v40 =	vadd.f32 v47, v40;
	v59 =	vadd.f32 v42, v51  }
0x452: {  	[tilespmem:$0x1F120] =	vst v53;
	v53 =	vmul.f32 v45, v58;
	v16 =	vadd.f32 v34, v16  }
0x453: {  	v36 =	vadd.f32 v36, v40;
	v14 =	vmul.f32 v44, v0;
	v12 =	vld.idx.msk [tilespmem:v1+s29+$0x0], $0xffff;
	v1 =	vadd.f32 v26, v59  }
0x454: {  	[tilespmem:$0x1F100] =	vst v54;
	v16 =	vadd.f32 v53, v16  }
0x455: {  	v54 =	vmul.f32 v35, v58;
	v3 =	vadd.f32 v14, v3;
	[tilespmem:$0x1F200] =	vst v1;
	v1 =	vadd.f32 v19, v36;
	_ =	sdelay $0x1  }
0x456: {  	v3 =	vadd.f32 v54, v3;
	[tilespmem:$0x1F220] =	vst v1;
	v1 =	vadd.f32 v28, v16;
	_ =	sdelay $0x1  }
0x457: {  	[tilespmem:$0x1F1D0] =	vst v1;
	v1 =	vadd.f32 v27, v3;
	_ =	sdelay $0x1  }
0x458: {  	[tilespmem:$0x1F1C0] =	vst v1;
	v1 =	vld [tilespmem:$0x1F290];
	_ =	sdelay $0x3  }
0x459: {  	v2 =	vld [tilespmem:$0x1F2A0]  }
0x45a: {  	v8 =	vadd.f32 v1, v24;
	v1 =	vld [tilespmem:$0x1F450];
	_ =	sdelay $0x4  }
0x45b: {  	v6 =	vadd.f32 v2, v1;
	v1 =	vld [tilespmem:$0x1F460]  }
0x45c: {  	v2 =	vld [tilespmem:$0x1F2B0];
	_ =	sdelay $0x4  }
0x45d: {  	v9 =	vadd.f32 v2, v1;
	v1 =	vld [tilespmem:$0x1F2C0];
	_ =	sdelay $0x4  }
0x45e: {  	v7 =	vadd.f32 v1, v62;
	v1 =	vld [tilespmem:$0x1F340];
	_ =	sdelay $0x3  }
0x45f: {  	v30 =	vmul.f32 v30, v0;
	_ =	sdelay $0x1  }
0x460: {  	v4 =	vmul.f32 v4, v58;
	v8 =	vadd.f32 v30, v8;
	_ =	sdelay $0x1  }
0x461: {  	v4 =	vadd.f32 v4, v8;
	v8 =	vld.idx.msk [tilespmem:v1+s29+$0x0], $0xffff  }
0x462: {  	v1 =	vld [tilespmem:$0x1F360];
	_ =	sdelay $0x4  }
0x463: {  	v37 =	vld.idx.msk [tilespmem:v37+s29+$0x0], $0xffff;
	_ =	sdelay $0x2  }
0x464: {  	v10 =	vld.idx.msk [tilespmem:v1+s29+$0x0], $0xffff  }
0x465: {  	v1 =	vld [tilespmem:$0x1F400]  }
0x466: {  	v25 =	vmul.f32 v37, v0;
	_ =	sdelay $0x1  }
0x467: {  	v5 =	vmul.f32 v5, v58;
	v6 =	vadd.f32 v25, v6;
	_ =	sdelay $0x1  }
0x468: {  	v5 =	vadd.f32 v5, v6;
	v1 =	vadd.f32 v1, v4  }
0x469: {  	v38 =	vld.idx.msk [tilespmem:v38+s29+$0x0], $0xffff  }
0x46a: {  	[tilespmem:$0x1F020] =	vst v1;
	v1 =	vadd.f32 v63, v5  }
0x46b: {  	v14 =	vld.idx.msk [tilespmem:v39+s29+$0x0], $0xffff  }
0x46c: {  	[tilespmem:$0x1F450] =	vst v1;
	v1 =	vld [tilespmem:$0x1F250]  }
0x46d: {  	v13 =	vld.idx.msk [tilespmem:v13+s29+$0x0], $0xffff  }
0x46e: {  	v16 =	vmul.f32 v38, v0;
	_ =	sdelay $0x1  }
0x46f: {  	v14 =	vmul.f32 v14, v0;
	v12 =	vmul.f32 v12, v58;
	v9 =	vadd.f32 v16, v9;
	_ =	sdelay $0x1  }
0x470: {  	v13 =	vmul.f32 v13, v58;
	v9 =	vadd.f32 v12, v9;
	v7 =	vadd.f32 v14, v7;
	_ =	sdelay $0x1  }
0x471: {  	v7 =	vadd.f32 v13, v7;
	v4 =	vld.idx.msk [tilespmem:v1+s29+$0x0], $0xffff;
	v1 =	vadd.f32 v21, v9;
	_ =	sdelay $0x1  }
0x472: {  	[tilespmem:$0x1F460] =	vst v1;
	v1 =	vadd.f32 v23, v7;
	_ =	sdelay $0x1  }
0x473: {  	[tilespmem:$0x1F1F0] =	vst v1;
	v1 =	vld [tilespmem:$0x1F260];
	_ =	sdelay $0x5  }
0x474: {  	v15 =	vld.idx.msk [tilespmem:v15+s29+$0x0], $0xffff  }
0x475: {  	v2 =	vld [tilespmem:$0x1F2F0]  }
0x476: {  	v7 =	vld.idx.msk [tilespmem:v1+s29+$0x0], $0xffff  }
0x477: {  	v1 =	vld [tilespmem:$0x1F2D0]  }
0x478: {  	v26 =	vld.idx.msk [tilespmem:v29+s29+$0x0], $0xffff  }
0x479: {  	v27 =	vld.idx.msk [tilespmem:v31+s29+$0x0], $0xffff  }
0x47a: {  	v25 =	vld.idx.msk [tilespmem:v33+s29+$0x0], $0xffff  }
0x47b: {  	v6 =	vmul.f32 v15, v58;
	v15 =	vadd.f32 v2, v57;
	v2 =	vld [tilespmem:$0x1F300]  }
0x47c: {  	v9 =	vadd.f32 v1, v56;
	v1 =	vld [tilespmem:$0x1F2E0]  }
0x47d: {  	v14 =	vld.idx.msk [tilespmem:v32+s29+$0x0], $0xffff  }
0x47e: {  	v17 =	vld.idx.msk [tilespmem:v17+s29+$0x0], $0xffff;
	_ =	sdelay $0x2  }
0x47f: {  	v12 =	vmul.f32 v26, v0;
	v5 =	vmul.f32 v27, v0;
	v1 =	vadd.f32 v1, v61  }
0x480: {  	v13 =	vmul.f32 v25, v0;
	v2 =	vadd.f32 v2, v55;
	v0 =	vmul.f32 v14, v0  }
0x481: {  	v11 =	vmul.f32 v17, v58;
	v1 =	vadd.f32 v5, v1  }
0x482: {  	v0 =	vadd.f32 v0, v2;
	v2 =	vmul.f32 v10, v58  }
0x483: {  	v1 =	vadd.f32 v11, v1  }
0x484: {  	v18 =	vld [tilespmem:$0x1FF50];
	v0 =	vadd.f32 v2, v0;
	v9 =	vadd.f32 v12, v9  }
0x485: {  	v45 =	vld [tilespmem:$0x1FE90];
	v2 =	vmul.f32 v7, v43;
	v7 =	vmov s3;
	v1 =	vadd.f32 v50, v1  }
0x486: {  	v20 =	vld [tilespmem:$0x1FF70];
	v6 =	vadd.f32 v6, v9;
	v5 =	vmul.f32 v8, v58;
	v8 =	vadd.f32 v13, v15  }
0x487: {  	v16 =	vld [tilespmem:$0x1FEB0];
	v4 =	vmul.f32 v4, v43;
	v0 =	vadd.f32 v2, v0;
	[tilespmem:$0x1F080] =	vst v1;
	v1 =	vand.u32 $0x3C, v7  }
0x488: {  	v53 =	vld [tilespmem:$0x1FEC0];
	v3 =	vadd.f32 v52, v6;
	v5 =	vadd.f32 v5, v8;
	v2 =	vbroadcast v1, $0x0  }
0x489: {  	v22 =	vld [tilespmem:$0x1FFA0]  }
0x48a: {  	v47 =	vld [tilespmem:$0x1FEA0];
	[tilespmem:$0x1F090] =	vst v3;
	v3 =	vadd.f32 v4, v5;
	v1 =	vor.u32 v45, v2  }
0x48b: {  	v62 =	vld [tilespmem:$0x1FEE0]  }
0x48c: {  	[tilespmem:$0x1F0A0] =	vst v3;
	v3 =	vld [tilespmem:$0x1FED0];
	v5 =	vor.u32 v16, v2  }
0x48d: {  	v29 =	vld [tilespmem:$0x1FF90];
	v6 =	vor.u32 v53, v2  }
0x48e: {  	v19 =	vld [tilespmem:$0x1FF60]  }
0x48f: {  	v1 =	vld.idx.msk [tilespmem:v1+s29+$0x0], $0xffff  }
0x490: {  	v9 =	vld [tilespmem:$0x1FF00];
	v8 =	vor.u32 v62, v2  }
0x491: {  	v7 =	vor.u32 v3, v2;
	v5 =	vld.idx.msk [tilespmem:v5+s29+$0x0], $0xffff  }
0x492: {  	v44 =	vld.idx.msk [tilespmem:v6+s29+$0x0], $0xffff  }
0x493: {  	v6 =	vld [tilespmem:$0x1FF10]  }
0x494: {  	v4 =	vor.u32 v47, v2;
	[tilespmem:$0x1EF90] =	vst v1;
	v1 =	vld [tilespmem:$0x1FEF0]  }
0x495: {  	v42 =	vld.idx.msk [tilespmem:v8+s29+$0x0], $0xffff  }
0x496: {  	v7 =	vld.idx.msk [tilespmem:v7+s29+$0x0], $0xffff  }
0x497: {  	v8 =	vld [tilespmem:$0x1FF30];
	[tilespmem:$0x1EFA0] =	vst v5;
	v5 =	vor.u32 v9, v2  }
0x498: {  	v24 =	vld [tilespmem:$0x1FFB0];
	v10 =	vor.u32 v6, v2  }
0x499: {  	v34 =	vld.idx.msk [tilespmem:v4+s29+$0x0], $0xffff;
	v4 =	vor.u32 v1, v2  }
0x49a: {  	v14 =	vld [tilespmem:$0x1FF40]  }
0x49b: {  	[tilespmem:$0x1EFB0] =	vst v7;
	v7 =	vld [tilespmem:$0x1FF20]  }
0x49c: {  	v12 =	vor.u32 v8, v2;
	v36 =	vld.idx.msk [tilespmem:v5+s29+$0x0], $0xffff  }
0x49d: {  	v5 =	vor.u32 v18, v2;
	v10 =	vld.idx.msk [tilespmem:v10+s29+$0x0], $0xffff  }
0x49e: {  	v4 =	vld.idx.msk [tilespmem:v4+s29+$0x0], $0xffff  }
0x49f: {  	v21 =	vld [tilespmem:$0x1FF80]  }
0x4a0: {  	v61 =	vld [tilespmem:$0x1FE30]  }
0x4a1: {  	v12 =	vld.idx.msk [tilespmem:v12+s29+$0x0], $0xffff;
	v11 =	vor.u32 v7, v2  }
0x4a2: {  	[tilespmem:$0x1EFD0] =	vst v10;
	v10 =	vor.u32 v19, v2;
	v5 =	vld.idx.msk [tilespmem:v5+s29+$0x0], $0xffff  }
0x4a3: {  	v25 =	vld [tilespmem:$0x1F350];
	[tilespmem:$0x1EFC0] =	vst v4;
	v4 =	vor.u32 v14, v2;
	_ =	sdelay $0x1  }
0x4a4: {  	[tilespmem:$0x1F160] =	vst v0  }
0x4a5: {  	s1 =	sadd.s32 $0x3, s3;
	v0 =	vor.u32 v61, v2;
	[tilespmem:$0x1EFE0] =	vst v12;
	v12 =	vor.u32 v21, v2;
	v48 =	vld.idx.msk [tilespmem:v11+s29+$0x0], $0xffff  }
0x4a6: {  	v13 =	vmov s1;
	v11 =	vor.u32 v20, v2;
	[tilespmem:$0x1EFF0] =	vst v5;
	v5 =	vor.u32 v22, v2;
	v23 =	vld.idx.msk [tilespmem:v10+s29+$0x0], $0xffff  }
0x4a7: {  	v10 =	vor.u32 v24, v2;
	v46 =	vld.idx.msk [tilespmem:v4+s29+$0x0], $0xffff;
	v4 =	vor.u32 v29, v2;
	v2 =	vor.u32 v25, v2  }
0x4a8: {  	s11 =	sadd.s32 $0x2, s3;
	v13 =	vand.u32 $0x3F, v13  }
0x4a9: {  	v15 =	vmov s11;
	v13 =	vbroadcast v13, $0x0  }
0x4aa: {  	v15 =	vand.u32 $0x3E, v15  }
0x4ab: {  	v27 =	vbroadcast v15, $0x0;
	v15 =	vor.u32 v53, v13  }
0x4ac: {  	[tilespmem:$0x1F130] =	vst v41;
	v37 =	vor.u32 v9, v13;
	v26 =	vld.idx.msk [tilespmem:v2+s29+$0x0], $0xffff;
	v2 =	vor.u32 v24, v13  }
0x4ad: {  	v41 =	vor.u32 v14, v13;
	v11 =	vld.idx.msk [tilespmem:v11+s29+$0x0], $0xffff;
	[tilespmem:$0x1F250] =	vst v2;
	v2 =	vor.u32 v25, v13  }
0x4ae: {  	v58 =	vor.u32 v18, v13;
	v63 =	vor.u32 v19, v13;
	[tilespmem:$0x1F260] =	vst v2;
	v2 =	vor.u32 v53, v27  }
0x4af: {  	v50 =	vor.u32 v20, v13;
	v0 =	vld.idx.msk [tilespmem:v0+s28+$0x0], $0xffff;
	[tilespmem:$0x1F010] =	vst v2;
	v2 =	vor.u32 v3, v27  }
0x4b0: {  	v51 =	vor.u32 v21, v13;
	v52 =	vor.u32 v29, v13;
	[tilespmem:$0x1F030] =	vst v2;
	v2 =	vld.idx.msk [tilespmem:v15+s29+$0x0], $0xffff  }
0x4b1: {  	s9 =	sadd.s32 $0x1, s3;
	v54 =	vor.u32 v22, v13;
	v56 =	vor.u32 v45, v27;
	v17 =	vor.u32 v3, v13;
	v15 =	vld [tilespmem:$0x1EFB0]  }
0x4b2: {  	v38 =	vor.u32 v6, v13;
	v40 =	vor.u32 v8, v13;
	v35 =	vld.idx.msk [tilespmem:v12+s29+$0x0], $0xffff;
	[tilespmem:$0x1F000] =	vst v11;
	v11 =	vmov s9  }
0x4b3: {  	v33 =	vor.u32 v1, v13;
	v39 =	vor.u32 v7, v13;
	v28 =	vld.idx.msk [tilespmem:v5+s29+$0x0], $0xffff;
	v11 =	vand.u32 $0x3D, v11  }
0x4b4: {  	v12 =	vor.u32 v61, v13;
	v5 =	vor.u32 v16, v13;
	v31 =	vld.idx.msk [tilespmem:v10+s29+$0x0], $0xffff;
	v32 =	vbroadcast v11, $0x0  }
0x4b5: {  	v10 =	vor.u32 v62, v13;
	v11 =	vor.u32 v47, v13;
	v30 =	vld.idx.msk [tilespmem:v4+s29+$0x0], $0xffff;
	v4 =	vor.u32 v45, v13  }
0x4b6: {  	v13 =	vor.u32 v45, v32;
	v45 =	vmul.f32 v15, v0;
	v15 =	vmul.f32 v42, v0;
	_ =	sdelay $0x1  }
0x4b7: {  	[tilespmem:$0x1F110] =	vst v15;
	v15 =	vld [tilespmem:$0x1EFC0];
	_ =	sdelay $0x3  }
0x4b8: {  	v57 =	vor.u32 v47, v27;
	v59 =	vld.idx.msk [tilespmem:v5+s29+$0x0], $0xffff;
	v5 =	vor.u32 v16, v27;
	v42 =	vor.u32 v47, v32  }
0x4b9: {  	v47 =	vmul.f32 v15, v0;
	v15 =	vmul.f32 v36, v0;
	v36 =	vor.u32 v16, v32;
	v16 =	vld [tilespmem:$0x1EFD0];
	_ =	sdelay $0x4  }
0x4ba: {  	v16 =	vmul.f32 v16, v0  }
0x4bb: {  	[tilespmem:$0x1F060] =	vst v49  }
0x4bc: {  	v49 =	vld.idx.msk [tilespmem:v4+s29+$0x0], $0xffff;
	v4 =	vor.u32 v62, v27;
	[tilespmem:$0x1F210] =	vst v16;
	v16 =	vmul.f32 v48, v0  }
0x4bd: {  	[tilespmem:$0x1F040] =	vst v4  }
0x4be: {  	v4 =	vor.u32 v1, v27;
	[tilespmem:$0x1F230] =	vst v16;
	v16 =	vld [tilespmem:$0x1EFE0]  }
0x4bf: {  	[tilespmem:$0x1F0B0] =	vst v4;
	v4 =	vor.u32 v9, v27  }
0x4c0: {  	[tilespmem:$0x1F0C0] =	vst v4;
	v4 =	vor.u32 v6, v27  }
0x4c1: {  	[tilespmem:$0x1F0D0] =	vst v4;
	v4 =	vor.u32 v7, v27  }
0x4c2: {  	[tilespmem:$0x1F0E0] =	vst v4;
	v4 =	vor.u32 v8, v27  }
0x4c3: {  	[tilespmem:$0x1F190] =	vst v4;
	v4 =	vor.u32 v14, v27;
	v16 =	vmul.f32 v16, v0  }
0x4c4: {  	[tilespmem:$0x1F1A0] =	vst v4  }
0x4c5: {  	v4 =	vor.u32 v18, v27;
	[tilespmem:$0x1F270] =	vst v16;
	v16 =	vmul.f32 v46, v0;
	v46 =	vor.u32 v3, v32;
	v3 =	vld [tilespmem:$0x1EFF0]  }
0x4c6: {  	[tilespmem:$0x1F1B0] =	vst v4;
	v4 =	vor.u32 v19, v27  }
0x4c7: {  	[tilespmem:$0x1F1E0] =	vst v4;
	v4 =	vor.u32 v20, v27  }
0x4c8: {  	[tilespmem:$0x1F310] =	vst v4;
	v4 =	vor.u32 v21, v27  }
0x4c9: {  	[tilespmem:$0x1F170] =	vst v4;
	v4 =	vor.u32 v29, v27  }
0x4ca: {  	[tilespmem:$0x1F180] =	vst v4;
	v4 =	vor.u32 v22, v27;
	v3 =	vmul.f32 v3, v0  }
0x4cb: {  	[tilespmem:$0x1F150] =	vst v4  }
0x4cc: {  	[tilespmem:$0x1F290] =	vst v3  }
0x4cd: {  	v3 =	vmul.f32 v23, v0;
	v23 =	vld.idx.msk [tilespmem:v51+s29+$0x0], $0xffff;
	v51 =	vor.u32 v1, v32;
	v1 =	vmul.f32 v30, v0  }
0x4ce: {  	v43 =	vld.idx.msk [tilespmem:v12+s28+$0x0], $0xffff;
	[tilespmem:$0x1F140] =	vst v15  }
0x4cf: {  	v4 =	vor.u32 v24, v27;
	v15 =	vld.idx.msk [tilespmem:v58+s29+$0x0], $0xffff;
	[tilespmem:$0x1F2D0] =	vst v1;
	v1 =	vmul.f32 v28, v0  }
0x4d0: {  	[tilespmem:$0x1F340] =	vst v4  }
0x4d1: {  	[tilespmem:$0x1F2E0] =	vst v1;
	v1 =	vmul.f32 v31, v0  }
0x4d2: {  	[tilespmem:$0x1F2A0] =	vst v3;
	v3 =	vld [tilespmem:$0x1F000]  }
0x4d3: {  	[tilespmem:$0x1F2F0] =	vst v1;
	v1 =	vor.u32 v18, v32  }
0x4d4: {  	v4 =	vor.u32 v25, v27;
	[tilespmem:$0x1F240] =	vst v1;
	v1 =	vmul.f32 v15, v43  }
0x4d5: {  	[tilespmem:$0x1F360] =	vst v4;
	v4 =	vld [tilespmem:$0x1EF90]  }
0x4d6: {  	[tilespmem:$0x1F400] =	vst v1;
	v1 =	vld [tilespmem:$0x1F010]  }
0x4d7: {  	v3 =	vmul.f32 v3, v0;
	_ =	sdelay $0x1  }
0x4d8: {  	[tilespmem:$0x1F2B0] =	vst v3;
	v3 =	vmul.f32 v35, v0;
	_ =	sdelay $0x1  }
0x4d9: {  	v4 =	vmul.f32 v4, v0;
	[tilespmem:$0x1F2C0] =	vst v3;
	v3 =	vmul.f32 v2, v43;
	v2 =	vld [tilespmem:$0x1F330];
	_ =	sdelay $0x1  }
0x4da: {  	[tilespmem:$0x1F050] =	vst v4;
	v4 =	vld [tilespmem:$0x1EFA0]  }
0x4db: {  	v34 =	vmul.f32 v34, v0;
	v15 =	vld.idx.msk [tilespmem:v1+s29+$0x0], $0xffff  }
0x4dc: {  	v48 =	vor.u32 v53, v32;
	v1 =	vld [tilespmem:$0x1F030]  }
0x4dd: {  	[tilespmem:$0x1F280] =	vst v16;
	v16 =	vor.u32 v9, v32;
	v9 =	vadd.f32 v34, v2;
	v2 =	vld [tilespmem:$0x1F060]  }
0x4de: {  	v55 =	vor.u32 v61, v27;
	v27 =	vld.idx.msk [tilespmem:v38+s29+$0x0], $0xffff;
	v38 =	vor.u32 v61, v32;
	_ =	sdelay $0x1  }
0x4df: {  	v11 =	vld.idx.msk [tilespmem:v11+s29+$0x0], $0xffff;
	v4 =	vmul.f32 v4, v0  }
0x4e0: {  	v61 =	vmul.f32 v44, v0;
	v0 =	vmul.f32 v26, v0;
	v35 =	vor.u32 v8, v32;
	v8 =	vld.idx.msk [tilespmem:v48+s29+$0x0], $0xffff  }
0x4e1: {  	v4 =	vadd.f32 v4, v2;
	v2 =	vld [tilespmem:$0x1F070]  }
0x4e2: {  	[tilespmem:$0x1F300] =	vst v0;
	v0 =	vld.idx.msk [tilespmem:v38+s28+$0x0], $0xffff  }
0x4e3: {  	v48 =	vld.idx.msk [tilespmem:v1+s29+$0x0], $0xffff  }
0x4e4: {  	v1 =	vld [tilespmem:$0x1F040];
	_ =	sdelay $0x1  }
0x4e5: {  	v30 =	vor.u32 v6, v32;
	v6 =	vadd.f32 v61, v2;
	v2 =	vld [tilespmem:$0x1F0B0];
	_ =	sdelay $0x1  }
0x4e6: {  	v13 =	vld.idx.msk [tilespmem:v13+s29+$0x0], $0xffff  }
0x4e7: {  	v53 =	vmul.f32 v11, v43;
	v11 =	vor.u32 v14, v32;
	v14 =	vld.idx.msk [tilespmem:v5+s29+$0x0], $0xffff;
	v8 =	vmul.f32 v8, v0  }
0x4e8: {  	v18 =	vld.idx.msk [tilespmem:v36+s29+$0x0], $0xffff  }
0x4e9: {  	v6 =	vadd.f32 v8, v6;
	v8 =	vld.idx.msk [tilespmem:v16+s29+$0x0], $0xffff  }
0x4ea: {  	v5 =	vld.idx.msk [tilespmem:v1+s29+$0x0], $0xffff  }
0x4eb: {  	v1 =	vld [tilespmem:$0x1F050]  }
0x4ec: {  	v16 =	vld.idx.msk [tilespmem:v2+s29+$0x0], $0xffff  }
0x4ed: {  	v2 =	vld [tilespmem:$0x1F0C0]  }
0x4ee: {  	v58 =	vld.idx.msk [tilespmem:v55+s28+$0x0], $0xffff;
	_ =	sdelay $0x2  }
0x4ef: {  	v13 =	vmul.f32 v13, v0;
	v18 =	vmul.f32 v18, v0;
	v1 =	vadd.f32 v1, v60;
	_ =	sdelay $0x1  }
0x4f0: {  	v4 =	vadd.f32 v18, v4;
	v1 =	vadd.f32 v13, v1;
	v13 =	vmul.f32 v14, v58;
	_ =	sdelay $0x1  }
0x4f1: {  	v4 =	vadd.f32 v13, v4;
	v13 =	vld.idx.msk [tilespmem:v2+s29+$0x0], $0xffff  }
0x4f2: {  	v2 =	vld [tilespmem:$0x1F0D0];
	_ =	sdelay $0x3  }
0x4f3: {  	v56 =	vld.idx.msk [tilespmem:v56+s29+$0x0], $0xffff  }
0x4f4: {  	v57 =	vld.idx.msk [tilespmem:v57+s29+$0x0], $0xffff  }
0x4f5: {  	v55 =	vor.u32 v7, v32;
	v7 =	vld.idx.msk [tilespmem:v42+s29+$0x0], $0xffff  }
0x4f6: {  	v44 =	vld.idx.msk [tilespmem:v41+s29+$0x0], $0xffff  }
0x4f7: {  	v18 =	vld.idx.msk [tilespmem:v2+s29+$0x0], $0xffff  }
0x4f8: {  	v2 =	vld [tilespmem:$0x1F0E0];
	_ =	sdelay $0x1  }
0x4f9: {  	v7 =	vmul.f32 v7, v0  }
0x4fa: {  	v36 =	vmul.f32 v56, v58;
	v26 =	vmul.f32 v27, v43  }
0x4fb: {  	v27 =	vmul.f32 v44, v43;
	v44 =	vmul.f32 v57, v58;
	v7 =	vadd.f32 v7, v9;
	_ =	sdelay $0x1  }
0x4fc: {  	v49 =	vmul.f32 v49, v43;
	v7 =	vadd.f32 v44, v7;
	v1 =	vadd.f32 v36, v1  }
0x4fd: {  	v37 =	vld.idx.msk [tilespmem:v37+s29+$0x0], $0xffff;
	v41 =	vor.u32 v62, v32  }
0x4fe: {  	v60 =	vadd.f32 v49, v1;
	v1 =	vadd.f32 v53, v7;
	v7 =	vld.idx.msk [tilespmem:v2+s29+$0x0], $0xffff  }
0x4ff: {  	v2 =	vld [tilespmem:$0x1F0F0]  }
0x500: {  	v9 =	vld.idx.msk [tilespmem:v51+s29+$0x0], $0xffff;
	v14 =	vmul.f32 v15, v58  }
0x501: {  	v50 =	vld.idx.msk [tilespmem:v50+s29+$0x0], $0xffff;
	v59 =	vmul.f32 v59, v43  }
0x502: {  	v41 =	vld.idx.msk [tilespmem:v41+s29+$0x0], $0xffff;
	v6 =	vadd.f32 v14, v6  }
0x503: {  	v49 =	vadd.f32 v59, v4;
	v4 =	vld [tilespmem:$0x1F110]  }
0x504: {  	v59 =	vadd.f32 v3, v6;
	v3 =	vadd.f32 v45, v2;
	v2 =	vld [tilespmem:$0x1F100]  }
0x505: {  	v6 =	vmul.f32 v9, v0;
	v9 =	vld [tilespmem:$0x1F120]  }
0x506: {  	v54 =	vld.idx.msk [tilespmem:v54+s29+$0x0], $0xffff  }
0x507: {  	v39 =	vld.idx.msk [tilespmem:v39+s29+$0x0], $0xffff  }
0x508: {  	v12 =	vld.idx.msk [tilespmem:v17+s29+$0x0], $0xffff  }
0x509: {  	v10 =	vld.idx.msk [tilespmem:v10+s29+$0x0], $0xffff;
	[tilespmem:$0x1F330] =	vst v1;
	v1 =	vmul.f32 v41, v0;
	v4 =	vadd.f32 v4, v2  }
0x50a: {  	v9 =	vadd.f32 v47, v9;
	v2 =	vld.idx.msk [tilespmem:v30+s29+$0x0], $0xffff  }
0x50b: {  	v17 =	vld.idx.msk [tilespmem:v40+s29+$0x0], $0xffff;
	v5 =	vmul.f32 v5, v58;
	v1 =	vadd.f32 v1, v4  }
0x50c: {  	v38 =	vor.u32 v20, v32;
	v20 =	vld.idx.msk [tilespmem:v46+s29+$0x0], $0xffff;
	v6 =	vadd.f32 v6, v9;
	v4 =	vmul.f32 v16, v58  }
0x50d: {  	v1 =	vadd.f32 v5, v1;
	v5 =	vld [tilespmem:$0x1F190]  }
0x50e: {  	v40 =	vmul.f32 v37, v43;
	v6 =	vadd.f32 v4, v6;
	v4 =	vld [tilespmem:$0x1F1A0]  }
0x50f: {  	v10 =	vmul.f32 v10, v43;
	v46 =	vmul.f32 v2, v0;
	v2 =	vld [tilespmem:$0x1F1B0]  }
0x510: {  	v33 =	vld.idx.msk [tilespmem:v33+s29+$0x0], $0xffff;
	v37 =	vor.u32 v19, v32;
	v19 =	vmul.f32 v39, v43;
	v39 =	vor.u32 v21, v32  }
0x511: {  	v21 =	vmul.f32 v50, v43;
	v50 =	vmul.f32 v54, v43;
	v54 =	vadd.f32 v10, v1;
	v1 =	vld [tilespmem:$0x1F1E0]  }
0x512: {  	v28 =	vmul.f32 v17, v43;
	v17 =	vld [tilespmem:$0x1F130];
	v14 =	vmul.f32 v20, v0  }
0x513: {  	v20 =	vld [tilespmem:$0x1F140]  }
0x514: {  	v3 =	vadd.f32 v14, v3;
	v14 =	vld.idx.msk [tilespmem:v35+s29+$0x0], $0xffff  }
0x515: {  	v45 =	vld.idx.msk [tilespmem:v5+s29+$0x0], $0xffff  }
0x516: {  	v35 =	vld.idx.msk [tilespmem:v4+s29+$0x0], $0xffff  }
0x517: {  	v4 =	vld.idx.msk [tilespmem:v2+s29+$0x0], $0xffff  }
0x518: {  	v2 =	vld [tilespmem:$0x1F210]  }
0x519: {  	v5 =	vld.idx.msk [tilespmem:v1+s29+$0x0], $0xffff  }
0x51a: {  	v1 =	vld [tilespmem:$0x1F200]  }
0x51b: {  	v63 =	vld.idx.msk [tilespmem:v63+s29+$0x0], $0xffff  }
0x51c: {  	v52 =	vld.idx.msk [tilespmem:v52+s29+$0x0], $0xffff  }
0x51d: {  	v62 =	vmul.f32 v33, v43;
	v33 =	vor.u32 v24, v32;
	v24 =	vld [tilespmem:$0x1F020]  }
0x51e: {  	v56 =	vld [tilespmem:$0x1F090];
	v8 =	vmul.f32 v8, v0  }
0x51f: {  	v15 =	vmul.f32 v48, v58;
	v20 =	vadd.f32 v20, v17;
	v48 =	vadd.f32 v2, v1;
	v1 =	vld [tilespmem:$0x1F220]  }
0x520: {  	v2 =	vld [tilespmem:$0x1F230]  }
0x521: {  	v57 =	vld [tilespmem:$0x1F0A0];
	v8 =	vadd.f32 v8, v20;
	v9 =	vmul.f32 v13, v58  }
0x522: {  	v44 =	vld.idx.msk [tilespmem:v11+s29+$0x0], $0xffff  }
0x523: {  	v61 =	vld [tilespmem:$0x1F080];
	v8 =	vadd.f32 v9, v8  }
0x524: {  	v17 =	vld [tilespmem:$0x1F150]  }
0x525: {  	v41 =	vadd.f32 v40, v8;
	v40 =	vadd.f32 v2, v1;
	v1 =	vld [tilespmem:$0x1F240]  }
0x526: {  	v13 =	vld [tilespmem:$0x1F170]  }
0x527: {  	v3 =	vadd.f32 v15, v3;
	v15 =	vld [tilespmem:$0x1F180]  }
0x528: {  	p0 =	slt.u32 s3, $0x3C;
	v12 =	vmul.f32 v12, v43;
	v30 =	vld.idx.msk [tilespmem:v55+s29+$0x0], $0xffff  }
.Ltmp2:
0x529: {  	v55 =	vld [tilespmem:$0x1F160];
	(pc) =	sbr.rel @p0 .LBB2_7-.Ltmp2, $4  }
0x52a: {  	v63 =	vmul.f32 v63, v43;
	v52 =	vmul.f32 v52, v43;
	v51 =	vadd.f32 v12, v3;
	v12 =	vld [tilespmem:$0x1F1C0]  }
0x52b: {  	v29 =	vor.u32 v29, v32;
	v31 =	vor.u32 v22, v32;
	v23 =	vmul.f32 v23, v43;
	v10 =	vld [tilespmem:$0x1F1D0]  }
0x52c: {  	v42 =	vmul.f32 v18, v58;
	v36 =	vmul.f32 v7, v58;
	v53 =	vadd.f32 v62, v6;
	v62 =	vld [tilespmem:$0x1F1F0]  }
0x52d: {  	s3 =	sadd.s32 $0x4, s3;
	v32 =	vor.u32 v25, v32;
	v34 =	vmul.f32 v14, v0;
	v47 =	vmul.f32 v30, v0;
	v30 =	vld.idx.msk [tilespmem:v1+s29+$0x0], $0xffff  }
0x52e: {  	_ = 	snop  }
0x52f: {  	v16 =	vadd.f32 v47, v40;
	_ =	sdelay $0x1  }
0x530: {  	v16 =	vadd.f32 v36, v16;
	_ =	sdelay $0x1  }
0x531: {  	v16 =	vadd.f32 v19, v16;
	v19 =	vld [tilespmem:$0x1F250];
	_ =	sdelay $0x1  }
0x532: {  	v11 =	vld [tilespmem:$0x1F270];
	_ =	sdelay $0x4  }
0x533: {  	v10 =	vadd.f32 v11, v10;
	v11 =	vld.idx.msk [tilespmem:v29+s29+$0x0], $0xffff  }
0x534: {  	v29 =	vld.idx.msk [tilespmem:v19+s29+$0x0], $0xffff  }
0x535: {  	v19 =	vld [tilespmem:$0x1F290];
	_ =	sdelay $0x1  }
0x536: {  	v7 =	vld.idx.msk [tilespmem:v13+s29+$0x0], $0xffff  }
0x537: {  	v13 =	vld [tilespmem:$0x1F280];
	_ =	sdelay $0x1  }
0x538: {  	v24 =	vadd.f32 v19, v24;
	v19 =	vld [tilespmem:$0x1F260];
	_ =	sdelay $0x2  }
0x539: {  	v12 =	vadd.f32 v13, v12;
	v13 =	vadd.f32 v46, v48;
	_ =	sdelay $0x1  }
0x53a: {  	v1 =	vld.idx.msk [tilespmem:v37+s29+$0x0], $0xffff;
	v13 =	vadd.f32 v42, v13  }
0x53b: {  	v2 =	vld.idx.msk [tilespmem:v38+s29+$0x0], $0xffff  }
0x53c: {  	v14 =	vmul.f32 v44, v0;
	v13 =	vadd.f32 v26, v13;
	v26 =	vld [tilespmem:$0x1F2A0]  }
0x53d: {  	v25 =	vld.idx.msk [tilespmem:v19+s29+$0x0], $0xffff  }
0x53e: {  	v12 =	vadd.f32 v14, v12;
	v14 =	vmul.f32 v35, v58;
	v19 =	vld [tilespmem:$0x1F450]  }
0x53f: {  	v3 =	vld.idx.msk [tilespmem:v39+s29+$0x0], $0xffff  }
0x540: {  	v6 =	vld [tilespmem:$0x1F310];
	v12 =	vadd.f32 v14, v12  }
0x541: {  	v9 =	vld.idx.msk [tilespmem:v17+s29+$0x0], $0xffff  }
0x542: {  	v12 =	vadd.f32 v27, v12;
	v27 =	vld [tilespmem:$0x1F2B0]  }
0x543: {  	v17 =	vmul.f32 v45, v58;
	v10 =	vadd.f32 v34, v10;
	v26 =	vadd.f32 v26, v19;
	v19 =	vld [tilespmem:$0x1F460]  }
0x544: {  	v20 =	vld.idx.msk [tilespmem:v32+s29+$0x0], $0xffff  }
0x545: {  	v10 =	vadd.f32 v17, v10;
	v17 =	vld [tilespmem:$0x1F340]  }
0x546: {  	v14 =	vld [tilespmem:$0x1F360]  }
0x547: {  	v8 =	vld.idx.msk [tilespmem:v15+s29+$0x0], $0xffff  }
0x548: {  	v27 =	vadd.f32 v27, v19;
	v19 =	vld [tilespmem:$0x1F2C0]  }
0x549: {  	v15 =	vld.idx.msk [tilespmem:v31+s29+$0x0], $0xffff  }
0x54a: {  	v18 =	vld.idx.msk [tilespmem:v33+s29+$0x0], $0xffff  }
0x54b: {  	v22 =	vmul.f32 v30, v0;
	v45 =	vmul.f32 v20, v0;
	v20 =	vld [tilespmem:$0x1FE80]  }
0x54c: {  	v4 =	vmul.f32 v4, v58;
	v6 =	vld.idx.msk [tilespmem:v6+s29+$0x0], $0xffff;
	v10 =	vadd.f32 v28, v10  }
0x54d: {  	v3 =	vmul.f32 v3, v0;
	v17 =	vld.idx.msk [tilespmem:v17+s29+$0x0], $0xffff;
	v22 =	vadd.f32 v22, v24;
	v28 =	vadd.f32 v19, v62  }
0x54e: {  	v1 =	vmul.f32 v1, v0;
	v14 =	vld.idx.msk [tilespmem:v14+s29+$0x0], $0xffff  }
0x54f: {  	v7 =	vmul.f32 v7, v58;
	v4 =	vadd.f32 v4, v22;
	v22 =	vld [tilespmem:$0x1F870];
	v3 =	vadd.f32 v3, v28  }
0x550: {  	v2 =	vmul.f32 v2, v0;
	[tilespmem:s7+$0x16560] =	vst v13;
	v13 =	vld [tilespmem:$0x1F300]  }
0x551: {  	v5 =	vmul.f32 v5, v58;
	v1 =	vadd.f32 v1, v26;
	v3 =	vadd.f32 v7, v3;
	v7 =	vld [tilespmem:$0x1F400]  }
0x552: {  	v6 =	vmul.f32 v6, v58;
	[tilespmem:s7+$0x15D60] =	vst v51;
	v51 =	vld [tilespmem:$0x1FFC0];
	v2 =	vadd.f32 v2, v27  }
0x553: {  	[tilespmem:s7+$0x15F60] =	vst v54;
	v54 =	vld [tilespmem:$0x1FFD0];
	v1 =	vadd.f32 v5, v1  }
0x554: {  	[tilespmem:s7+$0x15560] =	vst v60;
	v5 =	vmul.f32 v8, v58;
	v2 =	vadd.f32 v6, v2;
	v6 =	vmul.f32 v9, v58;
	v9 =	vld [tilespmem:$0x1F2D0]  }
0x555: {  	[tilespmem:s7+$0x15960] =	vst v49;
	v8 =	vmul.f32 v15, v0;
	v15 =	vmul.f32 v18, v0;
	v18 =	vld [tilespmem:$0x1F2F0]  }
0x556: {  	[tilespmem:s7+$0x15B60] =	vst v59;
	v4 =	vadd.f32 v7, v4;
	v7 =	vmul.f32 v11, v0;
	v11 =	vld [tilespmem:$0x1F2E0]  }
0x557: {  	[tilespmem:s7+$0x16160] =	vst v53;
	v59 =	vld [tilespmem:$0x1FE40]  }
0x558: {  	[tilespmem:s7+$0x16960] =	vst v10;
	v10 =	vmul.f32 v14, v58;
	v14 =	vld [tilespmem:$0x1F7E0];
	v13 =	vadd.f32 v13, v55  }
0x559: {  	s1 =	simm.s32 $0x0;
	v48 =	vor.u32 $0xC00, v20;
	[tilespmem:s7+$0x16360] =	vst v41;
	v60 =	vld [tilespmem:$0x1F900];
	v1 =	vadd.f32 v63, v1;
	v9 =	vadd.f32 v9, v56  }
0x55a: {  	[tilespmem:s7+$0x16B60] =	vst v12;
	v12 =	vmov s1;
	v18 =	vadd.f32 v18, v57;
	v19 =	vld [tilespmem:$0x1F330];
	v2 =	vadd.f32 v21, v2  }
0x55b: {  	[tilespmem:s7+$0x16760] =	vst v16;
	v46 =	vmul.f32 v25, v43;
	v57 =	vld [tilespmem:$0x1F810];
	v7 =	vadd.f32 v7, v9;
	v11 =	vadd.f32 v11, v61  }
0x55c: {  	[tilespmem:s7+$0x16F60] =	vst v1;
	v62 =	vld [tilespmem:$0x1FFF0];
	v3 =	vadd.f32 v23, v3;
	v0 =	vadd.f32 v45, v13;
	v9 =	vmul.f32 v17, v58  }
0x55d: {  	v21 =	vld [tilespmem:$0x1F860];
	[tilespmem:s7+$0x16D60] =	vst v4;
	v4 =	vand.u32 $0x3C, v12;
	v5 =	vadd.f32 v5, v7;
	v8 =	vadd.f32 v8, v11  }
0x55e: {  	[tilespmem:s7+$0x17160] =	vst v2;
	v0 =	vadd.f32 v10, v0;
	v1 =	vbroadcast v4, $0x0;
	v61 =	vld [tilespmem:$0x1FE50];
	v11 =	vadd.f32 v15, v18  }
0x55f: {  	v56 =	vld [tilespmem:$0x1F880];
	[tilespmem:s7+$0x15760] =	vst v19;
	v7 =	vmul.f32 v29, v43;
	v4 =	vadd.f32 v52, v5;
	v6 =	vadd.f32 v6, v8  }
0x560: {  	[tilespmem:s7+$0x17360] =	vst v3;
	v45 =	vld [tilespmem:$0x1F910];
	v0 =	vadd.f32 v46, v0;
	v3 =	vor.u32 v48, v1;
	v8 =	vadd.f32 v9, v11  }
0x561: {  	v10 =	vld [tilespmem:$0x1FE70];
	[tilespmem:s7+$0x17560] =	vst v4;
	v4 =	vor.u32 v51, v1;
	v5 =	vadd.f32 v50, v6  }
0x562: {  	v46 =	vld [tilespmem:$0x1F920];
	[tilespmem:s7+$0x17B60] =	vst v0;
	v6 =	vadd.f32 v7, v8  }
0x563: {  	v52 =	vld [tilespmem:$0x1FFE0];
	v58 =	vor.u32 v61, v1;
	[tilespmem:s7+$0x17760] =	vst v5  }
0x564: {  	v50 =	vld [tilespmem:$0x1F850];
	[tilespmem:s7+$0x17960] =	vst v6  }
0x565: {  	v7 =	vor.u32 v62, v1;
	v3 =	vld.idx.msk [tilespmem:v3+s28+$0x0], $0xffff  }
0x566: {  	v49 =	vld.idx.msk [tilespmem:v4+s29+$0x0], $0xffff  }
0x567: {  	v5 =	vor.u32 v59, v1;
	v4 =	vld [tilespmem:$0x1FE60]  }
0x568: {  	v47 =	vor.u32 v54, v1;
	v55 =	vld.idx.msk [tilespmem:v58+s29+$0x0], $0xffff  }
0x569: {  	v63 =	vor.u32 v14, v1;
	v58 =	vld [tilespmem:$0x1F7F0]  }
0x56a: {  	v6 =	vor.u32 v52, v1;
	v39 =	vld.idx.msk [tilespmem:v7+s29+$0x0], $0xffff  }
0x56b: {  	v11 =	vor.u32 v57, v1;
	v7 =	vld [tilespmem:$0x1F840]  }
0x56c: {  	v9 =	vld.idx.msk [tilespmem:v5+s29+$0x0], $0xffff;
	v5 =	vor.u32 v10, v1  }
0x56d: {  	v42 =	vor.u32 v21, v1;
	v2 =	vld.idx.msk [tilespmem:v47+s29+$0x0], $0xffff  }
0x56e: {  	v15 =	vld.idx.msk [tilespmem:v63+s29+$0x0], $0xffff;
	v8 =	vor.u32 v4, v1  }
0x56f: {  	v12 =	vld.idx.msk [tilespmem:v6+s29+$0x0], $0xffff;
	v6 =	vor.u32 v58, v1  }
0x570: {  	v17 =	vld.idx.msk [tilespmem:v11+s29+$0x0], $0xffff;
	v13 =	vor.u32 v7, v1  }
0x571: {  	v35 =	vld.idx.msk [tilespmem:v5+s29+$0x0], $0xffff;
	v5 =	vor.u32 v50, v1  }
0x572: {  	v18 =	vor.u32 v56, v1;
	v24 =	vld.idx.msk [tilespmem:v42+s29+$0x0], $0xffff  }
0x573: {  	v19 =	vor.u32 v60, v1;
	v36 =	vld.idx.msk [tilespmem:v8+s29+$0x0], $0xffff  }
0x574: {  	s9 =	simm.s32 $0x3;
	v37 =	vld.idx.msk [tilespmem:v6+s29+$0x0], $0xffff;
	v6 =	vor.u32 v22, v1  }
0x575: {  	v11 =	vmov s9;
	v47 =	vor.u32 $0x14800, v20;
	v16 =	vld.idx.msk [tilespmem:v13+s29+$0x0], $0xffff;
	v13 =	vor.u32 v45, v1  }
0x576: {  	v11 =	vand.u32 $0x3F, v11;
	v8 =	vld.idx.msk [tilespmem:v5+s29+$0x0], $0xffff;
	v5 =	vor.u32 v46, v1;
	[tilespmem:$0x1EE20] =	vst v47  }
0x577: {  	v23 =	vbroadcast v11, $0x0;
	v1 =	vor.u32 v47, v1;
	v18 =	vld.idx.msk [tilespmem:v18+s29+$0x0], $0xffff  }
0x578: {  	v27 =	vld.idx.msk [tilespmem:v19+s29+$0x0], $0xffff  }
0x579: {  	v25 =	vld.idx.msk [tilespmem:v6+s29+$0x0], $0xffff;
	v6 =	vor.u32 v48, v23  }
0x57a: {  	s11 =	simm.s32 $0x2;
	s3 =	simm.s32 $0x1;
	v31 =	vld.idx.msk [tilespmem:v13+s29+$0x0], $0xffff  }
0x57b: {  	v43 =	vmov s3;
	v20 =	vmov s11;
	v44 =	vor.u32 v50, v23;
	v34 =	vld.idx.msk [tilespmem:v5+s29+$0x0], $0xffff  }
0x57c: {  	v11 =	vand.u32 $0x3E, v20;
	v20 =	vor.u32 v51, v23;
	v53 =	vor.u32 v21, v23;
	v38 =	vld.idx.msk [tilespmem:v1+s29+$0x0], $0xffff;
	[tilespmem:$0x1EDF0] =	vst v44  }
0x57d: {  	v0 =	vand.u32 $0x3D, v43;
	v43 =	vor.u32 v22, v23;
	[tilespmem:$0x1EE60] =	vst v53  }
0x57e: {  	v53 =	vor.u32 v56, v23;
	v44 =	vld.idx.msk [tilespmem:v6+s28+$0x0], $0xffff;
	[tilespmem:$0x1EE70] =	vst v43  }
0x57f: {  	v26 =	vor.u32 v54, v23;
	[tilespmem:$0x1EEA0] =	vst v53;
	v43 =	vor.u32 v60, v23  }
0x580: {  	v28 =	vor.u32 v59, v23;
	v45 =	vor.u32 v45, v23;
	[tilespmem:$0x1EEB0] =	vst v43  }
0x581: {  	v11 =	vbroadcast v11, $0x0;
	v29 =	vor.u32 v61, v23;
	v46 =	vor.u32 v46, v23;
	v43 =	vld.idx.msk [tilespmem:v20+s29+$0x0], $0xffff;
	[tilespmem:$0x1EEC0] =	vst v45  }
0x582: {  	v30 =	vor.u32 v52, v23;
	v33 =	vor.u32 v10, v23;
	v53 =	vor.u32 v47, v23;
	[tilespmem:$0x1ED00] =	vst v46  }
0x583: {  	v41 =	vor.u32 v57, v23;
	v32 =	vor.u32 v4, v23;
	v40 =	vor.u32 v58, v23;
	[tilespmem:$0x1ED10] =	vst v53  }
0x584: {  	v42 =	vor.u32 v7, v23;
	v19 =	vor.u32 v14, v23;
	v13 =	vor.u32 v62, v23;
	v23 =	vld.idx.msk [tilespmem:v26+s29+$0x0], $0xffff  }
0x585: {  	v5 =	vor.u32 v52, v11;
	v28 =	vld.idx.msk [tilespmem:v28+s29+$0x0], $0xffff;
	[tilespmem:$0x1ED20] =	vst v48  }
0x586: {  	[tilespmem:$0x1EE50] =	vst v5  }
0x587: {  	v5 =	vld.idx.msk [tilespmem:v30+s29+$0x0], $0xffff;
	_ =	sdelay $0x4  }
0x588: {  	v29 =	vld.idx.msk [tilespmem:v29+s29+$0x0], $0xffff;
	[tilespmem:$0x1EE80] =	vst v5  }
0x589: {  	v0 =	vbroadcast v0, $0x0;
	v6 =	vld.idx.msk [tilespmem:v13+s29+$0x0], $0xffff  }
0x58a: {  	v1 =	vor.u32 v48, v11  }
0x58b: {  	v20 =	vor.u32 v48, v0  }
0x58c: {  	v53 =	vmul.f32 v9, v3;
	v13 =	vmul.f32 v39, v3  }
0x58d: {  	v46 =	vor.u32 v59, v11;
	v39 =	vmul.f32 v36, v3;
	v36 =	vmul.f32 v15, v3  }
0x58e: {  	v26 =	vor.u32 v51, v11;
	v51 =	vor.u32 v51, v0;
	v15 =	vmul.f32 v37, v3;
	[tilespmem:$0x1EE90] =	vst v6  }
0x58f: {  	v9 =	vor.u32 v59, v0;
	v5 =	vmul.f32 v2, v3;
	v59 =	vld.idx.msk [tilespmem:v1+s28+$0x0], $0xffff;
	[tilespmem:$0x1EF20] =	vst v36  }
0x590: {  	v2 =	vor.u32 v54, v0;
	v20 =	vld.idx.msk [tilespmem:v20+s28+$0x0], $0xffff;
	[tilespmem:$0x1EF30] =	vst v15;
	v15 =	vmul.f32 v17, v3  }
0x591: {  	v16 =	vmul.f32 v16, v3  }
0x592: {  	v8 =	vmul.f32 v8, v3;
	[tilespmem:$0x1ED30] =	vst v15  }
0x593: {  	v37 =	vmul.f32 v24, v3;
	v15 =	vld.idx.msk [tilespmem:v51+s29+$0x0], $0xffff;
	[tilespmem:$0x1ED40] =	vst v16  }
0x594: {  	v48 =	vmul.f32 v35, v3;
	v35 =	vmul.f32 v25, v3;
	[tilespmem:$0x1ED50] =	vst v8  }
0x595: {  	v36 =	vmul.f32 v18, v3;
	v16 =	vld.idx.msk [tilespmem:v2+s29+$0x0], $0xffff;
	[tilespmem:$0x1ED60] =	vst v37  }
0x596: {  	[tilespmem:$0x1ED70] =	vst v35;
	v37 =	vmul.f32 v27, v3  }
0x597: {  	v6 =	vmul.f32 v12, v3;
	v12 =	vor.u32 v61, v0;
	v17 =	vld.idx.msk [tilespmem:v9+s29+$0x0], $0xffff;
	[tilespmem:$0x1ED80] =	vst v36  }
0x598: {  	v45 =	vor.u32 v54, v11;
	v35 =	vor.u32 v57, v11;
	v36 =	vmul.f32 v31, v3;
	[tilespmem:$0x1ED90] =	vst v37  }
0x599: {  	v37 =	vmul.f32 v34, v3;
	v18 =	vld.idx.msk [tilespmem:v26+s29+$0x0], $0xffff;
	[tilespmem:$0x1EEE0] =	vst v35  }
0x59a: {  	v38 =	vmul.f32 v38, v3;
	[tilespmem:$0x1EDA0] =	vst v36  }
0x59b: {  	[tilespmem:$0x1EDB0] =	vst v37  }
0x59c: {  	v47 =	vor.u32 v61, v11;
	v12 =	vld.idx.msk [tilespmem:v12+s29+$0x0], $0xffff;
	[tilespmem:$0x1EDC0] =	vst v38  }
0x59d: {  	v24 =	vld.idx.msk [tilespmem:v45+s29+$0x0], $0xffff;
	v45 =	vor.u32 v7, v11  }
0x59e: {  	v63 =	vimm.f32 $0.0e+00;
	[tilespmem:$0x1EF10] =	vst v45;
	v45 =	vld [tilespmem:$0x1F910]  }
0x59f: {  	v27 =	vadd.f32 v5, v63;
	v16 =	vmul.f32 v16, v20;
	v26 =	vld.idx.msk [tilespmem:v46+s29+$0x0], $0xffff  }
0x5a0: {  	v31 =	vld.idx.msk [tilespmem:v32+s29+$0x0], $0xffff  }
0x5a1: {  	v49 =	vmul.f32 v49, v3;
	v16 =	vadd.f32 v16, v27;
	v27 =	vld.idx.msk [tilespmem:v47+s29+$0x0], $0xffff  }
0x5a2: {  	v55 =	vmul.f32 v55, v3;
	v33 =	vld.idx.msk [tilespmem:v33+s29+$0x0], $0xffff  }
0x5a3: {  	v25 =	vadd.f32 v49, v63;
	v15 =	vmul.f32 v15, v20;
	v32 =	vld.idx.msk [tilespmem:v19+s29+$0x0], $0xffff  }
0x5a4: {  	v55 =	vadd.f32 v55, v63;
	v49 =	vadd.f32 v53, v63;
	v51 =	vmov v52;
	v36 =	vld.idx.msk [tilespmem:v40+s29+$0x0], $0xffff  }
0x5a5: {  	v17 =	vmul.f32 v17, v20;
	v15 =	vadd.f32 v15, v25;
	v25 =	vor.u32 v51, v0;
	v37 =	vld.idx.msk [tilespmem:v41+s29+$0x0], $0xffff  }
0x5a6: {  	v52 =	vor.u32 v10, v11;
	v2 =	vor.u32 v62, v0;
	v41 =	vor.u32 v10, v0;
	v10 =	vld.idx.msk [tilespmem:v42+s29+$0x0], $0xffff  }
0x5a7: {  	v17 =	vadd.f32 v17, v49;
	v49 =	vld [tilespmem:$0x1EDF0];
	v12 =	vmul.f32 v12, v20;
	v24 =	vmul.f32 v24, v59  }
0x5a8: {  	v18 =	vmul.f32 v18, v59;
	v40 =	vor.u32 v4, v0;
	v19 =	vld [tilespmem:$0x1F920];
	v26 =	vmul.f32 v26, v59  }
0x5a9: {  	v42 =	vld [tilespmem:$0x1EE50];
	v12 =	vadd.f32 v12, v55;
	v24 =	vadd.f32 v24, v16;
	v16 =	vmul.f32 v27, v59  }
0x5aa: {  	v18 =	vadd.f32 v18, v15;
	v25 =	vld.idx.msk [tilespmem:v25+s29+$0x0], $0xffff;
	v26 =	vadd.f32 v26, v17;
	v17 =	vmul.f32 v43, v44  }
0x5ab: {  	v23 =	vmul.f32 v23, v44;
	v27 =	vadd.f32 v16, v12;
	v12 =	vmul.f32 v28, v44;
	v28 =	vld.idx.msk [tilespmem:v2+s29+$0x0], $0xffff  }
0x5ac: {  	v43 =	vld [tilespmem:$0x1EE60];
	v46 =	vadd.f32 v17, v18  }
0x5ad: {  	v30 =	vor.u32 v62, v11;
	v53 =	vmovc v62;
	v47 =	vadd.f32 v23, v24;
	v62 =	vadd.f32 v12, v26;
	v12 =	vld [tilespmem:$0x1EE20]  }
0x5ae: {  	v24 =	vmul.f32 v29, v44;
	v29 =	vadd.f32 v6, v63;
	v6 =	vld [tilespmem:$0x1EEB0];
	[tilespmem:$0x1EDD0] =	vst v46  }
0x5af: {  	v34 =	vld.idx.msk [tilespmem:v40+s29+$0x0], $0xffff;
	[tilespmem:$0x1EDE0] =	vst v47  }
0x5b0: {  	v61 =	vor.u32 v14, v11;
	v35 =	vor.u32 v19, v11;
	v23 =	vld.idx.msk [tilespmem:v49+s29+$0x0], $0xffff;
	[tilespmem:$0x1EE00] =	vst v62  }
0x5b1: {  	v1 =	vor.u32 v4, v11;
	v5 =	vor.u32 v50, v11;
	v9 =	vor.u32 v58, v11;
	[tilespmem:$0x1EE10] =	vst v35;
	v49 =	vld [tilespmem:$0x1EE80]  }
0x5b2: {  	v15 =	vor.u32 v22, v11;
	v26 =	vld.idx.msk [tilespmem:v41+s29+$0x0], $0xffff;
	v40 =	vor.u32 v12, v11;
	v41 =	vadd.f32 v24, v27  }
0x5b3: {  	v55 =	vor.u32 v21, v11;
	v16 =	vor.u32 v56, v11;
	v18 =	vor.u32 v60, v11;
	v47 =	vld [tilespmem:$0x1EE70];
	[tilespmem:$0x1EE30] =	vst v40  }
0x5b4: {  	v17 =	vor.u32 v45, v11;
	v46 =	vadd.f32 v13, v63;
	v28 =	vmul.f32 v28, v20;
	v11 =	vld [tilespmem:$0x1EEC0];
	[tilespmem:$0x1EE40] =	vst v41  }
0x5b5: {  	v27 =	vld.idx.msk [tilespmem:v42+s29+$0x0], $0xffff  }
0x5b6: {  	v25 =	vmul.f32 v25, v20;
	v40 =	vadd.f32 v28, v46;
	v46 =	vmul.f32 v49, v44;
	v49 =	vld [tilespmem:$0x1EEA0]  }
0x5b7: {  	v35 =	vld.idx.msk [tilespmem:v43+s29+$0x0], $0xffff  }
0x5b8: {  	v25 =	vadd.f32 v25, v29;
	v29 =	vld.idx.msk [tilespmem:v30+s29+$0x0], $0xffff  }
0x5b9: {  	v1 =	vld.idx.msk [tilespmem:v1+s29+$0x0], $0xffff  }
0x5ba: {  	v39 =	vadd.f32 v39, v63;
	v28 =	vadd.f32 v48, v63;
	v63 =	vld.idx.msk [tilespmem:v52+s29+$0x0], $0xffff;
	v26 =	vmul.f32 v26, v20  }
0x5bb: {  	v42 =	vld.idx.msk [tilespmem:v47+s29+$0x0], $0xffff  }
0x5bc: {  	v2 =	vadd.f32 v26, v28;
	v28 =	vmul.f32 v32, v44;
	v32 =	vld.idx.msk [tilespmem:v61+s29+$0x0], $0xffff  }
0x5bd: {  	v3 =	vmul.f32 v31, v44;
	v24 =	vor.u32 v14, v0;
	v6 =	vld.idx.msk [tilespmem:v6+s29+$0x0], $0xffff;
	v29 =	vmul.f32 v29, v59  }
0x5be: {  	v27 =	vmul.f32 v27, v59;
	v8 =	vld.idx.msk [tilespmem:v49+s29+$0x0], $0xffff;
	v49 =	vmul.f32 v36, v44  }
0x5bf: {  	v52 =	vld.idx.msk [tilespmem:v11+s29+$0x0], $0xffff;
	v36 =	vadd.f32 v29, v40;
	v29 =	vmul.f32 v10, v44;
	v10 =	vmul.f32 v23, v44  }
0x5c0: {  	v31 =	vadd.f32 v27, v25;
	v27 =	vmul.f32 v37, v44;
	v37 =	vld.idx.msk [tilespmem:v9+s29+$0x0], $0xffff;
	v9 =	vmul.f32 v63, v59  }
0x5c1: {  	v63 =	vmul.f32 v42, v44;
	v42 =	vmul.f32 v32, v59;
	v32 =	vld [tilespmem:$0x1EEE0];
	[tilespmem:$0x1EED0] =	vst v10  }
0x5c2: {  	v48 =	vld.idx.msk [tilespmem:v24+s29+$0x0], $0xffff  }
0x5c3: {  	v62 =	vld [tilespmem:$0x1EE90];
	v41 =	vor.u32 v58, v0  }
0x5c4: {  	v34 =	vmul.f32 v34, v20;
	v43 =	vor.u32 v57, v0;
	_ =	sdelay $0x1  }
0x5c5: {  	v30 =	vadd.f32 v34, v39;
	v47 =	vor.u32 v7, v0;
	v1 =	vmul.f32 v1, v59  }
0x5c6: {  	v40 =	vor.u32 v56, v0;
	v56 =	vadd.f32 v46, v31;
	v46 =	vmul.f32 v48, v20;
	v48 =	vld [tilespmem:$0x1EF10]  }
0x5c7: {  	v34 =	vmul.f32 v62, v44;
	v62 =	vmul.f32 v35, v44;
	v35 =	vld.idx.msk [tilespmem:v41+s29+$0x0], $0xffff  }
0x5c8: {  	v1 =	vadd.f32 v1, v30;
	v41 =	vld.idx.msk [tilespmem:v43+s29+$0x0], $0xffff  }
0x5c9: {  	v7 =	vmul.f32 v33, v44;
	v2 =	vadd.f32 v9, v2;
	v43 =	vld.idx.msk [tilespmem:v32+s29+$0x0], $0xffff  }
0x5ca: {  	v30 =	vor.u32 v60, v0;
	v60 =	vadd.f32 v34, v36;
	v36 =	vadd.f32 v3, v1;
	v32 =	vld [tilespmem:$0x1EF20]  }
0x5cb: {  	v31 =	vor.u32 v45, v0;
	v45 =	vld.idx.msk [tilespmem:v47+s29+$0x0], $0xffff;
	v47 =	vadd.f32 v7, v2  }
0x5cc: {  	[tilespmem:$0x1EEF0] =	vst v36  }
0x5cd: {  	v38 =	vor.u32 v21, v0;
	v4 =	vor.u32 v50, v0;
	[tilespmem:$0x1EF00] =	vst v47;
	v47 =	vld [tilespmem:$0x1EF30]  }
0x5ce: {  	v39 =	vor.u32 v22, v0;
	v25 =	vmul.f32 v8, v44;
	v8 =	vimm.f32 $0.0e+00;
	v36 =	vld.idx.msk [tilespmem:v48+s29+$0x0], $0xffff  }
0x5cf: {  	v33 =	vor.u32 v19, v0;
	v48 =	vadd.f32 v32, v8;
	v32 =	vld.idx.msk [tilespmem:v55+s29+$0x0], $0xffff;
	v55 =	vimm.f32 $0.0e+00  }
0x5d0: {  	v19 =	vimm.f32 $0.0e+00;
	v61 =	vmul.f32 v6, v44;
	v6 =	vld.idx.msk [tilespmem:v5+s29+$0x0], $0xffff;
	[tilespmem:$0x1EF40] =	vst v55;
	v55 =	vimm.f32 $0.0e+00  }
0x5d1: {  	v23 =	vimm.f32 $0.0e+00;
	v34 =	vor.u32 v12, v0;
	v0 =	vimm.f32 $0.0e+00;
	[tilespmem:$0x1EF50] =	vst v55  }
0x5d2: {  	v52 =	vmul.f32 v52, v44;
	v10 =	vimm.f32 $0.0e+00;
	v5 =	vld.idx.msk [tilespmem:v4+s29+$0x0], $0xffff;
	[tilespmem:$0x1EF60] =	vst v0;
	v0 =	vimm.f32 $0.0e+00  }
0x5d3: {  	v37 =	vmul.f32 v37, v59;
	v35 =	vmul.f32 v35, v20;
	[tilespmem:$0x1EF70] =	vst v0;
	v0 =	vimm.f32 $0.0e+00  }
0x5d4: {  	s3 =	simm.s32 $0x4;
	v41 =	vmul.f32 v41, v20;
	v47 =	vadd.f32 v47, v8;
	v55 =	vimm.f32 $0.0e+00;
	[tilespmem:$0x1EF80] =	vst v0  }
.LBB2_9:
0x5d5: {  	v0 =	vld [tilespmem:$0x1ED30]  }
0x5d6: {  	v38 =	vld.idx.msk [tilespmem:v38+s29+$0x0], $0xffff  }
0x5d7: {  	v39 =	vld.idx.msk [tilespmem:v39+s29+$0x0], $0xffff  }
0x5d8: {  	v1 =	vadd.f32 v46, v48;
	v48 =	vld [tilespmem:$0x1ED60]  }
0x5d9: {  	v3 =	vld [tilespmem:$0x1ED70]  }
0x5da: {  	[tilespmem:$0x1EBB0] =	vst v56;
	v56 =	vld [tilespmem:$0x1EE10]  }
0x5db: {  	[tilespmem:$0x1EBC0] =	vst v60;
	v60 =	vld [tilespmem:$0x1ED40];
	v35 =	vadd.f32 v35, v47  }
0x5dc: {  	v47 =	vld [tilespmem:$0x1ED50]  }
0x5dd: {  	v35 =	vadd.f32 v37, v35;
	v37 =	vld [tilespmem:$0x1ED90]  }
0x5de: {  	v15 =	vld.idx.msk [tilespmem:v15+s29+$0x0], $0xffff  }
0x5df: {  	v16 =	vld.idx.msk [tilespmem:v16+s29+$0x0], $0xffff  }
0x5e0: {  	v2 =	vadd.f32 v42, v1;
	v18 =	vld.idx.msk [tilespmem:v18+s29+$0x0], $0xffff  }
0x5e1: {  	v17 =	vld.idx.msk [tilespmem:v17+s29+$0x0], $0xffff  }
0x5e2: {  	v42 =	vadd.f32 v28, v2;
	v2 =	vld [tilespmem:$0x1EF40]  }
0x5e3: {  	v26 =	vmul.f32 v38, v20;
	v38 =	vld [tilespmem:$0x1EF60]  }
0x5e4: {  	v13 =	vadd.f32 v0, v8;
	v8 =	vmul.f32 v39, v20;
	v39 =	vld [tilespmem:$0x1EDA0]  }
0x5e5: {  	v4 =	vadd.f32 v60, v10;
	v10 =	vld.idx.msk [tilespmem:v30+s29+$0x0], $0xffff  }
0x5e6: {  	v60 =	vld [tilespmem:$0x1EE30]  }
0x5e7: {  	v14 =	vmul.f32 v45, v20;
	[tilespmem:$0x1ECB0] =	vst v42;
	v42 =	vld [tilespmem:$0x1EDB0]  }
0x5e8: {  	v43 =	vmul.f32 v43, v59;
	v0 =	vadd.f32 v48, v23;
	v13 =	vadd.f32 v41, v13;
	v41 =	vld [tilespmem:$0x1EF70]  }
0x5e9: {  	v1 =	vadd.f32 v47, v19;
	v4 =	vadd.f32 v14, v4;
	v14 =	vld.idx.msk [tilespmem:v40+s29+$0x0], $0xffff  }
0x5ea: {  	v5 =	vmul.f32 v5, v20;
	v13 =	vadd.f32 v43, v13;
	v43 =	vadd.f32 v49, v35;
	v49 =	vld [tilespmem:$0x1EF50]  }
0x5eb: {  	v7 =	vadd.f32 v3, v2;
	v3 =	vld [tilespmem:$0x1ED80]  }
0x5ec: {  	v32 =	vmul.f32 v32, v59;
	v0 =	vadd.f32 v26, v0;
	v1 =	vadd.f32 v5, v1;
	v5 =	vld.idx.msk [tilespmem:v33+s29+$0x0], $0xffff  }
0x5ed: {  	v36 =	vmul.f32 v36, v59;
	v33 =	vld [tilespmem:$0x1ED00]  }
0x5ee: {  	v6 =	vmul.f32 v6, v59;
	v12 =	vld.idx.msk [tilespmem:v56+s29+$0x0], $0xffff;
	v0 =	vadd.f32 v32, v0  }
0x5ef: {  	v15 =	vmul.f32 v15, v59;
	v4 =	vadd.f32 v36, v4;
	v36 =	vld [tilespmem:$0x1ED10];
	v45 =	vadd.f32 v27, v13  }
0x5f0: {  	v1 =	vadd.f32 v6, v1;
	[tilespmem:$0x1ECD0] =	vst v43;
	v43 =	vld [tilespmem:$0x1EF80];
	v13 =	vmul.f32 v14, v20;
	v9 =	vadd.f32 v3, v49  }
0x5f1: {  	s11 =	sadd.s32 $0x2, s3;
	v6 =	vmul.f32 v18, v59;
	v40 =	vadd.f32 v39, v38;
	v7 =	vadd.f32 v8, v7;
	[tilespmem:$0x1ECA0] =	vst v45;
	v45 =	vld [tilespmem:$0x1EDC0]  }
0x5f2: {  	v18 =	vmov s11;
	v8 =	vadd.f32 v13, v9;
	v9 =	vld.idx.msk [tilespmem:v34+s29+$0x0], $0xffff;
	v13 =	vmul.f32 v16, v59  }
0x5f3: {  	v10 =	vmul.f32 v10, v20;
	v0 =	vadd.f32 v62, v0;
	v14 =	vld.idx.msk [tilespmem:v31+s29+$0x0], $0xffff;
	v7 =	vadd.f32 v15, v7  }
0x5f4: {  	v18 =	vand.u32 $0x3E, v18;
	v46 =	vadd.f32 v29, v4;
	v11 =	vld.idx.msk [tilespmem:v60+s29+$0x0], $0xffff;
	v8 =	vadd.f32 v13, v8  }
0x5f5: {  	v28 =	vbroadcast v18, $0x0;
	v15 =	vld.idx.msk [tilespmem:v33+s29+$0x0], $0xffff;
	v34 =	vadd.f32 v63, v7;
	v16 =	vadd.f32 v42, v41  }
0x5f6: {  	v5 =	vmul.f32 v5, v20;
	v35 =	vadd.f32 v25, v8;
	v8 =	vadd.f32 v37, v55  }
0x5f7: {  	v32 =	vld [tilespmem:$0x1EED0];
	v13 =	vmul.f32 v17, v59;
	v3 =	vadd.f32 v45, v43;
	v9 =	vmul.f32 v9, v20  }
0x5f8: {  	v14 =	vmul.f32 v14, v20;
	v7 =	vld.idx.msk [tilespmem:v36+s29+$0x0], $0xffff;
	v5 =	vadd.f32 v5, v16;
	v8 =	vadd.f32 v10, v8  }
0x5f9: {  	v21 =	vld [tilespmem:$0x1F910];
	v10 =	vmul.f32 v12, v59;
	v3 =	vadd.f32 v9, v3;
	v9 =	vmul.f32 v11, v59  }
0x5fa: {  	v2 =	vadd.f32 v14, v40;
	v20 =	vld [tilespmem:$0x1FE50];
	v6 =	vadd.f32 v6, v8;
	v8 =	vmul.f32 v15, v44  }
0x5fb: {  	v22 =	vld [tilespmem:$0x1F920];
	v5 =	vadd.f32 v10, v5;
	v3 =	vadd.f32 v9, v3;
	v9 =	vmov s3  }
0x5fc: {  	v23 =	vld [tilespmem:$0x1EE20];
	v1 =	vadd.f32 v32, v1;
	v2 =	vadd.f32 v13, v2;
	v48 =	vand.u32 $0x3C, v9  }
0x5fd: {  	s1 =	sadd.s32 $0x3, s3;
	v4 =	vld [tilespmem:$0x1ED20];
	v7 =	vmul.f32 v7, v44;
	v49 =	vadd.f32 v8, v5;
	v5 =	vbroadcast v48, $0x0  }
0x5fe: {  	[tilespmem:$0x1EB50] =	vst v0;
	v17 =	vmov s1;
	v55 =	vld [tilespmem:$0x1FFC0];
	v47 =	vadd.f32 v52, v2  }
0x5ff: {  	[tilespmem:$0x1EC20] =	vst v1;
	v1 =	vld [tilespmem:$0x1FE60];
	v0 =	vor.u32 v20, v28;
	v52 =	vadd.f32 v7, v3;
	v7 =	vor.u32 v54, v5  }
0x600: {  	v17 =	vand.u32 $0x3F, v17;
	[tilespmem:$0x1EB30] =	vst v0;
	v0 =	vld [tilespmem:$0x1FFE0]  }
0x601: {  	[tilespmem:$0x1EC60] =	vst v46;
	v17 =	vbroadcast v17, $0x0;
	v46 =	vadd.f32 v61, v6;
	v61 =	vld [tilespmem:$0x1FFD0]  }
0x602: {  	[tilespmem:$0x1EF70] =	vst v49;
	v49 =	vld [tilespmem:$0x1FE40];
	v2 =	vor.u32 v4, v5  }
0x603: {  	v41 =	vor.u32 v58, v17;
	v6 =	vor.u32 v55, v5;
	v14 =	vor.u32 v58, v5;
	v58 =	vld [tilespmem:$0x1FFC0]  }
0x604: {  	[tilespmem:$0x1EF50] =	vst v35;
	v35 =	vld.idx.msk [tilespmem:v7+s29+$0x0], $0xffff  }
0x605: {  	v9 =	vor.u32 v20, v5;
	v0 =	vor.u32 v0, v28;
	v7 =	vld [tilespmem:$0x1F7E0]  }
0x606: {  	v10 =	vor.u32 v51, v5;
	[tilespmem:$0x1EB40] =	vst v0;
	v0 =	vld [tilespmem:$0x1FFF0]  }
0x607: {  	v8 =	vor.u32 v49, v5;
	v3 =	vld.idx.msk [tilespmem:v2+s28+$0x0], $0xffff  }
0x608: {  	v11 =	vor.u32 v1, v5;
	v60 =	vld.idx.msk [tilespmem:v6+s29+$0x0], $0xffff  }
0x609: {  	v2 =	vld [tilespmem:$0x1FE70]  }
0x60a: {  	v37 =	vld.idx.msk [tilespmem:v9+s29+$0x0], $0xffff;
	v13 =	vor.u32 v7, v5  }
0x60b: {  	v6 =	vor.u32 v53, v5;
	v45 =	vld.idx.msk [tilespmem:v10+s29+$0x0], $0xffff  }
0x60c: {  	v43 =	vld.idx.msk [tilespmem:v8+s29+$0x0], $0xffff  }
0x60d: {  	v8 =	vld.idx.msk [tilespmem:v11+s29+$0x0], $0xffff;
	v0 =	vor.u32 v0, v28  }
0x60e: {  	v10 =	vld [tilespmem:$0x1F870];
	[tilespmem:$0x1EB60] =	vst v0;
	v0 =	vor.u32 v1, v28  }
0x60f: {  	[tilespmem:$0x1EB70] =	vst v0;
	v0 =	vor.u32 v2, v28;
	v9 =	vld.idx.msk [tilespmem:v13+s29+$0x0], $0xffff  }
0x610: {  	v12 =	vor.u32 v2, v5;
	v19 =	vld.idx.msk [tilespmem:v6+s29+$0x0], $0xffff;
	[tilespmem:$0x1EB80] =	vst v0;
	v0 =	vor.u32 v7, v28  }
0x611: {  	[tilespmem:$0x1EB90] =	vst v0;
	v0 =	vld [tilespmem:$0x1F7F0]  }
0x612: {  	[tilespmem:$0x1EB10] =	vst v8;
	v8 =	vld [tilespmem:$0x1F840]  }
0x613: {  	v6 =	vor.u32 v57, v5;
	v13 =	vld [tilespmem:$0x1F880]  }
0x614: {  	[tilespmem:$0x1EB20] =	vst v9;
	v9 =	vld [tilespmem:$0x1F860]  }
0x615: {  	[tilespmem:$0x1EF60] =	vst v47;
	v47 =	vld.idx.msk [tilespmem:v12+s29+$0x0], $0xffff;
	v12 =	vor.u32 v50, v5  }
0x616: {  	v36 =	vld.idx.msk [tilespmem:v14+s29+$0x0], $0xffff;
	v16 =	vor.u32 v10, v5  }
0x617: {  	v14 =	vld [tilespmem:$0x1F900];
	v11 =	vor.u32 v8, v5  }
0x618: {  	v42 =	vld.idx.msk [tilespmem:v6+s29+$0x0], $0xffff;
	v0 =	vor.u32 v0, v28;
	v6 =	vor.u32 v13, v5  }
0x619: {  	[tilespmem:$0x1EBA0] =	vst v0;
	v0 =	vld [tilespmem:$0x1F810];
	v15 =	vor.u32 v9, v5  }
0x61a: {  	v32 =	vld.idx.msk [tilespmem:v12+s29+$0x0], $0xffff;
	v12 =	vor.u32 v21, v5  }
0x61b: {  	s9 =	sadd.s32 $0x1, s3;
	v26 =	vld.idx.msk [tilespmem:v16+s29+$0x0], $0xffff  }
0x61c: {  	v16 =	vmov s9;
	v24 =	vld.idx.msk [tilespmem:v11+s29+$0x0], $0xffff;
	v11 =	vor.u32 v14, v5  }
0x61d: {  	v27 =	vld.idx.msk [tilespmem:v6+s29+$0x0], $0xffff;
	v6 =	vand.u32 $0x3D, v16;
	v16 =	vor.u32 v4, v17  }
0x61e: {  	[tilespmem:$0x1EF40] =	vst v34;
	v0 =	vor.u32 v0, v28;
	v25 =	vld.idx.msk [tilespmem:v15+s29+$0x0], $0xffff;
	v15 =	vor.u32 v22, v5  }
0x61f: {  	v30 =	vld.idx.msk [tilespmem:v12+s29+$0x0], $0xffff;
	v12 =	vor.u32 v49, v17;
	[tilespmem:$0x1EC50] =	vst v0;
	v0 =	vor.u32 v8, v28  }
0x620: {  	v34 =	vbroadcast v6, $0x0;
	v6 =	vor.u32 v55, v17;
	[tilespmem:$0x1EC70] =	vst v0;
	v0 =	vld [tilespmem:$0x1F850]  }
0x621: {  	v18 =	vor.u32 v20, v17;
	v29 =	vld.idx.msk [tilespmem:v11+s29+$0x0], $0xffff  }
0x622: {  	v56 =	vor.u32 v22, v17;
	v11 =	vor.u32 v54, v17;
	v44 =	vld.idx.msk [tilespmem:v16+s28+$0x0], $0xffff  }
0x623: {  	v31 =	vor.u32 v51, v17;
	[tilespmem:$0x1ED00] =	vst v56;
	v33 =	vld.idx.msk [tilespmem:v15+s29+$0x0], $0xffff;
	v15 =	vor.u32 v53, v17  }
0x624: {  	v38 =	vor.u32 v1, v17;
	[tilespmem:$0x1EBF0] =	vst v46;
	v56 =	vor.u32 v58, v28;
	v58 =	vld.idx.msk [tilespmem:v12+s29+$0x0], $0xffff  }
0x625: {  	v59 =	vor.u32 v50, v17;
	v46 =	vor.u32 v57, v17;
	[tilespmem:$0x1EF80] =	vst v52;
	v50 =	vld.idx.msk [tilespmem:v6+s29+$0x0], $0xffff  }
0x626: {  	v39 =	vor.u32 v2, v17;
	v63 =	vor.u32 v10, v17;
	v57 =	vor.u32 v23, v17;
	v6 =	vld.idx.msk [tilespmem:v18+s29+$0x0], $0xffff  }
0x627: {  	[tilespmem:$0x1ED10] =	vst v57;
	v57 =	vor.u32 v61, v28;
	v5 =	vor.u32 v23, v5;
	v53 =	vld.idx.msk [tilespmem:v11+s29+$0x0], $0xffff  }
0x628: {  	v61 =	vor.u32 v49, v28;
	v55 =	vor.u32 v4, v28;
	v12 =	vor.u32 v4, v34;
	v11 =	vld.idx.msk [tilespmem:v15+s29+$0x0], $0xffff  }
0x629: {  	v4 =	vor.u32 v49, v34;
	v49 =	vmul.f32 v36, v3;
	v0 =	vor.u32 v0, v28;
	v15 =	vld.idx.msk [tilespmem:v41+s29+$0x0], $0xffff  }
0x62a: {  	v52 =	vor.u32 v14, v17;
	v48 =	vor.u32 v8, v17;
	v51 =	vor.u32 v13, v17;
	[tilespmem:$0x1EC80] =	vst v0;
	v41 =	vld [tilespmem:$0x1FFC0]  }
0x62b: {  	v18 =	vld.idx.msk [tilespmem:v59+s29+$0x0], $0xffff;
	v59 =	vmul.f32 v42, v3;
	v0 =	vor.u32 v9, v28;
	[tilespmem:$0x1ECE0] =	vst v49  }
0x62c: {  	v62 =	vor.u32 v9, v17;
	v54 =	vor.u32 v21, v17;
	[tilespmem:$0x1EC90] =	vst v0;
	v40 =	vld.idx.msk [tilespmem:v5+s29+$0x0], $0xffff  }
0x62d: {  	v0 =	vor.u32 v10, v28;
	[tilespmem:$0x1ED30] =	vst v59;
	v5 =	vor.u32 v7, v17;
	v17 =	vld.idx.msk [tilespmem:v46+s29+$0x0], $0xffff  }
0x62e: {  	[tilespmem:$0x1EC30] =	vst v0;
	v0 =	vor.u32 v13, v28;
	v46 =	vmul.f32 v45, v3;
	v45 =	vld [tilespmem:$0x1FFD0]  }
0x62f: {  	[tilespmem:$0x1EC10] =	vst v0;
	v0 =	vor.u32 v14, v28;
	v16 =	vor.u32 v41, v34;
	v41 =	vmul.f32 v19, v3  }
0x630: {  	[tilespmem:$0x1EC40] =	vst v0  }
0x631: {  	v49 =	vmul.f32 v25, v3;
	v0 =	vor.u32 v21, v28;
	[tilespmem:$0x1EBD0] =	vst v41;
	v41 =	vmul.f32 v47, v3;
	v47 =	vld [tilespmem:$0x1EB20]  }
0x632: {  	v59 =	vld [tilespmem:$0x1FFF0];
	[tilespmem:$0x1EC00] =	vst v0;
	v0 =	vor.u32 v22, v28  }
0x633: {  	[tilespmem:$0x1ED60] =	vst v49;
	v49 =	vmul.f32 v30, v3;
	v19 =	vor.u32 v45, v34;
	v45 =	vld.idx.msk [tilespmem:v48+s29+$0x0], $0xffff  }
0x634: {  	v60 =	vmul.f32 v60, v3;
	v35 =	vmul.f32 v35, v3;
	[tilespmem:$0x1EE10] =	vst v0;
	v48 =	vld [tilespmem:$0x1EB10]  }
0x635: {  	v0 =	vor.u32 v23, v28;
	[tilespmem:$0x1EDA0] =	vst v49;
	v49 =	vmul.f32 v15, v44;
	v15 =	vld.idx.msk [tilespmem:v4+s29+$0x0], $0xffff  }
0x636: {  	v37 =	vmul.f32 v37, v3;
	[tilespmem:$0x1EE30] =	vst v0;
	v4 =	vld [tilespmem:$0x1EDE0];
	v0 =	vmul.f32 v47, v3  }
0x637: {  	v38 =	vld.idx.msk [tilespmem:v38+s29+$0x0], $0xffff;
	v47 =	vmul.f32 v32, v3;
	v32 =	vmul.f32 v26, v3  }
0x638: {  	v43 =	vmul.f32 v43, v3;
	v36 =	vor.u32 v20, v34;
	[tilespmem:$0x1EBE0] =	vst v41;
	v41 =	vmul.f32 v24, v3  }
0x639: {  	v24 =	vor.u32 v59, v34;
	v59 =	vmul.f32 v33, v3;
	[tilespmem:$0x1ED70] =	vst v32;
	v32 =	vmul.f32 v40, v3;
	v40 =	vld [tilespmem:$0x1F810]  }
0x63a: {  	v20 =	vld.idx.msk [tilespmem:v12+s28+$0x0], $0xffff;
	v48 =	vmul.f32 v48, v3;
	[tilespmem:$0x1ED40] =	vst v41;
	v41 =	vmul.f32 v27, v3  }
0x63b: {  	[tilespmem:$0x1ED50] =	vst v47;
	v47 =	vmul.f32 v29, v3;
	v3 =	vor.u32 v7, v34;
	v7 =	vadd.f32 v35, v4;
	v4 =	vld [tilespmem:$0x1EE00]  }
0x63c: {  	v28 =	vld.idx.msk [tilespmem:v5+s29+$0x0], $0xffff  }
0x63d: {  	v5 =	vld [tilespmem:$0x1F850]  }
0x63e: {  	[tilespmem:$0x1ECC0] =	vst v0;
	v0 =	vor.u32 v40, v34;
	v40 =	vor.u32 v13, v34;
	v13 =	vld.idx.msk [tilespmem:v61+s29+$0x0], $0xffff  }
0x63f: {  	v61 =	vld [tilespmem:$0x1EB30]  }
0x640: {  	v12 =	vor.u32 v8, v34;
	v8 =	vadd.f32 v43, v4;
	v4 =	vld [tilespmem:$0x1EE40];
	_ =	sdelay $0x3  }
0x641: {  	[tilespmem:$0x1ED80] =	vst v41;
	v41 =	vor.u32 v5, v34  }
0x642: {  	[tilespmem:$0x1ECF0] =	vst v41;
	v41 =	vmul.f32 v38, v44;
	v38 =	vor.u32 v9, v34;
	v9 =	vadd.f32 v37, v4;
	v4 =	vld [tilespmem:$0x1EB70]  }
0x643: {  	v39 =	vld.idx.msk [tilespmem:v39+s29+$0x0], $0xffff  }
0x644: {  	[tilespmem:$0x1EDB0] =	vst v59;
	v59 =	vld.idx.msk [tilespmem:v55+s28+$0x0], $0xffff  }
0x645: {  	v27 =	vmul.f32 v17, v44;
	v17 =	vld.idx.msk [tilespmem:v61+s29+$0x0], $0xffff;
	_ =	sdelay $0x2  }
0x646: {  	v15 =	vmul.f32 v15, v20;
	v5 =	vmul.f32 v39, v44;
	v39 =	vor.u32 v10, v34;
	v10 =	vld.idx.msk [tilespmem:v36+s29+$0x0], $0xffff  }
0x647: {  	v36 =	vld [tilespmem:$0x1EB60]  }
0x648: {  	v8 =	vadd.f32 v15, v8;
	v15 =	vmul.f32 v17, v59;
	v17 =	vld.idx.msk [tilespmem:v4+s29+$0x0], $0xffff  }
0x649: {  	v4 =	vld [tilespmem:$0x1EB80];
	_ =	sdelay $0x1  }
0x64a: {  	v31 =	vld.idx.msk [tilespmem:v31+s29+$0x0], $0xffff  }
0x64b: {  	v56 =	vld.idx.msk [tilespmem:v56+s29+$0x0], $0xffff;
	v29 =	vmul.f32 v45, v44  }
0x64c: {  	v63 =	vld.idx.msk [tilespmem:v63+s29+$0x0], $0xffff;
	v45 =	vmul.f32 v18, v44;
	v10 =	vmul.f32 v10, v20  }
0x64d: {  	v16 =	vld.idx.msk [tilespmem:v16+s29+$0x0], $0xffff  }
0x64e: {  	[tilespmem:$0x1EED0] =	vst v45;
	v45 =	vld.idx.msk [tilespmem:v36+s29+$0x0], $0xffff;
	v9 =	vadd.f32 v10, v9  }
0x64f: {  	v36 =	vld [tilespmem:$0x1EDD0]  }
0x650: {  	v9 =	vadd.f32 v15, v9;
	v15 =	vld.idx.msk [tilespmem:v4+s29+$0x0], $0xffff  }
0x651: {  	v4 =	vld [tilespmem:$0x1EB90]  }
0x652: {  	v52 =	vld.idx.msk [tilespmem:v52+s29+$0x0], $0xffff  }
0x653: {  	v42 =	vld [tilespmem:$0x1FFE0]  }
0x654: {  	v57 =	vld.idx.msk [tilespmem:v57+s29+$0x0], $0xffff  }
0x655: {  	v54 =	vld.idx.msk [tilespmem:v54+s29+$0x0], $0xffff;
	v26 =	vor.u32 v2, v34;
	v16 =	vmul.f32 v16, v20;
	v2 =	vadd.f32 v60, v36  }
0x656: {  	v33 =	vld [tilespmem:$0x1F7F0]  }
0x657: {  	v19 =	vld.idx.msk [tilespmem:v19+s29+$0x0], $0xffff;
	v18 =	vmul.f32 v56, v59;
	v2 =	vadd.f32 v16, v2  }
0x658: {  	v42 =	vor.u32 v42, v34;
	[tilespmem:$0x1EDC0] =	vst v32;
	v32 =	vld [tilespmem:$0x1EB40]  }
0x659: {  	v2 =	vadd.f32 v18, v2;
	v18 =	vld.idx.msk [tilespmem:v4+s29+$0x0], $0xffff  }
0x65a: {  	v4 =	vld [tilespmem:$0x1EBA0]  }
0x65b: {  	v62 =	vld.idx.msk [tilespmem:v62+s29+$0x0], $0xffff  }
0x65c: {  	v25 =	vld.idx.msk [tilespmem:v51+s29+$0x0], $0xffff;
	v30 =	vor.u32 v14, v34;
	v55 =	vor.u32 v33, v34;
	v19 =	vmul.f32 v19, v20  }
0x65d: {  	v14 =	vld.idx.msk [tilespmem:v42+s29+$0x0], $0xffff;
	v33 =	vor.u32 v22, v34;
	v13 =	vmul.f32 v13, v59;
	v61 =	vmul.f32 v52, v44  }
0x65e: {  	v22 =	vld.idx.msk [tilespmem:v24+s29+$0x0], $0xffff;
	v7 =	vadd.f32 v19, v7;
	v52 =	vmul.f32 v54, v44;
	v54 =	vmul.f32 v57, v59  }
0x65f: {  	v51 =	vor.u32 v1, v34;
	v58 =	vmul.f32 v58, v44;
	v1 =	vmul.f32 v6, v44;
	v19 =	vld [tilespmem:$0x1EBE0]  }
0x660: {  	v53 =	vmul.f32 v53, v44;
	v6 =	vld.idx.msk [tilespmem:v32+s29+$0x0], $0xffff;
	v8 =	vadd.f32 v13, v8;
	v7 =	vadd.f32 v54, v7  }
0x661: {  	v13 =	vmul.f32 v45, v59;
	v45 =	vld [tilespmem:$0x1EBB0]  }
0x662: {  	v42 =	vadd.f32 v53, v7;
	v7 =	vld.idx.msk [tilespmem:v4+s29+$0x0], $0xffff;
	v4 =	vadd.f32 v58, v8  }
0x663: {  	v8 =	vld [tilespmem:$0x1EBD0]  }
0x664: {  	v1 =	vadd.f32 v1, v9;
	[tilespmem:$0x1EE00] =	vst v4;
	v4 =	vld [tilespmem:$0x1EBC0]  }
0x665: {  	[tilespmem:$0x1ED90] =	vst v47;
	v47 =	vmul.f32 v31, v44;
	v31 =	vor.u32 v21, v34;
	v34 =	vor.u32 v23, v34;
	v23 =	vld [tilespmem:$0x1EB50]  }
0x666: {  	v14 =	vmul.f32 v14, v20;
	v3 =	vld.idx.msk [tilespmem:v3+s29+$0x0], $0xffff;
	[tilespmem:$0x1EE40] =	vst v1;
	v1 =	vadd.f32 v46, v45  }
0x667: {  	v43 =	vmul.f32 v22, v20;
	v22 =	vld.idx.msk [tilespmem:v55+s29+$0x0], $0xffff  }
0x668: {  	v16 =	vld.idx.msk [tilespmem:v51+s29+$0x0], $0xffff;
	v6 =	vmul.f32 v6, v59;
	v1 =	vadd.f32 v14, v1  }
0x669: {  	v8 =	vadd.f32 v8, v4;
	v4 =	vld [tilespmem:$0x1EEF0]  }
0x66a: {  	v55 =	vld [tilespmem:$0x1EBF0];
	v1 =	vadd.f32 v6, v1  }
0x66b: {  	v0 =	vld.idx.msk [tilespmem:v0+s29+$0x0], $0xffff  }
0x66c: {  	v56 =	vadd.f32 v47, v1;
	v47 =	vld [tilespmem:$0x1EC90]  }
0x66d: {  	v50 =	vmul.f32 v50, v44;
	v10 =	vld.idx.msk [tilespmem:v26+s29+$0x0], $0xffff  }
0x66e: {  	v9 =	vmul.f32 v16, v20;
	v16 =	vadd.f32 v48, v4;
	v4 =	vld [tilespmem:$0x1EF00]  }
0x66f: {  	v57 =	vld [tilespmem:$0x1F810];
	v2 =	vadd.f32 v50, v2  }
0x670: {  	v51 =	vld [tilespmem:$0x1FFE0]  }
0x671: {  	v54 =	vld [tilespmem:$0x1FFD0];
	[tilespmem:$0x1EDD0] =	vst v2;
	v2 =	vadd.f32 v43, v8;
	v8 =	vmul.f32 v17, v59;
	v9 =	vadd.f32 v9, v16  }
0x672: {  	v10 =	vmul.f32 v10, v20;
	v45 =	vld.idx.msk [tilespmem:v12+s29+$0x0], $0xffff  }
0x673: {  	v46 =	vmul.f32 v3, v20;
	v3 =	vld [tilespmem:$0x1EC80];
	v8 =	vadd.f32 v8, v9;
	v19 =	vadd.f32 v19, v4  }
0x674: {  	v32 =	vld.idx.msk [tilespmem:v47+s29+$0x0], $0xffff  }
0x675: {  	v12 =	vmul.f32 v15, v59;
	v47 =	vld [tilespmem:$0x1ECB0];
	v48 =	vadd.f32 v41, v8;
	v10 =	vadd.f32 v10, v19  }
0x676: {  	v4 =	vld [tilespmem:$0x1EC50]  }
0x677: {  	[tilespmem:$0x1EEF0] =	vst v48;
	v48 =	vld [tilespmem:$0x1ECC0];
	v9 =	vadd.f32 v12, v10  }
0x678: {  	v53 =	vld [tilespmem:$0x1FFF0]  }
0x679: {  	v50 =	vld [tilespmem:$0x1F850];
	v41 =	vadd.f32 v5, v9  }
0x67a: {  	v15 =	vld [tilespmem:$0x1EC30]  }
0x67b: {  	[tilespmem:$0x1EF00] =	vst v41;
	v41 =	vld [tilespmem:$0x1ECD0]  }
0x67c: {  	v48 =	vadd.f32 v48, v47;
	v47 =	vld [tilespmem:$0x1ECE0]  }
0x67d: {  	v6 =	vld.idx.msk [tilespmem:v3+s29+$0x0], $0xffff  }
0x67e: {  	[tilespmem:$0x1EDE0] =	vst v42;
	v42 =	vmul.f32 v18, v59;
	v18 =	vld [tilespmem:$0x1EC40]  }
0x67f: {  	v43 =	vld.idx.msk [tilespmem:v4+s29+$0x0], $0xffff  }
0x680: {  	v4 =	vld [tilespmem:$0x1EC70]  }
0x681: {  	v47 =	vadd.f32 v47, v41;
	v41 =	vmul.f32 v0, v20;
	v0 =	vld [tilespmem:$0x1ECF0]  }
0x682: {  	v58 =	vld [tilespmem:$0x1F7F0]  }
0x683: {  	v17 =	vld [tilespmem:$0x1EC00]  }
0x684: {  	p0 =	slt.u32 s3, $0x3C;
	v16 =	vld [tilespmem:$0x1EC10]  }
.Ltmp3:
0x685: {  	v8 =	vld [tilespmem:$0x1ECA0];
	(pc) =	sbr.rel @p0 .LBB2_9-.Ltmp3, $4  }
0x686: {  	v62 =	vmul.f32 v62, v44;
	v19 =	vld [tilespmem:$0x1EC20]  }
0x687: {  	v63 =	vmul.f32 v63, v44;
	v11 =	vmul.f32 v11, v44;
	v2 =	vadd.f32 v13, v2;
	v10 =	vld [tilespmem:$0x1EC60]  }
0x688: {  	v25 =	vmul.f32 v25, v44;
	v28 =	vmul.f32 v28, v44;
	v36 =	vld.idx.msk [tilespmem:v4+s29+$0x0], $0xffff  }
0x689: {  	s3 =	sadd.s32 $0x4, s3;
	v35 =	vmul.f32 v22, v20;
	v37 =	vmul.f32 v7, v59;
	v60 =	vadd.f32 v11, v2;
	v5 =	vld.idx.msk [tilespmem:v0+s29+$0x0], $0xffff  }
0x68a: {  	_ =	sdelay $0x3  }
0x68b: {  	v0 =	vld.idx.msk [tilespmem:v38+s29+$0x0], $0xffff  }
0x68c: {  	v1 =	vld.idx.msk [tilespmem:v39+s29+$0x0], $0xffff  }
0x68d: {  	v2 =	vld.idx.msk [tilespmem:v40+s29+$0x0], $0xffff  }
0x68e: {  	v3 =	vld.idx.msk [tilespmem:v15+s29+$0x0], $0xffff  }
0x68f: {  	v4 =	vld.idx.msk [tilespmem:v16+s29+$0x0], $0xffff  }
0x690: {  	v7 =	vld.idx.msk [tilespmem:v18+s29+$0x0], $0xffff  }
0x691: {  	v9 =	vld [tilespmem:$0x1ED30]  }
0x692: {  	v11 =	vld [tilespmem:$0x1ED40]  }
0x693: {  	v13 =	vld.idx.msk [tilespmem:v30+s29+$0x0], $0xffff  }
0x694: {  	v16 =	vld.idx.msk [tilespmem:v31+s29+$0x0], $0xffff  }
0x695: {  	v15 =	vmul.f32 v43, v59;
	v43 =	vld [tilespmem:$0x1EE30]  }
0x696: {  	v21 =	vld [tilespmem:$0x1ED50]  }
0x697: {  	v12 =	vmul.f32 v45, v20;
	v45 =	vld [tilespmem:$0x1ED00]  }
0x698: {  	v26 =	vld [tilespmem:$0x1ED70]  }
0x699: {  	v50 =	vld [tilespmem:$0x1EDD0]  }
0x69a: {  	v51 =	vld [tilespmem:$0x1EDE0]  }
0x69b: {  	v53 =	vld [tilespmem:$0x1EE00]  }
0x69c: {  	v57 =	vld [tilespmem:$0x1EE40]  }
0x69d: {  	v58 =	vld [tilespmem:$0x1EDC0]  }
0x69e: {  	v38 =	vld [tilespmem:$0x1FEE0];
	v8 =	vadd.f32 v9, v8  }
0x69f: {  	v40 =	vld [tilespmem:$0x1FF00];
	v14 =	vadd.f32 v35, v47  }
0x6a0: {  	v54 =	vmul.f32 v32, v59;
	v32 =	vld [tilespmem:$0x1FFA0];
	v8 =	vadd.f32 v41, v8  }
0x6a1: {  	v47 =	vld [tilespmem:$0x1ED10];
	v14 =	vadd.f32 v37, v14;
	v10 =	vadd.f32 v11, v10  }
0x6a2: {  	v11 =	vadd.f32 v46, v48;
	v48 =	vld [tilespmem:$0x1EF40];
	v8 =	vadd.f32 v15, v8  }
0x6a3: {  	v14 =	vadd.f32 v49, v14;
	v49 =	vld [tilespmem:$0x1EF50]  }
0x6a4: {  	v8 =	vadd.f32 v27, v8;
	v27 =	vld [tilespmem:$0x1ED80]  }
0x6a5: {  	v9 =	vld.idx.msk [tilespmem:v17+s29+$0x0], $0xffff  }
0x6a6: {  	v17 =	vld.idx.msk [tilespmem:v33+s29+$0x0], $0xffff;
	v10 =	vadd.f32 v12, v10;
	v12 =	vmul.f32 v36, v59  }
0x6a7: {  	v46 =	vld [tilespmem:$0x1ED60];
	v1 =	vmul.f32 v1, v20;
	v26 =	vadd.f32 v26, v48  }
0x6a8: {  	v2 =	vmul.f32 v2, v20;
	v18 =	vld.idx.msk [tilespmem:v43+s29+$0x0], $0xffff;
	v10 =	vadd.f32 v12, v10  }
0x6a9: {  	v3 =	vmul.f32 v3, v59;
	v12 =	vld [tilespmem:$0x1EE10];
	v1 =	vadd.f32 v1, v26;
	v27 =	vadd.f32 v27, v49  }
0x6aa: {  	v5 =	vmul.f32 v5, v20;
	v19 =	vadd.f32 v21, v19;
	v22 =	vld.idx.msk [tilespmem:v45+s29+$0x0], $0xffff  }
0x6ab: {  	v4 =	vmul.f32 v4, v59;
	v1 =	vadd.f32 v3, v1;
	v3 =	vld [tilespmem:$0x1EED0];
	v2 =	vadd.f32 v2, v27  }
0x6ac: {  	v6 =	vmul.f32 v6, v59;
	v5 =	vadd.f32 v5, v19;
	v15 =	vld.idx.msk [tilespmem:v34+s29+$0x0], $0xffff  }
0x6ad: {  	v2 =	vadd.f32 v4, v2;
	v4 =	vld [tilespmem:$0x1EEF0]  }
0x6ae: {  	v24 =	vld.idx.msk [tilespmem:v47+s29+$0x0], $0xffff;
	v5 =	vadd.f32 v6, v5  }
0x6af: {  	v6 =	vld [tilespmem:$0x1EDA0]  }
0x6b0: {  	v11 =	vadd.f32 v42, v11;
	v3 =	vadd.f32 v3, v5;
	v5 =	vld [tilespmem:$0x1EF60]  }
0x6b1: {  	v12 =	vld.idx.msk [tilespmem:v12+s29+$0x0], $0xffff  }
0x6b2: {  	v11 =	vadd.f32 v28, v11;
	[tilespmem:s7+$0x16170] =	vst v4;
	v4 =	vld [tilespmem:$0x1EF00]  }
0x6b3: {  	v37 =	vld [tilespmem:$0x1FFB0]  }
0x6b4: {  	[tilespmem:s7+$0x16570] =	vst v11;
	v11 =	vld [tilespmem:$0x1EF70]  }
0x6b5: {  	v5 =	vadd.f32 v6, v5;
	v6 =	vmul.f32 v13, v20;
	v13 =	vld [tilespmem:$0x1EDB0]  }
0x6b6: {  	v33 =	vld [tilespmem:$0x1FF90];
	[tilespmem:s7+$0x15570] =	vst v50  }
0x6b7: {  	v0 =	vmul.f32 v0, v20;
	v23 =	vadd.f32 v46, v23;
	[tilespmem:s7+$0x16370] =	vst v4;
	v4 =	vld [tilespmem:$0x1ED90]  }
0x6b8: {  	v45 =	vld [tilespmem:$0x1FF10];
	[tilespmem:s7+$0x15770] =	vst v51  }
0x6b9: {  	v43 =	vld [tilespmem:$0x1FF20];
	v0 =	vadd.f32 v0, v23;
	[tilespmem:s7+$0x16770] =	vst v14;
	v14 =	vmul.f32 v16, v20  }
0x6ba: {  	[tilespmem:s7+$0x15970] =	vst v53;
	v11 =	vadd.f32 v13, v11;
	v13 =	vld [tilespmem:$0x1EF80]  }
0x6bb: {  	v47 =	vld [tilespmem:$0x1FED0];
	v9 =	vmul.f32 v9, v59;
	v0 =	vadd.f32 v54, v0;
	[tilespmem:s7+$0x15B70] =	vst v57;
	v5 =	vadd.f32 v14, v5  }
0x6bc: {  	v46 =	vld [tilespmem:$0x1FEA0];
	v10 =	vadd.f32 v29, v10;
	[tilespmem:s7+$0x15D70] =	vst v56;
	v4 =	vadd.f32 v4, v55  }
0x6bd: {  	v29 =	vld [tilespmem:$0x1FF80];
	v0 =	vadd.f32 v62, v0;
	[tilespmem:s7+$0x15F70] =	vst v60;
	v5 =	vadd.f32 v9, v5  }
0x6be: {  	[tilespmem:s7+$0x16970] =	vst v8;
	v56 =	vld [tilespmem:$0x1FEF0];
	v4 =	vadd.f32 v6, v4;
	v6 =	vmul.f32 v7, v59;
	v7 =	vmul.f32 v17, v20  }
0x6bf: {  	v1 =	vadd.f32 v63, v1;
	v8 =	vmul.f32 v15, v20;
	[tilespmem:s7+$0x16B70] =	vst v10;
	v15 =	vld [tilespmem:$0x1FF70];
	v13 =	vadd.f32 v58, v13  }
0x6c0: {  	v27 =	vld [tilespmem:$0x1FF60];
	[tilespmem:s7+$0x16D70] =	vst v3;
	v3 =	vmul.f32 v12, v59;
	v5 =	vadd.f32 v52, v5;
	v7 =	vadd.f32 v7, v11  }
0x6c1: {  	s25 =	sadd.s32 $0x1, s25;
	[tilespmem:s7+$0x16F70] =	vst v0;
	v9 =	vld [tilespmem:$0x1FF40];
	v4 =	vadd.f32 v6, v4;
	v6 =	vadd.f32 v8, v13;
	v8 =	vmul.f32 v18, v59  }
0x6c2: {  	p0 =	sne.s32 s25, $0x8;
	v62 =	vmul.f32 v22, v44;
	[tilespmem:s7+$0x17170] =	vst v1;
	v2 =	vadd.f32 v25, v2;
	v52 =	vld [tilespmem:$0x1FE80];
	v60 =	vadd.f32 v3, v7  }
.Ltmp4:
0x6c3: {  	[tilespmem:s7+$0x17770] =	vst v5;
	v5 =	vld [tilespmem:$0x1FEC0];
	v3 =	vadd.f32 v61, v4;
	v4 =	vadd.f32 v8, v6;
	v6 =	vmul.f32 v24, v44;
	(pc) =	sbr.rel @p0 .LBB2_2-.Ltmp4, $4  }
0x6c4: {  	[tilespmem:s7+$0x17370] =	vst v2;
	v55 =	vld [tilespmem:$0x1FF50];
	v0 =	vadd.f32 v62, v60  }
0x6c5: {  	[tilespmem:s7+$0x17570] =	vst v3;
	v63 =	vadd.f32 v6, v4;
	v62 =	vld [tilespmem:$0x1FE90]  }
0x6c6: {  	v4 =	vld [tilespmem:$0x1FEB0];
	[tilespmem:s7+$0x17970] =	vst v0  }
0x6c7: {  	v60 =	vld [tilespmem:$0x1FF30];
	[tilespmem:s7+$0x17B70] =	vst v63  }
0x6c8: {  	s1 =	simm.s32 $0x0;
	s3 =	rddreg [dreg:$0x4];
	s7 =	simm.s32 $0x15540  }
0x6c9: {  	[hbm4b:s3+s1] =	stream.linear.scatter [tilespmem:s7], [sflag:$0x4], $0x200, $0x38;
	[tilespmem:$0x17D40] =	vst v63  }
0x6ca: {  	_ =	swait.ge [sflag:s30], $0x200  }
0x6cb: {  	[sflag:s30] =	ssyncset.done $0x0  }
0x6cc: {  	s9 =	simm.s32 $0x15740;
	s7 =	rddreg [dreg:$0x5];
	[sflag:s30] =	ssyncadd.s32 $0xFFFFFE00  }
0x6cd: {  	[hbm4b:s7+s1] =	stream.linear.scatter [tilespmem:s9], [sflag:$0x4], $0x200, $0x38;
	[tilespmem:$0x17D40] =	vst v63  }
0x6ce: {  	_ =	swait.ge [sflag:s30], $0x200  }
0x6cf: {  	[sflag:s30] =	ssyncset.done $0x0  }
0x6d0: {  	s25 =	simm.s32 $0x15940;
	s11 =	rddreg [dreg:$0x6];
	[sflag:s30] =	ssyncadd.s32 $0xFFFFFE00  }
0x6d1: {  	[hbm4b:s11+s1] =	stream.linear.scatter [tilespmem:s25], [sflag:$0x4], $0x200, $0x38;
	[tilespmem:$0x17D40] =	vst v63  }
0x6d2: {  	_ =	swait.ge [sflag:s30], $0x200  }
0x6d3: {  	[sflag:s30] =	ssyncset.done $0x0  }
0x6d4: {  	s9 =	simm.s32 $0x15B40;
	s7 =	rddreg [dreg:$0x7];
	[sflag:s30] =	ssyncadd.s32 $0xFFFFFE00  }
0x6d5: {  	[hbm4b:s7+s1] =	stream.linear.scatter [tilespmem:s9], [sflag:$0x4], $0x200, $0x38;
	[tilespmem:$0x17D40] =	vst v63  }
0x6d6: {  	_ =	swait.ge [sflag:s30], $0x200  }
0x6d7: {  	[sflag:s30] =	ssyncset.done $0x0  }
0x6d8: {  	s25 =	simm.s32 $0x15D40;
	s11 =	rddreg [dreg:$0x8];
	[sflag:s30] =	ssyncadd.s32 $0xFFFFFE00  }
0x6d9: {  	[hbm4b:s11+s1] =	stream.linear.scatter [tilespmem:s25], [sflag:$0x4], $0x200, $0x38;
	[tilespmem:$0x17D40] =	vst v63  }
0x6da: {  	_ =	swait.ge [sflag:s30], $0x200  }
0x6db: {  	[sflag:s30] =	ssyncset.done $0x0  }
0x6dc: {  	s9 =	simm.s32 $0x15F40;
	s7 =	rddreg [dreg:$0x9];
	[sflag:s30] =	ssyncadd.s32 $0xFFFFFE00  }
0x6dd: {  	[hbm4b:s7+s1] =	stream.linear.scatter [tilespmem:s9], [sflag:$0x4], $0x200, $0x38;
	[tilespmem:$0x17D40] =	vst v63  }
0x6de: {  	_ =	swait.ge [sflag:s30], $0x200  }
0x6df: {  	[sflag:s30] =	ssyncset.done $0x0  }
0x6e0: {  	s25 =	simm.s32 $0x16140;
	s11 =	rddreg [dreg:$0xa];
	[sflag:s30] =	ssyncadd.s32 $0xFFFFFE00  }
0x6e1: {  	[hbm4b:s11+s1] =	stream.linear.scatter [tilespmem:s25], [sflag:$0x4], $0x200, $0x38;
	[tilespmem:$0x17D40] =	vst v63  }
0x6e2: {  	_ =	swait.ge [sflag:s30], $0x200  }
0x6e3: {  	[sflag:s30] =	ssyncset.done $0x0  }
0x6e4: {  	s9 =	simm.s32 $0x16340;
	s7 =	rddreg [dreg:$0xb];
	[sflag:s30] =	ssyncadd.s32 $0xFFFFFE00  }
0x6e5: {  	[hbm4b:s7+s1] =	stream.linear.scatter [tilespmem:s9], [sflag:$0x4], $0x200, $0x38;
	[tilespmem:$0x17D40] =	vst v63  }
0x6e6: {  	_ =	swait.ge [sflag:s30], $0x200  }
0x6e7: {  	[sflag:s30] =	ssyncset.done $0x0  }
0x6e8: {  	s25 =	simm.s32 $0x16540;
	s11 =	rddreg [dreg:$0xc];
	[sflag:s30] =	ssyncadd.s32 $0xFFFFFE00  }
0x6e9: {  	[hbm4b:s11+s1] =	stream.linear.scatter [tilespmem:s25], [sflag:$0x4], $0x200, $0x38;
	[tilespmem:$0x17D40] =	vst v63  }
0x6ea: {  	_ =	swait.ge [sflag:s30], $0x200  }
0x6eb: {  	[sflag:s30] =	ssyncset.done $0x0  }
0x6ec: {  	s9 =	simm.s32 $0x16740;
	s7 =	rddreg [dreg:$0xd];
	[sflag:s30] =	ssyncadd.s32 $0xFFFFFE00  }
0x6ed: {  	[hbm4b:s7+s1] =	stream.linear.scatter [tilespmem:s9], [sflag:$0x4], $0x200, $0x38;
	[tilespmem:$0x17D40] =	vst v63  }
0x6ee: {  	_ =	swait.ge [sflag:s30], $0x200  }
0x6ef: {  	[sflag:s30] =	ssyncset.done $0x0  }
0x6f0: {  	s25 =	simm.s32 $0x16940;
	s11 =	rddreg [dreg:$0xe];
	[sflag:s30] =	ssyncadd.s32 $0xFFFFFE00  }
0x6f1: {  	[hbm4b:s11+s1] =	stream.linear.scatter [tilespmem:s25], [sflag:$0x4], $0x200, $0x38;
	[tilespmem:$0x17D40] =	vst v63  }
0x6f2: {  	_ =	swait.ge [sflag:s30], $0x200  }
0x6f3: {  	[sflag:s30] =	ssyncset.done $0x0  }
0x6f4: {  	s9 =	simm.s32 $0x16B40;
	s7 =	rddreg [dreg:$0xf];
	[sflag:s30] =	ssyncadd.s32 $0xFFFFFE00  }
0x6f5: {  	[hbm4b:s7+s1] =	stream.linear.scatter [tilespmem:s9], [sflag:$0x4], $0x200, $0x38;
	[tilespmem:$0x17D40] =	vst v63  }
0x6f6: {  	_ =	swait.ge [sflag:s30], $0x200  }
0x6f7: {  	[sflag:s30] =	ssyncset.done $0x0  }
0x6f8: {  	s25 =	simm.s32 $0x16D40;
	s11 =	rddreg [dreg:$0x10];
	[sflag:s30] =	ssyncadd.s32 $0xFFFFFE00  }
0x6f9: {  	[hbm4b:s11+s1] =	stream.linear.scatter [tilespmem:s25], [sflag:$0x4], $0x200, $0x38;
	[tilespmem:$0x17D40] =	vst v63  }
0x6fa: {  	_ =	swait.ge [sflag:s30], $0x200  }
0x6fb: {  	[sflag:s30] =	ssyncset.done $0x0  }
0x6fc: {  	s9 =	simm.s32 $0x16F40;
	s7 =	rddreg [dreg:$0x11];
	[sflag:s30] =	ssyncadd.s32 $0xFFFFFE00  }
0x6fd: {  	[hbm4b:s7+s1] =	stream.linear.scatter [tilespmem:s9], [sflag:$0x4], $0x200, $0x38;
	[tilespmem:$0x17D40] =	vst v63  }
0x6fe: {  	_ =	swait.ge [sflag:s30], $0x200  }
0x6ff: {  	[sflag:s30] =	ssyncset.done $0x0  }
0x700: {  	s25 =	simm.s32 $0x17140;
	s11 =	rddreg [dreg:$0x12];
	[sflag:s30] =	ssyncadd.s32 $0xFFFFFE00  }
0x701: {  	[hbm4b:s11+s1] =	stream.linear.scatter [tilespmem:s25], [sflag:$0x4], $0x200, $0x38;
	[tilespmem:$0x17D40] =	vst v63  }
0x702: {  	_ =	swait.ge [sflag:s30], $0x200  }
0x703: {  	[sflag:s30] =	ssyncset.done $0x0  }
0x704: {  	s9 =	simm.s32 $0x17340;
	s7 =	rddreg [dreg:$0x13];
	[sflag:s30] =	ssyncadd.s32 $0xFFFFFE00  }
0x705: {  	[hbm4b:s7+s1] =	stream.linear.scatter [tilespmem:s9], [sflag:$0x4], $0x200, $0x38;
	[tilespmem:$0x17D40] =	vst v63  }
0x706: {  	_ =	swait.ge [sflag:s30], $0x200  }
0x707: {  	[sflag:s30] =	ssyncset.done $0x0  }
0x708: {  	s25 =	simm.s32 $0x17540;
	s11 =	rddreg [dreg:$0x14];
	[sflag:s30] =	ssyncadd.s32 $0xFFFFFE00  }
0x709: {  	[hbm4b:s11+s1] =	stream.linear.scatter [tilespmem:s25], [sflag:$0x4], $0x200, $0x38;
	[tilespmem:$0x17D40] =	vst v63  }
0x70a: {  	_ =	swait.ge [sflag:s30], $0x200  }
0x70b: {  	[sflag:s30] =	ssyncset.done $0x0  }
0x70c: {  	s9 =	simm.s32 $0x17740;
	s7 =	rddreg [dreg:$0x16];
	[sflag:s30] =	ssyncadd.s32 $0xFFFFFE00  }
0x70d: {  	[hbm4b:s7+s1] =	stream.linear.scatter [tilespmem:s9], [sflag:$0x4], $0x200, $0x38;
	[tilespmem:$0x17D40] =	vst v63  }
0x70e: {  	_ =	swait.ge [sflag:s30], $0x200  }
0x70f: {  	[sflag:s30] =	ssyncset.done $0x0  }
0x710: {  	s25 =	simm.s32 $0x17940;
	s11 =	rddreg [dreg:$0x17];
	[sflag:s30] =	ssyncadd.s32 $0xFFFFFE00  }
0x711: {  	[hbm4b:s11+s1] =	stream.linear.scatter [tilespmem:s25], [sflag:$0x4], $0x200, $0x38;
	[tilespmem:$0x17D40] =	vst v63  }
0x712: {  	_ =	swait.ge [sflag:s30], $0x200  }
0x713: {  	[sflag:s30] =	ssyncset.done $0x0  }
0x714: {  	s9 =	simm.s32 $0x17B40;
	s7 =	rddreg [dreg:$0x18];
	[sflag:s30] =	ssyncadd.s32 $0xFFFFFE00  }
0x715: {  	[hbm4b:s7+s1] =	stream.linear.scatter [tilespmem:s9], [sflag:$0x4], $0x200, $0x38;
	[tilespmem:$0x17D40] =	vst v63  }
0x716: {  	_ =	swait.ge [sflag:s30], $0x200  }
0x717: {  	s11 =	rddreg [dreg:$0x19]  }
0x718: {  	s25 =	rddreg [dreg:$0x15];
	s3 =	sadd.s32 $0x1, s11  }
0x719: {  	p0 =	sne.s32 s3, s25  }
.Ltmp5:
0x71a: {  	_ = 	snop;
	(pc) =	sbr.rel @p0 .LBB2_1-.Ltmp5, $3  }
0x71b: {  	_ =	sdelay $0x1  }
0x71c: {  	[sflag:s30] =	ssyncset.done $0x0  }
0x71d: {  	[sflag:s30] =	ssyncadd.s32 $0xFFFFFE00  }
0x71e: {  	_ =	sfence.sel $0x180000  }
0x71f: {  	[bflag:$0x0] =	sbarrier.arrive $0xFFFF  }
0x720: {  	_ =	strace $0x90000047  }
0x721: {  	s0 =	stileid.u32;
	[bflag:$0x2] =	sbarrier.arrive $0xFFFF  }
0x722: {  	p0 =	sne.s32 s0, $0x0;
	s0 =	rddreg [dreg:$0x3]  }
0x723: {  	s0 =	sadd.s32 @!p0 $0x100000, s0  }
0x724: {  	[sflag:s0] =	ssyncadd.tile.s32 @!p0 $0x1;
	_ =	shalt  }
.Lfunc_end2:
_tile_overlayer_lowered:
.L_overlay_start_2:
0x725: {  	(tag) =	ssettag $0x2  }
0x726: {  	s0 =	rddreg [dreg:$0x0];
	s2 =	stileid.u32  }
0x727: {  	s1 =	rddreg [dreg:$0x1];
	p0 =	sne.s32 s2, $0x0  }
0x728: {  	s3 =	rddreg [dreg:$0x2];
	[bflag:$0x3] =	sbarrier.arrive $0xFFFF;
	s2 =	simm.s32 @!p0 $0x1C04  }
0x729: {  	[timem:s3], [sflag:s2] =	dma.local @!p0 [hbm:s0], s1  }
0x72a: {  	s0 =	simm.s32 @!p0 $0x4  }
0x72b: {  	_ =	swait.ge @!p0 [sflag:s0], s1  }
0x72c: {  	s1 =	ssub.s32 @!p0 $0x0, s1;
	[sflag:s0] =	ssyncset.done @!p0 $0x0  }
0x72d: {  	[sflag:s0] =	ssyncadd.s32 @!p0 s1  }
0x72e: {  	[bflag:$0x3] =	sbarrier.arrive $0xFFFF  }
0x72f: {  	_ =	shalt  }

</sc_bundles>
